<compile_context>
chip_gen: v7x
topology: tpu7x:2x2x1
jax: 0.10.2.dev20260603
libtpu: 0.0.44.dev20260713+nightly
codegen_flags: <defaults>
</compile_context>

<pallas_src>
import jax
import jax.numpy as jnp
from jax import lax
from jax.experimental import pallas as pl
from jax.experimental.pallas import tpu as pltpu
from jax.experimental.pallas import tpu_sc as plsc

_IGNORE = 255
_N = 524288
_C = 190
_NC = 2
_NS = 16
_L = 16
_NW = _NC * _NS
_R = _N // _NW
_B = 128
_NB = _R // _B


def _ppd_body(lt_hbm, tgt_hbm, sq_out, cnt_out, tgt_v, val_a, val_b, val_c,
              val_d, part_sq, part_ct, sem_a, sem_b, sem_c, sem_d):
    wid = lax.axis_index("s") * _NC + lax.axis_index("c")
    base = wid * _R

    pltpu.sync_copy(tgt_hbm.at[pl.ds(base, _R)], tgt_v)

    lanes = lax.iota(jnp.int32, _L)
    bufs = (val_a, val_b, val_c, val_d)
    sems = (sem_a, sem_b, sem_c, sem_d)

    def descriptor(block, buf, sem):
        idx = tgt_v.at[pl.ds(block * _B, _B)]
        return pltpu.make_async_copy(
            lt_hbm.at[idx, pl.ds(base + block * _B, _B)], buf, sem)

    def process(block, buf, ac):
        def red_body(i, ac):
            a, c = ac
            t = tgt_v[pl.ds(block * _B + i * _L, _L)]
            diag = i * _L + lanes
            v = plsc.load_gather(buf, [diag, diag])
            valid = t != _IGNORE
            d = 1.0 - v
            a = a + jnp.where(valid, d * d, 0.0)
            c = c + jnp.where(valid, 1.0, 0.0)
            return a, c
        return lax.fori_loop(0, _B // _L, red_body, ac)

    zero = jnp.zeros((_L,), jnp.float32)
    nbuf = len(bufs)
    for b in range(nbuf):
        descriptor(b, bufs[b], sems[b]).start()

    def round_body(p, ac):
        b0 = p * nbuf
        for j in range(nbuf):
            descriptor(b0 + j, bufs[j], sems[j]).wait()
            ac = process(b0 + j, bufs[j], ac)

            @pl.when(b0 + j + nbuf < _NB)
            def _():
                descriptor(b0 + j + nbuf, bufs[j], sems[j]).start()

        return ac

    acc, cnt = lax.fori_loop(0, _NB // nbuf, round_body, (zero, zero))

    part_sq[...] = acc
    part_ct[...] = cnt
    pltpu.sync_copy(part_sq, sq_out.at[wid])
    pltpu.sync_copy(part_ct, cnt_out.at[wid])


@jax.jit
def kernel(contrast_logits, contrast_target):
    tgt = contrast_target.astype(jnp.int32)

    mesh = plsc.VectorSubcoreMesh(core_axis_name="c", subcore_axis_name="s")
    sc_call = pl.kernel(
        _ppd_body,
        out_type=[
            jax.ShapeDtypeStruct((_NW, _L), jnp.float32),
            jax.ShapeDtypeStruct((_NW, _L), jnp.float32),
        ],
        mesh=mesh,
        compiler_params=pltpu.CompilerParams(needs_layout_passes=False),
        scratch_types=[
            pltpu.VMEM((_R,), jnp.int32),
            pltpu.VMEM((_B, _B), jnp.float32),
            pltpu.VMEM((_B, _B), jnp.float32),
            pltpu.VMEM((_B, _B), jnp.float32),
            pltpu.VMEM((_B, _B), jnp.float32),
            pltpu.VMEM((_L,), jnp.float32),
            pltpu.VMEM((_L,), jnp.float32),
            pltpu.SemaphoreType.DMA,
            pltpu.SemaphoreType.DMA,
            pltpu.SemaphoreType.DMA,
            pltpu.SemaphoreType.DMA,
        ],
    )
    sq, ct = sc_call(contrast_logits.T, tgt)
    total_sq = jnp.sum(sq)
    total_ct = jnp.sum(ct)
    return total_sq / jnp.maximum(total_ct, 1.0)

# --- scband reference (transcript-rebuilt; emitter-appended) ---
"""Pipeline reference for scband-ppd-44684839747673 (READ-ONLY COPY).

The authoritative reference and input builder live on the scoring server;
editing this copy changes nothing except your own understanding.
"""

import jax, jax.numpy as jnp
import numpy as np

IGNORE_LABEL = 255

def setup_inputs(seed: int = 0) -> dict:
    key = jax.random.key(seed)
    k1, k2 = jax.random.split(key)
    contrast_logits = jax.random.normal(k1, (524288, 190), dtype=jnp.float32)
    contrast_target = jax.random.randint(k2, (524288,), 0, 190, dtype=jnp.int64)
    return {"contrast_logits": contrast_logits, "contrast_target": contrast_target}

def reference(contrast_logits, contrast_target):
    # mask out ignored pixels (implemented as weighting to keep static shapes)
    valid = (contrast_target != IGNORE_LABEL)
    safe_target = jnp.where(valid, contrast_target, 0).astype(jnp.int32)
    # torch.gather(contrast_logits, 1, target[:, None]) -> per-row gather
    logits = jnp.take_along_axis(contrast_logits, safe_target[:, None], axis=1)[:, 0]
    sq = jnp.square(1.0 - logits)
    valid_f = valid.astype(contrast_logits.dtype)
    loss_ppd = jnp.sum(sq * valid_f) / jnp.maximum(jnp.sum(valid_f), 1.0)
    return loss_ppd

if __name__ == "__main__":
    import jax
    _d = setup_inputs()
    print(jax.jit(kernel)(*tuple(_d.values())))

</pallas_src>

<mosaic_0001>
#map = affine_map<(d0, d1) -> (0, 0)>
#map1 = affine_map<(d0, d1) -> (0)>
module attributes {stable_mosaic.version = 14 : i64} {
  func.func @_ppd_body(%arg0: i32, %arg1: i32, %arg2: memref<190x524288xf32, #tpu.memory_space<hbm>>, %arg3: memref<524288xi32, #tpu.memory_space<hbm>>, %arg4: memref<32x16xf32, #tpu.memory_space<hbm>>, %arg5: memref<32x16xf32, #tpu.memory_space<hbm>>, %arg6: memref<16384xi32, #tpu.memory_space<vmem>>, %arg7: memref<128x128xf32, #tpu.memory_space<vmem>>, %arg8: memref<128x128xf32, #tpu.memory_space<vmem>>, %arg9: memref<128x128xf32, #tpu.memory_space<vmem>>, %arg10: memref<128x128xf32, #tpu.memory_space<vmem>>, %arg11: memref<16xf32, #tpu.memory_space<vmem>>, %arg12: memref<16xf32, #tpu.memory_space<vmem>>, %arg13: memref<!tpu.dma_semaphore, #tpu.memory_space<semaphore_mem>>, %arg14: memref<!tpu.dma_semaphore, #tpu.memory_space<semaphore_mem>>, %arg15: memref<!tpu.dma_semaphore, #tpu.memory_space<semaphore_mem>>, %arg16: memref<!tpu.dma_semaphore, #tpu.memory_space<semaphore_mem>>) attributes {dimension_semantics = [#tpu.dimension_semantics<core_parallel>, #tpu.dimension_semantics<subcore_parallel>], iteration_bounds = array<i64: 2, 16>, scalar_prefetch = 0 : i64, scratch_operands = 11 : i64, tpu.core_type = #tpu.core_type<sc_vector_subcore>, window_params = [{transform_indices = #map}, {transform_indices = #map1}, {transform_indices = #map}, {transform_indices = #map}]} {
    %mul3A = arith.constant 2 : i32
    %mul3A_0 = arith.muli %arg1, %mul3A : i32
    %add3A = arith.addi %mul3A_0, %arg0 : i32
    %mul3A_1 = arith.constant 16384 : i32
    %mul3A_2 = arith.muli %add3A, %mul3A_1 : i32
    "tpu.region"() ({
      %run_scoped3A = tpu.sem_alloc : memref<!tpu.dma_semaphore, #tpu.memory_space<semaphore_mem>>
      %dma_start3A_35 = tpu.memref_slice %arg3[%mul3A_2] : memref<524288xi32, #tpu.memory_space<hbm>> -> memref<16384xi32, #tpu.memory_space<hbm>>
      %dma_start3A_36 = tpu.memref_slice %arg3[%mul3A_2] : memref<524288xi32, #tpu.memory_space<hbm>> -> memref<16384xi32, #tpu.memory_space<hbm>>
      tpu.enqueue_dma source(%dma_start3A_36 : memref<16384xi32, #tpu.memory_space<hbm>>) target(%arg6 : memref<16384xi32, #tpu.memory_space<vmem>>) target_semaphore(%run_scoped3A : memref<!tpu.dma_semaphore, #tpu.memory_space<semaphore_mem>>)
      %dma_wait3A = tpu.memref_slice %arg3[%mul3A_2] : memref<524288xi32, #tpu.memory_space<hbm>> -> memref<16384xi32, #tpu.memory_space<hbm>>
      %dma_wait3A_37 = tpu.memref_slice %arg3[%mul3A_2] : memref<524288xi32, #tpu.memory_space<hbm>> -> memref<16384xi32, #tpu.memory_space<hbm>>
      tpu.wait_dma2 semaphore(%run_scoped3A : memref<!tpu.dma_semaphore, #tpu.memory_space<semaphore_mem>>) src(%dma_wait3A_37 : memref<16384xi32, #tpu.memory_space<hbm>>) dst(%arg6 : memref<16384xi32, #tpu.memory_space<vmem>>)
      tpu.yield
    }) : () -> ()
    %iota3A = tpu.iota {dimensions = array<i32: 0>} : vector<16xi32>
    %broadcast_in_dim3A = arith.constant 0.000000e+00 : f32
    %broadcast_in_dim3A_3 = vector.broadcast %broadcast_in_dim3A : f32 to vector<16xf32>
    %add3A_4 = arith.constant 0 : i32
    %add3A_5 = arith.addi %mul3A_2, %add3A_4 : i32
    %dma_start3A = arith.constant 0 : i32
    %dma_start3A_6 = tpu.memref_slice %arg6[%dma_start3A] : memref<16384xi32, #tpu.memory_space<vmem>> -> memref<128xi32, #tpu.memory_space<vmem>>
    %dma_start3A_7 = arith.constant 0 : i32
    %dma_start3A_8 = tpu.memref_slice %arg2[%dma_start3A_7, %add3A_5] : memref<190x524288xf32, #tpu.memory_space<hbm>> -> memref<190x128xf32, #tpu.memory_space<hbm>>
    tpu.enqueue_indirect_dma source(%dma_start3A_8 : memref<190x128xf32, #tpu.memory_space<hbm>>) target(%arg7 : memref<128x128xf32, #tpu.memory_space<vmem>>) offsets(%dma_start3A_6 : memref<128xi32, #tpu.memory_space<vmem>>) semaphore(%arg13 : memref<!tpu.dma_semaphore, #tpu.memory_space<semaphore_mem>>)
    %add3A_9 = arith.constant 128 : i32
    %add3A_10 = arith.addi %mul3A_2, %add3A_9 : i32
    %dma_start3A_11 = arith.constant 128 : i32
    %dma_start3A_12 = tpu.memref_slice %arg6[%dma_start3A_11] : memref<16384xi32, #tpu.memory_space<vmem>> -> memref<128xi32, #tpu.memory_space<vmem>>
    %dma_start3A_13 = arith.constant 0 : i32
    %dma_start3A_14 = tpu.memref_slice %arg2[%dma_start3A_13, %add3A_10] : memref<190x524288xf32, #tpu.memory_space<hbm>> -> memref<190x128xf32, #tpu.memory_space<hbm>>
    tpu.enqueue_indirect_dma source(%dma_start3A_14 : memref<190x128xf32, #tpu.memory_space<hbm>>) target(%arg8 : memref<128x128xf32, #tpu.memory_space<vmem>>) offsets(%dma_start3A_12 : memref<128xi32, #tpu.memory_space<vmem>>) semaphore(%arg14 : memref<!tpu.dma_semaphore, #tpu.memory_space<semaphore_mem>>)
    %add3A_15 = arith.constant 256 : i32
    %add3A_16 = arith.addi %mul3A_2, %add3A_15 : i32
    %dma_start3A_17 = arith.constant 256 : i32
    %dma_start3A_18 = tpu.memref_slice %arg6[%dma_start3A_17] : memref<16384xi32, #tpu.memory_space<vmem>> -> memref<128xi32, #tpu.memory_space<vmem>>
    %dma_start3A_19 = arith.constant 0 : i32
    %dma_start3A_20 = tpu.memref_slice %arg2[%dma_start3A_19, %add3A_16] : memref<190x524288xf32, #tpu.memory_space<hbm>> -> memref<190x128xf32, #tpu.memory_space<hbm>>
    tpu.enqueue_indirect_dma source(%dma_start3A_20 : memref<190x128xf32, #tpu.memory_space<hbm>>) target(%arg9 : memref<128x128xf32, #tpu.memory_space<vmem>>) offsets(%dma_start3A_18 : memref<128xi32, #tpu.memory_space<vmem>>) semaphore(%arg15 : memref<!tpu.dma_semaphore, #tpu.memory_space<semaphore_mem>>)
    %add3A_21 = arith.constant 384 : i32
    %add3A_22 = arith.addi %mul3A_2, %add3A_21 : i32
    %dma_start3A_23 = arith.constant 384 : i32
    %dma_start3A_24 = tpu.memref_slice %arg6[%dma_start3A_23] : memref<16384xi32, #tpu.memory_space<vmem>> -> memref<128xi32, #tpu.memory_space<vmem>>
    %dma_start3A_25 = arith.constant 0 : i32
    %dma_start3A_26 = tpu.memref_slice %arg2[%dma_start3A_25, %add3A_22] : memref<190x524288xf32, #tpu.memory_space<hbm>> -> memref<190x128xf32, #tpu.memory_space<hbm>>
    tpu.enqueue_indirect_dma source(%dma_start3A_26 : memref<190x128xf32, #tpu.memory_space<hbm>>) target(%arg10 : memref<128x128xf32, #tpu.memory_space<vmem>>) offsets(%dma_start3A_24 : memref<128xi32, #tpu.memory_space<vmem>>) semaphore(%arg16 : memref<!tpu.dma_semaphore, #tpu.memory_space<semaphore_mem>>)
    %scan3A = arith.constant 0 : i32
    %scan3A_27 = arith.constant 32 : i32
    %scan3A_28 = arith.addi %scan3A, %scan3A_27 : i32
    %scan3A_29 = arith.constant 1 : i32
    %scan3A_30:2 = scf.for %scan3A_35 = %scan3A to %scan3A_28 step %scan3A_29 iter_args(%scan3A_36 = %broadcast_in_dim3A_3, %scan3A_37 = %broadcast_in_dim3A_3) -> (vector<16xf32>, vector<16xf32>)  : i32 {
      %mul3A_38 = arith.constant 4 : i32
      %mul3A_39 = arith.muli %scan3A_35, %mul3A_38 : i32
      %add3A_40 = arith.constant 0 : i32
      %add3A_41 = arith.addi %mul3A_39, %add3A_40 : i32
      %mul3A_42 = arith.constant 128 : i32
      %mul3A_43 = arith.muli %add3A_41, %mul3A_42 : i32
      %mul3A_44 = arith.constant 128 : i32
      %mul3A_45 = arith.muli %add3A_41, %mul3A_44 : i32
      %add3A_46 = arith.addi %mul3A_2, %mul3A_45 : i32
      %dma_wait3A = tpu.memref_slice %arg6[%mul3A_43] : memref<16384xi32, #tpu.memory_space<vmem>> -> memref<128xi32, #tpu.memory_space<vmem>>
      %dma_wait3A_47 = arith.constant 0 : i32
      %dma_wait3A_48 = tpu.memref_slice %arg2[%dma_wait3A_47, %add3A_46] : memref<190x524288xf32, #tpu.memory_space<hbm>> -> memref<190x128xf32, #tpu.memory_space<hbm>>
      tpu.wait_indirect_dma semaphore(%arg13 : memref<!tpu.dma_semaphore, #tpu.memory_space<semaphore_mem>>) src(%dma_wait3A_48 : memref<190x128xf32, #tpu.memory_space<hbm>>) dst(%arg7 : memref<128x128xf32, #tpu.memory_space<vmem>>)
      %add3A_49 = arith.constant 0 : i32
      %add3A_50 = arith.addi %mul3A_39, %add3A_49 : i32
      %scan3A_51 = arith.constant 0 : i32
      %scan3A_52 = arith.constant 8 : i32
      %scan3A_53 = arith.addi %scan3A_51, %scan3A_52 : i32
      %scan3A_54 = arith.constant 1 : i32
      %scan3A_55:2 = scf.for %scan3A_144 = %scan3A_51 to %scan3A_53 step %scan3A_54 iter_args(%scan3A_145 = %scan3A_36, %scan3A_146 = %scan3A_37) -> (vector<16xf32>, vector<16xf32>)  : i32 {
        %mul3A_147 = arith.constant 128 : i32
        %mul3A_148 = arith.muli %add3A_50, %mul3A_147 : i32
        %mul3A_149 = arith.constant 16 : i32
        %mul3A_150 = arith.muli %scan3A_144, %mul3A_149 : i32
        %add3A_151 = arith.addi %mul3A_148, %mul3A_150 : i32
        %get3A = arith.index_cast %add3A_151 : i32 to index
        %get3A_152 = tpu.vector_load %arg6[%get3A] {strides = array<i32>} : memref<16384xi32, #tpu.memory_space<vmem>>, vector<16xi32>,
        %mul3A_153 = arith.constant 16 : i32
        %mul3A_154 = arith.muli %scan3A_144, %mul3A_153 : i32
        %add3A_155 = vector.broadcast %mul3A_154 : i32 to vector<16xi32>
        %add3A_156 = arith.addi %add3A_155, %iota3A : vector<16xi32>
        %gather3A = tpu.vector_load_idx %arg7[%add3A_156, %add3A_156] : memref<128x128xf32, #tpu.memory_space<vmem>>[vector<16xi32>, vector<16xi32>], vector<16xf32>,
        %ne3A = arith.constant 255 : i32
        %ne3A_157 = vector.broadcast %ne3A : i32 to vector<16xi32>
        %ne3A_158 = arith.cmpi ne, %get3A_152, %ne3A_157 : vector<16xi32>
        %sub3A = arith.constant 1.000000e+00 : f32
        %sub3A_159 = vector.broadcast %sub3A : f32 to vector<16xf32>
        %sub3A_160 = arith.subf %sub3A_159, %gather3A : vector<16xf32>
        %mul3A_161 = arith.mulf %sub3A_160, %sub3A_160 : vector<16xf32>
        %jit3A = arith.constant 0.000000e+00 : f32
        %broadcast_in_dim3A_162 = vector.broadcast %jit3A : f32 to vector<16xf32>
        %select_n3A = arith.select %ne3A_158, %mul3A_161, %broadcast_in_dim3A_162 : vector<16xi1>, vector<16xf32>
        %add3A_163 = arith.addf %scan3A_145, %select_n3A : vector<16xf32>
        %jit3A_164 = arith.constant 1.000000e+00 : f32
        %jit3A_165 = arith.constant 0.000000e+00 : f32
        %broadcast_in_dim3A_166 = vector.broadcast %jit3A_164 : f32 to vector<16xf32>
        %broadcast_in_dim3A_167 = vector.broadcast %jit3A_165 : f32 to vector<16xf32>
        %select_n3A_168 = arith.select %ne3A_158, %broadcast_in_dim3A_166, %broadcast_in_dim3A_167 : vector<16xi1>, vector<16xf32>
        %add3A_169 = arith.addf %scan3A_146, %select_n3A_168 : vector<16xf32>
        scf.yield %add3A_163, %add3A_169 : vector<16xf32>, vector<16xf32>
      }
      %scan3A_56 = arith.constant 8 : i32
      %add3A_57 = arith.constant 0 : i32
      %add3A_58 = arith.addi %mul3A_39, %add3A_57 : i32
      %add3A_59 = arith.constant 4 : i32
      %add3A_60 = arith.addi %add3A_58, %add3A_59 : i32
      %lt3A = arith.constant 128 : i32
      %lt3A_61 = arith.cmpi slt, %add3A_60, %lt3A : i32
      %convert_element_type3A = arith.extui %lt3A_61 : i1 to i32
      %cond3A = arith.constant 0 : i32
      %cond3A_62 = arith.cmpi ne, %convert_element_type3A, %cond3A : i32
      scf.if %cond3A_62 {
        %add3A_144 = arith.constant 0 : i32
        %add3A_145 = arith.addi %mul3A_39, %add3A_144 : i32
        %add3A_146 = arith.constant 4 : i32
        %add3A_147 = arith.addi %add3A_145, %add3A_146 : i32
        %mul3A_148 = arith.constant 128 : i32
        %mul3A_149 = arith.muli %add3A_147, %mul3A_148 : i32
        %mul3A_150 = arith.constant 128 : i32
        %mul3A_151 = arith.muli %add3A_147, %mul3A_150 : i32
        %add3A_152 = arith.addi %mul3A_2, %mul3A_151 : i32
        %dma_start3A_153 = tpu.memref_slice %arg6[%mul3A_149] : memref<16384xi32, #tpu.memory_space<vmem>> -> memref<128xi32, #tpu.memory_space<vmem>>
        %dma_start3A_154 = arith.constant 0 : i32
        %dma_start3A_155 = tpu.memref_slice %arg2[%dma_start3A_154, %add3A_152] : memref<190x524288xf32, #tpu.memory_space<hbm>> -> memref<190x128xf32, #tpu.memory_space<hbm>>
        tpu.enqueue_indirect_dma source(%dma_start3A_155 : memref<190x128xf32, #tpu.memory_space<hbm>>) target(%arg7 : memref<128x128xf32, #tpu.memory_space<vmem>>) offsets(%dma_start3A_153 : memref<128xi32, #tpu.memory_space<vmem>>) semaphore(%arg13 : memref<!tpu.dma_semaphore, #tpu.memory_space<semaphore_mem>>)
      } else {
      }
      %add3A_63 = arith.constant 1 : i32
      %add3A_64 = arith.addi %mul3A_39, %add3A_63 : i32
      %mul3A_65 = arith.constant 128 : i32
      %mul3A_66 = arith.muli %add3A_64, %mul3A_65 : i32
      %mul3A_67 = arith.constant 128 : i32
      %mul3A_68 = arith.muli %add3A_64, %mul3A_67 : i32
      %add3A_69 = arith.addi %mul3A_2, %mul3A_68 : i32
      %dma_wait3A_70 = tpu.memref_slice %arg6[%mul3A_66] : memref<16384xi32, #tpu.memory_space<vmem>> -> memref<128xi32, #tpu.memory_space<vmem>>
      %dma_wait3A_71 = arith.constant 0 : i32
      %dma_wait3A_72 = tpu.memref_slice %arg2[%dma_wait3A_71, %add3A_69] : memref<190x524288xf32, #tpu.memory_space<hbm>> -> memref<190x128xf32, #tpu.memory_space<hbm>>
      tpu.wait_indirect_dma semaphore(%arg14 : memref<!tpu.dma_semaphore, #tpu.memory_space<semaphore_mem>>) src(%dma_wait3A_72 : memref<190x128xf32, #tpu.memory_space<hbm>>) dst(%arg8 : memref<128x128xf32, #tpu.memory_space<vmem>>)
      %add3A_73 = arith.constant 1 : i32
      %add3A_74 = arith.addi %mul3A_39, %add3A_73 : i32
      %scan3A_75 = arith.constant 0 : i32
      %scan3A_76 = arith.constant 8 : i32
      %scan3A_77 = arith.addi %scan3A_75, %scan3A_76 : i32
      %scan3A_78 = arith.constant 1 : i32
      %scan3A_79:2 = scf.for %scan3A_144 = %scan3A_75 to %scan3A_77 step %scan3A_78 iter_args(%scan3A_145 = %scan3A_55#0, %scan3A_146 = %scan3A_55#1) -> (vector<16xf32>, vector<16xf32>)  : i32 {
        %mul3A_147 = arith.constant 128 : i32
        %mul3A_148 = arith.muli %add3A_74, %mul3A_147 : i32
        %mul3A_149 = arith.constant 16 : i32
        %mul3A_150 = arith.muli %scan3A_144, %mul3A_149 : i32
        %add3A_151 = arith.addi %mul3A_148, %mul3A_150 : i32
        %get3A = arith.index_cast %add3A_151 : i32 to index
        %get3A_152 = tpu.vector_load %arg6[%get3A] {strides = array<i32>} : memref<16384xi32, #tpu.memory_space<vmem>>, vector<16xi32>,
        %mul3A_153 = arith.constant 16 : i32
        %mul3A_154 = arith.muli %scan3A_144, %mul3A_153 : i32
        %add3A_155 = vector.broadcast %mul3A_154 : i32 to vector<16xi32>
        %add3A_156 = arith.addi %add3A_155, %iota3A : vector<16xi32>
        %gather3A = tpu.vector_load_idx %arg8[%add3A_156, %add3A_156] : memref<128x128xf32, #tpu.memory_space<vmem>>[vector<16xi32>, vector<16xi32>], vector<16xf32>,
        %ne3A = arith.constant 255 : i32
        %ne3A_157 = vector.broadcast %ne3A : i32 to vector<16xi32>
        %ne3A_158 = arith.cmpi ne, %get3A_152, %ne3A_157 : vector<16xi32>
        %sub3A = arith.constant 1.000000e+00 : f32
        %sub3A_159 = vector.broadcast %sub3A : f32 to vector<16xf32>
        %sub3A_160 = arith.subf %sub3A_159, %gather3A : vector<16xf32>
        %mul3A_161 = arith.mulf %sub3A_160, %sub3A_160 : vector<16xf32>
        %jit3A = arith.constant 0.000000e+00 : f32
        %broadcast_in_dim3A_162 = vector.broadcast %jit3A : f32 to vector<16xf32>
        %select_n3A = arith.select %ne3A_158, %mul3A_161, %broadcast_in_dim3A_162 : vector<16xi1>, vector<16xf32>
        %add3A_163 = arith.addf %scan3A_145, %select_n3A : vector<16xf32>
        %jit3A_164 = arith.constant 1.000000e+00 : f32
        %jit3A_165 = arith.constant 0.000000e+00 : f32
        %broadcast_in_dim3A_166 = vector.broadcast %jit3A_164 : f32 to vector<16xf32>
        %broadcast_in_dim3A_167 = vector.broadcast %jit3A_165 : f32 to vector<16xf32>
        %select_n3A_168 = arith.select %ne3A_158, %broadcast_in_dim3A_166, %broadcast_in_dim3A_167 : vector<16xi1>, vector<16xf32>
        %add3A_169 = arith.addf %scan3A_146, %select_n3A_168 : vector<16xf32>
        scf.yield %add3A_163, %add3A_169 : vector<16xf32>, vector<16xf32>
      }
      %scan3A_80 = arith.constant 8 : i32
      %add3A_81 = arith.constant 1 : i32
      %add3A_82 = arith.addi %mul3A_39, %add3A_81 : i32
      %add3A_83 = arith.constant 4 : i32
      %add3A_84 = arith.addi %add3A_82, %add3A_83 : i32
      %lt3A_85 = arith.constant 128 : i32
      %lt3A_86 = arith.cmpi slt, %add3A_84, %lt3A_85 : i32
      %convert_element_type3A_87 = arith.extui %lt3A_86 : i1 to i32
      %cond3A_88 = arith.constant 0 : i32
      %cond3A_89 = arith.cmpi ne, %convert_element_type3A_87, %cond3A_88 : i32
      scf.if %cond3A_89 {
        %add3A_144 = arith.constant 1 : i32
        %add3A_145 = arith.addi %mul3A_39, %add3A_144 : i32
        %add3A_146 = arith.constant 4 : i32
        %add3A_147 = arith.addi %add3A_145, %add3A_146 : i32
        %mul3A_148 = arith.constant 128 : i32
        %mul3A_149 = arith.muli %add3A_147, %mul3A_148 : i32
        %mul3A_150 = arith.constant 128 : i32
        %mul3A_151 = arith.muli %add3A_147, %mul3A_150 : i32
        %add3A_152 = arith.addi %mul3A_2, %mul3A_151 : i32
        %dma_start3A_153 = tpu.memref_slice %arg6[%mul3A_149] : memref<16384xi32, #tpu.memory_space<vmem>> -> memref<128xi32, #tpu.memory_space<vmem>>
        %dma_start3A_154 = arith.constant 0 : i32
        %dma_start3A_155 = tpu.memref_slice %arg2[%dma_start3A_154, %add3A_152] : memref<190x524288xf32, #tpu.memory_space<hbm>> -> memref<190x128xf32, #tpu.memory_space<hbm>>
        tpu.enqueue_indirect_dma source(%dma_start3A_155 : memref<190x128xf32, #tpu.memory_space<hbm>>) target(%arg8 : memref<128x128xf32, #tpu.memory_space<vmem>>) offsets(%dma_start3A_153 : memref<128xi32, #tpu.memory_space<vmem>>) semaphore(%arg14 : memref<!tpu.dma_semaphore, #tpu.memory_space<semaphore_mem>>)
      } else {
      }
      %add3A_90 = arith.constant 2 : i32
      %add3A_91 = arith.addi %mul3A_39, %add3A_90 : i32
      %mul3A_92 = arith.constant 128 : i32
      %mul3A_93 = arith.muli %add3A_91, %mul3A_92 : i32
      %mul3A_94 = arith.constant 128 : i32
      %mul3A_95 = arith.muli %add3A_91, %mul3A_94 : i32
      %add3A_96 = arith.addi %mul3A_2, %mul3A_95 : i32
      %dma_wait3A_97 = tpu.memref_slice %arg6[%mul3A_93] : memref<16384xi32, #tpu.memory_space<vmem>> -> memref<128xi32, #tpu.memory_space<vmem>>
      %dma_wait3A_98 = arith.constant 0 : i32
      %dma_wait3A_99 = tpu.memref_slice %arg2[%dma_wait3A_98, %add3A_96] : memref<190x524288xf32, #tpu.memory_space<hbm>> -> memref<190x128xf32, #tpu.memory_space<hbm>>
      tpu.wait_indirect_dma semaphore(%arg15 : memref<!tpu.dma_semaphore, #tpu.memory_space<semaphore_mem>>) src(%dma_wait3A_99 : memref<190x128xf32, #tpu.memory_space<hbm>>) dst(%arg9 : memref<128x128xf32, #tpu.memory_space<vmem>>)
      %add3A_100 = arith.constant 2 : i32
      %add3A_101 = arith.addi %mul3A_39, %add3A_100 : i32
      %scan3A_102 = arith.constant 0 : i32
      %scan3A_103 = arith.constant 8 : i32
      %scan3A_104 = arith.addi %scan3A_102, %scan3A_103 : i32
      %scan3A_105 = arith.constant 1 : i32
      %scan3A_106:2 = scf.for %scan3A_144 = %scan3A_102 to %scan3A_104 step %scan3A_105 iter_args(%scan3A_145 = %scan3A_79#0, %scan3A_146 = %scan3A_79#1) -> (vector<16xf32>, vector<16xf32>)  : i32 {
        %mul3A_147 = arith.constant 128 : i32
        %mul3A_148 = arith.muli %add3A_101, %mul3A_147 : i32
        %mul3A_149 = arith.constant 16 : i32
        %mul3A_150 = arith.muli %scan3A_144, %mul3A_149 : i32
        %add3A_151 = arith.addi %mul3A_148, %mul3A_150 : i32
        %get3A = arith.index_cast %add3A_151 : i32 to index
        %get3A_152 = tpu.vector_load %arg6[%get3A] {strides = array<i32>} : memref<16384xi32, #tpu.memory_space<vmem>>, vector<16xi32>,
        %mul3A_153 = arith.constant 16 : i32
        %mul3A_154 = arith.muli %scan3A_144, %mul3A_153 : i32
        %add3A_155 = vector.broadcast %mul3A_154 : i32 to vector<16xi32>
        %add3A_156 = arith.addi %add3A_155, %iota3A : vector<16xi32>
        %gather3A = tpu.vector_load_idx %arg9[%add3A_156, %add3A_156] : memref<128x128xf32, #tpu.memory_space<vmem>>[vector<16xi32>, vector<16xi32>], vector<16xf32>,
        %ne3A = arith.constant 255 : i32
        %ne3A_157 = vector.broadcast %ne3A : i32 to vector<16xi32>
        %ne3A_158 = arith.cmpi ne, %get3A_152, %ne3A_157 : vector<16xi32>
        %sub3A = arith.constant 1.000000e+00 : f32
        %sub3A_159 = vector.broadcast %sub3A : f32 to vector<16xf32>
        %sub3A_160 = arith.subf %sub3A_159, %gather3A : vector<16xf32>
        %mul3A_161 = arith.mulf %sub3A_160, %sub3A_160 : vector<16xf32>
        %jit3A = arith.constant 0.000000e+00 : f32
        %broadcast_in_dim3A_162 = vector.broadcast %jit3A : f32 to vector<16xf32>
        %select_n3A = arith.select %ne3A_158, %mul3A_161, %broadcast_in_dim3A_162 : vector<16xi1>, vector<16xf32>
        %add3A_163 = arith.addf %scan3A_145, %select_n3A : vector<16xf32>
        %jit3A_164 = arith.constant 1.000000e+00 : f32
        %jit3A_165 = arith.constant 0.000000e+00 : f32
        %broadcast_in_dim3A_166 = vector.broadcast %jit3A_164 : f32 to vector<16xf32>
        %broadcast_in_dim3A_167 = vector.broadcast %jit3A_165 : f32 to vector<16xf32>
        %select_n3A_168 = arith.select %ne3A_158, %broadcast_in_dim3A_166, %broadcast_in_dim3A_167 : vector<16xi1>, vector<16xf32>
        %add3A_169 = arith.addf %scan3A_146, %select_n3A_168 : vector<16xf32>
        scf.yield %add3A_163, %add3A_169 : vector<16xf32>, vector<16xf32>
      }
      %scan3A_107 = arith.constant 8 : i32
      %add3A_108 = arith.constant 2 : i32
      %add3A_109 = arith.addi %mul3A_39, %add3A_108 : i32
      %add3A_110 = arith.constant 4 : i32
      %add3A_111 = arith.addi %add3A_109, %add3A_110 : i32
      %lt3A_112 = arith.constant 128 : i32
      %lt3A_113 = arith.cmpi slt, %add3A_111, %lt3A_112 : i32
      %convert_element_type3A_114 = arith.extui %lt3A_113 : i1 to i32
      %cond3A_115 = arith.constant 0 : i32
      %cond3A_116 = arith.cmpi ne, %convert_element_type3A_114, %cond3A_115 : i32
      scf.if %cond3A_116 {
        %add3A_144 = arith.constant 2 : i32
        %add3A_145 = arith.addi %mul3A_39, %add3A_144 : i32
        %add3A_146 = arith.constant 4 : i32
        %add3A_147 = arith.addi %add3A_145, %add3A_146 : i32
        %mul3A_148 = arith.constant 128 : i32
        %mul3A_149 = arith.muli %add3A_147, %mul3A_148 : i32
        %mul3A_150 = arith.constant 128 : i32
        %mul3A_151 = arith.muli %add3A_147, %mul3A_150 : i32
        %add3A_152 = arith.addi %mul3A_2, %mul3A_151 : i32
        %dma_start3A_153 = tpu.memref_slice %arg6[%mul3A_149] : memref<16384xi32, #tpu.memory_space<vmem>> -> memref<128xi32, #tpu.memory_space<vmem>>
        %dma_start3A_154 = arith.constant 0 : i32
        %dma_start3A_155 = tpu.memref_slice %arg2[%dma_start3A_154, %add3A_152] : memref<190x524288xf32, #tpu.memory_space<hbm>> -> memref<190x128xf32, #tpu.memory_space<hbm>>
        tpu.enqueue_indirect_dma source(%dma_start3A_155 : memref<190x128xf32, #tpu.memory_space<hbm>>) target(%arg9 : memref<128x128xf32, #tpu.memory_space<vmem>>) offsets(%dma_start3A_153 : memref<128xi32, #tpu.memory_space<vmem>>) semaphore(%arg15 : memref<!tpu.dma_semaphore, #tpu.memory_space<semaphore_mem>>)
      } else {
      }
      %add3A_117 = arith.constant 3 : i32
      %add3A_118 = arith.addi %mul3A_39, %add3A_117 : i32
      %mul3A_119 = arith.constant 128 : i32
      %mul3A_120 = arith.muli %add3A_118, %mul3A_119 : i32
      %mul3A_121 = arith.constant 128 : i32
      %mul3A_122 = arith.muli %add3A_118, %mul3A_121 : i32
      %add3A_123 = arith.addi %mul3A_2, %mul3A_122 : i32
      %dma_wait3A_124 = tpu.memref_slice %arg6[%mul3A_120] : memref<16384xi32, #tpu.memory_space<vmem>> -> memref<128xi32, #tpu.memory_space<vmem>>
      %dma_wait3A_125 = arith.constant 0 : i32
      %dma_wait3A_126 = tpu.memref_slice %arg2[%dma_wait3A_125, %add3A_123] : memref<190x524288xf32, #tpu.memory_space<hbm>> -> memref<190x128xf32, #tpu.memory_space<hbm>>
      tpu.wait_indirect_dma semaphore(%arg16 : memref<!tpu.dma_semaphore, #tpu.memory_space<semaphore_mem>>) src(%dma_wait3A_126 : memref<190x128xf32, #tpu.memory_space<hbm>>) dst(%arg10 : memref<128x128xf32, #tpu.memory_space<vmem>>)
      %add3A_127 = arith.constant 3 : i32
      %add3A_128 = arith.addi %mul3A_39, %add3A_127 : i32
      %scan3A_129 = arith.constant 0 : i32
      %scan3A_130 = arith.constant 8 : i32
      %scan3A_131 = arith.addi %scan3A_129, %scan3A_130 : i32
      %scan3A_132 = arith.constant 1 : i32
      %scan3A_133:2 = scf.for %scan3A_144 = %scan3A_129 to %scan3A_131 step %scan3A_132 iter_args(%scan3A_145 = %scan3A_106#0, %scan3A_146 = %scan3A_106#1) -> (vector<16xf32>, vector<16xf32>)  : i32 {
        %mul3A_147 = arith.constant 128 : i32
        %mul3A_148 = arith.muli %add3A_128, %mul3A_147 : i32
        %mul3A_149 = arith.constant 16 : i32
        %mul3A_150 = arith.muli %scan3A_144, %mul3A_149 : i32
        %add3A_151 = arith.addi %mul3A_148, %mul3A_150 : i32
        %get3A = arith.index_cast %add3A_151 : i32 to index
        %get3A_152 = tpu.vector_load %arg6[%get3A] {strides = array<i32>} : memref<16384xi32, #tpu.memory_space<vmem>>, vector<16xi32>,
        %mul3A_153 = arith.constant 16 : i32
        %mul3A_154 = arith.muli %scan3A_144, %mul3A_153 : i32
        %add3A_155 = vector.broadcast %mul3A_154 : i32 to vector<16xi32>
        %add3A_156 = arith.addi %add3A_155, %iota3A : vector<16xi32>
        %gather3A = tpu.vector_load_idx %arg10[%add3A_156, %add3A_156] : memref<128x128xf32, #tpu.memory_space<vmem>>[vector<16xi32>, vector<16xi32>], vector<16xf32>,
        %ne3A = arith.constant 255 : i32
        %ne3A_157 = vector.broadcast %ne3A : i32 to vector<16xi32>
        %ne3A_158 = arith.cmpi ne, %get3A_152, %ne3A_157 : vector<16xi32>
        %sub3A = arith.constant 1.000000e+00 : f32
        %sub3A_159 = vector.broadcast %sub3A : f32 to vector<16xf32>
        %sub3A_160 = arith.subf %sub3A_159, %gather3A : vector<16xf32>
        %mul3A_161 = arith.mulf %sub3A_160, %sub3A_160 : vector<16xf32>
        %jit3A = arith.constant 0.000000e+00 : f32
        %broadcast_in_dim3A_162 = vector.broadcast %jit3A : f32 to vector<16xf32>
        %select_n3A = arith.select %ne3A_158, %mul3A_161, %broadcast_in_dim3A_162 : vector<16xi1>, vector<16xf32>
        %add3A_163 = arith.addf %scan3A_145, %select_n3A : vector<16xf32>
        %jit3A_164 = arith.constant 1.000000e+00 : f32
        %jit3A_165 = arith.constant 0.000000e+00 : f32
        %broadcast_in_dim3A_166 = vector.broadcast %jit3A_164 : f32 to vector<16xf32>
        %broadcast_in_dim3A_167 = vector.broadcast %jit3A_165 : f32 to vector<16xf32>
        %select_n3A_168 = arith.select %ne3A_158, %broadcast_in_dim3A_166, %broadcast_in_dim3A_167 : vector<16xi1>, vector<16xf32>
        %add3A_169 = arith.addf %scan3A_146, %select_n3A_168 : vector<16xf32>
        scf.yield %add3A_163, %add3A_169 : vector<16xf32>, vector<16xf32>
      }
      %scan3A_134 = arith.constant 8 : i32
      %add3A_135 = arith.constant 3 : i32
      %add3A_136 = arith.addi %mul3A_39, %add3A_135 : i32
      %add3A_137 = arith.constant 4 : i32
      %add3A_138 = arith.addi %add3A_136, %add3A_137 : i32
      %lt3A_139 = arith.constant 128 : i32
      %lt3A_140 = arith.cmpi slt, %add3A_138, %lt3A_139 : i32
      %convert_element_type3A_141 = arith.extui %lt3A_140 : i1 to i32
      %cond3A_142 = arith.constant 0 : i32
      %cond3A_143 = arith.cmpi ne, %convert_element_type3A_141, %cond3A_142 : i32
      scf.if %cond3A_143 {
        %add3A_144 = arith.constant 3 : i32
        %add3A_145 = arith.addi %mul3A_39, %add3A_144 : i32
        %add3A_146 = arith.constant 4 : i32
        %add3A_147 = arith.addi %add3A_145, %add3A_146 : i32
        %mul3A_148 = arith.constant 128 : i32
        %mul3A_149 = arith.muli %add3A_147, %mul3A_148 : i32
        %mul3A_150 = arith.constant 128 : i32
        %mul3A_151 = arith.muli %add3A_147, %mul3A_150 : i32
        %add3A_152 = arith.addi %mul3A_2, %mul3A_151 : i32
        %dma_start3A_153 = tpu.memref_slice %arg6[%mul3A_149] : memref<16384xi32, #tpu.memory_space<vmem>> -> memref<128xi32, #tpu.memory_space<vmem>>
        %dma_start3A_154 = arith.constant 0 : i32
        %dma_start3A_155 = tpu.memref_slice %arg2[%dma_start3A_154, %add3A_152] : memref<190x524288xf32, #tpu.memory_space<hbm>> -> memref<190x128xf32, #tpu.memory_space<hbm>>
        tpu.enqueue_indirect_dma source(%dma_start3A_155 : memref<190x128xf32, #tpu.memory_space<hbm>>) target(%arg10 : memref<128x128xf32, #tpu.memory_space<vmem>>) offsets(%dma_start3A_153 : memref<128xi32, #tpu.memory_space<vmem>>) semaphore(%arg16 : memref<!tpu.dma_semaphore, #tpu.memory_space<semaphore_mem>>)
      } else {
      }
      scf.yield %scan3A_133#0, %scan3A_133#1 : vector<16xf32>, vector<16xf32>
    }
    %scan3A_31 = arith.constant 32 : i32
    %swap3A = arith.constant 0 : index
    %swap3A_32 = tpu.vector_load %arg11[%swap3A] {strides = array<i32>} : memref<16xf32, #tpu.memory_space<vmem>>, vector<16xf32>,
    tpu.vector_store %arg11[%swap3A], %scan3A_30#0 {strides = array<i32>} : memref<16xf32, #tpu.memory_space<vmem>>, vector<16xf32>,
    %swap3A_33 = arith.constant 0 : index
    %swap3A_34 = tpu.vector_load %arg12[%swap3A_33] {strides = array<i32>} : memref<16xf32, #tpu.memory_space<vmem>>, vector<16xf32>,
    tpu.vector_store %arg12[%swap3A_33], %scan3A_30#1 {strides = array<i32>} : memref<16xf32, #tpu.memory_space<vmem>>, vector<16xf32>,
    "tpu.region"() ({
      %run_scoped3A = tpu.sem_alloc : memref<!tpu.dma_semaphore, #tpu.memory_space<semaphore_mem>>
      %dma_start3A_35 = arith.constant 0 : i32
      %dma_start3A_36 = tpu.memref_slice %arg4[%add3A, %dma_start3A_35] : memref<32x16xf32, #tpu.memory_space<hbm>> -> memref<1x16xf32, #tpu.memory_space<hbm>>
      %dma_start3A_37 = tpu.memref_squeeze %dma_start3A_36 : memref<1x16xf32, #tpu.memory_space<hbm>> -> memref<16xf32, #tpu.memory_space<hbm>>
      %dma_start3A_38 = arith.constant 0 : i32
      %dma_start3A_39 = tpu.memref_slice %arg4[%add3A, %dma_start3A_38] : memref<32x16xf32, #tpu.memory_space<hbm>> -> memref<1x16xf32, #tpu.memory_space<hbm>>
      %dma_start3A_40 = tpu.memref_squeeze %dma_start3A_39 : memref<1x16xf32, #tpu.memory_space<hbm>> -> memref<16xf32, #tpu.memory_space<hbm>>
      tpu.enqueue_dma source(%arg11 : memref<16xf32, #tpu.memory_space<vmem>>) target(%dma_start3A_40 : memref<16xf32, #tpu.memory_space<hbm>>) target_semaphore(%run_scoped3A : memref<!tpu.dma_semaphore, #tpu.memory_space<semaphore_mem>>)
      %dma_wait3A = arith.constant 0 : i32
      %dma_wait3A_41 = tpu.memref_slice %arg4[%add3A, %dma_wait3A] : memref<32x16xf32, #tpu.memory_space<hbm>> -> memref<1x16xf32, #tpu.memory_space<hbm>>
      %dma_wait3A_42 = tpu.memref_squeeze %dma_wait3A_41 : memref<1x16xf32, #tpu.memory_space<hbm>> -> memref<16xf32, #tpu.memory_space<hbm>>
      %dma_wait3A_43 = arith.constant 0 : i32
      %dma_wait3A_44 = tpu.memref_slice %arg4[%add3A, %dma_wait3A_43] : memref<32x16xf32, #tpu.memory_space<hbm>> -> memref<1x16xf32, #tpu.memory_space<hbm>>
      %dma_wait3A_45 = tpu.memref_squeeze %dma_wait3A_44 : memref<1x16xf32, #tpu.memory_space<hbm>> -> memref<16xf32, #tpu.memory_space<hbm>>
      tpu.wait_dma2 semaphore(%run_scoped3A : memref<!tpu.dma_semaphore, #tpu.memory_space<semaphore_mem>>) src(%arg11 : memref<16xf32, #tpu.memory_space<vmem>>) dst(%dma_wait3A_45 : memref<16xf32, #tpu.memory_space<hbm>>)
      tpu.yield
    }) : () -> ()
    "tpu.region"() ({
      %run_scoped3A = tpu.sem_alloc : memref<!tpu.dma_semaphore, #tpu.memory_space<semaphore_mem>>
      %dma_start3A_35 = arith.constant 0 : i32
      %dma_start3A_36 = tpu.memref_slice %arg5[%add3A, %dma_start3A_35] : memref<32x16xf32, #tpu.memory_space<hbm>> -> memref<1x16xf32, #tpu.memory_space<hbm>>
      %dma_start3A_37 = tpu.memref_squeeze %dma_start3A_36 : memref<1x16xf32, #tpu.memory_space<hbm>> -> memref<16xf32, #tpu.memory_space<hbm>>
      %dma_start3A_38 = arith.constant 0 : i32
      %dma_start3A_39 = tpu.memref_slice %arg5[%add3A, %dma_start3A_38] : memref<32x16xf32, #tpu.memory_space<hbm>> -> memref<1x16xf32, #tpu.memory_space<hbm>>
      %dma_start3A_40 = tpu.memref_squeeze %dma_start3A_39 : memref<1x16xf32, #tpu.memory_space<hbm>> -> memref<16xf32, #tpu.memory_space<hbm>>
      tpu.enqueue_dma source(%arg12 : memref<16xf32, #tpu.memory_space<vmem>>) target(%dma_start3A_40 : memref<16xf32, #tpu.memory_space<hbm>>) target_semaphore(%run_scoped3A : memref<!tpu.dma_semaphore, #tpu.memory_space<semaphore_mem>>)
      %dma_wait3A = arith.constant 0 : i32
      %dma_wait3A_41 = tpu.memref_slice %arg5[%add3A, %dma_wait3A] : memref<32x16xf32, #tpu.memory_space<hbm>> -> memref<1x16xf32, #tpu.memory_space<hbm>>
      %dma_wait3A_42 = tpu.memref_squeeze %dma_wait3A_41 : memref<1x16xf32, #tpu.memory_space<hbm>> -> memref<16xf32, #tpu.memory_space<hbm>>
      %dma_wait3A_43 = arith.constant 0 : i32
      %dma_wait3A_44 = tpu.memref_slice %arg5[%add3A, %dma_wait3A_43] : memref<32x16xf32, #tpu.memory_space<hbm>> -> memref<1x16xf32, #tpu.memory_space<hbm>>
      %dma_wait3A_45 = tpu.memref_squeeze %dma_wait3A_44 : memref<1x16xf32, #tpu.memory_space<hbm>> -> memref<16xf32, #tpu.memory_space<hbm>>
      tpu.wait_dma2 semaphore(%run_scoped3A : memref<!tpu.dma_semaphore, #tpu.memory_space<semaphore_mem>>) src(%arg12 : memref<16xf32, #tpu.memory_space<vmem>>) dst(%dma_wait3A_45 : memref<16xf32, #tpu.memory_space<hbm>>)
      tpu.yield
    }) : () -> ()
    return
  }
}

</mosaic_0001>

<sc_bundles>
// kernel: kernel.3.cloned.1.call-start
scs
__scs_entry_jumppad:
0x0: {  	(pc) =	sbr.rel $0x88, $3  }
0x1: {  	(tag) =	ssettag $0x0;
	lr =	simm.s32 $0x1  }
0x2: {  	[smem:$0x3F9F] =	sst lr;
	_ =	strace $0xD0000000  }
0x3: {  	_ = 	snop  }
0x4: {  	_ = 	snop  }
0x5: {  	_ = 	snop  }
0x6: {  	_ = 	snop  }
0x7: {  	_ = 	snop  }
__scs_overlays_trampoline_lowered:
0x8: {  	[smem:$0x3FAE] =	sst s0  }
0x9: {  	[smem:$0x3FAF] =	sst s1  }
0xa: {  	[smem:$0x3FB0] =	sst s2  }
0xb: {  	[smem:$0x3FB1] =	sst s3  }
0xc: {  	[smem:$0x3FB2] =	sst s4  }
0xd: {  	[smem:$0x3FB3] =	sst s5  }
0xe: {  	[smem:$0x3FB4] =	sst s6  }
0xf: {  	[smem:$0x3FB5] =	sst s7  }
0x10: {  	[smem:$0x3FB6] =	sst s8  }
0x11: {  	[smem:$0x3FB7] =	sst s9;
	s0 =	simm.s32 @!p0 $0x0  }
0x12: {  	s1 =	sld [smem:$0x3F9D];
	s0 =	simm.s32 @p0 $0x1  }
0x13: {  	[smem:$0x3FB8] =	sst s0;
	s0 =	simm.s32 @!p1 $0x0  }
0x14: {  	s2 =	sld [smem:$0x3F9C];
	s0 =	simm.s32 @p1 $0x1  }
0x15: {  	[smem:$0x3FB9] =	sst s0;
	s0 =	simm.s32 @!p2 $0x0  }
0x16: {  	s3 =	sld [smem:$0x3FDB];
	s0 =	simm.s32 @p2 $0x1  }
0x17: {  	s4 =	simm.s32 $0x1BF5;
	[smem:$0x3FBB] =	sst s0  }
0x18: {  	s0 =	sld [smem:$0x3F9E];
	_ =	swait.ge [sflag:s4], $0x0  }
0x19: {  	s7 =	sld [smem:$0x3F9F]  }
0x1a: {  	s8 =	sadd.s32 $0xFFFFE003, lr  }
0x1b: {  	s9 =	sadd.s32 $0xFFFFFEF7, lr;
	s5 =	simm.s32 $0xFFFFFFFF;
	p2 =	slt.u32 s8, $0xFFFFF086  }
0x1c: {  	p1 =	slt.u32 s9, $0xF7A;
	s5 =	simm.s32 @!p2 $0x0  }
0x1d: {  	s5 =	simm.s32 @p1 $0x1;
	p0 =	seq.s32 s7, s2  }
0x1e: {  	s7 =	smul.u32 @!p0 $0xF7A, s2;
	p2 =	seq.s32 @!p0 s5, $0x0  }
0x1f: {  	s9 =	smul.u32 $0xF7A, s1;
	s8 =	simm.s32 @!p0 $0x1BF5;
	p2 =	por !p2, p0  }
0x20: {  	[sflag:s8] =	ssyncset.s32 @!p0 $0xFFFFF086;
	s6 =	sadd.s32 @!p0 s3, s7;
	s7 =	simm.s32 @!p0 $0x108  }
0x21: {  	s3 =	sadd.s32 s3, s9;
	s6 =	sadd.s32 @!p0 $0x88, s6;
	s7 =	simm.s32 @p2 $0x1082  }
0x22: {  	[simem:s7], [sflag:s8] =	dma.local @!p0 [hbm:s6], $0xF7A  }
0x23: {  	s9 =	sor.u32 $0xD0000000, s2;
	s6 =	simm.s32 $0x108;
	_ =	swait.ge @!p0 [sflag:s8], $0x0  }
0x24: {  	s3 =	sadd.s32 $0x88, s3;
	s6 =	simm.s32 @!p1 $0x1082;
	[sflag:s4] =	ssyncset.s32 $0xFFFFF086  }
0x25: {  	[simem:s6], [sflag:s4] =	dma.local [hbm:s3], $0xF7A  }
0x26: {  	[smem:$0x3F9F] =	sst s1;
	(tag) =	ssettag s2;
	_ =	strace s9  }
0x27: {  	s1 =	sld [smem:$0x3FAF]  }
0x28: {  	s2 =	sld [smem:$0x3FB0]  }
0x29: {  	s4 =	sld [smem:$0x3FB2]  }
0x2a: {  	p0 =	seq.s32 s5, $0x0;
	s5 =	sld [smem:$0x3FB3]  }
0x2b: {  	s6 =	sld [smem:$0x3FB4]  }
0x2c: {  	s7 =	sld [smem:$0x3FB5]  }
0x2d: {  	s3 =	simm.s32 $0x108;
	s8 =	sld [smem:$0x3FB6]  }
0x2e: {  	s3 =	simm.s32 @!p0 $0x1082;
	s9 =	sld [smem:$0x3FB7]  }
0x2f: {  	lr =	sadd.s32 s0, s3;
	s0 =	sld [smem:$0x3FAE]  }
0x30: {  	s3 =	sld [smem:$0x3FB1]  }
0x31: {  	[smem:$0x3FBA] =	sst s10  }
0x32: {  	s10 =	sld [smem:$0x3FB8];
	_ =	sdelay $0x3  }
0x33: {  	p0 =	seq.s32 s10, $0x1;
	s10 =	sld [smem:$0x3FBA];
	_ =	sdelay $0x3  }
0x34: {  	[smem:$0x3FBA] =	sst s10  }
0x35: {  	s10 =	sld [smem:$0x3FB9];
	_ =	sdelay $0x3  }
0x36: {  	p1 =	seq.s32 s10, $0x1;
	s10 =	sld [smem:$0x3FBA];
	_ =	sdelay $0x3  }
0x37: {  	[smem:$0x3FBA] =	sst s10  }
0x38: {  	s10 =	sld [smem:$0x3FBB]  }
0x39: {  	_ = 	snop;
	(pc) =	sbr.ind lr, $3  }
0x3a: {  	_ = 	snop  }
0x3b: {  	_ = 	snop  }
0x3c: {  	p2 =	seq.s32 s10, $0x1;
	s10 =	sld [smem:$0x3FBA]  }
0x3d: {  	_ =	shalt  }
0x3e: {  	_ =	shalt  }
0x3f: {  	_ =	shalt  }
0x40: {  	_ =	shalt  }
0x41: {  	_ =	shalt  }
0x42: {  	_ =	shalt  }
0x43: {  	_ =	shalt  }
0x44: {  	_ =	shalt  }
0x45: {  	_ =	shalt  }
0x46: {  	_ =	shalt  }
0x47: {  	_ =	shalt  }
0x48: {  	_ =	shalt  }
0x49: {  	_ =	shalt  }
0x4a: {  	_ =	shalt  }
0x4b: {  	_ =	shalt  }
0x4c: {  	_ =	shalt  }
0x4d: {  	_ =	shalt  }
0x4e: {  	_ =	shalt  }
0x4f: {  	_ =	shalt  }
0x50: {  	_ =	shalt  }
0x51: {  	_ =	shalt  }
0x52: {  	_ =	shalt  }
0x53: {  	_ =	shalt  }
0x54: {  	_ =	shalt  }
0x55: {  	_ =	shalt  }
0x56: {  	_ =	shalt  }
0x57: {  	_ =	shalt  }
0x58: {  	_ =	shalt  }
0x59: {  	_ =	shalt  }
0x5a: {  	_ =	shalt  }
0x5b: {  	_ =	shalt  }
0x5c: {  	_ =	shalt  }
0x5d: {  	_ =	shalt  }
0x5e: {  	_ =	shalt  }
0x5f: {  	_ =	shalt  }
0x60: {  	_ =	shalt  }
0x61: {  	_ =	shalt  }
0x62: {  	_ =	shalt  }
0x63: {  	_ =	shalt  }
0x64: {  	_ =	shalt  }
0x65: {  	_ =	shalt  }
0x66: {  	_ =	shalt  }
0x67: {  	_ =	shalt  }
0x68: {  	_ =	shalt  }
0x69: {  	_ =	shalt  }
0x6a: {  	_ =	shalt  }
0x6b: {  	_ =	shalt  }
0x6c: {  	_ =	shalt  }
0x6d: {  	_ =	shalt  }
0x6e: {  	_ =	shalt  }
0x6f: {  	_ =	shalt  }
0x70: {  	_ =	shalt  }
0x71: {  	_ =	shalt  }
0x72: {  	_ =	shalt  }
0x73: {  	_ =	shalt  }
0x74: {  	_ =	shalt  }
0x75: {  	_ =	shalt  }
0x76: {  	_ =	shalt  }
0x77: {  	_ =	shalt  }
0x78: {  	_ =	shalt  }
0x79: {  	_ =	shalt  }
0x7a: {  	_ =	shalt  }
0x7b: {  	_ =	shalt  }
0x7c: {  	_ =	shalt  }
0x7d: {  	_ =	shalt  }
0x7e: {  	_ =	shalt  }
0x7f: {  	_ =	shalt  }
0x80: {  	_ =	shalt  }
0x81: {  	_ =	shalt  }
0x82: {  	_ =	shalt  }
0x83: {  	_ =	shalt  }
0x84: {  	_ =	shalt  }
0x85: {  	_ =	shalt  }
0x86: {  	_ =	shalt  }
0x87: {  	_ =	shalt  }
.Lfunc_end0:
.L_simem_size_0:
called_computation_lowered:
.L_overlay_start_0:
0x88: {  	s2 =	sld [smem:$0x3FD9]  }
0x89: {  	s3 =	sld [smem:$0x3FFE];
	_ =	sdelay $0x1  }
0x8a: {  	s1 =	srdreg.scid  }
0x8b: {  	s0 =	sand.u32 $0x1, s1  }
0x8c: {  	s17 =	sshll.u32 s0, $0xA;
	s2 =	sadd.s32 s3, s2  }
0x8d: {  	s2 =	sadd.s32 s2, s17  }
0x8e: {  	[smem:$0x3FC6] =	sst s2  }
0x8f: {  	_ = 	snop  }
0x90: {  	s2 =	sld [smem:$0x3FC9]  }
0x91: {  	s18 =	sld [smem:$0x3FC8];
	(tm) =	ssettm $0x1  }
0x92: {  	s4 =	sld [smem:$0x3FFB];
	_ =	sdelay $0x3  }
0x93: {  	_ =	strace s4  }
0x94: {  	s4 =	sld [smem:$0x3FFC];
	_ =	sdelay $0x3  }
0x95: {  	_ =	strace s4  }
0x96: {  	s4 =	sld [smem:$0x3FFD];
	_ =	sdelay $0x3  }
0x97: {  	_ =	strace s4  }
0x98: {  	_ =	strace $0x8FFFFFFF  }
0x99: {  	s19 =	sld [smem:$0x3FDB];
	_ =	sdelay $0x1  }
0x9a: {  	s5 =	simm.s32 $_scs_section_size  }
0x9b: {  	s6 =	simm.s32 $_size__tile_overlayer_lowered;
	s7 =	simm.s32 $_tile_overlayer_lowered  }
0x9c: {  	s22 =	simm.s32 $0x1BFF;
	s21 =	sshll.u32 s7, $0x1;
	s4 =	sadd.s32 s5, s19  }
0x9d: {  	s8 =	simm.s32 $0x0;
	s20 =	sshll.u32 s6, $0x1;
	s6 =	sadd.s32 s21, s4  }
0x9e: {  	[timem:s8], [sflag:s22] =	dma.local [hbm:s6], s20  }
0x9f: {  	_ =	swait.ge [sflag:s22], s20  }
0xa0: {  	s5 =	ssub.s32 $0x0, s20;
	[sflag:s22] =	ssyncset.done $0x0  }
0xa1: {  	[sflag:s22] =	ssyncadd.s32 s5;
	_ =	sdelay $0x1  }
0xa2: {  	s23 =	simm.s32 $0x1B8B  }
0xa3: {  	_ =	swait.ge [sflag:s23], $0x1  }
0xa4: {  	[sflag:s23] =	ssyncset.done $0x0  }
0xa5: {  	s25 =	simm.s32 $0x1B8E;
	s24 =	sld [smem:$0x3FFE];
	[sflag:s23] =	ssyncadd.s32 $0xFFFFFFFF  }
0xa6: {  	s26 =	simm.s32 $execute0_lowered;
	[smem:$0x3FD2] =	sst s25  }
0xa7: {  	s6 =	sshll.u32 s26, $0x1;
	_ =	strace $0x80000046;
	[dreg:$0x1] =	wrdreg $0xFFFFFFFF  }
0xa8: {  	s28 =	simm.s32 $_size_execute0_lowered;
	s4 =	sadd.s32 s4, s6;
	[dreg:$0x0] =	wrdreg $0x0  }
0xa9: {  	s6 =	sshll.u32 s28, $0x1;
	[dreg:$0x2] =	wrdreg s4  }
0xaa: {  	[dreg:$0x3] =	wrdreg s6  }
0xab: {  	[dreg:$0x4] =	wrdreg $0xC0  }
0xac: {  	_ =	task [dreg:s8], $0x5FFFF  }
0xad: {  	[dreg:$0x1] =	wrdreg $0xFFFFFFFF  }
0xae: {  	[dreg:$0x0] =	wrdreg $0x60  }
0xaf: {  	[dreg:$0x2] =	wrdreg s2  }
0xb0: {  	[dreg:$0x3] =	wrdreg s18  }
0xb1: {  	[dreg:$0x4] =	wrdreg s24  }
0xb2: {  	[dreg:$0x5] =	wrdreg $0x9  }
0xb3: {  	_ =	task.clear_ibuf [dreg:s8], $0x6FFFF;
	_ =	strace $0x90000046  }
0xb4: {  	s29 =	simm.s32 $0x9;
	_ =	strace $0x80000048  }
0xb5: {  	_ =	swait.ge [sflag:s29], $0x1  }
0xb6: {  	[sflag:s29] =	ssyncadd.s32 $0xFFFFFFFF  }
0xb7: {  	_ =	strace $0x90000048  }
0xb8: {  	_ =	sfence  }
0xb9: {  	s30 =	sld [smem:$0x0];
	_ =	sdelay $0x2  }
0xba: {  	s31 =	sshll.u32 s1, $0xD;
	s1 =	sshrl.u32 s1, $0x2  }
0xbb: {  	s3 =	sand.u32 $0x4000, s31;
	s1 =	sadd.s32 s1, s30  }
0xbc: {  	s0 =	sor.u32 s3, s0;
	s1 =	sshll.u32 s1, $0x11  }
0xbd: {  	s0 =	sor.u32 s1, s0  }
0xbe: {  	s0 =	sadd.s32 $0x8F2B, s0  }
0xbf: {  	[sflag:s0] =	ssyncadd.remote.s32 $0x1  }
0xc0: {  	_ =	sfence.sel $0xFFFF  }
0xc1: {  	[dreg:$0x0] =	wrdreg $0xFFFFFFFF;
	(pc) =	sbr.abs _section_cstart, $3  }
0xc2: {  	[dreg:$0x1] =	wrdreg $0xFFFFFFFF  }
0xc3: {  	_ =	task.clear_ibuf [dreg:s8], $0x2FFFF;
	_ =	strace $0x9FFFFFFF  }
0xc4: {  	(tm) =	ssettm $0x7FFFFFFF  }
0xc5: {  	_ =	shalt  }
tec
execute0_lowered:
.L_overlay_start_1:
0x0: {  	(tag) =	ssettag $0x1  }
0x1: {  	s0 =	rddreg [dreg:$0x0]  }
0x2: {  	s1 =	rddreg [dreg:$0x1]  }
0x3: {  	s4 =	rddreg [dreg:$0x2];
	s3 =	srdreg.scid  }
0x4: {  	s5 =	stileid.u32;
	s2 =	simm.s32 $0x0;
	s11 =	simm.s32 $0x5  }
0x5: {  	s12 =	simm.s32 $0x4000;
	s15 =	simm.s32 $0x8000;
	s20 =	simm.s32 $0xC000  }
0x6: {  	s13 =	simm.s32 $0x3;
	s14 =	simm.s32 $0x4;
	s18 =	simm.s32 $0x2  }
0x7: {  	s21 =	simm.s32 $0x1;
	s28 =	simm.s32 $0x13C80;
	s29 =	simm.s32 $0x13D00  }
0x8: {  	s30 =	simm.s32 $0x13C00;
	s31 =	simm.s32 $0x13B80;
	s9 =	simm.s32 $0x13980  }
0x9: {  	s16 =	simm.s32 $0x0;
	s3 =	sand.u32 $0x1, s3;
	s5 =	sshll.u32 s5, $0x1  }
0xa: {  	[smem:$0x7FF] =	sst s2;
	s6 =	ssub.s32 $0x2, s3;
	s7 =	sor.u32 s3, s5  }
0xb: {  	_ =	strace $0x80000047;
	s22 =	sshrl.u32 s6, $0x1;
	s5 =	sshll.u32 s7, $0xE  }
0xc: {  	v0 =	vimm.s32 $0x7;
	v1 =	vlaneseq.u32;
	s23 =	sshll.u32 s7, $0xB;
	s25 =	sshll.u32 s7, $0x4;
	s8 =	ssub.s32 s6, s22  }
0xd: {  	v2 =	vimm.s32 $0xC;
	v3 =	vimm.s32 $0x0;
	vm0 =	vmmov $0x1;
	s3 =	sadd.s32 s0, s5;
	s24 =	sadd.s32 s1, s23;
	s0 =	sadd.s32 s4, s25  }
.Ltmp0:
0xe: {  	v5 =	vimm.s32 $0x1;
	v6 =	vimm.s32 $0x2;
	v7 =	vimm.s32 $0x3;
	s1 =	simm.s32 $0x13880;
	s4 =	simm.s32 $0x13900;
	(pc) =	sbr.rel .LBB2_1-.Ltmp0, $4  }
0xf: {  	v8 =	vimm.s32 $0x4;
	v9 =	vimm.s32 $0x5;
	v10 =	vimm.s32 $0x6;
	[dreg:$0x4] =	wrdreg s24;
	s5 =	sadd.s32 $0x80, s3;
	s6 =	sadd.s32 $0x100, s3  }
0x10: {  	v11 =	vimm.s32 $0x8;
	v12 =	vimm.s32 $0x9;
	v13 =	vimm.s32 $0xA;
	s7 =	sadd.s32 $0x180, s3;
	[dreg:$0x5] =	wrdreg s0;
	s0 =	sadd.s32 $0x200, s0  }
0x11: {  	v14 =	vimm.s32 $0xB;
	v15 =	vimm.s32 $0xD;
	v16 =	vimm.s32 $0xE;
	s26 =	smax.u32 s8, $0x1;
	s8 =	simm.s32 $0x10000;
	[dreg:$0x6] =	wrdreg s0  }
0x12: {  	v17 =	vimm.s32 $0xF;
	v18 =	vimm.f32 $1.000000000e+00;
	v4 =	vmul.u32 $0x8, v1;
	[dreg:$0x7] =	wrdreg s26;
	s26 =	simm.s32 $0x13D80;
	s0 =	simm.s32 $0x13B00  }
.LBB2_18:
0x13: {  	[tilespmem:$0x14000] =	vst v21  }
0x14: {  	[tilespmem:$0x14080] =	vst v20;
	s10 =	rddreg [dreg:$0x6];
	s11 =	simm.s32 $0x14000  }
0x15: {  	[hbm4b:s10+s2] =	stream.linear.scatter [tilespmem:s11], [sflag:$0x5], $0x80, $0x38;
	[tilespmem:$0x14100] =	vst v63  }
0x16: {  	s11 =	simm.s32 $0x5  }
0x17: {  	_ =	swait.ge [sflag:s11], $0x80  }
0x18: {  	[sflag:s11] =	ssyncset.done $0x0  }
0x19: {  	s16 =	simm.s32 $0x14080;
	s23 =	rddreg [dreg:$0x5];
	[sflag:s11] =	ssyncadd.s32 $0xFFFFFF80  }
0x1a: {  	[hbm4b:s23+s2] =	stream.linear.scatter [tilespmem:s16], [sflag:$0x5], $0x80, $0x38;
	[tilespmem:$0x14100] =	vst v63  }
0x1b: {  	_ =	swait.ge [sflag:s11], $0x80  }
0x1c: {  	s24 =	rddreg [dreg:$0x8]  }
0x1d: {  	s25 =	rddreg [dreg:$0x7];
	s16 =	sadd.s32 $0x1, s24  }
0x1e: {  	p0 =	sne.s32 s16, s25  }
.Ltmp1:
0x1f: {  	_ = 	snop;
	(pc) =	sbr.rel @!p0 .LBB2_19-.Ltmp1, $3  }
0x20: {  	_ =	sdelay $0x1  }
0x21: {  	[sflag:s11] =	ssyncset.done $0x0  }
0x22: {  	[sflag:s11] =	ssyncadd.s32 $0xFFFFFF80  }
.LBB2_1:
0x23: {  	[dreg:$0x8] =	wrdreg s16  }
0x24: {  	s10 =	rddreg [dreg:$0x4]  }
0x25: {  	[tilespmem:s2], [sflag:$0x5] =	stream.linear.gather [hbm4b:s10+s2], $0x4000, $0x38;
	[tilespmem:$0x14100] =	vst v63  }
0x26: {  	_ =	swait.ge [sflag:s11], $0x4000  }
0x27: {  	[sflag:s11] =	ssyncset.done $0x0  }
0x28: {  	[sflag:s11] =	ssyncadd.s32 $0xFFFFC000  }
0x29: {  	v19 =	vld [tilespmem:$0x0];
	_ =	sdelay $0x4  }
0x2a: {  	v20 =	vshll.u32 v19, $0xC  }
0x2b: {  	v19 =	vand.u32 $0x7, v19;
	v20 =	vand.u32 $0xFFFF8000, v20  }
0x2c: {  	v19 =	vor.u32 v19, v20  }
0x2d: {  	v20 =	vperm.xlane v19, v3;
	_ =	sdelay $0x1  }
0x2e: {  	v21 =	vperm.xlane v19, v5;
	v20 =	vadd.s32 v4, v20;
	_ =	sdelay $0x1  }
0x2f: {  	v22 =	vperm.xlane v19, v6;
	v21 =	vadd.s32 v4, v21;
	_ =	sdelay $0x1  }
0x30: {  	v23 =	vperm.xlane v19, v7;
	v22 =	vadd.s32 v4, v22  }
0x31: {  	[tilespmem:s12], [sflag:$0x1] =	stream.indirect_vreg.gather [hbm4b:s3+s2], $0x80, v20, vm0, $0xb8;
	[tilespmem:$0x14100] =	vst v63  }
0x32: {  	s23 =	simm.s32 $0x4080;
	v20 =	vadd.s32 v4, v23;
	v23 =	vperm.xlane v19, v8  }
0x33: {  	[tilespmem:s23], [sflag:$0x1] =	stream.indirect_vreg.gather [hbm4b:s3+s2], $0x80, v21, vm0, $0xb8;
	[tilespmem:$0x14100] =	vst v63  }
0x34: {  	s24 =	simm.s32 $0x4100;
	v21 =	vadd.s32 v4, v23;
	v23 =	vperm.xlane v19, v9  }
0x35: {  	[tilespmem:s24], [sflag:$0x1] =	stream.indirect_vreg.gather [hbm4b:s3+s2], $0x80, v22, vm0, $0xb8;
	[tilespmem:$0x14100] =	vst v63  }
0x36: {  	s25 =	simm.s32 $0x4180;
	v22 =	vadd.s32 v4, v23;
	v23 =	vperm.xlane v19, v10  }
0x37: {  	[tilespmem:s25], [sflag:$0x1] =	stream.indirect_vreg.gather [hbm4b:s3+s2], $0x80, v20, vm0, $0xb8;
	[tilespmem:$0x14100] =	vst v63  }
0x38: {  	s11 =	simm.s32 $0x4200;
	v20 =	vadd.s32 v4, v23;
	v23 =	vperm.xlane v19, v0  }
0x39: {  	[tilespmem:s11], [sflag:$0x1] =	stream.indirect_vreg.gather [hbm4b:s3+s2], $0x80, v21, vm0, $0xb8;
	[tilespmem:$0x14100] =	vst v63  }
0x3a: {  	s16 =	simm.s32 $0x4280;
	v21 =	vadd.s32 v4, v23;
	v23 =	vperm.xlane v19, v11  }
0x3b: {  	[tilespmem:s16], [sflag:$0x1] =	stream.indirect_vreg.gather [hbm4b:s3+s2], $0x80, v22, vm0, $0xb8;
	[tilespmem:$0x14100] =	vst v63  }
0x3c: {  	s17 =	simm.s32 $0x4300;
	v22 =	vadd.s32 v4, v23;
	v23 =	vperm.xlane v19, v12  }
0x3d: {  	[tilespmem:s17], [sflag:$0x1] =	stream.indirect_vreg.gather [hbm4b:s3+s2], $0x80, v20, vm0, $0xb8;
	[tilespmem:$0x14100] =	vst v63  }
0x3e: {  	s19 =	simm.s32 $0x4380;
	v20 =	vadd.s32 v4, v23;
	v23 =	vperm.xlane v19, v13  }
0x3f: {  	[tilespmem:s19], [sflag:$0x1] =	stream.indirect_vreg.gather [hbm4b:s3+s2], $0x80, v21, vm0, $0xb8;
	[tilespmem:$0x14100] =	vst v63  }
0x40: {  	s22 =	simm.s32 $0x4400;
	v21 =	vadd.s32 v4, v23;
	v23 =	vperm.xlane v19, v14  }
0x41: {  	[tilespmem:s22], [sflag:$0x1] =	stream.indirect_vreg.gather [hbm4b:s3+s2], $0x80, v22, vm0, $0xb8;
	[tilespmem:$0x14100] =	vst v63  }
0x42: {  	s23 =	simm.s32 $0x4480;
	v22 =	vadd.s32 v4, v23;
	v23 =	vperm.xlane v19, v2  }
0x43: {  	[tilespmem:s23], [sflag:$0x1] =	stream.indirect_vreg.gather [hbm4b:s3+s2], $0x80, v20, vm0, $0xb8;
	[tilespmem:$0x14100] =	vst v63  }
0x44: {  	s24 =	simm.s32 $0x4500;
	v20 =	vadd.s32 v4, v23;
	v23 =	vperm.xlane v19, v15  }
0x45: {  	[tilespmem:s24], [sflag:$0x1] =	stream.indirect_vreg.gather [hbm4b:s3+s2], $0x80, v21, vm0, $0xb8;
	[tilespmem:$0x14100] =	vst v63  }
0x46: {  	s25 =	simm.s32 $0x4580;
	v21 =	vadd.s32 v4, v23;
	v23 =	vperm.xlane v19, v16  }
0x47: {  	[tilespmem:s25], [sflag:$0x1] =	stream.indirect_vreg.gather [hbm4b:s3+s2], $0x80, v22, vm0, $0xb8;
	[tilespmem:$0x14100] =	vst v63  }
0x48: {  	s11 =	simm.s32 $0x4600;
	v19 =	vperm.xlane v19, v17;
	v22 =	vadd.s32 v4, v23  }
0x49: {  	[tilespmem:s11], [sflag:$0x1] =	stream.indirect_vreg.gather [hbm4b:s3+s2], $0x80, v20, vm0, $0xb8;
	[tilespmem:$0x14100] =	vst v63  }
0x4a: {  	s16 =	simm.s32 $0x4680;
	v19 =	vadd.s32 v4, v19  }
0x4b: {  	[tilespmem:s16], [sflag:$0x1] =	stream.indirect_vreg.gather [hbm4b:s3+s2], $0x80, v21, vm0, $0xb8;
	[tilespmem:$0x14100] =	vst v63  }
0x4c: {  	s17 =	simm.s32 $0x4700  }
0x4d: {  	[tilespmem:s17], [sflag:$0x1] =	stream.indirect_vreg.gather [hbm4b:s3+s2], $0x80, v22, vm0, $0xb8;
	[tilespmem:$0x14100] =	vst v63  }
0x4e: {  	s19 =	simm.s32 $0x4780  }
0x4f: {  	[tilespmem:s19], [sflag:$0x1] =	stream.indirect_vreg.gather [hbm4b:s3+s2], $0x80, v19, vm0, $0xb8;
	[tilespmem:$0x14100] =	vst v63  }
0x50: {  	v19 =	vld [tilespmem:$0x10];
	_ =	sdelay $0x4  }
0x51: {  	v20 =	vshll.u32 v19, $0xC  }
0x52: {  	v19 =	vand.u32 $0x7, v19;
	v20 =	vand.u32 $0xFFFF8000, v20  }
0x53: {  	v19 =	vor.u32 v19, v20  }
0x54: {  	v20 =	vperm.xlane v19, v3;
	_ =	sdelay $0x1  }
0x55: {  	v21 =	vperm.xlane v19, v5;
	v20 =	vadd.s32 v4, v20;
	_ =	sdelay $0x1  }
0x56: {  	v22 =	vperm.xlane v19, v6;
	v21 =	vadd.s32 v4, v21;
	_ =	sdelay $0x1  }
0x57: {  	s22 =	simm.s32 $0x4800;
	v23 =	vperm.xlane v19, v7;
	v22 =	vadd.s32 v4, v22  }
0x58: {  	[tilespmem:s22], [sflag:$0x1] =	stream.indirect_vreg.gather [hbm4b:s3+s2], $0x80, v20, vm0, $0xb8;
	[tilespmem:$0x14100] =	vst v63  }
0x59: {  	s23 =	simm.s32 $0x4880;
	v20 =	vadd.s32 v4, v23;
	v23 =	vperm.xlane v19, v8  }
0x5a: {  	[tilespmem:s23], [sflag:$0x1] =	stream.indirect_vreg.gather [hbm4b:s3+s2], $0x80, v21, vm0, $0xb8;
	[tilespmem:$0x14100] =	vst v63  }
0x5b: {  	s24 =	simm.s32 $0x4900;
	v21 =	vadd.s32 v4, v23;
	v23 =	vperm.xlane v19, v9  }
0x5c: {  	[tilespmem:s24], [sflag:$0x1] =	stream.indirect_vreg.gather [hbm4b:s3+s2], $0x80, v22, vm0, $0xb8;
	[tilespmem:$0x14100] =	vst v63  }
0x5d: {  	s25 =	simm.s32 $0x4980;
	v22 =	vadd.s32 v4, v23;
	v23 =	vperm.xlane v19, v10  }
0x5e: {  	[tilespmem:s25], [sflag:$0x1] =	stream.indirect_vreg.gather [hbm4b:s3+s2], $0x80, v20, vm0, $0xb8;
	[tilespmem:$0x14100] =	vst v63  }
0x5f: {  	s11 =	simm.s32 $0x4A00;
	v20 =	vadd.s32 v4, v23;
	v23 =	vperm.xlane v19, v0  }
0x60: {  	[tilespmem:s11], [sflag:$0x1] =	stream.indirect_vreg.gather [hbm4b:s3+s2], $0x80, v21, vm0, $0xb8;
	[tilespmem:$0x14100] =	vst v63  }
0x61: {  	s16 =	simm.s32 $0x4A80;
	v21 =	vadd.s32 v4, v23;
	v23 =	vperm.xlane v19, v11  }
0x62: {  	[tilespmem:s16], [sflag:$0x1] =	stream.indirect_vreg.gather [hbm4b:s3+s2], $0x80, v22, vm0, $0xb8;
	[tilespmem:$0x14100] =	vst v63  }
0x63: {  	s17 =	simm.s32 $0x4B00;
	v22 =	vadd.s32 v4, v23;
	v23 =	vperm.xlane v19, v12  }
0x64: {  	[tilespmem:s17], [sflag:$0x1] =	stream.indirect_vreg.gather [hbm4b:s3+s2], $0x80, v20, vm0, $0xb8;
	[tilespmem:$0x14100] =	vst v63  }
0x65: {  	s19 =	simm.s32 $0x4B80;
	v20 =	vadd.s32 v4, v23;
	v23 =	vperm.xlane v19, v13  }
0x66: {  	[tilespmem:s19], [sflag:$0x1] =	stream.indirect_vreg.gather [hbm4b:s3+s2], $0x80, v21, vm0, $0xb8;
	[tilespmem:$0x14100] =	vst v63  }
0x67: {  	s22 =	simm.s32 $0x4C00;
	v21 =	vadd.s32 v4, v23;
	v23 =	vperm.xlane v19, v14  }
0x68: {  	[tilespmem:s22], [sflag:$0x1] =	stream.indirect_vreg.gather [hbm4b:s3+s2], $0x80, v22, vm0, $0xb8;
	[tilespmem:$0x14100] =	vst v63  }
0x69: {  	s23 =	simm.s32 $0x4C80;
	v22 =	vadd.s32 v4, v23;
	v23 =	vperm.xlane v19, v2  }
0x6a: {  	[tilespmem:s23], [sflag:$0x1] =	stream.indirect_vreg.gather [hbm4b:s3+s2], $0x80, v20, vm0, $0xb8;
	[tilespmem:$0x14100] =	vst v63  }
0x6b: {  	s24 =	simm.s32 $0x4D00;
	v20 =	vadd.s32 v4, v23;
	v23 =	vperm.xlane v19, v15  }
0x6c: {  	[tilespmem:s24], [sflag:$0x1] =	stream.indirect_vreg.gather [hbm4b:s3+s2], $0x80, v21, vm0, $0xb8;
	[tilespmem:$0x14100] =	vst v63  }
0x6d: {  	s25 =	simm.s32 $0x4D80;
	v21 =	vadd.s32 v4, v23;
	v23 =	vperm.xlane v19, v16  }
0x6e: {  	[tilespmem:s25], [sflag:$0x1] =	stream.indirect_vreg.gather [hbm4b:s3+s2], $0x80, v22, vm0, $0xb8;
	[tilespmem:$0x14100] =	vst v63  }
0x6f: {  	s11 =	simm.s32 $0x4E00;
	v19 =	vperm.xlane v19, v17;
	v22 =	vadd.s32 v4, v23  }
0x70: {  	[tilespmem:s11], [sflag:$0x1] =	stream.indirect_vreg.gather [hbm4b:s3+s2], $0x80, v20, vm0, $0xb8;
	[tilespmem:$0x14100] =	vst v63  }
0x71: {  	s16 =	simm.s32 $0x4E80;
	v19 =	vadd.s32 v4, v19  }
0x72: {  	[tilespmem:s16], [sflag:$0x1] =	stream.indirect_vreg.gather [hbm4b:s3+s2], $0x80, v21, vm0, $0xb8;
	[tilespmem:$0x14100] =	vst v63  }
0x73: {  	s17 =	simm.s32 $0x4F00  }
0x74: {  	[tilespmem:s17], [sflag:$0x1] =	stream.indirect_vreg.gather [hbm4b:s3+s2], $0x80, v22, vm0, $0xb8;
	[tilespmem:$0x14100] =	vst v63  }
0x75: {  	s19 =	simm.s32 $0x4F80  }
0x76: {  	[tilespmem:s19], [sflag:$0x1] =	stream.indirect_vreg.gather [hbm4b:s3+s2], $0x80, v19, vm0, $0xb8;
	[tilespmem:$0x14100] =	vst v63  }
0x77: {  	v19 =	vld [tilespmem:$0x20];
	_ =	sdelay $0x4  }
0x78: {  	v20 =	vshll.u32 v19, $0xC  }
0x79: {  	v19 =	vand.u32 $0x7, v19;
	v20 =	vand.u32 $0xFFFF8000, v20  }
0x7a: {  	v19 =	vor.u32 v19, v20  }
0x7b: {  	v20 =	vperm.xlane v19, v3;
	_ =	sdelay $0x1  }
0x7c: {  	v21 =	vperm.xlane v19, v5;
	v20 =	vadd.s32 v4, v20;
	_ =	sdelay $0x1  }
0x7d: {  	v22 =	vperm.xlane v19, v6;
	v21 =	vadd.s32 v4, v21;
	_ =	sdelay $0x1  }
0x7e: {  	s22 =	simm.s32 $0x5000;
	v23 =	vperm.xlane v19, v7;
	v22 =	vadd.s32 v4, v22  }
0x7f: {  	[tilespmem:s22], [sflag:$0x1] =	stream.indirect_vreg.gather [hbm4b:s3+s2], $0x80, v20, vm0, $0xb8;
	[tilespmem:$0x14100] =	vst v63  }
0x80: {  	s23 =	simm.s32 $0x5080;
	v20 =	vadd.s32 v4, v23;
	v23 =	vperm.xlane v19, v8  }
0x81: {  	[tilespmem:s23], [sflag:$0x1] =	stream.indirect_vreg.gather [hbm4b:s3+s2], $0x80, v21, vm0, $0xb8;
	[tilespmem:$0x14100] =	vst v63  }
0x82: {  	s24 =	simm.s32 $0x5100;
	v21 =	vadd.s32 v4, v23;
	v23 =	vperm.xlane v19, v9  }
0x83: {  	[tilespmem:s24], [sflag:$0x1] =	stream.indirect_vreg.gather [hbm4b:s3+s2], $0x80, v22, vm0, $0xb8;
	[tilespmem:$0x14100] =	vst v63  }
0x84: {  	s25 =	simm.s32 $0x5180;
	v22 =	vadd.s32 v4, v23;
	v23 =	vperm.xlane v19, v10  }
0x85: {  	[tilespmem:s25], [sflag:$0x1] =	stream.indirect_vreg.gather [hbm4b:s3+s2], $0x80, v20, vm0, $0xb8;
	[tilespmem:$0x14100] =	vst v63  }
0x86: {  	s11 =	simm.s32 $0x5200;
	v20 =	vadd.s32 v4, v23;
	v23 =	vperm.xlane v19, v0  }
0x87: {  	[tilespmem:s11], [sflag:$0x1] =	stream.indirect_vreg.gather [hbm4b:s3+s2], $0x80, v21, vm0, $0xb8;
	[tilespmem:$0x14100] =	vst v63  }
0x88: {  	s16 =	simm.s32 $0x5280;
	v21 =	vadd.s32 v4, v23;
	v23 =	vperm.xlane v19, v11  }
0x89: {  	[tilespmem:s16], [sflag:$0x1] =	stream.indirect_vreg.gather [hbm4b:s3+s2], $0x80, v22, vm0, $0xb8;
	[tilespmem:$0x14100] =	vst v63  }
0x8a: {  	s17 =	simm.s32 $0x5300;
	v22 =	vadd.s32 v4, v23;
	v23 =	vperm.xlane v19, v12  }
0x8b: {  	[tilespmem:s17], [sflag:$0x1] =	stream.indirect_vreg.gather [hbm4b:s3+s2], $0x80, v20, vm0, $0xb8;
	[tilespmem:$0x14100] =	vst v63  }
0x8c: {  	s19 =	simm.s32 $0x5380;
	v20 =	vadd.s32 v4, v23;
	v23 =	vperm.xlane v19, v13  }
0x8d: {  	[tilespmem:s19], [sflag:$0x1] =	stream.indirect_vreg.gather [hbm4b:s3+s2], $0x80, v21, vm0, $0xb8;
	[tilespmem:$0x14100] =	vst v63  }
0x8e: {  	s22 =	simm.s32 $0x5400;
	v21 =	vadd.s32 v4, v23;
	v23 =	vperm.xlane v19, v14  }
0x8f: {  	[tilespmem:s22], [sflag:$0x1] =	stream.indirect_vreg.gather [hbm4b:s3+s2], $0x80, v22, vm0, $0xb8;
	[tilespmem:$0x14100] =	vst v63  }
0x90: {  	s23 =	simm.s32 $0x5480;
	v22 =	vadd.s32 v4, v23;
	v23 =	vperm.xlane v19, v2  }
0x91: {  	[tilespmem:s23], [sflag:$0x1] =	stream.indirect_vreg.gather [hbm4b:s3+s2], $0x80, v20, vm0, $0xb8;
	[tilespmem:$0x14100] =	vst v63  }
0x92: {  	s24 =	simm.s32 $0x5500;
	v20 =	vadd.s32 v4, v23;
	v23 =	vperm.xlane v19, v15  }
0x93: {  	[tilespmem:s24], [sflag:$0x1] =	stream.indirect_vreg.gather [hbm4b:s3+s2], $0x80, v21, vm0, $0xb8;
	[tilespmem:$0x14100] =	vst v63  }
0x94: {  	s25 =	simm.s32 $0x5580;
	v21 =	vadd.s32 v4, v23;
	v23 =	vperm.xlane v19, v16  }
0x95: {  	[tilespmem:s25], [sflag:$0x1] =	stream.indirect_vreg.gather [hbm4b:s3+s2], $0x80, v22, vm0, $0xb8;
	[tilespmem:$0x14100] =	vst v63  }
0x96: {  	s11 =	simm.s32 $0x5600;
	v19 =	vperm.xlane v19, v17;
	v22 =	vadd.s32 v4, v23  }
0x97: {  	[tilespmem:s11], [sflag:$0x1] =	stream.indirect_vreg.gather [hbm4b:s3+s2], $0x80, v20, vm0, $0xb8;
	[tilespmem:$0x14100] =	vst v63  }
0x98: {  	s16 =	simm.s32 $0x5680;
	v19 =	vadd.s32 v4, v19  }
0x99: {  	[tilespmem:s16], [sflag:$0x1] =	stream.indirect_vreg.gather [hbm4b:s3+s2], $0x80, v21, vm0, $0xb8;
	[tilespmem:$0x14100] =	vst v63  }
0x9a: {  	s17 =	simm.s32 $0x5700  }
0x9b: {  	[tilespmem:s17], [sflag:$0x1] =	stream.indirect_vreg.gather [hbm4b:s3+s2], $0x80, v22, vm0, $0xb8;
	[tilespmem:$0x14100] =	vst v63  }
0x9c: {  	s19 =	simm.s32 $0x5780  }
0x9d: {  	[tilespmem:s19], [sflag:$0x1] =	stream.indirect_vreg.gather [hbm4b:s3+s2], $0x80, v19, vm0, $0xb8;
	[tilespmem:$0x14100] =	vst v63  }
0x9e: {  	v19 =	vld [tilespmem:$0x30];
	_ =	sdelay $0x4  }
0x9f: {  	v20 =	vshll.u32 v19, $0xC  }
0xa0: {  	v19 =	vand.u32 $0x7, v19;
	v20 =	vand.u32 $0xFFFF8000, v20  }
0xa1: {  	v19 =	vor.u32 v19, v20  }
0xa2: {  	v20 =	vperm.xlane v19, v3;
	_ =	sdelay $0x1  }
0xa3: {  	v21 =	vperm.xlane v19, v5;
	v20 =	vadd.s32 v4, v20;
	_ =	sdelay $0x1  }
0xa4: {  	v22 =	vperm.xlane v19, v6;
	v21 =	vadd.s32 v4, v21;
	_ =	sdelay $0x1  }
0xa5: {  	s22 =	simm.s32 $0x5800;
	v23 =	vperm.xlane v19, v7;
	v22 =	vadd.s32 v4, v22  }
0xa6: {  	[tilespmem:s22], [sflag:$0x1] =	stream.indirect_vreg.gather [hbm4b:s3+s2], $0x80, v20, vm0, $0xb8;
	[tilespmem:$0x14100] =	vst v63  }
0xa7: {  	s23 =	simm.s32 $0x5880;
	v20 =	vadd.s32 v4, v23;
	v23 =	vperm.xlane v19, v8  }
0xa8: {  	[tilespmem:s23], [sflag:$0x1] =	stream.indirect_vreg.gather [hbm4b:s3+s2], $0x80, v21, vm0, $0xb8;
	[tilespmem:$0x14100] =	vst v63  }
0xa9: {  	s24 =	simm.s32 $0x5900;
	v21 =	vadd.s32 v4, v23;
	v23 =	vperm.xlane v19, v9  }
0xaa: {  	[tilespmem:s24], [sflag:$0x1] =	stream.indirect_vreg.gather [hbm4b:s3+s2], $0x80, v22, vm0, $0xb8;
	[tilespmem:$0x14100] =	vst v63  }
0xab: {  	s25 =	simm.s32 $0x5980;
	v22 =	vadd.s32 v4, v23;
	v23 =	vperm.xlane v19, v10  }
0xac: {  	[tilespmem:s25], [sflag:$0x1] =	stream.indirect_vreg.gather [hbm4b:s3+s2], $0x80, v20, vm0, $0xb8;
	[tilespmem:$0x14100] =	vst v63  }
0xad: {  	s11 =	simm.s32 $0x5A00;
	v20 =	vadd.s32 v4, v23;
	v23 =	vperm.xlane v19, v0  }
0xae: {  	[tilespmem:s11], [sflag:$0x1] =	stream.indirect_vreg.gather [hbm4b:s3+s2], $0x80, v21, vm0, $0xb8;
	[tilespmem:$0x14100] =	vst v63  }
0xaf: {  	s16 =	simm.s32 $0x5A80;
	v21 =	vadd.s32 v4, v23;
	v23 =	vperm.xlane v19, v11  }
0xb0: {  	[tilespmem:s16], [sflag:$0x1] =	stream.indirect_vreg.gather [hbm4b:s3+s2], $0x80, v22, vm0, $0xb8;
	[tilespmem:$0x14100] =	vst v63  }
0xb1: {  	s17 =	simm.s32 $0x5B00;
	v22 =	vadd.s32 v4, v23;
	v23 =	vperm.xlane v19, v12  }
0xb2: {  	[tilespmem:s17], [sflag:$0x1] =	stream.indirect_vreg.gather [hbm4b:s3+s2], $0x80, v20, vm0, $0xb8;
	[tilespmem:$0x14100] =	vst v63  }
0xb3: {  	s19 =	simm.s32 $0x5B80;
	v20 =	vadd.s32 v4, v23;
	v23 =	vperm.xlane v19, v13  }
0xb4: {  	[tilespmem:s19], [sflag:$0x1] =	stream.indirect_vreg.gather [hbm4b:s3+s2], $0x80, v21, vm0, $0xb8;
	[tilespmem:$0x14100] =	vst v63  }
0xb5: {  	s22 =	simm.s32 $0x5C00;
	v21 =	vadd.s32 v4, v23;
	v23 =	vperm.xlane v19, v14  }
0xb6: {  	[tilespmem:s22], [sflag:$0x1] =	stream.indirect_vreg.gather [hbm4b:s3+s2], $0x80, v22, vm0, $0xb8;
	[tilespmem:$0x14100] =	vst v63  }
0xb7: {  	s23 =	simm.s32 $0x5C80;
	v22 =	vadd.s32 v4, v23;
	v23 =	vperm.xlane v19, v2  }
0xb8: {  	[tilespmem:s23], [sflag:$0x1] =	stream.indirect_vreg.gather [hbm4b:s3+s2], $0x80, v20, vm0, $0xb8;
	[tilespmem:$0x14100] =	vst v63  }
0xb9: {  	s24 =	simm.s32 $0x5D00;
	v20 =	vadd.s32 v4, v23;
	v23 =	vperm.xlane v19, v15  }
0xba: {  	[tilespmem:s24], [sflag:$0x1] =	stream.indirect_vreg.gather [hbm4b:s3+s2], $0x80, v21, vm0, $0xb8;
	[tilespmem:$0x14100] =	vst v63  }
0xbb: {  	s25 =	simm.s32 $0x5D80;
	v21 =	vadd.s32 v4, v23;
	v23 =	vperm.xlane v19, v16  }
0xbc: {  	[tilespmem:s25], [sflag:$0x1] =	stream.indirect_vreg.gather [hbm4b:s3+s2], $0x80, v22, vm0, $0xb8;
	[tilespmem:$0x14100] =	vst v63  }
0xbd: {  	s11 =	simm.s32 $0x5E00;
	v19 =	vperm.xlane v19, v17;
	v22 =	vadd.s32 v4, v23  }
0xbe: {  	[tilespmem:s11], [sflag:$0x1] =	stream.indirect_vreg.gather [hbm4b:s3+s2], $0x80, v20, vm0, $0xb8;
	[tilespmem:$0x14100] =	vst v63  }
0xbf: {  	s16 =	simm.s32 $0x5E80;
	v19 =	vadd.s32 v4, v19  }
0xc0: {  	[tilespmem:s16], [sflag:$0x1] =	stream.indirect_vreg.gather [hbm4b:s3+s2], $0x80, v21, vm0, $0xb8;
	[tilespmem:$0x14100] =	vst v63  }
0xc1: {  	s17 =	simm.s32 $0x5F00  }
0xc2: {  	[tilespmem:s17], [sflag:$0x1] =	stream.indirect_vreg.gather [hbm4b:s3+s2], $0x80, v22, vm0, $0xb8;
	[tilespmem:$0x14100] =	vst v63  }
0xc3: {  	s19 =	simm.s32 $0x5F80  }
0xc4: {  	[tilespmem:s19], [sflag:$0x1] =	stream.indirect_vreg.gather [hbm4b:s3+s2], $0x80, v19, vm0, $0xb8;
	[tilespmem:$0x14100] =	vst v63  }
0xc5: {  	v19 =	vld [tilespmem:$0x40];
	_ =	sdelay $0x4  }
0xc6: {  	v20 =	vshll.u32 v19, $0xC  }
0xc7: {  	v19 =	vand.u32 $0x7, v19;
	v20 =	vand.u32 $0xFFFF8000, v20  }
0xc8: {  	v19 =	vor.u32 v19, v20  }
0xc9: {  	v20 =	vperm.xlane v19, v3;
	_ =	sdelay $0x1  }
0xca: {  	v21 =	vperm.xlane v19, v5;
	v20 =	vadd.s32 v4, v20;
	_ =	sdelay $0x1  }
0xcb: {  	v22 =	vperm.xlane v19, v6;
	v21 =	vadd.s32 v4, v21;
	_ =	sdelay $0x1  }
0xcc: {  	s22 =	simm.s32 $0x6000;
	v23 =	vperm.xlane v19, v7;
	v22 =	vadd.s32 v4, v22  }
0xcd: {  	[tilespmem:s22], [sflag:$0x1] =	stream.indirect_vreg.gather [hbm4b:s3+s2], $0x80, v20, vm0, $0xb8;
	[tilespmem:$0x14100] =	vst v63  }
0xce: {  	s23 =	simm.s32 $0x6080;
	v20 =	vadd.s32 v4, v23;
	v23 =	vperm.xlane v19, v8  }
0xcf: {  	[tilespmem:s23], [sflag:$0x1] =	stream.indirect_vreg.gather [hbm4b:s3+s2], $0x80, v21, vm0, $0xb8;
	[tilespmem:$0x14100] =	vst v63  }
0xd0: {  	s24 =	simm.s32 $0x6100;
	v21 =	vadd.s32 v4, v23;
	v23 =	vperm.xlane v19, v9  }
0xd1: {  	[tilespmem:s24], [sflag:$0x1] =	stream.indirect_vreg.gather [hbm4b:s3+s2], $0x80, v22, vm0, $0xb8;
	[tilespmem:$0x14100] =	vst v63  }
0xd2: {  	s25 =	simm.s32 $0x6180;
	v22 =	vadd.s32 v4, v23;
	v23 =	vperm.xlane v19, v10  }
0xd3: {  	[tilespmem:s25], [sflag:$0x1] =	stream.indirect_vreg.gather [hbm4b:s3+s2], $0x80, v20, vm0, $0xb8;
	[tilespmem:$0x14100] =	vst v63  }
0xd4: {  	s11 =	simm.s32 $0x6200;
	v20 =	vadd.s32 v4, v23;
	v23 =	vperm.xlane v19, v0  }
0xd5: {  	[tilespmem:s11], [sflag:$0x1] =	stream.indirect_vreg.gather [hbm4b:s3+s2], $0x80, v21, vm0, $0xb8;
	[tilespmem:$0x14100] =	vst v63  }
0xd6: {  	s16 =	simm.s32 $0x6280;
	v21 =	vadd.s32 v4, v23;
	v23 =	vperm.xlane v19, v11  }
0xd7: {  	[tilespmem:s16], [sflag:$0x1] =	stream.indirect_vreg.gather [hbm4b:s3+s2], $0x80, v22, vm0, $0xb8;
	[tilespmem:$0x14100] =	vst v63  }
0xd8: {  	s17 =	simm.s32 $0x6300;
	v22 =	vadd.s32 v4, v23;
	v23 =	vperm.xlane v19, v12  }
0xd9: {  	[tilespmem:s17], [sflag:$0x1] =	stream.indirect_vreg.gather [hbm4b:s3+s2], $0x80, v20, vm0, $0xb8;
	[tilespmem:$0x14100] =	vst v63  }
0xda: {  	s19 =	simm.s32 $0x6380;
	v20 =	vadd.s32 v4, v23;
	v23 =	vperm.xlane v19, v13  }
0xdb: {  	[tilespmem:s19], [sflag:$0x1] =	stream.indirect_vreg.gather [hbm4b:s3+s2], $0x80, v21, vm0, $0xb8;
	[tilespmem:$0x14100] =	vst v63  }
0xdc: {  	s22 =	simm.s32 $0x6400;
	v21 =	vadd.s32 v4, v23;
	v23 =	vperm.xlane v19, v14  }
0xdd: {  	[tilespmem:s22], [sflag:$0x1] =	stream.indirect_vreg.gather [hbm4b:s3+s2], $0x80, v22, vm0, $0xb8;
	[tilespmem:$0x14100] =	vst v63  }
0xde: {  	s23 =	simm.s32 $0x6480;
	v22 =	vadd.s32 v4, v23;
	v23 =	vperm.xlane v19, v2  }
0xdf: {  	[tilespmem:s23], [sflag:$0x1] =	stream.indirect_vreg.gather [hbm4b:s3+s2], $0x80, v20, vm0, $0xb8;
	[tilespmem:$0x14100] =	vst v63  }
0xe0: {  	s24 =	simm.s32 $0x6500;
	v20 =	vadd.s32 v4, v23;
	v23 =	vperm.xlane v19, v15  }
0xe1: {  	[tilespmem:s24], [sflag:$0x1] =	stream.indirect_vreg.gather [hbm4b:s3+s2], $0x80, v21, vm0, $0xb8;
	[tilespmem:$0x14100] =	vst v63  }
0xe2: {  	s25 =	simm.s32 $0x6580;
	v21 =	vadd.s32 v4, v23;
	v23 =	vperm.xlane v19, v16  }
0xe3: {  	[tilespmem:s25], [sflag:$0x1] =	stream.indirect_vreg.gather [hbm4b:s3+s2], $0x80, v22, vm0, $0xb8;
	[tilespmem:$0x14100] =	vst v63  }
0xe4: {  	s11 =	simm.s32 $0x6600;
	v19 =	vperm.xlane v19, v17;
	v22 =	vadd.s32 v4, v23  }
0xe5: {  	[tilespmem:s11], [sflag:$0x1] =	stream.indirect_vreg.gather [hbm4b:s3+s2], $0x80, v20, vm0, $0xb8;
	[tilespmem:$0x14100] =	vst v63  }
0xe6: {  	s16 =	simm.s32 $0x6680;
	v19 =	vadd.s32 v4, v19  }
0xe7: {  	[tilespmem:s16], [sflag:$0x1] =	stream.indirect_vreg.gather [hbm4b:s3+s2], $0x80, v21, vm0, $0xb8;
	[tilespmem:$0x14100] =	vst v63  }
0xe8: {  	s17 =	simm.s32 $0x6700  }
0xe9: {  	[tilespmem:s17], [sflag:$0x1] =	stream.indirect_vreg.gather [hbm4b:s3+s2], $0x80, v22, vm0, $0xb8;
	[tilespmem:$0x14100] =	vst v63  }
0xea: {  	s19 =	simm.s32 $0x6780  }
0xeb: {  	[tilespmem:s19], [sflag:$0x1] =	stream.indirect_vreg.gather [hbm4b:s3+s2], $0x80, v19, vm0, $0xb8;
	[tilespmem:$0x14100] =	vst v63  }
0xec: {  	v19 =	vld [tilespmem:$0x50];
	_ =	sdelay $0x4  }
0xed: {  	v20 =	vshll.u32 v19, $0xC  }
0xee: {  	v19 =	vand.u32 $0x7, v19;
	v20 =	vand.u32 $0xFFFF8000, v20  }
0xef: {  	v19 =	vor.u32 v19, v20  }
0xf0: {  	v20 =	vperm.xlane v19, v3;
	_ =	sdelay $0x1  }
0xf1: {  	v21 =	vperm.xlane v19, v5;
	v20 =	vadd.s32 v4, v20;
	_ =	sdelay $0x1  }
0xf2: {  	v22 =	vperm.xlane v19, v6;
	v21 =	vadd.s32 v4, v21;
	_ =	sdelay $0x1  }
0xf3: {  	s22 =	simm.s32 $0x6800;
	v23 =	vperm.xlane v19, v7;
	v22 =	vadd.s32 v4, v22  }
0xf4: {  	[tilespmem:s22], [sflag:$0x1] =	stream.indirect_vreg.gather [hbm4b:s3+s2], $0x80, v20, vm0, $0xb8;
	[tilespmem:$0x14100] =	vst v63  }
0xf5: {  	s23 =	simm.s32 $0x6880;
	v20 =	vadd.s32 v4, v23;
	v23 =	vperm.xlane v19, v8  }
0xf6: {  	[tilespmem:s23], [sflag:$0x1] =	stream.indirect_vreg.gather [hbm4b:s3+s2], $0x80, v21, vm0, $0xb8;
	[tilespmem:$0x14100] =	vst v63  }
0xf7: {  	s24 =	simm.s32 $0x6900;
	v21 =	vadd.s32 v4, v23;
	v23 =	vperm.xlane v19, v9  }
0xf8: {  	[tilespmem:s24], [sflag:$0x1] =	stream.indirect_vreg.gather [hbm4b:s3+s2], $0x80, v22, vm0, $0xb8;
	[tilespmem:$0x14100] =	vst v63  }
0xf9: {  	s25 =	simm.s32 $0x6980;
	v22 =	vadd.s32 v4, v23;
	v23 =	vperm.xlane v19, v10  }
0xfa: {  	[tilespmem:s25], [sflag:$0x1] =	stream.indirect_vreg.gather [hbm4b:s3+s2], $0x80, v20, vm0, $0xb8;
	[tilespmem:$0x14100] =	vst v63  }
0xfb: {  	s11 =	simm.s32 $0x6A00;
	v20 =	vadd.s32 v4, v23;
	v23 =	vperm.xlane v19, v0  }
0xfc: {  	[tilespmem:s11], [sflag:$0x1] =	stream.indirect_vreg.gather [hbm4b:s3+s2], $0x80, v21, vm0, $0xb8;
	[tilespmem:$0x14100] =	vst v63  }
0xfd: {  	s16 =	simm.s32 $0x6A80;
	v21 =	vadd.s32 v4, v23;
	v23 =	vperm.xlane v19, v11  }
0xfe: {  	[tilespmem:s16], [sflag:$0x1] =	stream.indirect_vreg.gather [hbm4b:s3+s2], $0x80, v22, vm0, $0xb8;
	[tilespmem:$0x14100] =	vst v63  }
0xff: {  	s17 =	simm.s32 $0x6B00;
	v22 =	vadd.s32 v4, v23;
	v23 =	vperm.xlane v19, v12  }
0x100: {  	[tilespmem:s17], [sflag:$0x1] =	stream.indirect_vreg.gather [hbm4b:s3+s2], $0x80, v20, vm0, $0xb8;
	[tilespmem:$0x14100] =	vst v63  }
0x101: {  	s19 =	simm.s32 $0x6B80;
	v20 =	vadd.s32 v4, v23;
	v23 =	vperm.xlane v19, v13  }
0x102: {  	[tilespmem:s19], [sflag:$0x1] =	stream.indirect_vreg.gather [hbm4b:s3+s2], $0x80, v21, vm0, $0xb8;
	[tilespmem:$0x14100] =	vst v63  }
0x103: {  	s22 =	simm.s32 $0x6C00;
	v21 =	vadd.s32 v4, v23;
	v23 =	vperm.xlane v19, v14  }
0x104: {  	[tilespmem:s22], [sflag:$0x1] =	stream.indirect_vreg.gather [hbm4b:s3+s2], $0x80, v22, vm0, $0xb8;
	[tilespmem:$0x14100] =	vst v63  }
0x105: {  	s23 =	simm.s32 $0x6C80;
	v22 =	vadd.s32 v4, v23;
	v23 =	vperm.xlane v19, v2  }
0x106: {  	[tilespmem:s23], [sflag:$0x1] =	stream.indirect_vreg.gather [hbm4b:s3+s2], $0x80, v20, vm0, $0xb8;
	[tilespmem:$0x14100] =	vst v63  }
0x107: {  	s24 =	simm.s32 $0x6D00;
	v20 =	vadd.s32 v4, v23;
	v23 =	vperm.xlane v19, v15  }
0x108: {  	[tilespmem:s24], [sflag:$0x1] =	stream.indirect_vreg.gather [hbm4b:s3+s2], $0x80, v21, vm0, $0xb8;
	[tilespmem:$0x14100] =	vst v63  }
0x109: {  	s25 =	simm.s32 $0x6D80;
	v21 =	vadd.s32 v4, v23;
	v23 =	vperm.xlane v19, v16  }
0x10a: {  	[tilespmem:s25], [sflag:$0x1] =	stream.indirect_vreg.gather [hbm4b:s3+s2], $0x80, v22, vm0, $0xb8;
	[tilespmem:$0x14100] =	vst v63  }
0x10b: {  	s11 =	simm.s32 $0x6E00;
	v19 =	vperm.xlane v19, v17;
	v22 =	vadd.s32 v4, v23  }
0x10c: {  	[tilespmem:s11], [sflag:$0x1] =	stream.indirect_vreg.gather [hbm4b:s3+s2], $0x80, v20, vm0, $0xb8;
	[tilespmem:$0x14100] =	vst v63  }
0x10d: {  	s16 =	simm.s32 $0x6E80;
	v19 =	vadd.s32 v4, v19  }
0x10e: {  	[tilespmem:s16], [sflag:$0x1] =	stream.indirect_vreg.gather [hbm4b:s3+s2], $0x80, v21, vm0, $0xb8;
	[tilespmem:$0x14100] =	vst v63  }
0x10f: {  	s17 =	simm.s32 $0x6F00  }
0x110: {  	[tilespmem:s17], [sflag:$0x1] =	stream.indirect_vreg.gather [hbm4b:s3+s2], $0x80, v22, vm0, $0xb8;
	[tilespmem:$0x14100] =	vst v63  }
0x111: {  	s19 =	simm.s32 $0x6F80  }
0x112: {  	[tilespmem:s19], [sflag:$0x1] =	stream.indirect_vreg.gather [hbm4b:s3+s2], $0x80, v19, vm0, $0xb8;
	[tilespmem:$0x14100] =	vst v63  }
0x113: {  	v19 =	vld [tilespmem:$0x60];
	_ =	sdelay $0x4  }
0x114: {  	v20 =	vshll.u32 v19, $0xC  }
0x115: {  	v19 =	vand.u32 $0x7, v19;
	v20 =	vand.u32 $0xFFFF8000, v20  }
0x116: {  	v19 =	vor.u32 v19, v20  }
0x117: {  	v20 =	vperm.xlane v19, v3;
	_ =	sdelay $0x1  }
0x118: {  	v21 =	vperm.xlane v19, v5;
	v20 =	vadd.s32 v4, v20;
	_ =	sdelay $0x1  }
0x119: {  	v22 =	vperm.xlane v19, v6;
	v21 =	vadd.s32 v4, v21;
	_ =	sdelay $0x1  }
0x11a: {  	s22 =	simm.s32 $0x7000;
	v23 =	vperm.xlane v19, v7;
	v22 =	vadd.s32 v4, v22  }
0x11b: {  	[tilespmem:s22], [sflag:$0x1] =	stream.indirect_vreg.gather [hbm4b:s3+s2], $0x80, v20, vm0, $0xb8;
	[tilespmem:$0x14100] =	vst v63  }
0x11c: {  	s23 =	simm.s32 $0x7080;
	v20 =	vadd.s32 v4, v23;
	v23 =	vperm.xlane v19, v8  }
0x11d: {  	[tilespmem:s23], [sflag:$0x1] =	stream.indirect_vreg.gather [hbm4b:s3+s2], $0x80, v21, vm0, $0xb8;
	[tilespmem:$0x14100] =	vst v63  }
0x11e: {  	s24 =	simm.s32 $0x7100;
	v21 =	vadd.s32 v4, v23;
	v23 =	vperm.xlane v19, v9  }
0x11f: {  	[tilespmem:s24], [sflag:$0x1] =	stream.indirect_vreg.gather [hbm4b:s3+s2], $0x80, v22, vm0, $0xb8;
	[tilespmem:$0x14100] =	vst v63  }
0x120: {  	s25 =	simm.s32 $0x7180;
	v22 =	vadd.s32 v4, v23;
	v23 =	vperm.xlane v19, v10  }
0x121: {  	[tilespmem:s25], [sflag:$0x1] =	stream.indirect_vreg.gather [hbm4b:s3+s2], $0x80, v20, vm0, $0xb8;
	[tilespmem:$0x14100] =	vst v63  }
0x122: {  	s11 =	simm.s32 $0x7200;
	v20 =	vadd.s32 v4, v23;
	v23 =	vperm.xlane v19, v0  }
0x123: {  	[tilespmem:s11], [sflag:$0x1] =	stream.indirect_vreg.gather [hbm4b:s3+s2], $0x80, v21, vm0, $0xb8;
	[tilespmem:$0x14100] =	vst v63  }
0x124: {  	s16 =	simm.s32 $0x7280;
	v21 =	vadd.s32 v4, v23;
	v23 =	vperm.xlane v19, v11  }
0x125: {  	[tilespmem:s16], [sflag:$0x1] =	stream.indirect_vreg.gather [hbm4b:s3+s2], $0x80, v22, vm0, $0xb8;
	[tilespmem:$0x14100] =	vst v63  }
0x126: {  	s17 =	simm.s32 $0x7300;
	v22 =	vadd.s32 v4, v23;
	v23 =	vperm.xlane v19, v12  }
0x127: {  	[tilespmem:s17], [sflag:$0x1] =	stream.indirect_vreg.gather [hbm4b:s3+s2], $0x80, v20, vm0, $0xb8;
	[tilespmem:$0x14100] =	vst v63  }
0x128: {  	s19 =	simm.s32 $0x7380;
	v20 =	vadd.s32 v4, v23;
	v23 =	vperm.xlane v19, v13  }
0x129: {  	[tilespmem:s19], [sflag:$0x1] =	stream.indirect_vreg.gather [hbm4b:s3+s2], $0x80, v21, vm0, $0xb8;
	[tilespmem:$0x14100] =	vst v63  }
0x12a: {  	s22 =	simm.s32 $0x7400;
	v21 =	vadd.s32 v4, v23;
	v23 =	vperm.xlane v19, v14  }
0x12b: {  	[tilespmem:s22], [sflag:$0x1] =	stream.indirect_vreg.gather [hbm4b:s3+s2], $0x80, v22, vm0, $0xb8;
	[tilespmem:$0x14100] =	vst v63  }
0x12c: {  	s23 =	simm.s32 $0x7480;
	v22 =	vadd.s32 v4, v23;
	v23 =	vperm.xlane v19, v2  }
0x12d: {  	[tilespmem:s23], [sflag:$0x1] =	stream.indirect_vreg.gather [hbm4b:s3+s2], $0x80, v20, vm0, $0xb8;
	[tilespmem:$0x14100] =	vst v63  }
0x12e: {  	s24 =	simm.s32 $0x7500;
	v20 =	vadd.s32 v4, v23;
	v23 =	vperm.xlane v19, v15  }
0x12f: {  	[tilespmem:s24], [sflag:$0x1] =	stream.indirect_vreg.gather [hbm4b:s3+s2], $0x80, v21, vm0, $0xb8;
	[tilespmem:$0x14100] =	vst v63  }
0x130: {  	s25 =	simm.s32 $0x7580;
	v21 =	vadd.s32 v4, v23;
	v23 =	vperm.xlane v19, v16  }
0x131: {  	[tilespmem:s25], [sflag:$0x1] =	stream.indirect_vreg.gather [hbm4b:s3+s2], $0x80, v22, vm0, $0xb8;
	[tilespmem:$0x14100] =	vst v63  }
0x132: {  	s11 =	simm.s32 $0x7600;
	v19 =	vperm.xlane v19, v17;
	v22 =	vadd.s32 v4, v23  }
0x133: {  	[tilespmem:s11], [sflag:$0x1] =	stream.indirect_vreg.gather [hbm4b:s3+s2], $0x80, v20, vm0, $0xb8;
	[tilespmem:$0x14100] =	vst v63  }
0x134: {  	s16 =	simm.s32 $0x7680;
	v19 =	vadd.s32 v4, v19  }
0x135: {  	[tilespmem:s16], [sflag:$0x1] =	stream.indirect_vreg.gather [hbm4b:s3+s2], $0x80, v21, vm0, $0xb8;
	[tilespmem:$0x14100] =	vst v63  }
0x136: {  	s17 =	simm.s32 $0x7700  }
0x137: {  	[tilespmem:s17], [sflag:$0x1] =	stream.indirect_vreg.gather [hbm4b:s3+s2], $0x80, v22, vm0, $0xb8;
	[tilespmem:$0x14100] =	vst v63  }
0x138: {  	s19 =	simm.s32 $0x7780  }
0x139: {  	[tilespmem:s19], [sflag:$0x1] =	stream.indirect_vreg.gather [hbm4b:s3+s2], $0x80, v19, vm0, $0xb8;
	[tilespmem:$0x14100] =	vst v63  }
0x13a: {  	v19 =	vld [tilespmem:$0x70];
	_ =	sdelay $0x4  }
0x13b: {  	v20 =	vshll.u32 v19, $0xC  }
0x13c: {  	v19 =	vand.u32 $0x7, v19;
	v20 =	vand.u32 $0xFFFF8000, v20  }
0x13d: {  	v19 =	vor.u32 v19, v20  }
0x13e: {  	v20 =	vperm.xlane v19, v3;
	_ =	sdelay $0x1  }
0x13f: {  	v21 =	vperm.xlane v19, v5;
	v20 =	vadd.s32 v4, v20;
	_ =	sdelay $0x1  }
0x140: {  	v22 =	vperm.xlane v19, v6;
	v21 =	vadd.s32 v4, v21;
	_ =	sdelay $0x1  }
0x141: {  	s22 =	simm.s32 $0x7800;
	v23 =	vperm.xlane v19, v7;
	v22 =	vadd.s32 v4, v22  }
0x142: {  	[tilespmem:s22], [sflag:$0x1] =	stream.indirect_vreg.gather [hbm4b:s3+s2], $0x80, v20, vm0, $0xb8;
	[tilespmem:$0x14100] =	vst v63  }
0x143: {  	s23 =	simm.s32 $0x7880;
	v20 =	vadd.s32 v4, v23;
	v23 =	vperm.xlane v19, v8  }
0x144: {  	[tilespmem:s23], [sflag:$0x1] =	stream.indirect_vreg.gather [hbm4b:s3+s2], $0x80, v21, vm0, $0xb8;
	[tilespmem:$0x14100] =	vst v63  }
0x145: {  	s24 =	simm.s32 $0x7900;
	v21 =	vadd.s32 v4, v23;
	v23 =	vperm.xlane v19, v9  }
0x146: {  	[tilespmem:s24], [sflag:$0x1] =	stream.indirect_vreg.gather [hbm4b:s3+s2], $0x80, v22, vm0, $0xb8;
	[tilespmem:$0x14100] =	vst v63  }
0x147: {  	s25 =	simm.s32 $0x7980;
	v22 =	vadd.s32 v4, v23;
	v23 =	vperm.xlane v19, v10  }
0x148: {  	[tilespmem:s25], [sflag:$0x1] =	stream.indirect_vreg.gather [hbm4b:s3+s2], $0x80, v20, vm0, $0xb8;
	[tilespmem:$0x14100] =	vst v63  }
0x149: {  	s11 =	simm.s32 $0x7A00;
	v20 =	vadd.s32 v4, v23;
	v23 =	vperm.xlane v19, v0  }
0x14a: {  	[tilespmem:s11], [sflag:$0x1] =	stream.indirect_vreg.gather [hbm4b:s3+s2], $0x80, v21, vm0, $0xb8;
	[tilespmem:$0x14100] =	vst v63  }
0x14b: {  	s16 =	simm.s32 $0x7A80;
	v21 =	vadd.s32 v4, v23;
	v23 =	vperm.xlane v19, v11  }
0x14c: {  	[tilespmem:s16], [sflag:$0x1] =	stream.indirect_vreg.gather [hbm4b:s3+s2], $0x80, v22, vm0, $0xb8;
	[tilespmem:$0x14100] =	vst v63  }
0x14d: {  	s17 =	simm.s32 $0x7B00;
	v22 =	vadd.s32 v4, v23;
	v23 =	vperm.xlane v19, v12  }
0x14e: {  	[tilespmem:s17], [sflag:$0x1] =	stream.indirect_vreg.gather [hbm4b:s3+s2], $0x80, v20, vm0, $0xb8;
	[tilespmem:$0x14100] =	vst v63  }
0x14f: {  	s19 =	simm.s32 $0x7B80;
	v20 =	vadd.s32 v4, v23;
	v23 =	vperm.xlane v19, v13  }
0x150: {  	[tilespmem:s19], [sflag:$0x1] =	stream.indirect_vreg.gather [hbm4b:s3+s2], $0x80, v21, vm0, $0xb8;
	[tilespmem:$0x14100] =	vst v63  }
0x151: {  	s22 =	simm.s32 $0x7C00;
	v21 =	vadd.s32 v4, v23;
	v23 =	vperm.xlane v19, v14  }
0x152: {  	[tilespmem:s22], [sflag:$0x1] =	stream.indirect_vreg.gather [hbm4b:s3+s2], $0x80, v22, vm0, $0xb8;
	[tilespmem:$0x14100] =	vst v63  }
0x153: {  	s23 =	simm.s32 $0x7C80;
	v22 =	vadd.s32 v4, v23;
	v23 =	vperm.xlane v19, v2  }
0x154: {  	[tilespmem:s23], [sflag:$0x1] =	stream.indirect_vreg.gather [hbm4b:s3+s2], $0x80, v20, vm0, $0xb8;
	[tilespmem:$0x14100] =	vst v63  }
0x155: {  	s24 =	simm.s32 $0x7D00;
	v20 =	vadd.s32 v4, v23;
	v23 =	vperm.xlane v19, v15  }
0x156: {  	[tilespmem:s24], [sflag:$0x1] =	stream.indirect_vreg.gather [hbm4b:s3+s2], $0x80, v21, vm0, $0xb8;
	[tilespmem:$0x14100] =	vst v63  }
0x157: {  	s25 =	simm.s32 $0x7D80;
	v21 =	vadd.s32 v4, v23;
	v23 =	vperm.xlane v19, v16  }
0x158: {  	[tilespmem:s25], [sflag:$0x1] =	stream.indirect_vreg.gather [hbm4b:s3+s2], $0x80, v22, vm0, $0xb8;
	[tilespmem:$0x14100] =	vst v63  }
0x159: {  	s11 =	simm.s32 $0x7E00;
	v19 =	vperm.xlane v19, v17;
	v22 =	vadd.s32 v4, v23  }
0x15a: {  	[tilespmem:s11], [sflag:$0x1] =	stream.indirect_vreg.gather [hbm4b:s3+s2], $0x80, v20, vm0, $0xb8;
	[tilespmem:$0x14100] =	vst v63  }
0x15b: {  	s16 =	simm.s32 $0x7E80;
	v19 =	vadd.s32 v4, v19  }
0x15c: {  	[tilespmem:s16], [sflag:$0x1] =	stream.indirect_vreg.gather [hbm4b:s3+s2], $0x80, v21, vm0, $0xb8;
	[tilespmem:$0x14100] =	vst v63  }
0x15d: {  	s17 =	simm.s32 $0x7F00  }
0x15e: {  	[tilespmem:s17], [sflag:$0x1] =	stream.indirect_vreg.gather [hbm4b:s3+s2], $0x80, v22, vm0, $0xb8;
	[tilespmem:$0x14100] =	vst v63  }
0x15f: {  	s19 =	simm.s32 $0x7F80  }
0x160: {  	[tilespmem:s19], [sflag:$0x1] =	stream.indirect_vreg.gather [hbm4b:s3+s2], $0x80, v19, vm0, $0xb8;
	[tilespmem:$0x14100] =	vst v63  }
0x161: {  	v19 =	vld [tilespmem:$0x80];
	_ =	sdelay $0x4  }
0x162: {  	v20 =	vshll.u32 v19, $0xC  }
0x163: {  	v19 =	vand.u32 $0x7, v19;
	v20 =	vand.u32 $0xFFFF8000, v20  }
0x164: {  	v19 =	vor.u32 v19, v20  }
0x165: {  	v20 =	vperm.xlane v19, v3;
	_ =	sdelay $0x1  }
0x166: {  	v21 =	vperm.xlane v19, v5;
	v20 =	vadd.s32 v4, v20;
	_ =	sdelay $0x1  }
0x167: {  	v22 =	vperm.xlane v19, v6;
	v21 =	vadd.s32 v4, v21;
	_ =	sdelay $0x1  }
0x168: {  	v23 =	vperm.xlane v19, v7;
	v22 =	vadd.s32 v4, v22  }
0x169: {  	[tilespmem:s15], [sflag:$0x2] =	stream.indirect_vreg.gather [hbm4b:s5+s2], $0x80, v20, vm0, $0xb8;
	[tilespmem:$0x14100] =	vst v63  }
0x16a: {  	s22 =	simm.s32 $0x8080;
	v20 =	vadd.s32 v4, v23;
	v23 =	vperm.xlane v19, v8  }
0x16b: {  	[tilespmem:s22], [sflag:$0x2] =	stream.indirect_vreg.gather [hbm4b:s5+s2], $0x80, v21, vm0, $0xb8;
	[tilespmem:$0x14100] =	vst v63  }
0x16c: {  	s23 =	simm.s32 $0x8100;
	v21 =	vadd.s32 v4, v23;
	v23 =	vperm.xlane v19, v9  }
0x16d: {  	[tilespmem:s23], [sflag:$0x2] =	stream.indirect_vreg.gather [hbm4b:s5+s2], $0x80, v22, vm0, $0xb8;
	[tilespmem:$0x14100] =	vst v63  }
0x16e: {  	s24 =	simm.s32 $0x8180;
	v22 =	vadd.s32 v4, v23;
	v23 =	vperm.xlane v19, v10  }
0x16f: {  	[tilespmem:s24], [sflag:$0x2] =	stream.indirect_vreg.gather [hbm4b:s5+s2], $0x80, v20, vm0, $0xb8;
	[tilespmem:$0x14100] =	vst v63  }
0x170: {  	s25 =	simm.s32 $0x8200;
	v20 =	vadd.s32 v4, v23;
	v23 =	vperm.xlane v19, v0  }
0x171: {  	[tilespmem:s25], [sflag:$0x2] =	stream.indirect_vreg.gather [hbm4b:s5+s2], $0x80, v21, vm0, $0xb8;
	[tilespmem:$0x14100] =	vst v63  }
0x172: {  	s11 =	simm.s32 $0x8280;
	v21 =	vadd.s32 v4, v23;
	v23 =	vperm.xlane v19, v11  }
0x173: {  	[tilespmem:s11], [sflag:$0x2] =	stream.indirect_vreg.gather [hbm4b:s5+s2], $0x80, v22, vm0, $0xb8;
	[tilespmem:$0x14100] =	vst v63  }
0x174: {  	s16 =	simm.s32 $0x8300;
	v22 =	vadd.s32 v4, v23;
	v23 =	vperm.xlane v19, v12  }
0x175: {  	[tilespmem:s16], [sflag:$0x2] =	stream.indirect_vreg.gather [hbm4b:s5+s2], $0x80, v20, vm0, $0xb8;
	[tilespmem:$0x14100] =	vst v63  }
0x176: {  	s17 =	simm.s32 $0x8380;
	v20 =	vadd.s32 v4, v23;
	v23 =	vperm.xlane v19, v13  }
0x177: {  	[tilespmem:s17], [sflag:$0x2] =	stream.indirect_vreg.gather [hbm4b:s5+s2], $0x80, v21, vm0, $0xb8;
	[tilespmem:$0x14100] =	vst v63  }
0x178: {  	s19 =	simm.s32 $0x8400;
	v21 =	vadd.s32 v4, v23;
	v23 =	vperm.xlane v19, v14  }
0x179: {  	[tilespmem:s19], [sflag:$0x2] =	stream.indirect_vreg.gather [hbm4b:s5+s2], $0x80, v22, vm0, $0xb8;
	[tilespmem:$0x14100] =	vst v63  }
0x17a: {  	s22 =	simm.s32 $0x8480;
	v22 =	vadd.s32 v4, v23;
	v23 =	vperm.xlane v19, v2  }
0x17b: {  	[tilespmem:s22], [sflag:$0x2] =	stream.indirect_vreg.gather [hbm4b:s5+s2], $0x80, v20, vm0, $0xb8;
	[tilespmem:$0x14100] =	vst v63  }
0x17c: {  	s23 =	simm.s32 $0x8500;
	v20 =	vadd.s32 v4, v23;
	v23 =	vperm.xlane v19, v15  }
0x17d: {  	[tilespmem:s23], [sflag:$0x2] =	stream.indirect_vreg.gather [hbm4b:s5+s2], $0x80, v21, vm0, $0xb8;
	[tilespmem:$0x14100] =	vst v63  }
0x17e: {  	s24 =	simm.s32 $0x8580;
	v21 =	vadd.s32 v4, v23;
	v23 =	vperm.xlane v19, v16  }
0x17f: {  	[tilespmem:s24], [sflag:$0x2] =	stream.indirect_vreg.gather [hbm4b:s5+s2], $0x80, v22, vm0, $0xb8;
	[tilespmem:$0x14100] =	vst v63  }
0x180: {  	s25 =	simm.s32 $0x8600;
	v19 =	vperm.xlane v19, v17;
	v22 =	vadd.s32 v4, v23  }
0x181: {  	[tilespmem:s25], [sflag:$0x2] =	stream.indirect_vreg.gather [hbm4b:s5+s2], $0x80, v20, vm0, $0xb8;
	[tilespmem:$0x14100] =	vst v63  }
0x182: {  	s11 =	simm.s32 $0x8680;
	v19 =	vadd.s32 v4, v19  }
0x183: {  	[tilespmem:s11], [sflag:$0x2] =	stream.indirect_vreg.gather [hbm4b:s5+s2], $0x80, v21, vm0, $0xb8;
	[tilespmem:$0x14100] =	vst v63  }
0x184: {  	s16 =	simm.s32 $0x8700  }
0x185: {  	[tilespmem:s16], [sflag:$0x2] =	stream.indirect_vreg.gather [hbm4b:s5+s2], $0x80, v22, vm0, $0xb8;
	[tilespmem:$0x14100] =	vst v63  }
0x186: {  	s17 =	simm.s32 $0x8780  }
0x187: {  	[tilespmem:s17], [sflag:$0x2] =	stream.indirect_vreg.gather [hbm4b:s5+s2], $0x80, v19, vm0, $0xb8;
	[tilespmem:$0x14100] =	vst v63  }
0x188: {  	v19 =	vld [tilespmem:$0x90];
	_ =	sdelay $0x4  }
0x189: {  	v20 =	vshll.u32 v19, $0xC  }
0x18a: {  	v19 =	vand.u32 $0x7, v19;
	v20 =	vand.u32 $0xFFFF8000, v20  }
0x18b: {  	v19 =	vor.u32 v19, v20  }
0x18c: {  	v20 =	vperm.xlane v19, v3;
	_ =	sdelay $0x1  }
0x18d: {  	v21 =	vperm.xlane v19, v5;
	v20 =	vadd.s32 v4, v20;
	_ =	sdelay $0x1  }
0x18e: {  	v22 =	vperm.xlane v19, v6;
	v21 =	vadd.s32 v4, v21;
	_ =	sdelay $0x1  }
0x18f: {  	s19 =	simm.s32 $0x8800;
	v23 =	vperm.xlane v19, v7;
	v22 =	vadd.s32 v4, v22  }
0x190: {  	[tilespmem:s19], [sflag:$0x2] =	stream.indirect_vreg.gather [hbm4b:s5+s2], $0x80, v20, vm0, $0xb8;
	[tilespmem:$0x14100] =	vst v63  }
0x191: {  	s22 =	simm.s32 $0x8880;
	v20 =	vadd.s32 v4, v23;
	v23 =	vperm.xlane v19, v8  }
0x192: {  	[tilespmem:s22], [sflag:$0x2] =	stream.indirect_vreg.gather [hbm4b:s5+s2], $0x80, v21, vm0, $0xb8;
	[tilespmem:$0x14100] =	vst v63  }
0x193: {  	s23 =	simm.s32 $0x8900;
	v21 =	vadd.s32 v4, v23;
	v23 =	vperm.xlane v19, v9  }
0x194: {  	[tilespmem:s23], [sflag:$0x2] =	stream.indirect_vreg.gather [hbm4b:s5+s2], $0x80, v22, vm0, $0xb8;
	[tilespmem:$0x14100] =	vst v63  }
0x195: {  	s24 =	simm.s32 $0x8980;
	v22 =	vadd.s32 v4, v23;
	v23 =	vperm.xlane v19, v10  }
0x196: {  	[tilespmem:s24], [sflag:$0x2] =	stream.indirect_vreg.gather [hbm4b:s5+s2], $0x80, v20, vm0, $0xb8;
	[tilespmem:$0x14100] =	vst v63  }
0x197: {  	s25 =	simm.s32 $0x8A00;
	v20 =	vadd.s32 v4, v23;
	v23 =	vperm.xlane v19, v0  }
0x198: {  	[tilespmem:s25], [sflag:$0x2] =	stream.indirect_vreg.gather [hbm4b:s5+s2], $0x80, v21, vm0, $0xb8;
	[tilespmem:$0x14100] =	vst v63  }
0x199: {  	s11 =	simm.s32 $0x8A80;
	v21 =	vadd.s32 v4, v23;
	v23 =	vperm.xlane v19, v11  }
0x19a: {  	[tilespmem:s11], [sflag:$0x2] =	stream.indirect_vreg.gather [hbm4b:s5+s2], $0x80, v22, vm0, $0xb8;
	[tilespmem:$0x14100] =	vst v63  }
0x19b: {  	s16 =	simm.s32 $0x8B00;
	v22 =	vadd.s32 v4, v23;
	v23 =	vperm.xlane v19, v12  }
0x19c: {  	[tilespmem:s16], [sflag:$0x2] =	stream.indirect_vreg.gather [hbm4b:s5+s2], $0x80, v20, vm0, $0xb8;
	[tilespmem:$0x14100] =	vst v63  }
0x19d: {  	s17 =	simm.s32 $0x8B80;
	v20 =	vadd.s32 v4, v23;
	v23 =	vperm.xlane v19, v13  }
0x19e: {  	[tilespmem:s17], [sflag:$0x2] =	stream.indirect_vreg.gather [hbm4b:s5+s2], $0x80, v21, vm0, $0xb8;
	[tilespmem:$0x14100] =	vst v63  }
0x19f: {  	s19 =	simm.s32 $0x8C00;
	v21 =	vadd.s32 v4, v23;
	v23 =	vperm.xlane v19, v14  }
0x1a0: {  	[tilespmem:s19], [sflag:$0x2] =	stream.indirect_vreg.gather [hbm4b:s5+s2], $0x80, v22, vm0, $0xb8;
	[tilespmem:$0x14100] =	vst v63  }
0x1a1: {  	s22 =	simm.s32 $0x8C80;
	v22 =	vadd.s32 v4, v23;
	v23 =	vperm.xlane v19, v2  }
0x1a2: {  	[tilespmem:s22], [sflag:$0x2] =	stream.indirect_vreg.gather [hbm4b:s5+s2], $0x80, v20, vm0, $0xb8;
	[tilespmem:$0x14100] =	vst v63  }
0x1a3: {  	s23 =	simm.s32 $0x8D00;
	v20 =	vadd.s32 v4, v23;
	v23 =	vperm.xlane v19, v15  }
0x1a4: {  	[tilespmem:s23], [sflag:$0x2] =	stream.indirect_vreg.gather [hbm4b:s5+s2], $0x80, v21, vm0, $0xb8;
	[tilespmem:$0x14100] =	vst v63  }
0x1a5: {  	s24 =	simm.s32 $0x8D80;
	v21 =	vadd.s32 v4, v23;
	v23 =	vperm.xlane v19, v16  }
0x1a6: {  	[tilespmem:s24], [sflag:$0x2] =	stream.indirect_vreg.gather [hbm4b:s5+s2], $0x80, v22, vm0, $0xb8;
	[tilespmem:$0x14100] =	vst v63  }
0x1a7: {  	s25 =	simm.s32 $0x8E00;
	v19 =	vperm.xlane v19, v17;
	v22 =	vadd.s32 v4, v23  }
0x1a8: {  	[tilespmem:s25], [sflag:$0x2] =	stream.indirect_vreg.gather [hbm4b:s5+s2], $0x80, v20, vm0, $0xb8;
	[tilespmem:$0x14100] =	vst v63  }
0x1a9: {  	s11 =	simm.s32 $0x8E80;
	v19 =	vadd.s32 v4, v19  }
0x1aa: {  	[tilespmem:s11], [sflag:$0x2] =	stream.indirect_vreg.gather [hbm4b:s5+s2], $0x80, v21, vm0, $0xb8;
	[tilespmem:$0x14100] =	vst v63  }
0x1ab: {  	s16 =	simm.s32 $0x8F00  }
0x1ac: {  	[tilespmem:s16], [sflag:$0x2] =	stream.indirect_vreg.gather [hbm4b:s5+s2], $0x80, v22, vm0, $0xb8;
	[tilespmem:$0x14100] =	vst v63  }
0x1ad: {  	s17 =	simm.s32 $0x8F80  }
0x1ae: {  	[tilespmem:s17], [sflag:$0x2] =	stream.indirect_vreg.gather [hbm4b:s5+s2], $0x80, v19, vm0, $0xb8;
	[tilespmem:$0x14100] =	vst v63  }
0x1af: {  	v19 =	vld [tilespmem:$0xA0];
	_ =	sdelay $0x4  }
0x1b0: {  	v20 =	vshll.u32 v19, $0xC  }
0x1b1: {  	v19 =	vand.u32 $0x7, v19;
	v20 =	vand.u32 $0xFFFF8000, v20  }
0x1b2: {  	v19 =	vor.u32 v19, v20  }
0x1b3: {  	v20 =	vperm.xlane v19, v3;
	_ =	sdelay $0x1  }
0x1b4: {  	v21 =	vperm.xlane v19, v5;
	v20 =	vadd.s32 v4, v20;
	_ =	sdelay $0x1  }
0x1b5: {  	v22 =	vperm.xlane v19, v6;
	v21 =	vadd.s32 v4, v21;
	_ =	sdelay $0x1  }
0x1b6: {  	s19 =	simm.s32 $0x9000;
	v23 =	vperm.xlane v19, v7;
	v22 =	vadd.s32 v4, v22  }
0x1b7: {  	[tilespmem:s19], [sflag:$0x2] =	stream.indirect_vreg.gather [hbm4b:s5+s2], $0x80, v20, vm0, $0xb8;
	[tilespmem:$0x14100] =	vst v63  }
0x1b8: {  	s22 =	simm.s32 $0x9080;
	v20 =	vadd.s32 v4, v23;
	v23 =	vperm.xlane v19, v8  }
0x1b9: {  	[tilespmem:s22], [sflag:$0x2] =	stream.indirect_vreg.gather [hbm4b:s5+s2], $0x80, v21, vm0, $0xb8;
	[tilespmem:$0x14100] =	vst v63  }
0x1ba: {  	s23 =	simm.s32 $0x9100;
	v21 =	vadd.s32 v4, v23;
	v23 =	vperm.xlane v19, v9  }
0x1bb: {  	[tilespmem:s23], [sflag:$0x2] =	stream.indirect_vreg.gather [hbm4b:s5+s2], $0x80, v22, vm0, $0xb8;
	[tilespmem:$0x14100] =	vst v63  }
0x1bc: {  	s24 =	simm.s32 $0x9180;
	v22 =	vadd.s32 v4, v23;
	v23 =	vperm.xlane v19, v10  }
0x1bd: {  	[tilespmem:s24], [sflag:$0x2] =	stream.indirect_vreg.gather [hbm4b:s5+s2], $0x80, v20, vm0, $0xb8;
	[tilespmem:$0x14100] =	vst v63  }
0x1be: {  	s25 =	simm.s32 $0x9200;
	v20 =	vadd.s32 v4, v23;
	v23 =	vperm.xlane v19, v0  }
0x1bf: {  	[tilespmem:s25], [sflag:$0x2] =	stream.indirect_vreg.gather [hbm4b:s5+s2], $0x80, v21, vm0, $0xb8;
	[tilespmem:$0x14100] =	vst v63  }
0x1c0: {  	s11 =	simm.s32 $0x9280;
	v21 =	vadd.s32 v4, v23;
	v23 =	vperm.xlane v19, v11  }
0x1c1: {  	[tilespmem:s11], [sflag:$0x2] =	stream.indirect_vreg.gather [hbm4b:s5+s2], $0x80, v22, vm0, $0xb8;
	[tilespmem:$0x14100] =	vst v63  }
0x1c2: {  	s16 =	simm.s32 $0x9300;
	v22 =	vadd.s32 v4, v23;
	v23 =	vperm.xlane v19, v12  }
0x1c3: {  	[tilespmem:s16], [sflag:$0x2] =	stream.indirect_vreg.gather [hbm4b:s5+s2], $0x80, v20, vm0, $0xb8;
	[tilespmem:$0x14100] =	vst v63  }
0x1c4: {  	s17 =	simm.s32 $0x9380;
	v20 =	vadd.s32 v4, v23;
	v23 =	vperm.xlane v19, v13  }
0x1c5: {  	[tilespmem:s17], [sflag:$0x2] =	stream.indirect_vreg.gather [hbm4b:s5+s2], $0x80, v21, vm0, $0xb8;
	[tilespmem:$0x14100] =	vst v63  }
0x1c6: {  	s19 =	simm.s32 $0x9400;
	v21 =	vadd.s32 v4, v23;
	v23 =	vperm.xlane v19, v14  }
0x1c7: {  	[tilespmem:s19], [sflag:$0x2] =	stream.indirect_vreg.gather [hbm4b:s5+s2], $0x80, v22, vm0, $0xb8;
	[tilespmem:$0x14100] =	vst v63  }
0x1c8: {  	s22 =	simm.s32 $0x9480;
	v22 =	vadd.s32 v4, v23;
	v23 =	vperm.xlane v19, v2  }
0x1c9: {  	[tilespmem:s22], [sflag:$0x2] =	stream.indirect_vreg.gather [hbm4b:s5+s2], $0x80, v20, vm0, $0xb8;
	[tilespmem:$0x14100] =	vst v63  }
0x1ca: {  	s23 =	simm.s32 $0x9500;
	v20 =	vadd.s32 v4, v23;
	v23 =	vperm.xlane v19, v15  }
0x1cb: {  	[tilespmem:s23], [sflag:$0x2] =	stream.indirect_vreg.gather [hbm4b:s5+s2], $0x80, v21, vm0, $0xb8;
	[tilespmem:$0x14100] =	vst v63  }
0x1cc: {  	s24 =	simm.s32 $0x9580;
	v21 =	vadd.s32 v4, v23;
	v23 =	vperm.xlane v19, v16  }
0x1cd: {  	[tilespmem:s24], [sflag:$0x2] =	stream.indirect_vreg.gather [hbm4b:s5+s2], $0x80, v22, vm0, $0xb8;
	[tilespmem:$0x14100] =	vst v63  }
0x1ce: {  	s25 =	simm.s32 $0x9600;
	v19 =	vperm.xlane v19, v17;
	v22 =	vadd.s32 v4, v23  }
0x1cf: {  	[tilespmem:s25], [sflag:$0x2] =	stream.indirect_vreg.gather [hbm4b:s5+s2], $0x80, v20, vm0, $0xb8;
	[tilespmem:$0x14100] =	vst v63  }
0x1d0: {  	s11 =	simm.s32 $0x9680;
	v19 =	vadd.s32 v4, v19  }
0x1d1: {  	[tilespmem:s11], [sflag:$0x2] =	stream.indirect_vreg.gather [hbm4b:s5+s2], $0x80, v21, vm0, $0xb8;
	[tilespmem:$0x14100] =	vst v63  }
0x1d2: {  	s16 =	simm.s32 $0x9700  }
0x1d3: {  	[tilespmem:s16], [sflag:$0x2] =	stream.indirect_vreg.gather [hbm4b:s5+s2], $0x80, v22, vm0, $0xb8;
	[tilespmem:$0x14100] =	vst v63  }
0x1d4: {  	s17 =	simm.s32 $0x9780  }
0x1d5: {  	[tilespmem:s17], [sflag:$0x2] =	stream.indirect_vreg.gather [hbm4b:s5+s2], $0x80, v19, vm0, $0xb8;
	[tilespmem:$0x14100] =	vst v63  }
0x1d6: {  	v19 =	vld [tilespmem:$0xB0];
	_ =	sdelay $0x4  }
0x1d7: {  	v20 =	vshll.u32 v19, $0xC  }
0x1d8: {  	v19 =	vand.u32 $0x7, v19;
	v20 =	vand.u32 $0xFFFF8000, v20  }
0x1d9: {  	v19 =	vor.u32 v19, v20  }
0x1da: {  	v20 =	vperm.xlane v19, v3;
	_ =	sdelay $0x1  }
0x1db: {  	v21 =	vperm.xlane v19, v5;
	v20 =	vadd.s32 v4, v20;
	_ =	sdelay $0x1  }
0x1dc: {  	v22 =	vperm.xlane v19, v6;
	v21 =	vadd.s32 v4, v21;
	_ =	sdelay $0x1  }
0x1dd: {  	s19 =	simm.s32 $0x9800;
	v23 =	vperm.xlane v19, v7;
	v22 =	vadd.s32 v4, v22  }
0x1de: {  	[tilespmem:s19], [sflag:$0x2] =	stream.indirect_vreg.gather [hbm4b:s5+s2], $0x80, v20, vm0, $0xb8;
	[tilespmem:$0x14100] =	vst v63  }
0x1df: {  	s22 =	simm.s32 $0x9880;
	v20 =	vadd.s32 v4, v23;
	v23 =	vperm.xlane v19, v8  }
0x1e0: {  	[tilespmem:s22], [sflag:$0x2] =	stream.indirect_vreg.gather [hbm4b:s5+s2], $0x80, v21, vm0, $0xb8;
	[tilespmem:$0x14100] =	vst v63  }
0x1e1: {  	s23 =	simm.s32 $0x9900;
	v21 =	vadd.s32 v4, v23;
	v23 =	vperm.xlane v19, v9  }
0x1e2: {  	[tilespmem:s23], [sflag:$0x2] =	stream.indirect_vreg.gather [hbm4b:s5+s2], $0x80, v22, vm0, $0xb8;
	[tilespmem:$0x14100] =	vst v63  }
0x1e3: {  	s24 =	simm.s32 $0x9980;
	v22 =	vadd.s32 v4, v23;
	v23 =	vperm.xlane v19, v10  }
0x1e4: {  	[tilespmem:s24], [sflag:$0x2] =	stream.indirect_vreg.gather [hbm4b:s5+s2], $0x80, v20, vm0, $0xb8;
	[tilespmem:$0x14100] =	vst v63  }
0x1e5: {  	s25 =	simm.s32 $0x9A00;
	v20 =	vadd.s32 v4, v23;
	v23 =	vperm.xlane v19, v0  }
0x1e6: {  	[tilespmem:s25], [sflag:$0x2] =	stream.indirect_vreg.gather [hbm4b:s5+s2], $0x80, v21, vm0, $0xb8;
	[tilespmem:$0x14100] =	vst v63  }
0x1e7: {  	s11 =	simm.s32 $0x9A80;
	v21 =	vadd.s32 v4, v23;
	v23 =	vperm.xlane v19, v11  }
0x1e8: {  	[tilespmem:s11], [sflag:$0x2] =	stream.indirect_vreg.gather [hbm4b:s5+s2], $0x80, v22, vm0, $0xb8;
	[tilespmem:$0x14100] =	vst v63  }
0x1e9: {  	s16 =	simm.s32 $0x9B00;
	v22 =	vadd.s32 v4, v23;
	v23 =	vperm.xlane v19, v12  }
0x1ea: {  	[tilespmem:s16], [sflag:$0x2] =	stream.indirect_vreg.gather [hbm4b:s5+s2], $0x80, v20, vm0, $0xb8;
	[tilespmem:$0x14100] =	vst v63  }
0x1eb: {  	s17 =	simm.s32 $0x9B80;
	v20 =	vadd.s32 v4, v23;
	v23 =	vperm.xlane v19, v13  }
0x1ec: {  	[tilespmem:s17], [sflag:$0x2] =	stream.indirect_vreg.gather [hbm4b:s5+s2], $0x80, v21, vm0, $0xb8;
	[tilespmem:$0x14100] =	vst v63  }
0x1ed: {  	s19 =	simm.s32 $0x9C00;
	v21 =	vadd.s32 v4, v23;
	v23 =	vperm.xlane v19, v14  }
0x1ee: {  	[tilespmem:s19], [sflag:$0x2] =	stream.indirect_vreg.gather [hbm4b:s5+s2], $0x80, v22, vm0, $0xb8;
	[tilespmem:$0x14100] =	vst v63  }
0x1ef: {  	s22 =	simm.s32 $0x9C80;
	v22 =	vadd.s32 v4, v23;
	v23 =	vperm.xlane v19, v2  }
0x1f0: {  	[tilespmem:s22], [sflag:$0x2] =	stream.indirect_vreg.gather [hbm4b:s5+s2], $0x80, v20, vm0, $0xb8;
	[tilespmem:$0x14100] =	vst v63  }
0x1f1: {  	s23 =	simm.s32 $0x9D00;
	v20 =	vadd.s32 v4, v23;
	v23 =	vperm.xlane v19, v15  }
0x1f2: {  	[tilespmem:s23], [sflag:$0x2] =	stream.indirect_vreg.gather [hbm4b:s5+s2], $0x80, v21, vm0, $0xb8;
	[tilespmem:$0x14100] =	vst v63  }
0x1f3: {  	s24 =	simm.s32 $0x9D80;
	v21 =	vadd.s32 v4, v23;
	v23 =	vperm.xlane v19, v16  }
0x1f4: {  	[tilespmem:s24], [sflag:$0x2] =	stream.indirect_vreg.gather [hbm4b:s5+s2], $0x80, v22, vm0, $0xb8;
	[tilespmem:$0x14100] =	vst v63  }
0x1f5: {  	s25 =	simm.s32 $0x9E00;
	v19 =	vperm.xlane v19, v17;
	v22 =	vadd.s32 v4, v23  }
0x1f6: {  	[tilespmem:s25], [sflag:$0x2] =	stream.indirect_vreg.gather [hbm4b:s5+s2], $0x80, v20, vm0, $0xb8;
	[tilespmem:$0x14100] =	vst v63  }
0x1f7: {  	s11 =	simm.s32 $0x9E80;
	v19 =	vadd.s32 v4, v19  }
0x1f8: {  	[tilespmem:s11], [sflag:$0x2] =	stream.indirect_vreg.gather [hbm4b:s5+s2], $0x80, v21, vm0, $0xb8;
	[tilespmem:$0x14100] =	vst v63  }
0x1f9: {  	s16 =	simm.s32 $0x9F00  }
0x1fa: {  	[tilespmem:s16], [sflag:$0x2] =	stream.indirect_vreg.gather [hbm4b:s5+s2], $0x80, v22, vm0, $0xb8;
	[tilespmem:$0x14100] =	vst v63  }
0x1fb: {  	s17 =	simm.s32 $0x9F80  }
0x1fc: {  	[tilespmem:s17], [sflag:$0x2] =	stream.indirect_vreg.gather [hbm4b:s5+s2], $0x80, v19, vm0, $0xb8;
	[tilespmem:$0x14100] =	vst v63  }
0x1fd: {  	v19 =	vld [tilespmem:$0xC0];
	_ =	sdelay $0x4  }
0x1fe: {  	v20 =	vshll.u32 v19, $0xC  }
0x1ff: {  	v19 =	vand.u32 $0x7, v19;
	v20 =	vand.u32 $0xFFFF8000, v20  }
0x200: {  	v19 =	vor.u32 v19, v20  }
0x201: {  	v20 =	vperm.xlane v19, v3;
	_ =	sdelay $0x1  }
0x202: {  	v21 =	vperm.xlane v19, v5;
	v20 =	vadd.s32 v4, v20;
	_ =	sdelay $0x1  }
0x203: {  	v22 =	vperm.xlane v19, v6;
	v21 =	vadd.s32 v4, v21;
	_ =	sdelay $0x1  }
0x204: {  	s19 =	simm.s32 $0xA000;
	v23 =	vperm.xlane v19, v7;
	v22 =	vadd.s32 v4, v22  }
0x205: {  	[tilespmem:s19], [sflag:$0x2] =	stream.indirect_vreg.gather [hbm4b:s5+s2], $0x80, v20, vm0, $0xb8;
	[tilespmem:$0x14100] =	vst v63  }
0x206: {  	s22 =	simm.s32 $0xA080;
	v20 =	vadd.s32 v4, v23;
	v23 =	vperm.xlane v19, v8  }
0x207: {  	[tilespmem:s22], [sflag:$0x2] =	stream.indirect_vreg.gather [hbm4b:s5+s2], $0x80, v21, vm0, $0xb8;
	[tilespmem:$0x14100] =	vst v63  }
0x208: {  	s23 =	simm.s32 $0xA100;
	v21 =	vadd.s32 v4, v23;
	v23 =	vperm.xlane v19, v9  }
0x209: {  	[tilespmem:s23], [sflag:$0x2] =	stream.indirect_vreg.gather [hbm4b:s5+s2], $0x80, v22, vm0, $0xb8;
	[tilespmem:$0x14100] =	vst v63  }
0x20a: {  	s24 =	simm.s32 $0xA180;
	v22 =	vadd.s32 v4, v23;
	v23 =	vperm.xlane v19, v10  }
0x20b: {  	[tilespmem:s24], [sflag:$0x2] =	stream.indirect_vreg.gather [hbm4b:s5+s2], $0x80, v20, vm0, $0xb8;
	[tilespmem:$0x14100] =	vst v63  }
0x20c: {  	s25 =	simm.s32 $0xA200;
	v20 =	vadd.s32 v4, v23;
	v23 =	vperm.xlane v19, v0  }
0x20d: {  	[tilespmem:s25], [sflag:$0x2] =	stream.indirect_vreg.gather [hbm4b:s5+s2], $0x80, v21, vm0, $0xb8;
	[tilespmem:$0x14100] =	vst v63  }
0x20e: {  	s11 =	simm.s32 $0xA280;
	v21 =	vadd.s32 v4, v23;
	v23 =	vperm.xlane v19, v11  }
0x20f: {  	[tilespmem:s11], [sflag:$0x2] =	stream.indirect_vreg.gather [hbm4b:s5+s2], $0x80, v22, vm0, $0xb8;
	[tilespmem:$0x14100] =	vst v63  }
0x210: {  	s16 =	simm.s32 $0xA300;
	v22 =	vadd.s32 v4, v23;
	v23 =	vperm.xlane v19, v12  }
0x211: {  	[tilespmem:s16], [sflag:$0x2] =	stream.indirect_vreg.gather [hbm4b:s5+s2], $0x80, v20, vm0, $0xb8;
	[tilespmem:$0x14100] =	vst v63  }
0x212: {  	s17 =	simm.s32 $0xA380;
	v20 =	vadd.s32 v4, v23;
	v23 =	vperm.xlane v19, v13  }
0x213: {  	[tilespmem:s17], [sflag:$0x2] =	stream.indirect_vreg.gather [hbm4b:s5+s2], $0x80, v21, vm0, $0xb8;
	[tilespmem:$0x14100] =	vst v63  }
0x214: {  	s19 =	simm.s32 $0xA400;
	v21 =	vadd.s32 v4, v23;
	v23 =	vperm.xlane v19, v14  }
0x215: {  	[tilespmem:s19], [sflag:$0x2] =	stream.indirect_vreg.gather [hbm4b:s5+s2], $0x80, v22, vm0, $0xb8;
	[tilespmem:$0x14100] =	vst v63  }
0x216: {  	s22 =	simm.s32 $0xA480;
	v22 =	vadd.s32 v4, v23;
	v23 =	vperm.xlane v19, v2  }
0x217: {  	[tilespmem:s22], [sflag:$0x2] =	stream.indirect_vreg.gather [hbm4b:s5+s2], $0x80, v20, vm0, $0xb8;
	[tilespmem:$0x14100] =	vst v63  }
0x218: {  	s23 =	simm.s32 $0xA500;
	v20 =	vadd.s32 v4, v23;
	v23 =	vperm.xlane v19, v15  }
0x219: {  	[tilespmem:s23], [sflag:$0x2] =	stream.indirect_vreg.gather [hbm4b:s5+s2], $0x80, v21, vm0, $0xb8;
	[tilespmem:$0x14100] =	vst v63  }
0x21a: {  	s24 =	simm.s32 $0xA580;
	v21 =	vadd.s32 v4, v23;
	v23 =	vperm.xlane v19, v16  }
0x21b: {  	[tilespmem:s24], [sflag:$0x2] =	stream.indirect_vreg.gather [hbm4b:s5+s2], $0x80, v22, vm0, $0xb8;
	[tilespmem:$0x14100] =	vst v63  }
0x21c: {  	s25 =	simm.s32 $0xA600;
	v19 =	vperm.xlane v19, v17;
	v22 =	vadd.s32 v4, v23  }
0x21d: {  	[tilespmem:s25], [sflag:$0x2] =	stream.indirect_vreg.gather [hbm4b:s5+s2], $0x80, v20, vm0, $0xb8;
	[tilespmem:$0x14100] =	vst v63  }
0x21e: {  	s11 =	simm.s32 $0xA680;
	v19 =	vadd.s32 v4, v19  }
0x21f: {  	[tilespmem:s11], [sflag:$0x2] =	stream.indirect_vreg.gather [hbm4b:s5+s2], $0x80, v21, vm0, $0xb8;
	[tilespmem:$0x14100] =	vst v63  }
0x220: {  	s16 =	simm.s32 $0xA700  }
0x221: {  	[tilespmem:s16], [sflag:$0x2] =	stream.indirect_vreg.gather [hbm4b:s5+s2], $0x80, v22, vm0, $0xb8;
	[tilespmem:$0x14100] =	vst v63  }
0x222: {  	s17 =	simm.s32 $0xA780  }
0x223: {  	[tilespmem:s17], [sflag:$0x2] =	stream.indirect_vreg.gather [hbm4b:s5+s2], $0x80, v19, vm0, $0xb8;
	[tilespmem:$0x14100] =	vst v63  }
0x224: {  	v19 =	vld [tilespmem:$0xD0];
	_ =	sdelay $0x4  }
0x225: {  	v20 =	vshll.u32 v19, $0xC  }
0x226: {  	v19 =	vand.u32 $0x7, v19;
	v20 =	vand.u32 $0xFFFF8000, v20  }
0x227: {  	v19 =	vor.u32 v19, v20  }
0x228: {  	v20 =	vperm.xlane v19, v3;
	_ =	sdelay $0x1  }
0x229: {  	v21 =	vperm.xlane v19, v5;
	v20 =	vadd.s32 v4, v20;
	_ =	sdelay $0x1  }
0x22a: {  	v22 =	vperm.xlane v19, v6;
	v21 =	vadd.s32 v4, v21;
	_ =	sdelay $0x1  }
0x22b: {  	s19 =	simm.s32 $0xA800;
	v23 =	vperm.xlane v19, v7;
	v22 =	vadd.s32 v4, v22  }
0x22c: {  	[tilespmem:s19], [sflag:$0x2] =	stream.indirect_vreg.gather [hbm4b:s5+s2], $0x80, v20, vm0, $0xb8;
	[tilespmem:$0x14100] =	vst v63  }
0x22d: {  	s22 =	simm.s32 $0xA880;
	v20 =	vadd.s32 v4, v23;
	v23 =	vperm.xlane v19, v8  }
0x22e: {  	[tilespmem:s22], [sflag:$0x2] =	stream.indirect_vreg.gather [hbm4b:s5+s2], $0x80, v21, vm0, $0xb8;
	[tilespmem:$0x14100] =	vst v63  }
0x22f: {  	s23 =	simm.s32 $0xA900;
	v21 =	vadd.s32 v4, v23;
	v23 =	vperm.xlane v19, v9  }
0x230: {  	[tilespmem:s23], [sflag:$0x2] =	stream.indirect_vreg.gather [hbm4b:s5+s2], $0x80, v22, vm0, $0xb8;
	[tilespmem:$0x14100] =	vst v63  }
0x231: {  	s24 =	simm.s32 $0xA980;
	v22 =	vadd.s32 v4, v23;
	v23 =	vperm.xlane v19, v10  }
0x232: {  	[tilespmem:s24], [sflag:$0x2] =	stream.indirect_vreg.gather [hbm4b:s5+s2], $0x80, v20, vm0, $0xb8;
	[tilespmem:$0x14100] =	vst v63  }
0x233: {  	s25 =	simm.s32 $0xAA00;
	v20 =	vadd.s32 v4, v23;
	v23 =	vperm.xlane v19, v0  }
0x234: {  	[tilespmem:s25], [sflag:$0x2] =	stream.indirect_vreg.gather [hbm4b:s5+s2], $0x80, v21, vm0, $0xb8;
	[tilespmem:$0x14100] =	vst v63  }
0x235: {  	s11 =	simm.s32 $0xAA80;
	v21 =	vadd.s32 v4, v23;
	v23 =	vperm.xlane v19, v11  }
0x236: {  	[tilespmem:s11], [sflag:$0x2] =	stream.indirect_vreg.gather [hbm4b:s5+s2], $0x80, v22, vm0, $0xb8;
	[tilespmem:$0x14100] =	vst v63  }
0x237: {  	s16 =	simm.s32 $0xAB00;
	v22 =	vadd.s32 v4, v23;
	v23 =	vperm.xlane v19, v12  }
0x238: {  	[tilespmem:s16], [sflag:$0x2] =	stream.indirect_vreg.gather [hbm4b:s5+s2], $0x80, v20, vm0, $0xb8;
	[tilespmem:$0x14100] =	vst v63  }
0x239: {  	s17 =	simm.s32 $0xAB80;
	v20 =	vadd.s32 v4, v23;
	v23 =	vperm.xlane v19, v13  }
0x23a: {  	[tilespmem:s17], [sflag:$0x2] =	stream.indirect_vreg.gather [hbm4b:s5+s2], $0x80, v21, vm0, $0xb8;
	[tilespmem:$0x14100] =	vst v63  }
0x23b: {  	s19 =	simm.s32 $0xAC00;
	v21 =	vadd.s32 v4, v23;
	v23 =	vperm.xlane v19, v14  }
0x23c: {  	[tilespmem:s19], [sflag:$0x2] =	stream.indirect_vreg.gather [hbm4b:s5+s2], $0x80, v22, vm0, $0xb8;
	[tilespmem:$0x14100] =	vst v63  }
0x23d: {  	s22 =	simm.s32 $0xAC80;
	v22 =	vadd.s32 v4, v23;
	v23 =	vperm.xlane v19, v2  }
0x23e: {  	[tilespmem:s22], [sflag:$0x2] =	stream.indirect_vreg.gather [hbm4b:s5+s2], $0x80, v20, vm0, $0xb8;
	[tilespmem:$0x14100] =	vst v63  }
0x23f: {  	s23 =	simm.s32 $0xAD00;
	v20 =	vadd.s32 v4, v23;
	v23 =	vperm.xlane v19, v15  }
0x240: {  	[tilespmem:s23], [sflag:$0x2] =	stream.indirect_vreg.gather [hbm4b:s5+s2], $0x80, v21, vm0, $0xb8;
	[tilespmem:$0x14100] =	vst v63  }
0x241: {  	s24 =	simm.s32 $0xAD80;
	v21 =	vadd.s32 v4, v23;
	v23 =	vperm.xlane v19, v16  }
0x242: {  	[tilespmem:s24], [sflag:$0x2] =	stream.indirect_vreg.gather [hbm4b:s5+s2], $0x80, v22, vm0, $0xb8;
	[tilespmem:$0x14100] =	vst v63  }
0x243: {  	s25 =	simm.s32 $0xAE00;
	v19 =	vperm.xlane v19, v17;
	v22 =	vadd.s32 v4, v23  }
0x244: {  	[tilespmem:s25], [sflag:$0x2] =	stream.indirect_vreg.gather [hbm4b:s5+s2], $0x80, v20, vm0, $0xb8;
	[tilespmem:$0x14100] =	vst v63  }
0x245: {  	s11 =	simm.s32 $0xAE80;
	v19 =	vadd.s32 v4, v19  }
0x246: {  	[tilespmem:s11], [sflag:$0x2] =	stream.indirect_vreg.gather [hbm4b:s5+s2], $0x80, v21, vm0, $0xb8;
	[tilespmem:$0x14100] =	vst v63  }
0x247: {  	s16 =	simm.s32 $0xAF00  }
0x248: {  	[tilespmem:s16], [sflag:$0x2] =	stream.indirect_vreg.gather [hbm4b:s5+s2], $0x80, v22, vm0, $0xb8;
	[tilespmem:$0x14100] =	vst v63  }
0x249: {  	s17 =	simm.s32 $0xAF80  }
0x24a: {  	[tilespmem:s17], [sflag:$0x2] =	stream.indirect_vreg.gather [hbm4b:s5+s2], $0x80, v19, vm0, $0xb8;
	[tilespmem:$0x14100] =	vst v63  }
0x24b: {  	v19 =	vld [tilespmem:$0xE0];
	_ =	sdelay $0x4  }
0x24c: {  	v20 =	vshll.u32 v19, $0xC  }
0x24d: {  	v19 =	vand.u32 $0x7, v19;
	v20 =	vand.u32 $0xFFFF8000, v20  }
0x24e: {  	v19 =	vor.u32 v19, v20  }
0x24f: {  	v20 =	vperm.xlane v19, v3;
	_ =	sdelay $0x1  }
0x250: {  	v21 =	vperm.xlane v19, v5;
	v20 =	vadd.s32 v4, v20;
	_ =	sdelay $0x1  }
0x251: {  	v22 =	vperm.xlane v19, v6;
	v21 =	vadd.s32 v4, v21;
	_ =	sdelay $0x1  }
0x252: {  	s19 =	simm.s32 $0xB000;
	v23 =	vperm.xlane v19, v7;
	v22 =	vadd.s32 v4, v22  }
0x253: {  	[tilespmem:s19], [sflag:$0x2] =	stream.indirect_vreg.gather [hbm4b:s5+s2], $0x80, v20, vm0, $0xb8;
	[tilespmem:$0x14100] =	vst v63  }
0x254: {  	s22 =	simm.s32 $0xB080;
	v20 =	vadd.s32 v4, v23;
	v23 =	vperm.xlane v19, v8  }
0x255: {  	[tilespmem:s22], [sflag:$0x2] =	stream.indirect_vreg.gather [hbm4b:s5+s2], $0x80, v21, vm0, $0xb8;
	[tilespmem:$0x14100] =	vst v63  }
0x256: {  	s23 =	simm.s32 $0xB100;
	v21 =	vadd.s32 v4, v23;
	v23 =	vperm.xlane v19, v9  }
0x257: {  	[tilespmem:s23], [sflag:$0x2] =	stream.indirect_vreg.gather [hbm4b:s5+s2], $0x80, v22, vm0, $0xb8;
	[tilespmem:$0x14100] =	vst v63  }
0x258: {  	s24 =	simm.s32 $0xB180;
	v22 =	vadd.s32 v4, v23;
	v23 =	vperm.xlane v19, v10  }
0x259: {  	[tilespmem:s24], [sflag:$0x2] =	stream.indirect_vreg.gather [hbm4b:s5+s2], $0x80, v20, vm0, $0xb8;
	[tilespmem:$0x14100] =	vst v63  }
0x25a: {  	s25 =	simm.s32 $0xB200;
	v20 =	vadd.s32 v4, v23;
	v23 =	vperm.xlane v19, v0  }
0x25b: {  	[tilespmem:s25], [sflag:$0x2] =	stream.indirect_vreg.gather [hbm4b:s5+s2], $0x80, v21, vm0, $0xb8;
	[tilespmem:$0x14100] =	vst v63  }
0x25c: {  	s11 =	simm.s32 $0xB280;
	v21 =	vadd.s32 v4, v23;
	v23 =	vperm.xlane v19, v11  }
0x25d: {  	[tilespmem:s11], [sflag:$0x2] =	stream.indirect_vreg.gather [hbm4b:s5+s2], $0x80, v22, vm0, $0xb8;
	[tilespmem:$0x14100] =	vst v63  }
0x25e: {  	s16 =	simm.s32 $0xB300;
	v22 =	vadd.s32 v4, v23;
	v23 =	vperm.xlane v19, v12  }
0x25f: {  	[tilespmem:s16], [sflag:$0x2] =	stream.indirect_vreg.gather [hbm4b:s5+s2], $0x80, v20, vm0, $0xb8;
	[tilespmem:$0x14100] =	vst v63  }
0x260: {  	s17 =	simm.s32 $0xB380;
	v20 =	vadd.s32 v4, v23;
	v23 =	vperm.xlane v19, v13  }
0x261: {  	[tilespmem:s17], [sflag:$0x2] =	stream.indirect_vreg.gather [hbm4b:s5+s2], $0x80, v21, vm0, $0xb8;
	[tilespmem:$0x14100] =	vst v63  }
0x262: {  	s19 =	simm.s32 $0xB400;
	v21 =	vadd.s32 v4, v23;
	v23 =	vperm.xlane v19, v14  }
0x263: {  	[tilespmem:s19], [sflag:$0x2] =	stream.indirect_vreg.gather [hbm4b:s5+s2], $0x80, v22, vm0, $0xb8;
	[tilespmem:$0x14100] =	vst v63  }
0x264: {  	s22 =	simm.s32 $0xB480;
	v22 =	vadd.s32 v4, v23;
	v23 =	vperm.xlane v19, v2  }
0x265: {  	[tilespmem:s22], [sflag:$0x2] =	stream.indirect_vreg.gather [hbm4b:s5+s2], $0x80, v20, vm0, $0xb8;
	[tilespmem:$0x14100] =	vst v63  }
0x266: {  	s23 =	simm.s32 $0xB500;
	v20 =	vadd.s32 v4, v23;
	v23 =	vperm.xlane v19, v15  }
0x267: {  	[tilespmem:s23], [sflag:$0x2] =	stream.indirect_vreg.gather [hbm4b:s5+s2], $0x80, v21, vm0, $0xb8;
	[tilespmem:$0x14100] =	vst v63  }
0x268: {  	s24 =	simm.s32 $0xB580;
	v21 =	vadd.s32 v4, v23;
	v23 =	vperm.xlane v19, v16  }
0x269: {  	[tilespmem:s24], [sflag:$0x2] =	stream.indirect_vreg.gather [hbm4b:s5+s2], $0x80, v22, vm0, $0xb8;
	[tilespmem:$0x14100] =	vst v63  }
0x26a: {  	s25 =	simm.s32 $0xB600;
	v19 =	vperm.xlane v19, v17;
	v22 =	vadd.s32 v4, v23  }
0x26b: {  	[tilespmem:s25], [sflag:$0x2] =	stream.indirect_vreg.gather [hbm4b:s5+s2], $0x80, v20, vm0, $0xb8;
	[tilespmem:$0x14100] =	vst v63  }
0x26c: {  	s11 =	simm.s32 $0xB680;
	v19 =	vadd.s32 v4, v19  }
0x26d: {  	[tilespmem:s11], [sflag:$0x2] =	stream.indirect_vreg.gather [hbm4b:s5+s2], $0x80, v21, vm0, $0xb8;
	[tilespmem:$0x14100] =	vst v63  }
0x26e: {  	s16 =	simm.s32 $0xB700  }
0x26f: {  	[tilespmem:s16], [sflag:$0x2] =	stream.indirect_vreg.gather [hbm4b:s5+s2], $0x80, v22, vm0, $0xb8;
	[tilespmem:$0x14100] =	vst v63  }
0x270: {  	s17 =	simm.s32 $0xB780  }
0x271: {  	[tilespmem:s17], [sflag:$0x2] =	stream.indirect_vreg.gather [hbm4b:s5+s2], $0x80, v19, vm0, $0xb8;
	[tilespmem:$0x14100] =	vst v63  }
0x272: {  	v19 =	vld [tilespmem:$0xF0];
	_ =	sdelay $0x4  }
0x273: {  	v20 =	vshll.u32 v19, $0xC  }
0x274: {  	v19 =	vand.u32 $0x7, v19;
	v20 =	vand.u32 $0xFFFF8000, v20  }
0x275: {  	v19 =	vor.u32 v19, v20  }
0x276: {  	v20 =	vperm.xlane v19, v3;
	_ =	sdelay $0x1  }
0x277: {  	v21 =	vperm.xlane v19, v5;
	v20 =	vadd.s32 v4, v20;
	_ =	sdelay $0x1  }
0x278: {  	v22 =	vperm.xlane v19, v6;
	v21 =	vadd.s32 v4, v21;
	_ =	sdelay $0x1  }
0x279: {  	s19 =	simm.s32 $0xB800;
	v23 =	vperm.xlane v19, v7;
	v22 =	vadd.s32 v4, v22  }
0x27a: {  	[tilespmem:s19], [sflag:$0x2] =	stream.indirect_vreg.gather [hbm4b:s5+s2], $0x80, v20, vm0, $0xb8;
	[tilespmem:$0x14100] =	vst v63  }
0x27b: {  	s22 =	simm.s32 $0xB880;
	v20 =	vadd.s32 v4, v23;
	v23 =	vperm.xlane v19, v8  }
0x27c: {  	[tilespmem:s22], [sflag:$0x2] =	stream.indirect_vreg.gather [hbm4b:s5+s2], $0x80, v21, vm0, $0xb8;
	[tilespmem:$0x14100] =	vst v63  }
0x27d: {  	s23 =	simm.s32 $0xB900;
	v21 =	vadd.s32 v4, v23;
	v23 =	vperm.xlane v19, v9  }
0x27e: {  	[tilespmem:s23], [sflag:$0x2] =	stream.indirect_vreg.gather [hbm4b:s5+s2], $0x80, v22, vm0, $0xb8;
	[tilespmem:$0x14100] =	vst v63  }
0x27f: {  	s24 =	simm.s32 $0xB980;
	v22 =	vadd.s32 v4, v23;
	v23 =	vperm.xlane v19, v10  }
0x280: {  	[tilespmem:s24], [sflag:$0x2] =	stream.indirect_vreg.gather [hbm4b:s5+s2], $0x80, v20, vm0, $0xb8;
	[tilespmem:$0x14100] =	vst v63  }
0x281: {  	s25 =	simm.s32 $0xBA00;
	v20 =	vadd.s32 v4, v23;
	v23 =	vperm.xlane v19, v0  }
0x282: {  	[tilespmem:s25], [sflag:$0x2] =	stream.indirect_vreg.gather [hbm4b:s5+s2], $0x80, v21, vm0, $0xb8;
	[tilespmem:$0x14100] =	vst v63  }
0x283: {  	s11 =	simm.s32 $0xBA80;
	v21 =	vadd.s32 v4, v23;
	v23 =	vperm.xlane v19, v11  }
0x284: {  	[tilespmem:s11], [sflag:$0x2] =	stream.indirect_vreg.gather [hbm4b:s5+s2], $0x80, v22, vm0, $0xb8;
	[tilespmem:$0x14100] =	vst v63  }
0x285: {  	s16 =	simm.s32 $0xBB00;
	v22 =	vadd.s32 v4, v23;
	v23 =	vperm.xlane v19, v12  }
0x286: {  	[tilespmem:s16], [sflag:$0x2] =	stream.indirect_vreg.gather [hbm4b:s5+s2], $0x80, v20, vm0, $0xb8;
	[tilespmem:$0x14100] =	vst v63  }
0x287: {  	s17 =	simm.s32 $0xBB80;
	v20 =	vadd.s32 v4, v23;
	v23 =	vperm.xlane v19, v13  }
0x288: {  	[tilespmem:s17], [sflag:$0x2] =	stream.indirect_vreg.gather [hbm4b:s5+s2], $0x80, v21, vm0, $0xb8;
	[tilespmem:$0x14100] =	vst v63  }
0x289: {  	s19 =	simm.s32 $0xBC00;
	v21 =	vadd.s32 v4, v23;
	v23 =	vperm.xlane v19, v14  }
0x28a: {  	[tilespmem:s19], [sflag:$0x2] =	stream.indirect_vreg.gather [hbm4b:s5+s2], $0x80, v22, vm0, $0xb8;
	[tilespmem:$0x14100] =	vst v63  }
0x28b: {  	s22 =	simm.s32 $0xBC80;
	v22 =	vadd.s32 v4, v23;
	v23 =	vperm.xlane v19, v2  }
0x28c: {  	[tilespmem:s22], [sflag:$0x2] =	stream.indirect_vreg.gather [hbm4b:s5+s2], $0x80, v20, vm0, $0xb8;
	[tilespmem:$0x14100] =	vst v63  }
0x28d: {  	s23 =	simm.s32 $0xBD00;
	v20 =	vadd.s32 v4, v23;
	v23 =	vperm.xlane v19, v15  }
0x28e: {  	[tilespmem:s23], [sflag:$0x2] =	stream.indirect_vreg.gather [hbm4b:s5+s2], $0x80, v21, vm0, $0xb8;
	[tilespmem:$0x14100] =	vst v63  }
0x28f: {  	s24 =	simm.s32 $0xBD80;
	v21 =	vadd.s32 v4, v23;
	v23 =	vperm.xlane v19, v16  }
0x290: {  	[tilespmem:s24], [sflag:$0x2] =	stream.indirect_vreg.gather [hbm4b:s5+s2], $0x80, v22, vm0, $0xb8;
	[tilespmem:$0x14100] =	vst v63  }
0x291: {  	s25 =	simm.s32 $0xBE00;
	v19 =	vperm.xlane v19, v17;
	v22 =	vadd.s32 v4, v23  }
0x292: {  	[tilespmem:s25], [sflag:$0x2] =	stream.indirect_vreg.gather [hbm4b:s5+s2], $0x80, v20, vm0, $0xb8;
	[tilespmem:$0x14100] =	vst v63  }
0x293: {  	s11 =	simm.s32 $0xBE80;
	v19 =	vadd.s32 v4, v19  }
0x294: {  	[tilespmem:s11], [sflag:$0x2] =	stream.indirect_vreg.gather [hbm4b:s5+s2], $0x80, v21, vm0, $0xb8;
	[tilespmem:$0x14100] =	vst v63  }
0x295: {  	s16 =	simm.s32 $0xBF00  }
0x296: {  	[tilespmem:s16], [sflag:$0x2] =	stream.indirect_vreg.gather [hbm4b:s5+s2], $0x80, v22, vm0, $0xb8;
	[tilespmem:$0x14100] =	vst v63  }
0x297: {  	s17 =	simm.s32 $0xBF80  }
0x298: {  	[tilespmem:s17], [sflag:$0x2] =	stream.indirect_vreg.gather [hbm4b:s5+s2], $0x80, v19, vm0, $0xb8;
	[tilespmem:$0x14100] =	vst v63  }
0x299: {  	v19 =	vld [tilespmem:$0x100];
	_ =	sdelay $0x4  }
0x29a: {  	v20 =	vshll.u32 v19, $0xC  }
0x29b: {  	v19 =	vand.u32 $0x7, v19;
	v20 =	vand.u32 $0xFFFF8000, v20  }
0x29c: {  	v19 =	vor.u32 v19, v20  }
0x29d: {  	v20 =	vperm.xlane v19, v3;
	_ =	sdelay $0x1  }
0x29e: {  	v21 =	vperm.xlane v19, v5;
	v20 =	vadd.s32 v4, v20;
	_ =	sdelay $0x1  }
0x29f: {  	v22 =	vperm.xlane v19, v6;
	v21 =	vadd.s32 v4, v21;
	_ =	sdelay $0x1  }
0x2a0: {  	v23 =	vperm.xlane v19, v7;
	v22 =	vadd.s32 v4, v22  }
0x2a1: {  	[tilespmem:s20], [sflag:$0x3] =	stream.indirect_vreg.gather [hbm4b:s6+s2], $0x80, v20, vm0, $0xb8;
	[tilespmem:$0x14100] =	vst v63  }
0x2a2: {  	s19 =	simm.s32 $0xC080;
	v20 =	vadd.s32 v4, v23;
	v23 =	vperm.xlane v19, v8  }
0x2a3: {  	[tilespmem:s19], [sflag:$0x3] =	stream.indirect_vreg.gather [hbm4b:s6+s2], $0x80, v21, vm0, $0xb8;
	[tilespmem:$0x14100] =	vst v63  }
0x2a4: {  	s22 =	simm.s32 $0xC100;
	v21 =	vadd.s32 v4, v23;
	v23 =	vperm.xlane v19, v9  }
0x2a5: {  	[tilespmem:s22], [sflag:$0x3] =	stream.indirect_vreg.gather [hbm4b:s6+s2], $0x80, v22, vm0, $0xb8;
	[tilespmem:$0x14100] =	vst v63  }
0x2a6: {  	s23 =	simm.s32 $0xC180;
	v22 =	vadd.s32 v4, v23;
	v23 =	vperm.xlane v19, v10  }
0x2a7: {  	[tilespmem:s23], [sflag:$0x3] =	stream.indirect_vreg.gather [hbm4b:s6+s2], $0x80, v20, vm0, $0xb8;
	[tilespmem:$0x14100] =	vst v63  }
0x2a8: {  	s24 =	simm.s32 $0xC200;
	v20 =	vadd.s32 v4, v23;
	v23 =	vperm.xlane v19, v0  }
0x2a9: {  	[tilespmem:s24], [sflag:$0x3] =	stream.indirect_vreg.gather [hbm4b:s6+s2], $0x80, v21, vm0, $0xb8;
	[tilespmem:$0x14100] =	vst v63  }
0x2aa: {  	s25 =	simm.s32 $0xC280;
	v21 =	vadd.s32 v4, v23;
	v23 =	vperm.xlane v19, v11  }
0x2ab: {  	[tilespmem:s25], [sflag:$0x3] =	stream.indirect_vreg.gather [hbm4b:s6+s2], $0x80, v22, vm0, $0xb8;
	[tilespmem:$0x14100] =	vst v63  }
0x2ac: {  	s11 =	simm.s32 $0xC300;
	v22 =	vadd.s32 v4, v23;
	v23 =	vperm.xlane v19, v12  }
0x2ad: {  	[tilespmem:s11], [sflag:$0x3] =	stream.indirect_vreg.gather [hbm4b:s6+s2], $0x80, v20, vm0, $0xb8;
	[tilespmem:$0x14100] =	vst v63  }
0x2ae: {  	s16 =	simm.s32 $0xC380;
	v20 =	vadd.s32 v4, v23;
	v23 =	vperm.xlane v19, v13  }
0x2af: {  	[tilespmem:s16], [sflag:$0x3] =	stream.indirect_vreg.gather [hbm4b:s6+s2], $0x80, v21, vm0, $0xb8;
	[tilespmem:$0x14100] =	vst v63  }
0x2b0: {  	s17 =	simm.s32 $0xC400;
	v21 =	vadd.s32 v4, v23;
	v23 =	vperm.xlane v19, v14  }
0x2b1: {  	[tilespmem:s17], [sflag:$0x3] =	stream.indirect_vreg.gather [hbm4b:s6+s2], $0x80, v22, vm0, $0xb8;
	[tilespmem:$0x14100] =	vst v63  }
0x2b2: {  	s19 =	simm.s32 $0xC480;
	v22 =	vadd.s32 v4, v23;
	v23 =	vperm.xlane v19, v2  }
0x2b3: {  	[tilespmem:s19], [sflag:$0x3] =	stream.indirect_vreg.gather [hbm4b:s6+s2], $0x80, v20, vm0, $0xb8;
	[tilespmem:$0x14100] =	vst v63  }
0x2b4: {  	s22 =	simm.s32 $0xC500;
	v20 =	vadd.s32 v4, v23;
	v23 =	vperm.xlane v19, v15  }
0x2b5: {  	[tilespmem:s22], [sflag:$0x3] =	stream.indirect_vreg.gather [hbm4b:s6+s2], $0x80, v21, vm0, $0xb8;
	[tilespmem:$0x14100] =	vst v63  }
0x2b6: {  	s23 =	simm.s32 $0xC580;
	v21 =	vadd.s32 v4, v23;
	v23 =	vperm.xlane v19, v16  }
0x2b7: {  	[tilespmem:s23], [sflag:$0x3] =	stream.indirect_vreg.gather [hbm4b:s6+s2], $0x80, v22, vm0, $0xb8;
	[tilespmem:$0x14100] =	vst v63  }
0x2b8: {  	s24 =	simm.s32 $0xC600;
	v19 =	vperm.xlane v19, v17;
	v22 =	vadd.s32 v4, v23  }
0x2b9: {  	[tilespmem:s24], [sflag:$0x3] =	stream.indirect_vreg.gather [hbm4b:s6+s2], $0x80, v20, vm0, $0xb8;
	[tilespmem:$0x14100] =	vst v63  }
0x2ba: {  	s25 =	simm.s32 $0xC680;
	v19 =	vadd.s32 v4, v19  }
0x2bb: {  	[tilespmem:s25], [sflag:$0x3] =	stream.indirect_vreg.gather [hbm4b:s6+s2], $0x80, v21, vm0, $0xb8;
	[tilespmem:$0x14100] =	vst v63  }
0x2bc: {  	s11 =	simm.s32 $0xC700  }
0x2bd: {  	[tilespmem:s11], [sflag:$0x3] =	stream.indirect_vreg.gather [hbm4b:s6+s2], $0x80, v22, vm0, $0xb8;
	[tilespmem:$0x14100] =	vst v63  }
0x2be: {  	s16 =	simm.s32 $0xC780  }
0x2bf: {  	[tilespmem:s16], [sflag:$0x3] =	stream.indirect_vreg.gather [hbm4b:s6+s2], $0x80, v19, vm0, $0xb8;
	[tilespmem:$0x14100] =	vst v63  }
0x2c0: {  	v19 =	vld [tilespmem:$0x110];
	_ =	sdelay $0x4  }
0x2c1: {  	v20 =	vshll.u32 v19, $0xC  }
0x2c2: {  	v19 =	vand.u32 $0x7, v19;
	v20 =	vand.u32 $0xFFFF8000, v20  }
0x2c3: {  	v19 =	vor.u32 v19, v20  }
0x2c4: {  	v20 =	vperm.xlane v19, v3;
	_ =	sdelay $0x1  }
0x2c5: {  	v21 =	vperm.xlane v19, v5;
	v20 =	vadd.s32 v4, v20;
	_ =	sdelay $0x1  }
0x2c6: {  	v22 =	vperm.xlane v19, v6;
	v21 =	vadd.s32 v4, v21;
	_ =	sdelay $0x1  }
0x2c7: {  	s17 =	simm.s32 $0xC800;
	v23 =	vperm.xlane v19, v7;
	v22 =	vadd.s32 v4, v22  }
0x2c8: {  	[tilespmem:s17], [sflag:$0x3] =	stream.indirect_vreg.gather [hbm4b:s6+s2], $0x80, v20, vm0, $0xb8;
	[tilespmem:$0x14100] =	vst v63  }
0x2c9: {  	s19 =	simm.s32 $0xC880;
	v20 =	vadd.s32 v4, v23;
	v23 =	vperm.xlane v19, v8  }
0x2ca: {  	[tilespmem:s19], [sflag:$0x3] =	stream.indirect_vreg.gather [hbm4b:s6+s2], $0x80, v21, vm0, $0xb8;
	[tilespmem:$0x14100] =	vst v63  }
0x2cb: {  	s22 =	simm.s32 $0xC900;
	v21 =	vadd.s32 v4, v23;
	v23 =	vperm.xlane v19, v9  }
0x2cc: {  	[tilespmem:s22], [sflag:$0x3] =	stream.indirect_vreg.gather [hbm4b:s6+s2], $0x80, v22, vm0, $0xb8;
	[tilespmem:$0x14100] =	vst v63  }
0x2cd: {  	s23 =	simm.s32 $0xC980;
	v22 =	vadd.s32 v4, v23;
	v23 =	vperm.xlane v19, v10  }
0x2ce: {  	[tilespmem:s23], [sflag:$0x3] =	stream.indirect_vreg.gather [hbm4b:s6+s2], $0x80, v20, vm0, $0xb8;
	[tilespmem:$0x14100] =	vst v63  }
0x2cf: {  	s24 =	simm.s32 $0xCA00;
	v20 =	vadd.s32 v4, v23;
	v23 =	vperm.xlane v19, v0  }
0x2d0: {  	[tilespmem:s24], [sflag:$0x3] =	stream.indirect_vreg.gather [hbm4b:s6+s2], $0x80, v21, vm0, $0xb8;
	[tilespmem:$0x14100] =	vst v63  }
0x2d1: {  	s25 =	simm.s32 $0xCA80;
	v21 =	vadd.s32 v4, v23;
	v23 =	vperm.xlane v19, v11  }
0x2d2: {  	[tilespmem:s25], [sflag:$0x3] =	stream.indirect_vreg.gather [hbm4b:s6+s2], $0x80, v22, vm0, $0xb8;
	[tilespmem:$0x14100] =	vst v63  }
0x2d3: {  	s11 =	simm.s32 $0xCB00;
	v22 =	vadd.s32 v4, v23;
	v23 =	vperm.xlane v19, v12  }
0x2d4: {  	[tilespmem:s11], [sflag:$0x3] =	stream.indirect_vreg.gather [hbm4b:s6+s2], $0x80, v20, vm0, $0xb8;
	[tilespmem:$0x14100] =	vst v63  }
0x2d5: {  	s16 =	simm.s32 $0xCB80;
	v20 =	vadd.s32 v4, v23;
	v23 =	vperm.xlane v19, v13  }
0x2d6: {  	[tilespmem:s16], [sflag:$0x3] =	stream.indirect_vreg.gather [hbm4b:s6+s2], $0x80, v21, vm0, $0xb8;
	[tilespmem:$0x14100] =	vst v63  }
0x2d7: {  	s17 =	simm.s32 $0xCC00;
	v21 =	vadd.s32 v4, v23;
	v23 =	vperm.xlane v19, v14  }
0x2d8: {  	[tilespmem:s17], [sflag:$0x3] =	stream.indirect_vreg.gather [hbm4b:s6+s2], $0x80, v22, vm0, $0xb8;
	[tilespmem:$0x14100] =	vst v63  }
0x2d9: {  	s19 =	simm.s32 $0xCC80;
	v22 =	vadd.s32 v4, v23;
	v23 =	vperm.xlane v19, v2  }
0x2da: {  	[tilespmem:s19], [sflag:$0x3] =	stream.indirect_vreg.gather [hbm4b:s6+s2], $0x80, v20, vm0, $0xb8;
	[tilespmem:$0x14100] =	vst v63  }
0x2db: {  	s22 =	simm.s32 $0xCD00;
	v20 =	vadd.s32 v4, v23;
	v23 =	vperm.xlane v19, v15  }
0x2dc: {  	[tilespmem:s22], [sflag:$0x3] =	stream.indirect_vreg.gather [hbm4b:s6+s2], $0x80, v21, vm0, $0xb8;
	[tilespmem:$0x14100] =	vst v63  }
0x2dd: {  	s23 =	simm.s32 $0xCD80;
	v21 =	vadd.s32 v4, v23;
	v23 =	vperm.xlane v19, v16  }
0x2de: {  	[tilespmem:s23], [sflag:$0x3] =	stream.indirect_vreg.gather [hbm4b:s6+s2], $0x80, v22, vm0, $0xb8;
	[tilespmem:$0x14100] =	vst v63  }
0x2df: {  	s24 =	simm.s32 $0xCE00;
	v19 =	vperm.xlane v19, v17;
	v22 =	vadd.s32 v4, v23  }
0x2e0: {  	[tilespmem:s24], [sflag:$0x3] =	stream.indirect_vreg.gather [hbm4b:s6+s2], $0x80, v20, vm0, $0xb8;
	[tilespmem:$0x14100] =	vst v63  }
0x2e1: {  	s25 =	simm.s32 $0xCE80;
	v19 =	vadd.s32 v4, v19  }
0x2e2: {  	[tilespmem:s25], [sflag:$0x3] =	stream.indirect_vreg.gather [hbm4b:s6+s2], $0x80, v21, vm0, $0xb8;
	[tilespmem:$0x14100] =	vst v63  }
0x2e3: {  	s11 =	simm.s32 $0xCF00  }
0x2e4: {  	[tilespmem:s11], [sflag:$0x3] =	stream.indirect_vreg.gather [hbm4b:s6+s2], $0x80, v22, vm0, $0xb8;
	[tilespmem:$0x14100] =	vst v63  }
0x2e5: {  	s16 =	simm.s32 $0xCF80  }
0x2e6: {  	[tilespmem:s16], [sflag:$0x3] =	stream.indirect_vreg.gather [hbm4b:s6+s2], $0x80, v19, vm0, $0xb8;
	[tilespmem:$0x14100] =	vst v63  }
0x2e7: {  	v19 =	vld [tilespmem:$0x120];
	_ =	sdelay $0x4  }
0x2e8: {  	v20 =	vshll.u32 v19, $0xC  }
0x2e9: {  	v19 =	vand.u32 $0x7, v19;
	v20 =	vand.u32 $0xFFFF8000, v20  }
0x2ea: {  	v19 =	vor.u32 v19, v20  }
0x2eb: {  	v20 =	vperm.xlane v19, v3;
	_ =	sdelay $0x1  }
0x2ec: {  	v21 =	vperm.xlane v19, v5;
	v20 =	vadd.s32 v4, v20;
	_ =	sdelay $0x1  }
0x2ed: {  	v22 =	vperm.xlane v19, v6;
	v21 =	vadd.s32 v4, v21;
	_ =	sdelay $0x1  }
0x2ee: {  	s17 =	simm.s32 $0xD000;
	v23 =	vperm.xlane v19, v7;
	v22 =	vadd.s32 v4, v22  }
0x2ef: {  	[tilespmem:s17], [sflag:$0x3] =	stream.indirect_vreg.gather [hbm4b:s6+s2], $0x80, v20, vm0, $0xb8;
	[tilespmem:$0x14100] =	vst v63  }
0x2f0: {  	s19 =	simm.s32 $0xD080;
	v20 =	vadd.s32 v4, v23;
	v23 =	vperm.xlane v19, v8  }
0x2f1: {  	[tilespmem:s19], [sflag:$0x3] =	stream.indirect_vreg.gather [hbm4b:s6+s2], $0x80, v21, vm0, $0xb8;
	[tilespmem:$0x14100] =	vst v63  }
0x2f2: {  	s22 =	simm.s32 $0xD100;
	v21 =	vadd.s32 v4, v23;
	v23 =	vperm.xlane v19, v9  }
0x2f3: {  	[tilespmem:s22], [sflag:$0x3] =	stream.indirect_vreg.gather [hbm4b:s6+s2], $0x80, v22, vm0, $0xb8;
	[tilespmem:$0x14100] =	vst v63  }
0x2f4: {  	s23 =	simm.s32 $0xD180;
	v22 =	vadd.s32 v4, v23;
	v23 =	vperm.xlane v19, v10  }
0x2f5: {  	[tilespmem:s23], [sflag:$0x3] =	stream.indirect_vreg.gather [hbm4b:s6+s2], $0x80, v20, vm0, $0xb8;
	[tilespmem:$0x14100] =	vst v63  }
0x2f6: {  	s24 =	simm.s32 $0xD200;
	v20 =	vadd.s32 v4, v23;
	v23 =	vperm.xlane v19, v0  }
0x2f7: {  	[tilespmem:s24], [sflag:$0x3] =	stream.indirect_vreg.gather [hbm4b:s6+s2], $0x80, v21, vm0, $0xb8;
	[tilespmem:$0x14100] =	vst v63  }
0x2f8: {  	s25 =	simm.s32 $0xD280;
	v21 =	vadd.s32 v4, v23;
	v23 =	vperm.xlane v19, v11  }
0x2f9: {  	[tilespmem:s25], [sflag:$0x3] =	stream.indirect_vreg.gather [hbm4b:s6+s2], $0x80, v22, vm0, $0xb8;
	[tilespmem:$0x14100] =	vst v63  }
0x2fa: {  	s11 =	simm.s32 $0xD300;
	v22 =	vadd.s32 v4, v23;
	v23 =	vperm.xlane v19, v12  }
0x2fb: {  	[tilespmem:s11], [sflag:$0x3] =	stream.indirect_vreg.gather [hbm4b:s6+s2], $0x80, v20, vm0, $0xb8;
	[tilespmem:$0x14100] =	vst v63  }
0x2fc: {  	s16 =	simm.s32 $0xD380;
	v20 =	vadd.s32 v4, v23;
	v23 =	vperm.xlane v19, v13  }
0x2fd: {  	[tilespmem:s16], [sflag:$0x3] =	stream.indirect_vreg.gather [hbm4b:s6+s2], $0x80, v21, vm0, $0xb8;
	[tilespmem:$0x14100] =	vst v63  }
0x2fe: {  	s17 =	simm.s32 $0xD400;
	v21 =	vadd.s32 v4, v23;
	v23 =	vperm.xlane v19, v14  }
0x2ff: {  	[tilespmem:s17], [sflag:$0x3] =	stream.indirect_vreg.gather [hbm4b:s6+s2], $0x80, v22, vm0, $0xb8;
	[tilespmem:$0x14100] =	vst v63  }
0x300: {  	s19 =	simm.s32 $0xD480;
	v22 =	vadd.s32 v4, v23;
	v23 =	vperm.xlane v19, v2  }
0x301: {  	[tilespmem:s19], [sflag:$0x3] =	stream.indirect_vreg.gather [hbm4b:s6+s2], $0x80, v20, vm0, $0xb8;
	[tilespmem:$0x14100] =	vst v63  }
0x302: {  	s22 =	simm.s32 $0xD500;
	v20 =	vadd.s32 v4, v23;
	v23 =	vperm.xlane v19, v15  }
0x303: {  	[tilespmem:s22], [sflag:$0x3] =	stream.indirect_vreg.gather [hbm4b:s6+s2], $0x80, v21, vm0, $0xb8;
	[tilespmem:$0x14100] =	vst v63  }
0x304: {  	s23 =	simm.s32 $0xD580;
	v21 =	vadd.s32 v4, v23;
	v23 =	vperm.xlane v19, v16  }
0x305: {  	[tilespmem:s23], [sflag:$0x3] =	stream.indirect_vreg.gather [hbm4b:s6+s2], $0x80, v22, vm0, $0xb8;
	[tilespmem:$0x14100] =	vst v63  }
0x306: {  	s24 =	simm.s32 $0xD600;
	v19 =	vperm.xlane v19, v17;
	v22 =	vadd.s32 v4, v23  }
0x307: {  	[tilespmem:s24], [sflag:$0x3] =	stream.indirect_vreg.gather [hbm4b:s6+s2], $0x80, v20, vm0, $0xb8;
	[tilespmem:$0x14100] =	vst v63  }
0x308: {  	s25 =	simm.s32 $0xD680;
	v19 =	vadd.s32 v4, v19  }
0x309: {  	[tilespmem:s25], [sflag:$0x3] =	stream.indirect_vreg.gather [hbm4b:s6+s2], $0x80, v21, vm0, $0xb8;
	[tilespmem:$0x14100] =	vst v63  }
0x30a: {  	s11 =	simm.s32 $0xD700  }
0x30b: {  	[tilespmem:s11], [sflag:$0x3] =	stream.indirect_vreg.gather [hbm4b:s6+s2], $0x80, v22, vm0, $0xb8;
	[tilespmem:$0x14100] =	vst v63  }
0x30c: {  	s16 =	simm.s32 $0xD780  }
0x30d: {  	[tilespmem:s16], [sflag:$0x3] =	stream.indirect_vreg.gather [hbm4b:s6+s2], $0x80, v19, vm0, $0xb8;
	[tilespmem:$0x14100] =	vst v63  }
0x30e: {  	v19 =	vld [tilespmem:$0x130];
	_ =	sdelay $0x4  }
0x30f: {  	v20 =	vshll.u32 v19, $0xC  }
0x310: {  	v19 =	vand.u32 $0x7, v19;
	v20 =	vand.u32 $0xFFFF8000, v20  }
0x311: {  	v19 =	vor.u32 v19, v20  }
0x312: {  	v20 =	vperm.xlane v19, v3;
	_ =	sdelay $0x1  }
0x313: {  	v21 =	vperm.xlane v19, v5;
	v20 =	vadd.s32 v4, v20;
	_ =	sdelay $0x1  }
0x314: {  	v22 =	vperm.xlane v19, v6;
	v21 =	vadd.s32 v4, v21;
	_ =	sdelay $0x1  }
0x315: {  	s17 =	simm.s32 $0xD800;
	v23 =	vperm.xlane v19, v7;
	v22 =	vadd.s32 v4, v22  }
0x316: {  	[tilespmem:s17], [sflag:$0x3] =	stream.indirect_vreg.gather [hbm4b:s6+s2], $0x80, v20, vm0, $0xb8;
	[tilespmem:$0x14100] =	vst v63  }
0x317: {  	s19 =	simm.s32 $0xD880;
	v20 =	vadd.s32 v4, v23;
	v23 =	vperm.xlane v19, v8  }
0x318: {  	[tilespmem:s19], [sflag:$0x3] =	stream.indirect_vreg.gather [hbm4b:s6+s2], $0x80, v21, vm0, $0xb8;
	[tilespmem:$0x14100] =	vst v63  }
0x319: {  	s22 =	simm.s32 $0xD900;
	v21 =	vadd.s32 v4, v23;
	v23 =	vperm.xlane v19, v9  }
0x31a: {  	[tilespmem:s22], [sflag:$0x3] =	stream.indirect_vreg.gather [hbm4b:s6+s2], $0x80, v22, vm0, $0xb8;
	[tilespmem:$0x14100] =	vst v63  }
0x31b: {  	s23 =	simm.s32 $0xD980;
	v22 =	vadd.s32 v4, v23;
	v23 =	vperm.xlane v19, v10  }
0x31c: {  	[tilespmem:s23], [sflag:$0x3] =	stream.indirect_vreg.gather [hbm4b:s6+s2], $0x80, v20, vm0, $0xb8;
	[tilespmem:$0x14100] =	vst v63  }
0x31d: {  	s24 =	simm.s32 $0xDA00;
	v20 =	vadd.s32 v4, v23;
	v23 =	vperm.xlane v19, v0  }
0x31e: {  	[tilespmem:s24], [sflag:$0x3] =	stream.indirect_vreg.gather [hbm4b:s6+s2], $0x80, v21, vm0, $0xb8;
	[tilespmem:$0x14100] =	vst v63  }
0x31f: {  	s25 =	simm.s32 $0xDA80;
	v21 =	vadd.s32 v4, v23;
	v23 =	vperm.xlane v19, v11  }
0x320: {  	[tilespmem:s25], [sflag:$0x3] =	stream.indirect_vreg.gather [hbm4b:s6+s2], $0x80, v22, vm0, $0xb8;
	[tilespmem:$0x14100] =	vst v63  }
0x321: {  	s11 =	simm.s32 $0xDB00;
	v22 =	vadd.s32 v4, v23;
	v23 =	vperm.xlane v19, v12  }
0x322: {  	[tilespmem:s11], [sflag:$0x3] =	stream.indirect_vreg.gather [hbm4b:s6+s2], $0x80, v20, vm0, $0xb8;
	[tilespmem:$0x14100] =	vst v63  }
0x323: {  	s16 =	simm.s32 $0xDB80;
	v20 =	vadd.s32 v4, v23;
	v23 =	vperm.xlane v19, v13  }
0x324: {  	[tilespmem:s16], [sflag:$0x3] =	stream.indirect_vreg.gather [hbm4b:s6+s2], $0x80, v21, vm0, $0xb8;
	[tilespmem:$0x14100] =	vst v63  }
0x325: {  	s17 =	simm.s32 $0xDC00;
	v21 =	vadd.s32 v4, v23;
	v23 =	vperm.xlane v19, v14  }
0x326: {  	[tilespmem:s17], [sflag:$0x3] =	stream.indirect_vreg.gather [hbm4b:s6+s2], $0x80, v22, vm0, $0xb8;
	[tilespmem:$0x14100] =	vst v63  }
0x327: {  	s19 =	simm.s32 $0xDC80;
	v22 =	vadd.s32 v4, v23;
	v23 =	vperm.xlane v19, v2  }
0x328: {  	[tilespmem:s19], [sflag:$0x3] =	stream.indirect_vreg.gather [hbm4b:s6+s2], $0x80, v20, vm0, $0xb8;
	[tilespmem:$0x14100] =	vst v63  }
0x329: {  	s22 =	simm.s32 $0xDD00;
	v20 =	vadd.s32 v4, v23;
	v23 =	vperm.xlane v19, v15  }
0x32a: {  	[tilespmem:s22], [sflag:$0x3] =	stream.indirect_vreg.gather [hbm4b:s6+s2], $0x80, v21, vm0, $0xb8;
	[tilespmem:$0x14100] =	vst v63  }
0x32b: {  	s23 =	simm.s32 $0xDD80;
	v21 =	vadd.s32 v4, v23;
	v23 =	vperm.xlane v19, v16  }
0x32c: {  	[tilespmem:s23], [sflag:$0x3] =	stream.indirect_vreg.gather [hbm4b:s6+s2], $0x80, v22, vm0, $0xb8;
	[tilespmem:$0x14100] =	vst v63  }
0x32d: {  	s24 =	simm.s32 $0xDE00;
	v19 =	vperm.xlane v19, v17;
	v22 =	vadd.s32 v4, v23  }
0x32e: {  	[tilespmem:s24], [sflag:$0x3] =	stream.indirect_vreg.gather [hbm4b:s6+s2], $0x80, v20, vm0, $0xb8;
	[tilespmem:$0x14100] =	vst v63  }
0x32f: {  	s25 =	simm.s32 $0xDE80;
	v19 =	vadd.s32 v4, v19  }
0x330: {  	[tilespmem:s25], [sflag:$0x3] =	stream.indirect_vreg.gather [hbm4b:s6+s2], $0x80, v21, vm0, $0xb8;
	[tilespmem:$0x14100] =	vst v63  }
0x331: {  	s11 =	simm.s32 $0xDF00  }
0x332: {  	[tilespmem:s11], [sflag:$0x3] =	stream.indirect_vreg.gather [hbm4b:s6+s2], $0x80, v22, vm0, $0xb8;
	[tilespmem:$0x14100] =	vst v63  }
0x333: {  	s16 =	simm.s32 $0xDF80  }
0x334: {  	[tilespmem:s16], [sflag:$0x3] =	stream.indirect_vreg.gather [hbm4b:s6+s2], $0x80, v19, vm0, $0xb8;
	[tilespmem:$0x14100] =	vst v63  }
0x335: {  	v19 =	vld [tilespmem:$0x140];
	_ =	sdelay $0x4  }
0x336: {  	v20 =	vshll.u32 v19, $0xC  }
0x337: {  	v19 =	vand.u32 $0x7, v19;
	v20 =	vand.u32 $0xFFFF8000, v20  }
0x338: {  	v19 =	vor.u32 v19, v20  }
0x339: {  	v20 =	vperm.xlane v19, v3;
	_ =	sdelay $0x1  }
0x33a: {  	v21 =	vperm.xlane v19, v5;
	v20 =	vadd.s32 v4, v20;
	_ =	sdelay $0x1  }
0x33b: {  	v22 =	vperm.xlane v19, v6;
	v21 =	vadd.s32 v4, v21;
	_ =	sdelay $0x1  }
0x33c: {  	s17 =	simm.s32 $0xE000;
	v23 =	vperm.xlane v19, v7;
	v22 =	vadd.s32 v4, v22  }
0x33d: {  	[tilespmem:s17], [sflag:$0x3] =	stream.indirect_vreg.gather [hbm4b:s6+s2], $0x80, v20, vm0, $0xb8;
	[tilespmem:$0x14100] =	vst v63  }
0x33e: {  	s19 =	simm.s32 $0xE080;
	v20 =	vadd.s32 v4, v23;
	v23 =	vperm.xlane v19, v8  }
0x33f: {  	[tilespmem:s19], [sflag:$0x3] =	stream.indirect_vreg.gather [hbm4b:s6+s2], $0x80, v21, vm0, $0xb8;
	[tilespmem:$0x14100] =	vst v63  }
0x340: {  	s22 =	simm.s32 $0xE100;
	v21 =	vadd.s32 v4, v23;
	v23 =	vperm.xlane v19, v9  }
0x341: {  	[tilespmem:s22], [sflag:$0x3] =	stream.indirect_vreg.gather [hbm4b:s6+s2], $0x80, v22, vm0, $0xb8;
	[tilespmem:$0x14100] =	vst v63  }
0x342: {  	s23 =	simm.s32 $0xE180;
	v22 =	vadd.s32 v4, v23;
	v23 =	vperm.xlane v19, v10  }
0x343: {  	[tilespmem:s23], [sflag:$0x3] =	stream.indirect_vreg.gather [hbm4b:s6+s2], $0x80, v20, vm0, $0xb8;
	[tilespmem:$0x14100] =	vst v63  }
0x344: {  	s24 =	simm.s32 $0xE200;
	v20 =	vadd.s32 v4, v23;
	v23 =	vperm.xlane v19, v0  }
0x345: {  	[tilespmem:s24], [sflag:$0x3] =	stream.indirect_vreg.gather [hbm4b:s6+s2], $0x80, v21, vm0, $0xb8;
	[tilespmem:$0x14100] =	vst v63  }
0x346: {  	s25 =	simm.s32 $0xE280;
	v21 =	vadd.s32 v4, v23;
	v23 =	vperm.xlane v19, v11  }
0x347: {  	[tilespmem:s25], [sflag:$0x3] =	stream.indirect_vreg.gather [hbm4b:s6+s2], $0x80, v22, vm0, $0xb8;
	[tilespmem:$0x14100] =	vst v63  }
0x348: {  	s11 =	simm.s32 $0xE300;
	v22 =	vadd.s32 v4, v23;
	v23 =	vperm.xlane v19, v12  }
0x349: {  	[tilespmem:s11], [sflag:$0x3] =	stream.indirect_vreg.gather [hbm4b:s6+s2], $0x80, v20, vm0, $0xb8;
	[tilespmem:$0x14100] =	vst v63  }
0x34a: {  	s16 =	simm.s32 $0xE380;
	v20 =	vadd.s32 v4, v23;
	v23 =	vperm.xlane v19, v13  }
0x34b: {  	[tilespmem:s16], [sflag:$0x3] =	stream.indirect_vreg.gather [hbm4b:s6+s2], $0x80, v21, vm0, $0xb8;
	[tilespmem:$0x14100] =	vst v63  }
0x34c: {  	s17 =	simm.s32 $0xE400;
	v21 =	vadd.s32 v4, v23;
	v23 =	vperm.xlane v19, v14  }
0x34d: {  	[tilespmem:s17], [sflag:$0x3] =	stream.indirect_vreg.gather [hbm4b:s6+s2], $0x80, v22, vm0, $0xb8;
	[tilespmem:$0x14100] =	vst v63  }
0x34e: {  	s19 =	simm.s32 $0xE480;
	v22 =	vadd.s32 v4, v23;
	v23 =	vperm.xlane v19, v2  }
0x34f: {  	[tilespmem:s19], [sflag:$0x3] =	stream.indirect_vreg.gather [hbm4b:s6+s2], $0x80, v20, vm0, $0xb8;
	[tilespmem:$0x14100] =	vst v63  }
0x350: {  	s22 =	simm.s32 $0xE500;
	v20 =	vadd.s32 v4, v23;
	v23 =	vperm.xlane v19, v15  }
0x351: {  	[tilespmem:s22], [sflag:$0x3] =	stream.indirect_vreg.gather [hbm4b:s6+s2], $0x80, v21, vm0, $0xb8;
	[tilespmem:$0x14100] =	vst v63  }
0x352: {  	s23 =	simm.s32 $0xE580;
	v21 =	vadd.s32 v4, v23;
	v23 =	vperm.xlane v19, v16  }
0x353: {  	[tilespmem:s23], [sflag:$0x3] =	stream.indirect_vreg.gather [hbm4b:s6+s2], $0x80, v22, vm0, $0xb8;
	[tilespmem:$0x14100] =	vst v63  }
0x354: {  	s24 =	simm.s32 $0xE600;
	v19 =	vperm.xlane v19, v17;
	v22 =	vadd.s32 v4, v23  }
0x355: {  	[tilespmem:s24], [sflag:$0x3] =	stream.indirect_vreg.gather [hbm4b:s6+s2], $0x80, v20, vm0, $0xb8;
	[tilespmem:$0x14100] =	vst v63  }
0x356: {  	s25 =	simm.s32 $0xE680;
	v19 =	vadd.s32 v4, v19  }
0x357: {  	[tilespmem:s25], [sflag:$0x3] =	stream.indirect_vreg.gather [hbm4b:s6+s2], $0x80, v21, vm0, $0xb8;
	[tilespmem:$0x14100] =	vst v63  }
0x358: {  	s11 =	simm.s32 $0xE700  }
0x359: {  	[tilespmem:s11], [sflag:$0x3] =	stream.indirect_vreg.gather [hbm4b:s6+s2], $0x80, v22, vm0, $0xb8;
	[tilespmem:$0x14100] =	vst v63  }
0x35a: {  	s16 =	simm.s32 $0xE780  }
0x35b: {  	[tilespmem:s16], [sflag:$0x3] =	stream.indirect_vreg.gather [hbm4b:s6+s2], $0x80, v19, vm0, $0xb8;
	[tilespmem:$0x14100] =	vst v63  }
0x35c: {  	v19 =	vld [tilespmem:$0x150];
	_ =	sdelay $0x4  }
0x35d: {  	v20 =	vshll.u32 v19, $0xC  }
0x35e: {  	v19 =	vand.u32 $0x7, v19;
	v20 =	vand.u32 $0xFFFF8000, v20  }
0x35f: {  	v19 =	vor.u32 v19, v20  }
0x360: {  	v20 =	vperm.xlane v19, v3;
	_ =	sdelay $0x1  }
0x361: {  	v21 =	vperm.xlane v19, v5;
	v20 =	vadd.s32 v4, v20;
	_ =	sdelay $0x1  }
0x362: {  	v22 =	vperm.xlane v19, v6;
	v21 =	vadd.s32 v4, v21;
	_ =	sdelay $0x1  }
0x363: {  	s17 =	simm.s32 $0xE800;
	v23 =	vperm.xlane v19, v7;
	v22 =	vadd.s32 v4, v22  }
0x364: {  	[tilespmem:s17], [sflag:$0x3] =	stream.indirect_vreg.gather [hbm4b:s6+s2], $0x80, v20, vm0, $0xb8;
	[tilespmem:$0x14100] =	vst v63  }
0x365: {  	s19 =	simm.s32 $0xE880;
	v20 =	vadd.s32 v4, v23;
	v23 =	vperm.xlane v19, v8  }
0x366: {  	[tilespmem:s19], [sflag:$0x3] =	stream.indirect_vreg.gather [hbm4b:s6+s2], $0x80, v21, vm0, $0xb8;
	[tilespmem:$0x14100] =	vst v63  }
0x367: {  	s22 =	simm.s32 $0xE900;
	v21 =	vadd.s32 v4, v23;
	v23 =	vperm.xlane v19, v9  }
0x368: {  	[tilespmem:s22], [sflag:$0x3] =	stream.indirect_vreg.gather [hbm4b:s6+s2], $0x80, v22, vm0, $0xb8;
	[tilespmem:$0x14100] =	vst v63  }
0x369: {  	s23 =	simm.s32 $0xE980;
	v22 =	vadd.s32 v4, v23;
	v23 =	vperm.xlane v19, v10  }
0x36a: {  	[tilespmem:s23], [sflag:$0x3] =	stream.indirect_vreg.gather [hbm4b:s6+s2], $0x80, v20, vm0, $0xb8;
	[tilespmem:$0x14100] =	vst v63  }
0x36b: {  	s24 =	simm.s32 $0xEA00;
	v20 =	vadd.s32 v4, v23;
	v23 =	vperm.xlane v19, v0  }
0x36c: {  	[tilespmem:s24], [sflag:$0x3] =	stream.indirect_vreg.gather [hbm4b:s6+s2], $0x80, v21, vm0, $0xb8;
	[tilespmem:$0x14100] =	vst v63  }
0x36d: {  	s25 =	simm.s32 $0xEA80;
	v21 =	vadd.s32 v4, v23;
	v23 =	vperm.xlane v19, v11  }
0x36e: {  	[tilespmem:s25], [sflag:$0x3] =	stream.indirect_vreg.gather [hbm4b:s6+s2], $0x80, v22, vm0, $0xb8;
	[tilespmem:$0x14100] =	vst v63  }
0x36f: {  	s11 =	simm.s32 $0xEB00;
	v22 =	vadd.s32 v4, v23;
	v23 =	vperm.xlane v19, v12  }
0x370: {  	[tilespmem:s11], [sflag:$0x3] =	stream.indirect_vreg.gather [hbm4b:s6+s2], $0x80, v20, vm0, $0xb8;
	[tilespmem:$0x14100] =	vst v63  }
0x371: {  	s16 =	simm.s32 $0xEB80;
	v20 =	vadd.s32 v4, v23;
	v23 =	vperm.xlane v19, v13  }
0x372: {  	[tilespmem:s16], [sflag:$0x3] =	stream.indirect_vreg.gather [hbm4b:s6+s2], $0x80, v21, vm0, $0xb8;
	[tilespmem:$0x14100] =	vst v63  }
0x373: {  	s17 =	simm.s32 $0xEC00;
	v21 =	vadd.s32 v4, v23;
	v23 =	vperm.xlane v19, v14  }
0x374: {  	[tilespmem:s17], [sflag:$0x3] =	stream.indirect_vreg.gather [hbm4b:s6+s2], $0x80, v22, vm0, $0xb8;
	[tilespmem:$0x14100] =	vst v63  }
0x375: {  	s19 =	simm.s32 $0xEC80;
	v22 =	vadd.s32 v4, v23;
	v23 =	vperm.xlane v19, v2  }
0x376: {  	[tilespmem:s19], [sflag:$0x3] =	stream.indirect_vreg.gather [hbm4b:s6+s2], $0x80, v20, vm0, $0xb8;
	[tilespmem:$0x14100] =	vst v63  }
0x377: {  	s22 =	simm.s32 $0xED00;
	v20 =	vadd.s32 v4, v23;
	v23 =	vperm.xlane v19, v15  }
0x378: {  	[tilespmem:s22], [sflag:$0x3] =	stream.indirect_vreg.gather [hbm4b:s6+s2], $0x80, v21, vm0, $0xb8;
	[tilespmem:$0x14100] =	vst v63  }
0x379: {  	s23 =	simm.s32 $0xED80;
	v21 =	vadd.s32 v4, v23;
	v23 =	vperm.xlane v19, v16  }
0x37a: {  	[tilespmem:s23], [sflag:$0x3] =	stream.indirect_vreg.gather [hbm4b:s6+s2], $0x80, v22, vm0, $0xb8;
	[tilespmem:$0x14100] =	vst v63  }
0x37b: {  	s24 =	simm.s32 $0xEE00;
	v19 =	vperm.xlane v19, v17;
	v22 =	vadd.s32 v4, v23  }
0x37c: {  	[tilespmem:s24], [sflag:$0x3] =	stream.indirect_vreg.gather [hbm4b:s6+s2], $0x80, v20, vm0, $0xb8;
	[tilespmem:$0x14100] =	vst v63  }
0x37d: {  	s25 =	simm.s32 $0xEE80;
	v19 =	vadd.s32 v4, v19  }
0x37e: {  	[tilespmem:s25], [sflag:$0x3] =	stream.indirect_vreg.gather [hbm4b:s6+s2], $0x80, v21, vm0, $0xb8;
	[tilespmem:$0x14100] =	vst v63  }
0x37f: {  	s11 =	simm.s32 $0xEF00  }
0x380: {  	[tilespmem:s11], [sflag:$0x3] =	stream.indirect_vreg.gather [hbm4b:s6+s2], $0x80, v22, vm0, $0xb8;
	[tilespmem:$0x14100] =	vst v63  }
0x381: {  	s16 =	simm.s32 $0xEF80  }
0x382: {  	[tilespmem:s16], [sflag:$0x3] =	stream.indirect_vreg.gather [hbm4b:s6+s2], $0x80, v19, vm0, $0xb8;
	[tilespmem:$0x14100] =	vst v63  }
0x383: {  	v19 =	vld [tilespmem:$0x160];
	_ =	sdelay $0x4  }
0x384: {  	v20 =	vshll.u32 v19, $0xC  }
0x385: {  	v19 =	vand.u32 $0x7, v19;
	v20 =	vand.u32 $0xFFFF8000, v20  }
0x386: {  	v19 =	vor.u32 v19, v20  }
0x387: {  	v20 =	vperm.xlane v19, v3;
	_ =	sdelay $0x1  }
0x388: {  	v21 =	vperm.xlane v19, v5;
	v20 =	vadd.s32 v4, v20;
	_ =	sdelay $0x1  }
0x389: {  	v22 =	vperm.xlane v19, v6;
	v21 =	vadd.s32 v4, v21;
	_ =	sdelay $0x1  }
0x38a: {  	s17 =	simm.s32 $0xF000;
	v23 =	vperm.xlane v19, v7;
	v22 =	vadd.s32 v4, v22  }
0x38b: {  	[tilespmem:s17], [sflag:$0x3] =	stream.indirect_vreg.gather [hbm4b:s6+s2], $0x80, v20, vm0, $0xb8;
	[tilespmem:$0x14100] =	vst v63  }
0x38c: {  	s19 =	simm.s32 $0xF080;
	v20 =	vadd.s32 v4, v23;
	v23 =	vperm.xlane v19, v8  }
0x38d: {  	[tilespmem:s19], [sflag:$0x3] =	stream.indirect_vreg.gather [hbm4b:s6+s2], $0x80, v21, vm0, $0xb8;
	[tilespmem:$0x14100] =	vst v63  }
0x38e: {  	s22 =	simm.s32 $0xF100;
	v21 =	vadd.s32 v4, v23;
	v23 =	vperm.xlane v19, v9  }
0x38f: {  	[tilespmem:s22], [sflag:$0x3] =	stream.indirect_vreg.gather [hbm4b:s6+s2], $0x80, v22, vm0, $0xb8;
	[tilespmem:$0x14100] =	vst v63  }
0x390: {  	s23 =	simm.s32 $0xF180;
	v22 =	vadd.s32 v4, v23;
	v23 =	vperm.xlane v19, v10  }
0x391: {  	[tilespmem:s23], [sflag:$0x3] =	stream.indirect_vreg.gather [hbm4b:s6+s2], $0x80, v20, vm0, $0xb8;
	[tilespmem:$0x14100] =	vst v63  }
0x392: {  	s24 =	simm.s32 $0xF200;
	v20 =	vadd.s32 v4, v23;
	v23 =	vperm.xlane v19, v0  }
0x393: {  	[tilespmem:s24], [sflag:$0x3] =	stream.indirect_vreg.gather [hbm4b:s6+s2], $0x80, v21, vm0, $0xb8;
	[tilespmem:$0x14100] =	vst v63  }
0x394: {  	s25 =	simm.s32 $0xF280;
	v21 =	vadd.s32 v4, v23;
	v23 =	vperm.xlane v19, v11  }
0x395: {  	[tilespmem:s25], [sflag:$0x3] =	stream.indirect_vreg.gather [hbm4b:s6+s2], $0x80, v22, vm0, $0xb8;
	[tilespmem:$0x14100] =	vst v63  }
0x396: {  	s11 =	simm.s32 $0xF300;
	v22 =	vadd.s32 v4, v23;
	v23 =	vperm.xlane v19, v12  }
0x397: {  	[tilespmem:s11], [sflag:$0x3] =	stream.indirect_vreg.gather [hbm4b:s6+s2], $0x80, v20, vm0, $0xb8;
	[tilespmem:$0x14100] =	vst v63  }
0x398: {  	s16 =	simm.s32 $0xF380;
	v20 =	vadd.s32 v4, v23;
	v23 =	vperm.xlane v19, v13  }
0x399: {  	[tilespmem:s16], [sflag:$0x3] =	stream.indirect_vreg.gather [hbm4b:s6+s2], $0x80, v21, vm0, $0xb8;
	[tilespmem:$0x14100] =	vst v63  }
0x39a: {  	s17 =	simm.s32 $0xF400;
	v21 =	vadd.s32 v4, v23;
	v23 =	vperm.xlane v19, v14  }
0x39b: {  	[tilespmem:s17], [sflag:$0x3] =	stream.indirect_vreg.gather [hbm4b:s6+s2], $0x80, v22, vm0, $0xb8;
	[tilespmem:$0x14100] =	vst v63  }
0x39c: {  	s19 =	simm.s32 $0xF480;
	v22 =	vadd.s32 v4, v23;
	v23 =	vperm.xlane v19, v2  }
0x39d: {  	[tilespmem:s19], [sflag:$0x3] =	stream.indirect_vreg.gather [hbm4b:s6+s2], $0x80, v20, vm0, $0xb8;
	[tilespmem:$0x14100] =	vst v63  }
0x39e: {  	s22 =	simm.s32 $0xF500;
	v20 =	vadd.s32 v4, v23;
	v23 =	vperm.xlane v19, v15  }
0x39f: {  	[tilespmem:s22], [sflag:$0x3] =	stream.indirect_vreg.gather [hbm4b:s6+s2], $0x80, v21, vm0, $0xb8;
	[tilespmem:$0x14100] =	vst v63  }
0x3a0: {  	s23 =	simm.s32 $0xF580;
	v21 =	vadd.s32 v4, v23;
	v23 =	vperm.xlane v19, v16  }
0x3a1: {  	[tilespmem:s23], [sflag:$0x3] =	stream.indirect_vreg.gather [hbm4b:s6+s2], $0x80, v22, vm0, $0xb8;
	[tilespmem:$0x14100] =	vst v63  }
0x3a2: {  	s24 =	simm.s32 $0xF600;
	v19 =	vperm.xlane v19, v17;
	v22 =	vadd.s32 v4, v23  }
0x3a3: {  	[tilespmem:s24], [sflag:$0x3] =	stream.indirect_vreg.gather [hbm4b:s6+s2], $0x80, v20, vm0, $0xb8;
	[tilespmem:$0x14100] =	vst v63  }
0x3a4: {  	s25 =	simm.s32 $0xF680;
	v19 =	vadd.s32 v4, v19  }
0x3a5: {  	[tilespmem:s25], [sflag:$0x3] =	stream.indirect_vreg.gather [hbm4b:s6+s2], $0x80, v21, vm0, $0xb8;
	[tilespmem:$0x14100] =	vst v63  }
0x3a6: {  	s11 =	simm.s32 $0xF700  }
0x3a7: {  	[tilespmem:s11], [sflag:$0x3] =	stream.indirect_vreg.gather [hbm4b:s6+s2], $0x80, v22, vm0, $0xb8;
	[tilespmem:$0x14100] =	vst v63  }
0x3a8: {  	s16 =	simm.s32 $0xF780  }
0x3a9: {  	[tilespmem:s16], [sflag:$0x3] =	stream.indirect_vreg.gather [hbm4b:s6+s2], $0x80, v19, vm0, $0xb8;
	[tilespmem:$0x14100] =	vst v63  }
0x3aa: {  	v19 =	vld [tilespmem:$0x170];
	_ =	sdelay $0x4  }
0x3ab: {  	v20 =	vshll.u32 v19, $0xC  }
0x3ac: {  	v19 =	vand.u32 $0x7, v19;
	v20 =	vand.u32 $0xFFFF8000, v20  }
0x3ad: {  	v19 =	vor.u32 v19, v20  }
0x3ae: {  	v20 =	vperm.xlane v19, v3;
	_ =	sdelay $0x1  }
0x3af: {  	v21 =	vperm.xlane v19, v5;
	v20 =	vadd.s32 v4, v20;
	_ =	sdelay $0x1  }
0x3b0: {  	v22 =	vperm.xlane v19, v6;
	v21 =	vadd.s32 v4, v21;
	_ =	sdelay $0x1  }
0x3b1: {  	s17 =	simm.s32 $0xF800;
	v23 =	vperm.xlane v19, v7;
	v22 =	vadd.s32 v4, v22  }
0x3b2: {  	[tilespmem:s17], [sflag:$0x3] =	stream.indirect_vreg.gather [hbm4b:s6+s2], $0x80, v20, vm0, $0xb8;
	[tilespmem:$0x14100] =	vst v63  }
0x3b3: {  	s19 =	simm.s32 $0xF880;
	v20 =	vadd.s32 v4, v23;
	v23 =	vperm.xlane v19, v8  }
0x3b4: {  	[tilespmem:s19], [sflag:$0x3] =	stream.indirect_vreg.gather [hbm4b:s6+s2], $0x80, v21, vm0, $0xb8;
	[tilespmem:$0x14100] =	vst v63  }
0x3b5: {  	s22 =	simm.s32 $0xF900;
	v21 =	vadd.s32 v4, v23;
	v23 =	vperm.xlane v19, v9  }
0x3b6: {  	[tilespmem:s22], [sflag:$0x3] =	stream.indirect_vreg.gather [hbm4b:s6+s2], $0x80, v22, vm0, $0xb8;
	[tilespmem:$0x14100] =	vst v63  }
0x3b7: {  	s23 =	simm.s32 $0xF980;
	v22 =	vadd.s32 v4, v23;
	v23 =	vperm.xlane v19, v10  }
0x3b8: {  	[tilespmem:s23], [sflag:$0x3] =	stream.indirect_vreg.gather [hbm4b:s6+s2], $0x80, v20, vm0, $0xb8;
	[tilespmem:$0x14100] =	vst v63  }
0x3b9: {  	s24 =	simm.s32 $0xFA00;
	v20 =	vadd.s32 v4, v23;
	v23 =	vperm.xlane v19, v0  }
0x3ba: {  	[tilespmem:s24], [sflag:$0x3] =	stream.indirect_vreg.gather [hbm4b:s6+s2], $0x80, v21, vm0, $0xb8;
	[tilespmem:$0x14100] =	vst v63  }
0x3bb: {  	s25 =	simm.s32 $0xFA80;
	v21 =	vadd.s32 v4, v23;
	v23 =	vperm.xlane v19, v11  }
0x3bc: {  	[tilespmem:s25], [sflag:$0x3] =	stream.indirect_vreg.gather [hbm4b:s6+s2], $0x80, v22, vm0, $0xb8;
	[tilespmem:$0x14100] =	vst v63  }
0x3bd: {  	s11 =	simm.s32 $0xFB00;
	v22 =	vadd.s32 v4, v23;
	v23 =	vperm.xlane v19, v12  }
0x3be: {  	[tilespmem:s11], [sflag:$0x3] =	stream.indirect_vreg.gather [hbm4b:s6+s2], $0x80, v20, vm0, $0xb8;
	[tilespmem:$0x14100] =	vst v63  }
0x3bf: {  	s16 =	simm.s32 $0xFB80;
	v20 =	vadd.s32 v4, v23;
	v23 =	vperm.xlane v19, v13  }
0x3c0: {  	[tilespmem:s16], [sflag:$0x3] =	stream.indirect_vreg.gather [hbm4b:s6+s2], $0x80, v21, vm0, $0xb8;
	[tilespmem:$0x14100] =	vst v63  }
0x3c1: {  	s17 =	simm.s32 $0xFC00;
	v21 =	vadd.s32 v4, v23;
	v23 =	vperm.xlane v19, v14  }
0x3c2: {  	[tilespmem:s17], [sflag:$0x3] =	stream.indirect_vreg.gather [hbm4b:s6+s2], $0x80, v22, vm0, $0xb8;
	[tilespmem:$0x14100] =	vst v63  }
0x3c3: {  	s19 =	simm.s32 $0xFC80;
	v22 =	vadd.s32 v4, v23;
	v23 =	vperm.xlane v19, v2  }
0x3c4: {  	[tilespmem:s19], [sflag:$0x3] =	stream.indirect_vreg.gather [hbm4b:s6+s2], $0x80, v20, vm0, $0xb8;
	[tilespmem:$0x14100] =	vst v63  }
0x3c5: {  	s22 =	simm.s32 $0xFD00;
	v20 =	vadd.s32 v4, v23;
	v23 =	vperm.xlane v19, v15  }
0x3c6: {  	[tilespmem:s22], [sflag:$0x3] =	stream.indirect_vreg.gather [hbm4b:s6+s2], $0x80, v21, vm0, $0xb8;
	[tilespmem:$0x14100] =	vst v63  }
0x3c7: {  	s23 =	simm.s32 $0xFD80;
	v21 =	vadd.s32 v4, v23;
	v23 =	vperm.xlane v19, v16  }
0x3c8: {  	[tilespmem:s23], [sflag:$0x3] =	stream.indirect_vreg.gather [hbm4b:s6+s2], $0x80, v22, vm0, $0xb8;
	[tilespmem:$0x14100] =	vst v63  }
0x3c9: {  	s24 =	simm.s32 $0xFE00;
	v19 =	vperm.xlane v19, v17;
	v22 =	vadd.s32 v4, v23  }
0x3ca: {  	[tilespmem:s24], [sflag:$0x3] =	stream.indirect_vreg.gather [hbm4b:s6+s2], $0x80, v20, vm0, $0xb8;
	[tilespmem:$0x14100] =	vst v63  }
0x3cb: {  	s25 =	simm.s32 $0xFE80;
	v19 =	vadd.s32 v4, v19  }
0x3cc: {  	[tilespmem:s25], [sflag:$0x3] =	stream.indirect_vreg.gather [hbm4b:s6+s2], $0x80, v21, vm0, $0xb8;
	[tilespmem:$0x14100] =	vst v63  }
0x3cd: {  	s11 =	simm.s32 $0xFF00  }
0x3ce: {  	[tilespmem:s11], [sflag:$0x3] =	stream.indirect_vreg.gather [hbm4b:s6+s2], $0x80, v22, vm0, $0xb8;
	[tilespmem:$0x14100] =	vst v63  }
0x3cf: {  	s16 =	simm.s32 $0xFF80  }
0x3d0: {  	[tilespmem:s16], [sflag:$0x3] =	stream.indirect_vreg.gather [hbm4b:s6+s2], $0x80, v19, vm0, $0xb8;
	[tilespmem:$0x14100] =	vst v63  }
0x3d1: {  	v19 =	vld [tilespmem:$0x180];
	_ =	sdelay $0x4  }
0x3d2: {  	v20 =	vshll.u32 v19, $0xC  }
0x3d3: {  	v19 =	vand.u32 $0x7, v19;
	v20 =	vand.u32 $0xFFFF8000, v20  }
0x3d4: {  	v19 =	vor.u32 v19, v20  }
0x3d5: {  	v20 =	vperm.xlane v19, v3;
	_ =	sdelay $0x1  }
0x3d6: {  	v21 =	vperm.xlane v19, v5;
	v20 =	vadd.s32 v4, v20;
	_ =	sdelay $0x1  }
0x3d7: {  	v22 =	vperm.xlane v19, v6;
	v21 =	vadd.s32 v4, v21;
	_ =	sdelay $0x1  }
0x3d8: {  	v23 =	vperm.xlane v19, v7;
	v22 =	vadd.s32 v4, v22  }
0x3d9: {  	[tilespmem:s8], [sflag:$0x4] =	stream.indirect_vreg.gather [hbm4b:s7+s2], $0x80, v20, vm0, $0xb8;
	[tilespmem:$0x14100] =	vst v63  }
0x3da: {  	s17 =	simm.s32 $0x10080;
	v20 =	vadd.s32 v4, v23;
	v23 =	vperm.xlane v19, v8  }
0x3db: {  	[tilespmem:s17], [sflag:$0x4] =	stream.indirect_vreg.gather [hbm4b:s7+s2], $0x80, v21, vm0, $0xb8;
	[tilespmem:$0x14100] =	vst v63  }
0x3dc: {  	s19 =	simm.s32 $0x10100;
	v21 =	vadd.s32 v4, v23;
	v23 =	vperm.xlane v19, v9  }
0x3dd: {  	[tilespmem:s19], [sflag:$0x4] =	stream.indirect_vreg.gather [hbm4b:s7+s2], $0x80, v22, vm0, $0xb8;
	[tilespmem:$0x14100] =	vst v63  }
0x3de: {  	s22 =	simm.s32 $0x10180;
	v22 =	vadd.s32 v4, v23;
	v23 =	vperm.xlane v19, v10  }
0x3df: {  	[tilespmem:s22], [sflag:$0x4] =	stream.indirect_vreg.gather [hbm4b:s7+s2], $0x80, v20, vm0, $0xb8;
	[tilespmem:$0x14100] =	vst v63  }
0x3e0: {  	s23 =	simm.s32 $0x10200;
	v20 =	vadd.s32 v4, v23;
	v23 =	vperm.xlane v19, v0  }
0x3e1: {  	[tilespmem:s23], [sflag:$0x4] =	stream.indirect_vreg.gather [hbm4b:s7+s2], $0x80, v21, vm0, $0xb8;
	[tilespmem:$0x14100] =	vst v63  }
0x3e2: {  	s24 =	simm.s32 $0x10280;
	v21 =	vadd.s32 v4, v23;
	v23 =	vperm.xlane v19, v11  }
0x3e3: {  	[tilespmem:s24], [sflag:$0x4] =	stream.indirect_vreg.gather [hbm4b:s7+s2], $0x80, v22, vm0, $0xb8;
	[tilespmem:$0x14100] =	vst v63  }
0x3e4: {  	s25 =	simm.s32 $0x10300;
	v22 =	vadd.s32 v4, v23;
	v23 =	vperm.xlane v19, v12  }
0x3e5: {  	[tilespmem:s25], [sflag:$0x4] =	stream.indirect_vreg.gather [hbm4b:s7+s2], $0x80, v20, vm0, $0xb8;
	[tilespmem:$0x14100] =	vst v63  }
0x3e6: {  	s11 =	simm.s32 $0x10380;
	v20 =	vadd.s32 v4, v23;
	v23 =	vperm.xlane v19, v13  }
0x3e7: {  	[tilespmem:s11], [sflag:$0x4] =	stream.indirect_vreg.gather [hbm4b:s7+s2], $0x80, v21, vm0, $0xb8;
	[tilespmem:$0x14100] =	vst v63  }
0x3e8: {  	s16 =	simm.s32 $0x10400;
	v21 =	vadd.s32 v4, v23;
	v23 =	vperm.xlane v19, v14  }
0x3e9: {  	[tilespmem:s16], [sflag:$0x4] =	stream.indirect_vreg.gather [hbm4b:s7+s2], $0x80, v22, vm0, $0xb8;
	[tilespmem:$0x14100] =	vst v63  }
0x3ea: {  	s17 =	simm.s32 $0x10480;
	v22 =	vadd.s32 v4, v23;
	v23 =	vperm.xlane v19, v2  }
0x3eb: {  	[tilespmem:s17], [sflag:$0x4] =	stream.indirect_vreg.gather [hbm4b:s7+s2], $0x80, v20, vm0, $0xb8;
	[tilespmem:$0x14100] =	vst v63  }
0x3ec: {  	s19 =	simm.s32 $0x10500;
	v20 =	vadd.s32 v4, v23;
	v23 =	vperm.xlane v19, v15  }
0x3ed: {  	[tilespmem:s19], [sflag:$0x4] =	stream.indirect_vreg.gather [hbm4b:s7+s2], $0x80, v21, vm0, $0xb8;
	[tilespmem:$0x14100] =	vst v63  }
0x3ee: {  	s22 =	simm.s32 $0x10580;
	v21 =	vadd.s32 v4, v23;
	v23 =	vperm.xlane v19, v16  }
0x3ef: {  	[tilespmem:s22], [sflag:$0x4] =	stream.indirect_vreg.gather [hbm4b:s7+s2], $0x80, v22, vm0, $0xb8;
	[tilespmem:$0x14100] =	vst v63  }
0x3f0: {  	s23 =	simm.s32 $0x10600;
	v19 =	vperm.xlane v19, v17;
	v22 =	vadd.s32 v4, v23  }
0x3f1: {  	[tilespmem:s23], [sflag:$0x4] =	stream.indirect_vreg.gather [hbm4b:s7+s2], $0x80, v20, vm0, $0xb8;
	[tilespmem:$0x14100] =	vst v63  }
0x3f2: {  	s24 =	simm.s32 $0x10680;
	v19 =	vadd.s32 v4, v19  }
0x3f3: {  	[tilespmem:s24], [sflag:$0x4] =	stream.indirect_vreg.gather [hbm4b:s7+s2], $0x80, v21, vm0, $0xb8;
	[tilespmem:$0x14100] =	vst v63  }
0x3f4: {  	s25 =	simm.s32 $0x10700  }
0x3f5: {  	[tilespmem:s25], [sflag:$0x4] =	stream.indirect_vreg.gather [hbm4b:s7+s2], $0x80, v22, vm0, $0xb8;
	[tilespmem:$0x14100] =	vst v63  }
0x3f6: {  	s11 =	simm.s32 $0x10780  }
0x3f7: {  	[tilespmem:s11], [sflag:$0x4] =	stream.indirect_vreg.gather [hbm4b:s7+s2], $0x80, v19, vm0, $0xb8;
	[tilespmem:$0x14100] =	vst v63  }
0x3f8: {  	v19 =	vld [tilespmem:$0x190];
	_ =	sdelay $0x4  }
0x3f9: {  	v20 =	vshll.u32 v19, $0xC  }
0x3fa: {  	v19 =	vand.u32 $0x7, v19;
	v20 =	vand.u32 $0xFFFF8000, v20  }
0x3fb: {  	v19 =	vor.u32 v19, v20  }
0x3fc: {  	v20 =	vperm.xlane v19, v3;
	_ =	sdelay $0x1  }
0x3fd: {  	v21 =	vperm.xlane v19, v5;
	v20 =	vadd.s32 v4, v20;
	_ =	sdelay $0x1  }
0x3fe: {  	v22 =	vperm.xlane v19, v6;
	v21 =	vadd.s32 v4, v21;
	_ =	sdelay $0x1  }
0x3ff: {  	s16 =	simm.s32 $0x10800;
	v23 =	vperm.xlane v19, v7;
	v22 =	vadd.s32 v4, v22  }
0x400: {  	[tilespmem:s16], [sflag:$0x4] =	stream.indirect_vreg.gather [hbm4b:s7+s2], $0x80, v20, vm0, $0xb8;
	[tilespmem:$0x14100] =	vst v63  }
0x401: {  	s17 =	simm.s32 $0x10880;
	v20 =	vadd.s32 v4, v23;
	v23 =	vperm.xlane v19, v8  }
0x402: {  	[tilespmem:s17], [sflag:$0x4] =	stream.indirect_vreg.gather [hbm4b:s7+s2], $0x80, v21, vm0, $0xb8;
	[tilespmem:$0x14100] =	vst v63  }
0x403: {  	s19 =	simm.s32 $0x10900;
	v21 =	vadd.s32 v4, v23;
	v23 =	vperm.xlane v19, v9  }
0x404: {  	[tilespmem:s19], [sflag:$0x4] =	stream.indirect_vreg.gather [hbm4b:s7+s2], $0x80, v22, vm0, $0xb8;
	[tilespmem:$0x14100] =	vst v63  }
0x405: {  	s22 =	simm.s32 $0x10980;
	v22 =	vadd.s32 v4, v23;
	v23 =	vperm.xlane v19, v10  }
0x406: {  	[tilespmem:s22], [sflag:$0x4] =	stream.indirect_vreg.gather [hbm4b:s7+s2], $0x80, v20, vm0, $0xb8;
	[tilespmem:$0x14100] =	vst v63  }
0x407: {  	s23 =	simm.s32 $0x10A00;
	v20 =	vadd.s32 v4, v23;
	v23 =	vperm.xlane v19, v0  }
0x408: {  	[tilespmem:s23], [sflag:$0x4] =	stream.indirect_vreg.gather [hbm4b:s7+s2], $0x80, v21, vm0, $0xb8;
	[tilespmem:$0x14100] =	vst v63  }
0x409: {  	s24 =	simm.s32 $0x10A80;
	v21 =	vadd.s32 v4, v23;
	v23 =	vperm.xlane v19, v11  }
0x40a: {  	[tilespmem:s24], [sflag:$0x4] =	stream.indirect_vreg.gather [hbm4b:s7+s2], $0x80, v22, vm0, $0xb8;
	[tilespmem:$0x14100] =	vst v63  }
0x40b: {  	s25 =	simm.s32 $0x10B00;
	v22 =	vadd.s32 v4, v23;
	v23 =	vperm.xlane v19, v12  }
0x40c: {  	[tilespmem:s25], [sflag:$0x4] =	stream.indirect_vreg.gather [hbm4b:s7+s2], $0x80, v20, vm0, $0xb8;
	[tilespmem:$0x14100] =	vst v63  }
0x40d: {  	s11 =	simm.s32 $0x10B80;
	v20 =	vadd.s32 v4, v23;
	v23 =	vperm.xlane v19, v13  }
0x40e: {  	[tilespmem:s11], [sflag:$0x4] =	stream.indirect_vreg.gather [hbm4b:s7+s2], $0x80, v21, vm0, $0xb8;
	[tilespmem:$0x14100] =	vst v63  }
0x40f: {  	s16 =	simm.s32 $0x10C00;
	v21 =	vadd.s32 v4, v23;
	v23 =	vperm.xlane v19, v14  }
0x410: {  	[tilespmem:s16], [sflag:$0x4] =	stream.indirect_vreg.gather [hbm4b:s7+s2], $0x80, v22, vm0, $0xb8;
	[tilespmem:$0x14100] =	vst v63  }
0x411: {  	s17 =	simm.s32 $0x10C80;
	v22 =	vadd.s32 v4, v23;
	v23 =	vperm.xlane v19, v2  }
0x412: {  	[tilespmem:s17], [sflag:$0x4] =	stream.indirect_vreg.gather [hbm4b:s7+s2], $0x80, v20, vm0, $0xb8;
	[tilespmem:$0x14100] =	vst v63  }
0x413: {  	s19 =	simm.s32 $0x10D00;
	v20 =	vadd.s32 v4, v23;
	v23 =	vperm.xlane v19, v15  }
0x414: {  	[tilespmem:s19], [sflag:$0x4] =	stream.indirect_vreg.gather [hbm4b:s7+s2], $0x80, v21, vm0, $0xb8;
	[tilespmem:$0x14100] =	vst v63  }
0x415: {  	s22 =	simm.s32 $0x10D80;
	v21 =	vadd.s32 v4, v23;
	v23 =	vperm.xlane v19, v16  }
0x416: {  	[tilespmem:s22], [sflag:$0x4] =	stream.indirect_vreg.gather [hbm4b:s7+s2], $0x80, v22, vm0, $0xb8;
	[tilespmem:$0x14100] =	vst v63  }
0x417: {  	s23 =	simm.s32 $0x10E00;
	v19 =	vperm.xlane v19, v17;
	v22 =	vadd.s32 v4, v23  }
0x418: {  	[tilespmem:s23], [sflag:$0x4] =	stream.indirect_vreg.gather [hbm4b:s7+s2], $0x80, v20, vm0, $0xb8;
	[tilespmem:$0x14100] =	vst v63  }
0x419: {  	s24 =	simm.s32 $0x10E80;
	v19 =	vadd.s32 v4, v19  }
0x41a: {  	[tilespmem:s24], [sflag:$0x4] =	stream.indirect_vreg.gather [hbm4b:s7+s2], $0x80, v21, vm0, $0xb8;
	[tilespmem:$0x14100] =	vst v63  }
0x41b: {  	s25 =	simm.s32 $0x10F00  }
0x41c: {  	[tilespmem:s25], [sflag:$0x4] =	stream.indirect_vreg.gather [hbm4b:s7+s2], $0x80, v22, vm0, $0xb8;
	[tilespmem:$0x14100] =	vst v63  }
0x41d: {  	s11 =	simm.s32 $0x10F80  }
0x41e: {  	[tilespmem:s11], [sflag:$0x4] =	stream.indirect_vreg.gather [hbm4b:s7+s2], $0x80, v19, vm0, $0xb8;
	[tilespmem:$0x14100] =	vst v63  }
0x41f: {  	v19 =	vld [tilespmem:$0x1A0];
	_ =	sdelay $0x4  }
0x420: {  	v20 =	vshll.u32 v19, $0xC  }
0x421: {  	v19 =	vand.u32 $0x7, v19;
	v20 =	vand.u32 $0xFFFF8000, v20  }
0x422: {  	v19 =	vor.u32 v19, v20  }
0x423: {  	v20 =	vperm.xlane v19, v3;
	_ =	sdelay $0x1  }
0x424: {  	v21 =	vperm.xlane v19, v5;
	v20 =	vadd.s32 v4, v20;
	_ =	sdelay $0x1  }
0x425: {  	v22 =	vperm.xlane v19, v6;
	v21 =	vadd.s32 v4, v21;
	_ =	sdelay $0x1  }
0x426: {  	s16 =	simm.s32 $0x11000;
	v23 =	vperm.xlane v19, v7;
	v22 =	vadd.s32 v4, v22  }
0x427: {  	[tilespmem:s16], [sflag:$0x4] =	stream.indirect_vreg.gather [hbm4b:s7+s2], $0x80, v20, vm0, $0xb8;
	[tilespmem:$0x14100] =	vst v63  }
0x428: {  	s17 =	simm.s32 $0x11080;
	v20 =	vadd.s32 v4, v23;
	v23 =	vperm.xlane v19, v8  }
0x429: {  	[tilespmem:s17], [sflag:$0x4] =	stream.indirect_vreg.gather [hbm4b:s7+s2], $0x80, v21, vm0, $0xb8;
	[tilespmem:$0x14100] =	vst v63  }
0x42a: {  	s19 =	simm.s32 $0x11100;
	v21 =	vadd.s32 v4, v23;
	v23 =	vperm.xlane v19, v9  }
0x42b: {  	[tilespmem:s19], [sflag:$0x4] =	stream.indirect_vreg.gather [hbm4b:s7+s2], $0x80, v22, vm0, $0xb8;
	[tilespmem:$0x14100] =	vst v63  }
0x42c: {  	s22 =	simm.s32 $0x11180;
	v22 =	vadd.s32 v4, v23;
	v23 =	vperm.xlane v19, v10  }
0x42d: {  	[tilespmem:s22], [sflag:$0x4] =	stream.indirect_vreg.gather [hbm4b:s7+s2], $0x80, v20, vm0, $0xb8;
	[tilespmem:$0x14100] =	vst v63  }
0x42e: {  	s23 =	simm.s32 $0x11200;
	v20 =	vadd.s32 v4, v23;
	v23 =	vperm.xlane v19, v0  }
0x42f: {  	[tilespmem:s23], [sflag:$0x4] =	stream.indirect_vreg.gather [hbm4b:s7+s2], $0x80, v21, vm0, $0xb8;
	[tilespmem:$0x14100] =	vst v63  }
0x430: {  	s24 =	simm.s32 $0x11280;
	v21 =	vadd.s32 v4, v23;
	v23 =	vperm.xlane v19, v11  }
0x431: {  	[tilespmem:s24], [sflag:$0x4] =	stream.indirect_vreg.gather [hbm4b:s7+s2], $0x80, v22, vm0, $0xb8;
	[tilespmem:$0x14100] =	vst v63  }
0x432: {  	s25 =	simm.s32 $0x11300;
	v22 =	vadd.s32 v4, v23;
	v23 =	vperm.xlane v19, v12  }
0x433: {  	[tilespmem:s25], [sflag:$0x4] =	stream.indirect_vreg.gather [hbm4b:s7+s2], $0x80, v20, vm0, $0xb8;
	[tilespmem:$0x14100] =	vst v63  }
0x434: {  	s11 =	simm.s32 $0x11380;
	v20 =	vadd.s32 v4, v23;
	v23 =	vperm.xlane v19, v13  }
0x435: {  	[tilespmem:s11], [sflag:$0x4] =	stream.indirect_vreg.gather [hbm4b:s7+s2], $0x80, v21, vm0, $0xb8;
	[tilespmem:$0x14100] =	vst v63  }
0x436: {  	s16 =	simm.s32 $0x11400;
	v21 =	vadd.s32 v4, v23;
	v23 =	vperm.xlane v19, v14  }
0x437: {  	[tilespmem:s16], [sflag:$0x4] =	stream.indirect_vreg.gather [hbm4b:s7+s2], $0x80, v22, vm0, $0xb8;
	[tilespmem:$0x14100] =	vst v63  }
0x438: {  	s17 =	simm.s32 $0x11480;
	v22 =	vadd.s32 v4, v23;
	v23 =	vperm.xlane v19, v2  }
0x439: {  	[tilespmem:s17], [sflag:$0x4] =	stream.indirect_vreg.gather [hbm4b:s7+s2], $0x80, v20, vm0, $0xb8;
	[tilespmem:$0x14100] =	vst v63  }
0x43a: {  	s19 =	simm.s32 $0x11500;
	v20 =	vadd.s32 v4, v23;
	v23 =	vperm.xlane v19, v15  }
0x43b: {  	[tilespmem:s19], [sflag:$0x4] =	stream.indirect_vreg.gather [hbm4b:s7+s2], $0x80, v21, vm0, $0xb8;
	[tilespmem:$0x14100] =	vst v63  }
0x43c: {  	s22 =	simm.s32 $0x11580;
	v21 =	vadd.s32 v4, v23;
	v23 =	vperm.xlane v19, v16  }
0x43d: {  	[tilespmem:s22], [sflag:$0x4] =	stream.indirect_vreg.gather [hbm4b:s7+s2], $0x80, v22, vm0, $0xb8;
	[tilespmem:$0x14100] =	vst v63  }
0x43e: {  	s23 =	simm.s32 $0x11600;
	v19 =	vperm.xlane v19, v17;
	v22 =	vadd.s32 v4, v23  }
0x43f: {  	[tilespmem:s23], [sflag:$0x4] =	stream.indirect_vreg.gather [hbm4b:s7+s2], $0x80, v20, vm0, $0xb8;
	[tilespmem:$0x14100] =	vst v63  }
0x440: {  	s24 =	simm.s32 $0x11680;
	v19 =	vadd.s32 v4, v19  }
0x441: {  	[tilespmem:s24], [sflag:$0x4] =	stream.indirect_vreg.gather [hbm4b:s7+s2], $0x80, v21, vm0, $0xb8;
	[tilespmem:$0x14100] =	vst v63  }
0x442: {  	s25 =	simm.s32 $0x11700  }
0x443: {  	[tilespmem:s25], [sflag:$0x4] =	stream.indirect_vreg.gather [hbm4b:s7+s2], $0x80, v22, vm0, $0xb8;
	[tilespmem:$0x14100] =	vst v63  }
0x444: {  	s11 =	simm.s32 $0x11780  }
0x445: {  	[tilespmem:s11], [sflag:$0x4] =	stream.indirect_vreg.gather [hbm4b:s7+s2], $0x80, v19, vm0, $0xb8;
	[tilespmem:$0x14100] =	vst v63  }
0x446: {  	v19 =	vld [tilespmem:$0x1B0];
	_ =	sdelay $0x4  }
0x447: {  	v20 =	vshll.u32 v19, $0xC  }
0x448: {  	v19 =	vand.u32 $0x7, v19;
	v20 =	vand.u32 $0xFFFF8000, v20  }
0x449: {  	v19 =	vor.u32 v19, v20  }
0x44a: {  	v20 =	vperm.xlane v19, v3;
	_ =	sdelay $0x1  }
0x44b: {  	v21 =	vperm.xlane v19, v5;
	v20 =	vadd.s32 v4, v20;
	_ =	sdelay $0x1  }
0x44c: {  	v22 =	vperm.xlane v19, v6;
	v21 =	vadd.s32 v4, v21;
	_ =	sdelay $0x1  }
0x44d: {  	s16 =	simm.s32 $0x11800;
	v23 =	vperm.xlane v19, v7;
	v22 =	vadd.s32 v4, v22  }
0x44e: {  	[tilespmem:s16], [sflag:$0x4] =	stream.indirect_vreg.gather [hbm4b:s7+s2], $0x80, v20, vm0, $0xb8;
	[tilespmem:$0x14100] =	vst v63  }
0x44f: {  	s17 =	simm.s32 $0x11880;
	v20 =	vadd.s32 v4, v23;
	v23 =	vperm.xlane v19, v8  }
0x450: {  	[tilespmem:s17], [sflag:$0x4] =	stream.indirect_vreg.gather [hbm4b:s7+s2], $0x80, v21, vm0, $0xb8;
	[tilespmem:$0x14100] =	vst v63  }
0x451: {  	s19 =	simm.s32 $0x11900;
	v21 =	vadd.s32 v4, v23;
	v23 =	vperm.xlane v19, v9  }
0x452: {  	[tilespmem:s19], [sflag:$0x4] =	stream.indirect_vreg.gather [hbm4b:s7+s2], $0x80, v22, vm0, $0xb8;
	[tilespmem:$0x14100] =	vst v63  }
0x453: {  	s22 =	simm.s32 $0x11980;
	v22 =	vadd.s32 v4, v23;
	v23 =	vperm.xlane v19, v10  }
0x454: {  	[tilespmem:s22], [sflag:$0x4] =	stream.indirect_vreg.gather [hbm4b:s7+s2], $0x80, v20, vm0, $0xb8;
	[tilespmem:$0x14100] =	vst v63  }
0x455: {  	s23 =	simm.s32 $0x11A00;
	v20 =	vadd.s32 v4, v23;
	v23 =	vperm.xlane v19, v0  }
0x456: {  	[tilespmem:s23], [sflag:$0x4] =	stream.indirect_vreg.gather [hbm4b:s7+s2], $0x80, v21, vm0, $0xb8;
	[tilespmem:$0x14100] =	vst v63  }
0x457: {  	s24 =	simm.s32 $0x11A80;
	v21 =	vadd.s32 v4, v23;
	v23 =	vperm.xlane v19, v11  }
0x458: {  	[tilespmem:s24], [sflag:$0x4] =	stream.indirect_vreg.gather [hbm4b:s7+s2], $0x80, v22, vm0, $0xb8;
	[tilespmem:$0x14100] =	vst v63  }
0x459: {  	s25 =	simm.s32 $0x11B00;
	v22 =	vadd.s32 v4, v23;
	v23 =	vperm.xlane v19, v12  }
0x45a: {  	[tilespmem:s25], [sflag:$0x4] =	stream.indirect_vreg.gather [hbm4b:s7+s2], $0x80, v20, vm0, $0xb8;
	[tilespmem:$0x14100] =	vst v63  }
0x45b: {  	s11 =	simm.s32 $0x11B80;
	v20 =	vadd.s32 v4, v23;
	v23 =	vperm.xlane v19, v13  }
0x45c: {  	[tilespmem:s11], [sflag:$0x4] =	stream.indirect_vreg.gather [hbm4b:s7+s2], $0x80, v21, vm0, $0xb8;
	[tilespmem:$0x14100] =	vst v63  }
0x45d: {  	s16 =	simm.s32 $0x11C00;
	v21 =	vadd.s32 v4, v23;
	v23 =	vperm.xlane v19, v14  }
0x45e: {  	[tilespmem:s16], [sflag:$0x4] =	stream.indirect_vreg.gather [hbm4b:s7+s2], $0x80, v22, vm0, $0xb8;
	[tilespmem:$0x14100] =	vst v63  }
0x45f: {  	s17 =	simm.s32 $0x11C80;
	v22 =	vadd.s32 v4, v23;
	v23 =	vperm.xlane v19, v2  }
0x460: {  	[tilespmem:s17], [sflag:$0x4] =	stream.indirect_vreg.gather [hbm4b:s7+s2], $0x80, v20, vm0, $0xb8;
	[tilespmem:$0x14100] =	vst v63  }
0x461: {  	s19 =	simm.s32 $0x11D00;
	v20 =	vadd.s32 v4, v23;
	v23 =	vperm.xlane v19, v15  }
0x462: {  	[tilespmem:s19], [sflag:$0x4] =	stream.indirect_vreg.gather [hbm4b:s7+s2], $0x80, v21, vm0, $0xb8;
	[tilespmem:$0x14100] =	vst v63  }
0x463: {  	s22 =	simm.s32 $0x11D80;
	v21 =	vadd.s32 v4, v23;
	v23 =	vperm.xlane v19, v16  }
0x464: {  	[tilespmem:s22], [sflag:$0x4] =	stream.indirect_vreg.gather [hbm4b:s7+s2], $0x80, v22, vm0, $0xb8;
	[tilespmem:$0x14100] =	vst v63  }
0x465: {  	s23 =	simm.s32 $0x11E00;
	v19 =	vperm.xlane v19, v17;
	v22 =	vadd.s32 v4, v23  }
0x466: {  	[tilespmem:s23], [sflag:$0x4] =	stream.indirect_vreg.gather [hbm4b:s7+s2], $0x80, v20, vm0, $0xb8;
	[tilespmem:$0x14100] =	vst v63  }
0x467: {  	s24 =	simm.s32 $0x11E80;
	v19 =	vadd.s32 v4, v19  }
0x468: {  	[tilespmem:s24], [sflag:$0x4] =	stream.indirect_vreg.gather [hbm4b:s7+s2], $0x80, v21, vm0, $0xb8;
	[tilespmem:$0x14100] =	vst v63  }
0x469: {  	s25 =	simm.s32 $0x11F00  }
0x46a: {  	[tilespmem:s25], [sflag:$0x4] =	stream.indirect_vreg.gather [hbm4b:s7+s2], $0x80, v22, vm0, $0xb8;
	[tilespmem:$0x14100] =	vst v63  }
0x46b: {  	s11 =	simm.s32 $0x11F80  }
0x46c: {  	[tilespmem:s11], [sflag:$0x4] =	stream.indirect_vreg.gather [hbm4b:s7+s2], $0x80, v19, vm0, $0xb8;
	[tilespmem:$0x14100] =	vst v63  }
0x46d: {  	v19 =	vld [tilespmem:$0x1C0];
	_ =	sdelay $0x4  }
0x46e: {  	v20 =	vshll.u32 v19, $0xC  }
0x46f: {  	v19 =	vand.u32 $0x7, v19;
	v20 =	vand.u32 $0xFFFF8000, v20  }
0x470: {  	v19 =	vor.u32 v19, v20  }
0x471: {  	v20 =	vperm.xlane v19, v3;
	_ =	sdelay $0x1  }
0x472: {  	v21 =	vperm.xlane v19, v5;
	v20 =	vadd.s32 v4, v20;
	_ =	sdelay $0x1  }
0x473: {  	v22 =	vperm.xlane v19, v6;
	v21 =	vadd.s32 v4, v21;
	_ =	sdelay $0x1  }
0x474: {  	s16 =	simm.s32 $0x12000;
	v23 =	vperm.xlane v19, v7;
	v22 =	vadd.s32 v4, v22  }
0x475: {  	[tilespmem:s16], [sflag:$0x4] =	stream.indirect_vreg.gather [hbm4b:s7+s2], $0x80, v20, vm0, $0xb8;
	[tilespmem:$0x14100] =	vst v63  }
0x476: {  	s17 =	simm.s32 $0x12080;
	v20 =	vadd.s32 v4, v23;
	v23 =	vperm.xlane v19, v8  }
0x477: {  	[tilespmem:s17], [sflag:$0x4] =	stream.indirect_vreg.gather [hbm4b:s7+s2], $0x80, v21, vm0, $0xb8;
	[tilespmem:$0x14100] =	vst v63  }
0x478: {  	s19 =	simm.s32 $0x12100;
	v21 =	vadd.s32 v4, v23;
	v23 =	vperm.xlane v19, v9  }
0x479: {  	[tilespmem:s19], [sflag:$0x4] =	stream.indirect_vreg.gather [hbm4b:s7+s2], $0x80, v22, vm0, $0xb8;
	[tilespmem:$0x14100] =	vst v63  }
0x47a: {  	s22 =	simm.s32 $0x12180;
	v22 =	vadd.s32 v4, v23;
	v23 =	vperm.xlane v19, v10  }
0x47b: {  	[tilespmem:s22], [sflag:$0x4] =	stream.indirect_vreg.gather [hbm4b:s7+s2], $0x80, v20, vm0, $0xb8;
	[tilespmem:$0x14100] =	vst v63  }
0x47c: {  	s23 =	simm.s32 $0x12200;
	v20 =	vadd.s32 v4, v23;
	v23 =	vperm.xlane v19, v0  }
0x47d: {  	[tilespmem:s23], [sflag:$0x4] =	stream.indirect_vreg.gather [hbm4b:s7+s2], $0x80, v21, vm0, $0xb8;
	[tilespmem:$0x14100] =	vst v63  }
0x47e: {  	s24 =	simm.s32 $0x12280;
	v21 =	vadd.s32 v4, v23;
	v23 =	vperm.xlane v19, v11  }
0x47f: {  	[tilespmem:s24], [sflag:$0x4] =	stream.indirect_vreg.gather [hbm4b:s7+s2], $0x80, v22, vm0, $0xb8;
	[tilespmem:$0x14100] =	vst v63  }
0x480: {  	s25 =	simm.s32 $0x12300;
	v22 =	vadd.s32 v4, v23;
	v23 =	vperm.xlane v19, v12  }
0x481: {  	[tilespmem:s25], [sflag:$0x4] =	stream.indirect_vreg.gather [hbm4b:s7+s2], $0x80, v20, vm0, $0xb8;
	[tilespmem:$0x14100] =	vst v63  }
0x482: {  	s11 =	simm.s32 $0x12380;
	v20 =	vadd.s32 v4, v23;
	v23 =	vperm.xlane v19, v13  }
0x483: {  	[tilespmem:s11], [sflag:$0x4] =	stream.indirect_vreg.gather [hbm4b:s7+s2], $0x80, v21, vm0, $0xb8;
	[tilespmem:$0x14100] =	vst v63  }
0x484: {  	s16 =	simm.s32 $0x12400;
	v21 =	vadd.s32 v4, v23;
	v23 =	vperm.xlane v19, v14  }
0x485: {  	[tilespmem:s16], [sflag:$0x4] =	stream.indirect_vreg.gather [hbm4b:s7+s2], $0x80, v22, vm0, $0xb8;
	[tilespmem:$0x14100] =	vst v63  }
0x486: {  	s17 =	simm.s32 $0x12480;
	v22 =	vadd.s32 v4, v23;
	v23 =	vperm.xlane v19, v2  }
0x487: {  	[tilespmem:s17], [sflag:$0x4] =	stream.indirect_vreg.gather [hbm4b:s7+s2], $0x80, v20, vm0, $0xb8;
	[tilespmem:$0x14100] =	vst v63  }
0x488: {  	s19 =	simm.s32 $0x12500;
	v20 =	vadd.s32 v4, v23;
	v23 =	vperm.xlane v19, v15  }
0x489: {  	[tilespmem:s19], [sflag:$0x4] =	stream.indirect_vreg.gather [hbm4b:s7+s2], $0x80, v21, vm0, $0xb8;
	[tilespmem:$0x14100] =	vst v63  }
0x48a: {  	s22 =	simm.s32 $0x12580;
	v21 =	vadd.s32 v4, v23;
	v23 =	vperm.xlane v19, v16  }
0x48b: {  	[tilespmem:s22], [sflag:$0x4] =	stream.indirect_vreg.gather [hbm4b:s7+s2], $0x80, v22, vm0, $0xb8;
	[tilespmem:$0x14100] =	vst v63  }
0x48c: {  	s23 =	simm.s32 $0x12600;
	v19 =	vperm.xlane v19, v17;
	v22 =	vadd.s32 v4, v23  }
0x48d: {  	[tilespmem:s23], [sflag:$0x4] =	stream.indirect_vreg.gather [hbm4b:s7+s2], $0x80, v20, vm0, $0xb8;
	[tilespmem:$0x14100] =	vst v63  }
0x48e: {  	s24 =	simm.s32 $0x12680;
	v19 =	vadd.s32 v4, v19  }
0x48f: {  	[tilespmem:s24], [sflag:$0x4] =	stream.indirect_vreg.gather [hbm4b:s7+s2], $0x80, v21, vm0, $0xb8;
	[tilespmem:$0x14100] =	vst v63  }
0x490: {  	s25 =	simm.s32 $0x12700  }
0x491: {  	[tilespmem:s25], [sflag:$0x4] =	stream.indirect_vreg.gather [hbm4b:s7+s2], $0x80, v22, vm0, $0xb8;
	[tilespmem:$0x14100] =	vst v63  }
0x492: {  	s11 =	simm.s32 $0x12780  }
0x493: {  	[tilespmem:s11], [sflag:$0x4] =	stream.indirect_vreg.gather [hbm4b:s7+s2], $0x80, v19, vm0, $0xb8;
	[tilespmem:$0x14100] =	vst v63  }
0x494: {  	v19 =	vld [tilespmem:$0x1D0];
	_ =	sdelay $0x4  }
0x495: {  	v20 =	vshll.u32 v19, $0xC  }
0x496: {  	v19 =	vand.u32 $0x7, v19;
	v20 =	vand.u32 $0xFFFF8000, v20  }
0x497: {  	v19 =	vor.u32 v19, v20  }
0x498: {  	v20 =	vperm.xlane v19, v3;
	_ =	sdelay $0x1  }
0x499: {  	v21 =	vperm.xlane v19, v5;
	v20 =	vadd.s32 v4, v20;
	_ =	sdelay $0x1  }
0x49a: {  	v22 =	vperm.xlane v19, v6;
	v21 =	vadd.s32 v4, v21;
	_ =	sdelay $0x1  }
0x49b: {  	s16 =	simm.s32 $0x12800;
	v23 =	vperm.xlane v19, v7;
	v22 =	vadd.s32 v4, v22  }
0x49c: {  	[tilespmem:s16], [sflag:$0x4] =	stream.indirect_vreg.gather [hbm4b:s7+s2], $0x80, v20, vm0, $0xb8;
	[tilespmem:$0x14100] =	vst v63  }
0x49d: {  	s17 =	simm.s32 $0x12880;
	v20 =	vadd.s32 v4, v23;
	v23 =	vperm.xlane v19, v8  }
0x49e: {  	[tilespmem:s17], [sflag:$0x4] =	stream.indirect_vreg.gather [hbm4b:s7+s2], $0x80, v21, vm0, $0xb8;
	[tilespmem:$0x14100] =	vst v63  }
0x49f: {  	s19 =	simm.s32 $0x12900;
	v21 =	vadd.s32 v4, v23;
	v23 =	vperm.xlane v19, v9  }
0x4a0: {  	[tilespmem:s19], [sflag:$0x4] =	stream.indirect_vreg.gather [hbm4b:s7+s2], $0x80, v22, vm0, $0xb8;
	[tilespmem:$0x14100] =	vst v63  }
0x4a1: {  	s22 =	simm.s32 $0x12980;
	v22 =	vadd.s32 v4, v23;
	v23 =	vperm.xlane v19, v10  }
0x4a2: {  	[tilespmem:s22], [sflag:$0x4] =	stream.indirect_vreg.gather [hbm4b:s7+s2], $0x80, v20, vm0, $0xb8;
	[tilespmem:$0x14100] =	vst v63  }
0x4a3: {  	s23 =	simm.s32 $0x12A00;
	v20 =	vadd.s32 v4, v23;
	v23 =	vperm.xlane v19, v0  }
0x4a4: {  	[tilespmem:s23], [sflag:$0x4] =	stream.indirect_vreg.gather [hbm4b:s7+s2], $0x80, v21, vm0, $0xb8;
	[tilespmem:$0x14100] =	vst v63  }
0x4a5: {  	s24 =	simm.s32 $0x12A80;
	v21 =	vadd.s32 v4, v23;
	v23 =	vperm.xlane v19, v11  }
0x4a6: {  	[tilespmem:s24], [sflag:$0x4] =	stream.indirect_vreg.gather [hbm4b:s7+s2], $0x80, v22, vm0, $0xb8;
	[tilespmem:$0x14100] =	vst v63  }
0x4a7: {  	s25 =	simm.s32 $0x12B00;
	v22 =	vadd.s32 v4, v23;
	v23 =	vperm.xlane v19, v12  }
0x4a8: {  	[tilespmem:s25], [sflag:$0x4] =	stream.indirect_vreg.gather [hbm4b:s7+s2], $0x80, v20, vm0, $0xb8;
	[tilespmem:$0x14100] =	vst v63  }
0x4a9: {  	s11 =	simm.s32 $0x12B80;
	v20 =	vadd.s32 v4, v23;
	v23 =	vperm.xlane v19, v13  }
0x4aa: {  	[tilespmem:s11], [sflag:$0x4] =	stream.indirect_vreg.gather [hbm4b:s7+s2], $0x80, v21, vm0, $0xb8;
	[tilespmem:$0x14100] =	vst v63  }
0x4ab: {  	s16 =	simm.s32 $0x12C00;
	v21 =	vadd.s32 v4, v23;
	v23 =	vperm.xlane v19, v14  }
0x4ac: {  	[tilespmem:s16], [sflag:$0x4] =	stream.indirect_vreg.gather [hbm4b:s7+s2], $0x80, v22, vm0, $0xb8;
	[tilespmem:$0x14100] =	vst v63  }
0x4ad: {  	s17 =	simm.s32 $0x12C80;
	v22 =	vadd.s32 v4, v23;
	v23 =	vperm.xlane v19, v2  }
0x4ae: {  	[tilespmem:s17], [sflag:$0x4] =	stream.indirect_vreg.gather [hbm4b:s7+s2], $0x80, v20, vm0, $0xb8;
	[tilespmem:$0x14100] =	vst v63  }
0x4af: {  	s19 =	simm.s32 $0x12D00;
	v20 =	vadd.s32 v4, v23;
	v23 =	vperm.xlane v19, v15  }
0x4b0: {  	[tilespmem:s19], [sflag:$0x4] =	stream.indirect_vreg.gather [hbm4b:s7+s2], $0x80, v21, vm0, $0xb8;
	[tilespmem:$0x14100] =	vst v63  }
0x4b1: {  	s22 =	simm.s32 $0x12D80;
	v21 =	vadd.s32 v4, v23;
	v23 =	vperm.xlane v19, v16  }
0x4b2: {  	[tilespmem:s22], [sflag:$0x4] =	stream.indirect_vreg.gather [hbm4b:s7+s2], $0x80, v22, vm0, $0xb8;
	[tilespmem:$0x14100] =	vst v63  }
0x4b3: {  	s23 =	simm.s32 $0x12E00;
	v19 =	vperm.xlane v19, v17;
	v22 =	vadd.s32 v4, v23  }
0x4b4: {  	[tilespmem:s23], [sflag:$0x4] =	stream.indirect_vreg.gather [hbm4b:s7+s2], $0x80, v20, vm0, $0xb8;
	[tilespmem:$0x14100] =	vst v63  }
0x4b5: {  	s24 =	simm.s32 $0x12E80;
	v19 =	vadd.s32 v4, v19  }
0x4b6: {  	[tilespmem:s24], [sflag:$0x4] =	stream.indirect_vreg.gather [hbm4b:s7+s2], $0x80, v21, vm0, $0xb8;
	[tilespmem:$0x14100] =	vst v63  }
0x4b7: {  	s25 =	simm.s32 $0x12F00  }
0x4b8: {  	[tilespmem:s25], [sflag:$0x4] =	stream.indirect_vreg.gather [hbm4b:s7+s2], $0x80, v22, vm0, $0xb8;
	[tilespmem:$0x14100] =	vst v63  }
0x4b9: {  	s11 =	simm.s32 $0x12F80  }
0x4ba: {  	[tilespmem:s11], [sflag:$0x4] =	stream.indirect_vreg.gather [hbm4b:s7+s2], $0x80, v19, vm0, $0xb8;
	[tilespmem:$0x14100] =	vst v63  }
0x4bb: {  	v19 =	vld [tilespmem:$0x1E0];
	_ =	sdelay $0x4  }
0x4bc: {  	v20 =	vshll.u32 v19, $0xC  }
0x4bd: {  	v19 =	vand.u32 $0x7, v19;
	v20 =	vand.u32 $0xFFFF8000, v20  }
0x4be: {  	v19 =	vor.u32 v19, v20  }
0x4bf: {  	v20 =	vperm.xlane v19, v3;
	_ =	sdelay $0x1  }
0x4c0: {  	v21 =	vperm.xlane v19, v5;
	v20 =	vadd.s32 v4, v20;
	_ =	sdelay $0x1  }
0x4c1: {  	v22 =	vperm.xlane v19, v6;
	v21 =	vadd.s32 v4, v21;
	_ =	sdelay $0x1  }
0x4c2: {  	s16 =	simm.s32 $0x13000;
	v23 =	vperm.xlane v19, v7;
	v22 =	vadd.s32 v4, v22  }
0x4c3: {  	[tilespmem:s16], [sflag:$0x4] =	stream.indirect_vreg.gather [hbm4b:s7+s2], $0x80, v20, vm0, $0xb8;
	[tilespmem:$0x14100] =	vst v63  }
0x4c4: {  	s17 =	simm.s32 $0x13080;
	v20 =	vadd.s32 v4, v23;
	v23 =	vperm.xlane v19, v8  }
0x4c5: {  	[tilespmem:s17], [sflag:$0x4] =	stream.indirect_vreg.gather [hbm4b:s7+s2], $0x80, v21, vm0, $0xb8;
	[tilespmem:$0x14100] =	vst v63  }
0x4c6: {  	s19 =	simm.s32 $0x13100;
	v21 =	vadd.s32 v4, v23;
	v23 =	vperm.xlane v19, v9  }
0x4c7: {  	[tilespmem:s19], [sflag:$0x4] =	stream.indirect_vreg.gather [hbm4b:s7+s2], $0x80, v22, vm0, $0xb8;
	[tilespmem:$0x14100] =	vst v63  }
0x4c8: {  	s22 =	simm.s32 $0x13180;
	v22 =	vadd.s32 v4, v23;
	v23 =	vperm.xlane v19, v10  }
0x4c9: {  	[tilespmem:s22], [sflag:$0x4] =	stream.indirect_vreg.gather [hbm4b:s7+s2], $0x80, v20, vm0, $0xb8;
	[tilespmem:$0x14100] =	vst v63  }
0x4ca: {  	s23 =	simm.s32 $0x13200;
	v20 =	vadd.s32 v4, v23;
	v23 =	vperm.xlane v19, v0  }
0x4cb: {  	[tilespmem:s23], [sflag:$0x4] =	stream.indirect_vreg.gather [hbm4b:s7+s2], $0x80, v21, vm0, $0xb8;
	[tilespmem:$0x14100] =	vst v63  }
0x4cc: {  	s24 =	simm.s32 $0x13280;
	v21 =	vadd.s32 v4, v23;
	v23 =	vperm.xlane v19, v11  }
0x4cd: {  	[tilespmem:s24], [sflag:$0x4] =	stream.indirect_vreg.gather [hbm4b:s7+s2], $0x80, v22, vm0, $0xb8;
	[tilespmem:$0x14100] =	vst v63  }
0x4ce: {  	s25 =	simm.s32 $0x13300;
	v22 =	vadd.s32 v4, v23;
	v23 =	vperm.xlane v19, v12  }
0x4cf: {  	[tilespmem:s25], [sflag:$0x4] =	stream.indirect_vreg.gather [hbm4b:s7+s2], $0x80, v20, vm0, $0xb8;
	[tilespmem:$0x14100] =	vst v63  }
0x4d0: {  	s11 =	simm.s32 $0x13380;
	v20 =	vadd.s32 v4, v23;
	v23 =	vperm.xlane v19, v13  }
0x4d1: {  	[tilespmem:s11], [sflag:$0x4] =	stream.indirect_vreg.gather [hbm4b:s7+s2], $0x80, v21, vm0, $0xb8;
	[tilespmem:$0x14100] =	vst v63  }
0x4d2: {  	s16 =	simm.s32 $0x13400;
	v21 =	vadd.s32 v4, v23;
	v23 =	vperm.xlane v19, v14  }
0x4d3: {  	[tilespmem:s16], [sflag:$0x4] =	stream.indirect_vreg.gather [hbm4b:s7+s2], $0x80, v22, vm0, $0xb8;
	[tilespmem:$0x14100] =	vst v63  }
0x4d4: {  	s17 =	simm.s32 $0x13480;
	v22 =	vadd.s32 v4, v23;
	v23 =	vperm.xlane v19, v2  }
0x4d5: {  	[tilespmem:s17], [sflag:$0x4] =	stream.indirect_vreg.gather [hbm4b:s7+s2], $0x80, v20, vm0, $0xb8;
	[tilespmem:$0x14100] =	vst v63  }
0x4d6: {  	s19 =	simm.s32 $0x13500;
	v20 =	vadd.s32 v4, v23;
	v23 =	vperm.xlane v19, v15  }
0x4d7: {  	[tilespmem:s19], [sflag:$0x4] =	stream.indirect_vreg.gather [hbm4b:s7+s2], $0x80, v21, vm0, $0xb8;
	[tilespmem:$0x14100] =	vst v63  }
0x4d8: {  	s22 =	simm.s32 $0x13580;
	v21 =	vadd.s32 v4, v23;
	v23 =	vperm.xlane v19, v16  }
0x4d9: {  	[tilespmem:s22], [sflag:$0x4] =	stream.indirect_vreg.gather [hbm4b:s7+s2], $0x80, v22, vm0, $0xb8;
	[tilespmem:$0x14100] =	vst v63  }
0x4da: {  	s23 =	simm.s32 $0x13600;
	v19 =	vperm.xlane v19, v17;
	v22 =	vadd.s32 v4, v23  }
0x4db: {  	[tilespmem:s23], [sflag:$0x4] =	stream.indirect_vreg.gather [hbm4b:s7+s2], $0x80, v20, vm0, $0xb8;
	[tilespmem:$0x14100] =	vst v63  }
0x4dc: {  	s24 =	simm.s32 $0x13680;
	v19 =	vadd.s32 v4, v19  }
0x4dd: {  	[tilespmem:s24], [sflag:$0x4] =	stream.indirect_vreg.gather [hbm4b:s7+s2], $0x80, v21, vm0, $0xb8;
	[tilespmem:$0x14100] =	vst v63  }
0x4de: {  	s25 =	simm.s32 $0x13700  }
0x4df: {  	[tilespmem:s25], [sflag:$0x4] =	stream.indirect_vreg.gather [hbm4b:s7+s2], $0x80, v22, vm0, $0xb8;
	[tilespmem:$0x14100] =	vst v63  }
0x4e0: {  	s11 =	simm.s32 $0x13780  }
0x4e1: {  	[tilespmem:s11], [sflag:$0x4] =	stream.indirect_vreg.gather [hbm4b:s7+s2], $0x80, v19, vm0, $0xb8;
	[tilespmem:$0x14100] =	vst v63  }
0x4e2: {  	v19 =	vld [tilespmem:$0x1F0];
	_ =	sdelay $0x4  }
0x4e3: {  	v20 =	vshll.u32 v19, $0xC  }
0x4e4: {  	v19 =	vand.u32 $0x7, v19;
	v20 =	vand.u32 $0xFFFF8000, v20  }
0x4e5: {  	v19 =	vor.u32 v19, v20  }
0x4e6: {  	v20 =	vperm.xlane v19, v3;
	_ =	sdelay $0x1  }
0x4e7: {  	v21 =	vperm.xlane v19, v5;
	v20 =	vadd.s32 v4, v20;
	_ =	sdelay $0x1  }
0x4e8: {  	v22 =	vperm.xlane v19, v6;
	v21 =	vadd.s32 v4, v21;
	_ =	sdelay $0x1  }
0x4e9: {  	s16 =	simm.s32 $0x13800;
	v23 =	vperm.xlane v19, v7;
	v22 =	vadd.s32 v4, v22  }
0x4ea: {  	[tilespmem:s16], [sflag:$0x4] =	stream.indirect_vreg.gather [hbm4b:s7+s2], $0x80, v20, vm0, $0xb8;
	[tilespmem:$0x14100] =	vst v63  }
0x4eb: {  	v20 =	vadd.s32 v4, v23;
	v23 =	vperm.xlane v19, v8  }
0x4ec: {  	[tilespmem:s1], [sflag:$0x4] =	stream.indirect_vreg.gather [hbm4b:s7+s2], $0x80, v21, vm0, $0xb8;
	[tilespmem:$0x14100] =	vst v63  }
0x4ed: {  	v21 =	vadd.s32 v4, v23;
	v23 =	vperm.xlane v19, v9  }
0x4ee: {  	[tilespmem:s4], [sflag:$0x4] =	stream.indirect_vreg.gather [hbm4b:s7+s2], $0x80, v22, vm0, $0xb8;
	[tilespmem:$0x14100] =	vst v63  }
0x4ef: {  	v22 =	vadd.s32 v4, v23;
	v23 =	vperm.xlane v19, v10  }
0x4f0: {  	[tilespmem:s9], [sflag:$0x4] =	stream.indirect_vreg.gather [hbm4b:s7+s2], $0x80, v20, vm0, $0xb8;
	[tilespmem:$0x14100] =	vst v63  }
0x4f1: {  	s17 =	simm.s32 $0x13A00;
	v20 =	vadd.s32 v4, v23;
	v23 =	vperm.xlane v19, v0  }
0x4f2: {  	[tilespmem:s17], [sflag:$0x4] =	stream.indirect_vreg.gather [hbm4b:s7+s2], $0x80, v21, vm0, $0xb8;
	[tilespmem:$0x14100] =	vst v63  }
0x4f3: {  	s19 =	simm.s32 $0x13A80;
	v21 =	vadd.s32 v4, v23;
	v23 =	vperm.xlane v19, v11  }
0x4f4: {  	[tilespmem:s19], [sflag:$0x4] =	stream.indirect_vreg.gather [hbm4b:s7+s2], $0x80, v22, vm0, $0xb8;
	[tilespmem:$0x14100] =	vst v63  }
0x4f5: {  	v22 =	vadd.s32 v4, v23;
	v23 =	vperm.xlane v19, v12  }
0x4f6: {  	[tilespmem:s0], [sflag:$0x4] =	stream.indirect_vreg.gather [hbm4b:s7+s2], $0x80, v20, vm0, $0xb8;
	[tilespmem:$0x14100] =	vst v63  }
0x4f7: {  	v20 =	vadd.s32 v4, v23;
	v23 =	vperm.xlane v19, v13  }
0x4f8: {  	[tilespmem:s31], [sflag:$0x4] =	stream.indirect_vreg.gather [hbm4b:s7+s2], $0x80, v21, vm0, $0xb8;
	[tilespmem:$0x14100] =	vst v63  }
0x4f9: {  	v21 =	vadd.s32 v4, v23;
	v23 =	vperm.xlane v19, v14  }
0x4fa: {  	[tilespmem:s30], [sflag:$0x4] =	stream.indirect_vreg.gather [hbm4b:s7+s2], $0x80, v22, vm0, $0xb8;
	[tilespmem:$0x14100] =	vst v63  }
0x4fb: {  	v22 =	vadd.s32 v4, v23;
	v23 =	vperm.xlane v19, v2  }
0x4fc: {  	[tilespmem:s28], [sflag:$0x4] =	stream.indirect_vreg.gather [hbm4b:s7+s2], $0x80, v20, vm0, $0xb8;
	[tilespmem:$0x14100] =	vst v63  }
0x4fd: {  	v20 =	vadd.s32 v4, v23;
	v23 =	vperm.xlane v19, v15  }
0x4fe: {  	[tilespmem:s29], [sflag:$0x4] =	stream.indirect_vreg.gather [hbm4b:s7+s2], $0x80, v21, vm0, $0xb8;
	[tilespmem:$0x14100] =	vst v63  }
0x4ff: {  	v21 =	vadd.s32 v4, v23;
	v23 =	vperm.xlane v19, v16  }
0x500: {  	[tilespmem:s26], [sflag:$0x4] =	stream.indirect_vreg.gather [hbm4b:s7+s2], $0x80, v22, vm0, $0xb8;
	[tilespmem:$0x14100] =	vst v63  }
0x501: {  	s22 =	simm.s32 $0x13E00;
	v19 =	vperm.xlane v19, v17;
	v22 =	vadd.s32 v4, v23  }
0x502: {  	[tilespmem:s22], [sflag:$0x4] =	stream.indirect_vreg.gather [hbm4b:s7+s2], $0x80, v20, vm0, $0xb8;
	[tilespmem:$0x14100] =	vst v63  }
0x503: {  	s10 =	simm.s32 $0x80;
	s23 =	simm.s32 $0x13E80;
	v19 =	vadd.s32 v4, v19  }
0x504: {  	[tilespmem:s23], [sflag:$0x4] =	stream.indirect_vreg.gather [hbm4b:s7+s2], $0x80, v21, vm0, $0xb8;
	[tilespmem:$0x14100] =	vst v63  }
0x505: {  	s24 =	simm.s32 $0x13F00;
	s25 =	simm.s32 $0x13F80;
	s11 =	simm.s32 $0x100  }
0x506: {  	[tilespmem:s24], [sflag:$0x4] =	stream.indirect_vreg.gather [hbm4b:s7+s2], $0x80, v22, vm0, $0xb8;
	[tilespmem:$0x14100] =	vst v63  }
0x507: {  	s16 =	simm.s32 $0x180;
	s17 =	simm.s32 $0x0;
	s19 =	simm.s32 $0x0  }
0x508: {  	v20 =	vimm.f32 $0.0e+00;
	v21 =	vimm.f32 $0.0e+00;
	[tilespmem:s25], [sflag:$0x4] =	stream.indirect_vreg.gather [hbm4b:s7+s2], $0x80, v19, vm0, $0xb8;
	[tilespmem:$0x14100] =	vst v63  }
.LBB2_2:
0x509: {  	s22 =	simm.s32 $0x0  }
0x50a: {  	v19 =	vmov s22  }
0x50b: {  	v19 =	vmul.u32 $0x81, v19;
	_ =	sdelay $0x1  }
0x50c: {  	v22 =	vbroadcast v19, $0x0;
	v19 =	vmul.u32 $0x81, v1  }
0x50d: {  	s24 =	simm.s32 $0x10  }
0x50e: {  	v23 =	vmov s24;
	v22 =	vadd.s32 v19, v22  }
0x50f: {  	v23 =	vmul.u32 $0x81, v23  }
0x510: {  	_ =	swait.ge [sflag:s21], $0x4000  }
0x511: {  	[sflag:s21] =	ssyncset.done $0x0;
	v23 =	vbroadcast v23, $0x0  }
0x512: {  	s25 =	simm.s32 $0x20;
	[sflag:s21] =	ssyncadd.s32 $0xFFFFC000  }
0x513: {  	v24 =	vld.idx.msk [tilespmem:v22+s12+$0x0], $0xffff;
	v22 =	vadd.s32 v19, v23;
	v23 =	vmov s25  }
0x514: {  	v23 =	vmul.u32 $0x81, v23;
	_ =	sdelay $0x1  }
0x515: {  	v26 =	vbroadcast v23, $0x0;
	v23 =	vld [tilespmem:s17+$0x0];
	_ =	sdelay $0x1  }
0x516: {  	v25 =	vsub.f32 $1.000000000e+00, v24  }
0x517: {  	s23 =	smov.u32 s17;
	s22 =	simm.s32 $0x30;
	v22 =	vld.idx.msk [tilespmem:v22+s12+$0x0], $0xffff;
	v24 =	vadd.s32 v19, v26  }
.LBB2_3:
0x518: {  	v26 =	vmov s22;
	p0 =	sne.s32 s22, $0x70;
	s22 =	sadd.s32 $0x10, s22;
	v25 =	vmul.f32 v25, v25  }
.Ltmp2:
0x519: {  	s23 =	sadd.s32 $0x10, s23;
	v26 =	vmul.u32 $0x81, v26;
	vm1 =	veq.s32 v23, $0xFF;
	(pc) =	sbr.rel @p0 .LBB2_3-.Ltmp2, $4  }
0x51a: {  	v23 =	vld [tilespmem:s23+$0x0];
	v25 =	vsel vm1, $0x0, v25;
	v27 =	vsel vm1, $0x0, v18  }
0x51b: {  	v26 =	vbroadcast v26, $0x0;
	v21 =	vadd.f32 v25, v21  }
0x51c: {  	v25 =	vsub.f32 $1.000000000e+00, v22;
	v20 =	vadd.f32 v27, v20;
	v22 =	vld.idx.msk [tilespmem:v24+s12+$0x0], $0xffff  }
0x51d: {  	v24 =	vadd.s32 v19, v26  }
0x51e: {  	_ =	sdelay $0x3  }
0x51f: {  	s22 =	sadd.s32 $0x10, s23;
	v24 =	vld.idx.msk [tilespmem:v24+s12+$0x0], $0xffff  }
0x520: {  	v26 =	vld [tilespmem:s22+$0x0]  }
0x521: {  	v25 =	vmul.f32 v25, v25;
	s22 =	sadd.s32 $0x10, s22  }
0x522: {  	vm1 =	veq.s32 v23, $0xFF;
	v23 =	vld [tilespmem:s22+$0x0];
	v22 =	vsub.f32 $1.000000000e+00, v22  }
0x523: {  	v25 =	vsel vm1, $0x0, v25  }
0x524: {  	p0 =	seq.s32 s19, $0x1F;
	v27 =	vsel vm1, $0x0, v18;
	v22 =	vmul.f32 v22, v22;
	v24 =	vsub.f32 $1.000000000e+00, v24  }
.Ltmp3:
0x525: {  	v21 =	vadd.f32 v25, v21;
	v20 =	vadd.f32 v27, v20;
	vm1 =	veq.s32 v26, $0xFF;
	(pc) =	sbr.rel @p0 .LBB2_6-.Ltmp3, $4  }
0x526: {  	v22 =	vsel vm1, $0x0, v22;
	v63 =	vsel vm1, $0x0, v18;
	v24 =	vmul.f32 v24, v24  }
0x527: {  	vm1 =	veq.s32 v23, $0xFF;
	v21 =	vadd.f32 v22, v21;
	v22 =	vadd.f32 v63, v20  }
0x528: {  	v23 =	vsel vm1, $0x0, v18;
	v20 =	vsel vm1, $0x0, v24  }
0x529: {  	s22 =	sshll.u32 s19, $0x2;
	v20 =	vadd.f32 v20, v21;
	v21 =	vadd.f32 v23, v22  }
0x52a: {  	s23 =	sshll.u32 s22, $0x7  }
0x52b: {  	s23 =	sadd.s32 $0x200, s23  }
0x52c: {  	s24 =	sand.u32 $0x3FFFFF80, s23  }
0x52d: {  	v22 =	vld [tilespmem:s24+$0x0];
	_ =	sdelay $0x4  }
0x52e: {  	v23 =	vshll.u32 v22, $0xC  }
0x52f: {  	v22 =	vand.u32 $0x7, v22;
	v23 =	vand.u32 $0xFFFF8000, v23  }
0x530: {  	v22 =	vor.u32 v22, v23  }
0x531: {  	v23 =	vperm.xlane v22, v3;
	_ =	sdelay $0x1  }
0x532: {  	v24 =	vperm.xlane v22, v5;
	v23 =	vadd.s32 v4, v23;
	_ =	sdelay $0x1  }
0x533: {  	v25 =	vperm.xlane v22, v6;
	v24 =	vadd.s32 v4, v24;
	_ =	sdelay $0x1  }
0x534: {  	s23 =	sadd.s32 s23, s3;
	v26 =	vperm.xlane v22, v7;
	v25 =	vadd.s32 v4, v25  }
0x535: {  	[tilespmem:s12], [sflag:$0x1] =	stream.indirect_vreg.gather [hbm4b:s23+s2], $0x80, v23, vm0, $0xb8;
	[tilespmem:$0x14100] =	vst v63  }
0x536: {  	s25 =	simm.s32 $0x4080;
	v35 =	vperm.xlane v22, v8;
	v23 =	vadd.s32 v4, v26  }
0x537: {  	[tilespmem:s25], [sflag:$0x1] =	stream.indirect_vreg.gather [hbm4b:s23+s2], $0x80, v24, vm0, $0xb8;
	[tilespmem:$0x14100] =	vst v63  }
0x538: {  	v37 =	vperm.xlane v22, v9;
	v36 =	vadd.s32 v4, v35;
	s25 =	simm.s32 $0x4100  }
0x539: {  	[tilespmem:s25], [sflag:$0x1] =	stream.indirect_vreg.gather [hbm4b:s23+s2], $0x80, v25, vm0, $0xb8;
	[tilespmem:$0x14100] =	vst v63  }
0x53a: {  	v39 =	vperm.xlane v22, v10;
	v38 =	vadd.s32 v4, v37;
	s25 =	simm.s32 $0x4180  }
0x53b: {  	[tilespmem:s25], [sflag:$0x1] =	stream.indirect_vreg.gather [hbm4b:s23+s2], $0x80, v23, vm0, $0xb8;
	[tilespmem:$0x14100] =	vst v63  }
0x53c: {  	v40 =	vperm.xlane v22, v0;
	v23 =	vadd.s32 v4, v39;
	s25 =	simm.s32 $0x4200  }
0x53d: {  	[tilespmem:s25], [sflag:$0x1] =	stream.indirect_vreg.gather [hbm4b:s23+s2], $0x80, v36, vm0, $0xb8;
	[tilespmem:$0x14100] =	vst v63  }
0x53e: {  	v42 =	vperm.xlane v22, v11;
	v41 =	vadd.s32 v4, v40;
	s25 =	simm.s32 $0x4280  }
0x53f: {  	[tilespmem:s25], [sflag:$0x1] =	stream.indirect_vreg.gather [hbm4b:s23+s2], $0x80, v38, vm0, $0xb8;
	[tilespmem:$0x14100] =	vst v63  }
0x540: {  	v44 =	vperm.xlane v22, v12;
	v43 =	vadd.s32 v4, v42;
	s25 =	simm.s32 $0x4300  }
0x541: {  	[tilespmem:s25], [sflag:$0x1] =	stream.indirect_vreg.gather [hbm4b:s23+s2], $0x80, v23, vm0, $0xb8;
	[tilespmem:$0x14100] =	vst v63  }
0x542: {  	v45 =	vperm.xlane v22, v13;
	v23 =	vadd.s32 v4, v44;
	s25 =	simm.s32 $0x4380  }
0x543: {  	[tilespmem:s25], [sflag:$0x1] =	stream.indirect_vreg.gather [hbm4b:s23+s2], $0x80, v41, vm0, $0xb8;
	[tilespmem:$0x14100] =	vst v63  }
0x544: {  	v47 =	vperm.xlane v22, v14;
	v46 =	vadd.s32 v4, v45;
	s25 =	simm.s32 $0x4400  }
0x545: {  	[tilespmem:s25], [sflag:$0x1] =	stream.indirect_vreg.gather [hbm4b:s23+s2], $0x80, v43, vm0, $0xb8;
	[tilespmem:$0x14100] =	vst v63  }
0x546: {  	v49 =	vperm.xlane v22, v2;
	v48 =	vadd.s32 v4, v47;
	s25 =	simm.s32 $0x4480  }
0x547: {  	[tilespmem:s25], [sflag:$0x1] =	stream.indirect_vreg.gather [hbm4b:s23+s2], $0x80, v23, vm0, $0xb8;
	[tilespmem:$0x14100] =	vst v63  }
0x548: {  	v50 =	vperm.xlane v22, v15;
	v23 =	vadd.s32 v4, v49;
	s25 =	simm.s32 $0x4500  }
0x549: {  	[tilespmem:s25], [sflag:$0x1] =	stream.indirect_vreg.gather [hbm4b:s23+s2], $0x80, v46, vm0, $0xb8;
	[tilespmem:$0x14100] =	vst v63  }
0x54a: {  	v52 =	vperm.xlane v22, v16;
	v51 =	vadd.s32 v4, v50;
	s25 =	simm.s32 $0x4580  }
0x54b: {  	[tilespmem:s25], [sflag:$0x1] =	stream.indirect_vreg.gather [hbm4b:s23+s2], $0x80, v48, vm0, $0xb8;
	[tilespmem:$0x14100] =	vst v63  }
0x54c: {  	v22 =	vperm.xlane v22, v17;
	v53 =	vadd.s32 v4, v52;
	s25 =	simm.s32 $0x4600  }
0x54d: {  	[tilespmem:s25], [sflag:$0x1] =	stream.indirect_vreg.gather [hbm4b:s23+s2], $0x80, v23, vm0, $0xb8;
	[tilespmem:$0x14100] =	vst v63  }
0x54e: {  	v22 =	vadd.s32 v4, v22;
	s25 =	simm.s32 $0x4680  }
0x54f: {  	[tilespmem:s25], [sflag:$0x1] =	stream.indirect_vreg.gather [hbm4b:s23+s2], $0x80, v51, vm0, $0xb8;
	[tilespmem:$0x14100] =	vst v63  }
0x550: {  	s25 =	simm.s32 $0x4700  }
0x551: {  	[tilespmem:s25], [sflag:$0x1] =	stream.indirect_vreg.gather [hbm4b:s23+s2], $0x80, v53, vm0, $0xb8;
	[tilespmem:$0x14100] =	vst v63  }
0x552: {  	s25 =	simm.s32 $0x4780  }
0x553: {  	[tilespmem:s25], [sflag:$0x1] =	stream.indirect_vreg.gather [hbm4b:s23+s2], $0x80, v22, vm0, $0xb8;
	[tilespmem:$0x14100] =	vst v63  }
0x554: {  	v22 =	vld [tilespmem:s24+$0x10];
	_ =	sdelay $0x4  }
0x555: {  	v23 =	vshll.u32 v22, $0xC  }
0x556: {  	v22 =	vand.u32 $0x7, v22;
	v23 =	vand.u32 $0xFFFF8000, v23  }
0x557: {  	v22 =	vor.u32 v22, v23  }
0x558: {  	v23 =	vperm.xlane v22, v3;
	_ =	sdelay $0x1  }
0x559: {  	v54 =	vperm.xlane v22, v5;
	v23 =	vadd.s32 v4, v23;
	_ =	sdelay $0x1  }
0x55a: {  	v55 =	vperm.xlane v22, v6;
	v24 =	vadd.s32 v4, v54;
	_ =	sdelay $0x1  }
0x55b: {  	s25 =	simm.s32 $0x4800;
	v56 =	vperm.xlane v22, v7;
	v25 =	vadd.s32 v4, v55  }
0x55c: {  	[tilespmem:s25], [sflag:$0x1] =	stream.indirect_vreg.gather [hbm4b:s23+s2], $0x80, v23, vm0, $0xb8;
	[tilespmem:$0x14100] =	vst v63  }
0x55d: {  	v57 =	vperm.xlane v22, v8;
	v23 =	vadd.s32 v4, v56;
	s25 =	simm.s32 $0x4880  }
0x55e: {  	[tilespmem:s25], [sflag:$0x1] =	stream.indirect_vreg.gather [hbm4b:s23+s2], $0x80, v24, vm0, $0xb8;
	[tilespmem:$0x14100] =	vst v63  }
0x55f: {  	v59 =	vperm.xlane v22, v9;
	v58 =	vadd.s32 v4, v57;
	s25 =	simm.s32 $0x4900  }
0x560: {  	[tilespmem:s25], [sflag:$0x1] =	stream.indirect_vreg.gather [hbm4b:s23+s2], $0x80, v25, vm0, $0xb8;
	[tilespmem:$0x14100] =	vst v63  }
0x561: {  	v61 =	vperm.xlane v22, v10;
	v60 =	vadd.s32 v4, v59;
	s25 =	simm.s32 $0x4980  }
0x562: {  	[tilespmem:s25], [sflag:$0x1] =	stream.indirect_vreg.gather [hbm4b:s23+s2], $0x80, v23, vm0, $0xb8;
	[tilespmem:$0x14100] =	vst v63  }
0x563: {  	v62 =	vperm.xlane v22, v0;
	v23 =	vadd.s32 v4, v61;
	s25 =	simm.s32 $0x4A00  }
0x564: {  	[tilespmem:s25], [sflag:$0x1] =	stream.indirect_vreg.gather [hbm4b:s23+s2], $0x80, v58, vm0, $0xb8;
	[tilespmem:$0x14100] =	vst v63  }
0x565: {  	v28 =	vperm.xlane v22, v11;
	v63 =	vadd.s32 v4, v62;
	s25 =	simm.s32 $0x4A80  }
0x566: {  	[tilespmem:s25], [sflag:$0x1] =	stream.indirect_vreg.gather [hbm4b:s23+s2], $0x80, v60, vm0, $0xb8;
	[tilespmem:$0x14100] =	vst v63  }
0x567: {  	v30 =	vperm.xlane v22, v12;
	v29 =	vadd.s32 v4, v28;
	s25 =	simm.s32 $0x4B00  }
0x568: {  	[tilespmem:s25], [sflag:$0x1] =	stream.indirect_vreg.gather [hbm4b:s23+s2], $0x80, v23, vm0, $0xb8;
	[tilespmem:$0x14100] =	vst v63  }
0x569: {  	v31 =	vperm.xlane v22, v13;
	v23 =	vadd.s32 v4, v30;
	s25 =	simm.s32 $0x4B80  }
0x56a: {  	[tilespmem:s25], [sflag:$0x1] =	stream.indirect_vreg.gather [hbm4b:s23+s2], $0x80, v63, vm0, $0xb8;
	[tilespmem:$0x14100] =	vst v63  }
0x56b: {  	v33 =	vperm.xlane v22, v14;
	v32 =	vadd.s32 v4, v31;
	s25 =	simm.s32 $0x4C00  }
0x56c: {  	[tilespmem:s25], [sflag:$0x1] =	stream.indirect_vreg.gather [hbm4b:s23+s2], $0x80, v29, vm0, $0xb8;
	[tilespmem:$0x14100] =	vst v63  }
0x56d: {  	v35 =	vperm.xlane v22, v2;
	v34 =	vadd.s32 v4, v33;
	s25 =	simm.s32 $0x4C80  }
0x56e: {  	[tilespmem:s25], [sflag:$0x1] =	stream.indirect_vreg.gather [hbm4b:s23+s2], $0x80, v23, vm0, $0xb8;
	[tilespmem:$0x14100] =	vst v63  }
0x56f: {  	v36 =	vperm.xlane v22, v15;
	v23 =	vadd.s32 v4, v35;
	s25 =	simm.s32 $0x4D00  }
0x570: {  	[tilespmem:s25], [sflag:$0x1] =	stream.indirect_vreg.gather [hbm4b:s23+s2], $0x80, v32, vm0, $0xb8;
	[tilespmem:$0x14100] =	vst v63  }
0x571: {  	v38 =	vperm.xlane v22, v16;
	v37 =	vadd.s32 v4, v36;
	s25 =	simm.s32 $0x4D80  }
0x572: {  	[tilespmem:s25], [sflag:$0x1] =	stream.indirect_vreg.gather [hbm4b:s23+s2], $0x80, v34, vm0, $0xb8;
	[tilespmem:$0x14100] =	vst v63  }
0x573: {  	v22 =	vperm.xlane v22, v17;
	v39 =	vadd.s32 v4, v38;
	s25 =	simm.s32 $0x4E00  }
0x574: {  	[tilespmem:s25], [sflag:$0x1] =	stream.indirect_vreg.gather [hbm4b:s23+s2], $0x80, v23, vm0, $0xb8;
	[tilespmem:$0x14100] =	vst v63  }
0x575: {  	v22 =	vadd.s32 v4, v22;
	s25 =	simm.s32 $0x4E80  }
0x576: {  	[tilespmem:s25], [sflag:$0x1] =	stream.indirect_vreg.gather [hbm4b:s23+s2], $0x80, v37, vm0, $0xb8;
	[tilespmem:$0x14100] =	vst v63  }
0x577: {  	s25 =	simm.s32 $0x4F00  }
0x578: {  	[tilespmem:s25], [sflag:$0x1] =	stream.indirect_vreg.gather [hbm4b:s23+s2], $0x80, v39, vm0, $0xb8;
	[tilespmem:$0x14100] =	vst v63  }
0x579: {  	s25 =	simm.s32 $0x4F80  }
0x57a: {  	[tilespmem:s25], [sflag:$0x1] =	stream.indirect_vreg.gather [hbm4b:s23+s2], $0x80, v22, vm0, $0xb8;
	[tilespmem:$0x14100] =	vst v63  }
0x57b: {  	v22 =	vld [tilespmem:s24+$0x20];
	_ =	sdelay $0x4  }
0x57c: {  	v23 =	vshll.u32 v22, $0xC  }
0x57d: {  	v22 =	vand.u32 $0x7, v22;
	v23 =	vand.u32 $0xFFFF8000, v23  }
0x57e: {  	v22 =	vor.u32 v22, v23  }
0x57f: {  	v23 =	vperm.xlane v22, v3;
	_ =	sdelay $0x1  }
0x580: {  	v40 =	vperm.xlane v22, v5;
	v23 =	vadd.s32 v4, v23;
	_ =	sdelay $0x1  }
0x581: {  	v41 =	vperm.xlane v22, v6;
	v24 =	vadd.s32 v4, v40;
	_ =	sdelay $0x1  }
0x582: {  	s25 =	simm.s32 $0x5000;
	v42 =	vperm.xlane v22, v7;
	v25 =	vadd.s32 v4, v41  }
0x583: {  	[tilespmem:s25], [sflag:$0x1] =	stream.indirect_vreg.gather [hbm4b:s23+s2], $0x80, v23, vm0, $0xb8;
	[tilespmem:$0x14100] =	vst v63  }
0x584: {  	v43 =	vperm.xlane v22, v8;
	v23 =	vadd.s32 v4, v42;
	s25 =	simm.s32 $0x5080  }
0x585: {  	[tilespmem:s25], [sflag:$0x1] =	stream.indirect_vreg.gather [hbm4b:s23+s2], $0x80, v24, vm0, $0xb8;
	[tilespmem:$0x14100] =	vst v63  }
0x586: {  	v45 =	vperm.xlane v22, v9;
	v44 =	vadd.s32 v4, v43;
	s25 =	simm.s32 $0x5100  }
0x587: {  	[tilespmem:s25], [sflag:$0x1] =	stream.indirect_vreg.gather [hbm4b:s23+s2], $0x80, v25, vm0, $0xb8;
	[tilespmem:$0x14100] =	vst v63  }
0x588: {  	v47 =	vperm.xlane v22, v10;
	v46 =	vadd.s32 v4, v45;
	s25 =	simm.s32 $0x5180  }
0x589: {  	[tilespmem:s25], [sflag:$0x1] =	stream.indirect_vreg.gather [hbm4b:s23+s2], $0x80, v23, vm0, $0xb8;
	[tilespmem:$0x14100] =	vst v63  }
0x58a: {  	v48 =	vperm.xlane v22, v0;
	v23 =	vadd.s32 v4, v47;
	s25 =	simm.s32 $0x5200  }
0x58b: {  	[tilespmem:s25], [sflag:$0x1] =	stream.indirect_vreg.gather [hbm4b:s23+s2], $0x80, v44, vm0, $0xb8;
	[tilespmem:$0x14100] =	vst v63  }
0x58c: {  	v50 =	vperm.xlane v22, v11;
	v49 =	vadd.s32 v4, v48;
	s25 =	simm.s32 $0x5280  }
0x58d: {  	[tilespmem:s25], [sflag:$0x1] =	stream.indirect_vreg.gather [hbm4b:s23+s2], $0x80, v46, vm0, $0xb8;
	[tilespmem:$0x14100] =	vst v63  }
0x58e: {  	v52 =	vperm.xlane v22, v12;
	v51 =	vadd.s32 v4, v50;
	s25 =	simm.s32 $0x5300  }
0x58f: {  	[tilespmem:s25], [sflag:$0x1] =	stream.indirect_vreg.gather [hbm4b:s23+s2], $0x80, v23, vm0, $0xb8;
	[tilespmem:$0x14100] =	vst v63  }
0x590: {  	v53 =	vperm.xlane v22, v13;
	v23 =	vadd.s32 v4, v52;
	s25 =	simm.s32 $0x5380  }
0x591: {  	[tilespmem:s25], [sflag:$0x1] =	stream.indirect_vreg.gather [hbm4b:s23+s2], $0x80, v49, vm0, $0xb8;
	[tilespmem:$0x14100] =	vst v63  }
0x592: {  	v55 =	vperm.xlane v22, v14;
	v54 =	vadd.s32 v4, v53;
	s25 =	simm.s32 $0x5400  }
0x593: {  	[tilespmem:s25], [sflag:$0x1] =	stream.indirect_vreg.gather [hbm4b:s23+s2], $0x80, v51, vm0, $0xb8;
	[tilespmem:$0x14100] =	vst v63  }
0x594: {  	v57 =	vperm.xlane v22, v2;
	v56 =	vadd.s32 v4, v55;
	s25 =	simm.s32 $0x5480  }
0x595: {  	[tilespmem:s25], [sflag:$0x1] =	stream.indirect_vreg.gather [hbm4b:s23+s2], $0x80, v23, vm0, $0xb8;
	[tilespmem:$0x14100] =	vst v63  }
0x596: {  	v58 =	vperm.xlane v22, v15;
	v23 =	vadd.s32 v4, v57;
	s25 =	simm.s32 $0x5500  }
0x597: {  	[tilespmem:s25], [sflag:$0x1] =	stream.indirect_vreg.gather [hbm4b:s23+s2], $0x80, v54, vm0, $0xb8;
	[tilespmem:$0x14100] =	vst v63  }
0x598: {  	v60 =	vperm.xlane v22, v16;
	v59 =	vadd.s32 v4, v58;
	s25 =	simm.s32 $0x5580  }
0x599: {  	[tilespmem:s25], [sflag:$0x1] =	stream.indirect_vreg.gather [hbm4b:s23+s2], $0x80, v56, vm0, $0xb8;
	[tilespmem:$0x14100] =	vst v63  }
0x59a: {  	v22 =	vperm.xlane v22, v17;
	v61 =	vadd.s32 v4, v60;
	s25 =	simm.s32 $0x5600  }
0x59b: {  	[tilespmem:s25], [sflag:$0x1] =	stream.indirect_vreg.gather [hbm4b:s23+s2], $0x80, v23, vm0, $0xb8;
	[tilespmem:$0x14100] =	vst v63  }
0x59c: {  	v22 =	vadd.s32 v4, v22;
	s25 =	simm.s32 $0x5680  }
0x59d: {  	[tilespmem:s25], [sflag:$0x1] =	stream.indirect_vreg.gather [hbm4b:s23+s2], $0x80, v59, vm0, $0xb8;
	[tilespmem:$0x14100] =	vst v63  }
0x59e: {  	s25 =	simm.s32 $0x5700  }
0x59f: {  	[tilespmem:s25], [sflag:$0x1] =	stream.indirect_vreg.gather [hbm4b:s23+s2], $0x80, v61, vm0, $0xb8;
	[tilespmem:$0x14100] =	vst v63  }
0x5a0: {  	s25 =	simm.s32 $0x5780  }
0x5a1: {  	[tilespmem:s25], [sflag:$0x1] =	stream.indirect_vreg.gather [hbm4b:s23+s2], $0x80, v22, vm0, $0xb8;
	[tilespmem:$0x14100] =	vst v63  }
0x5a2: {  	v22 =	vld [tilespmem:s24+$0x30];
	_ =	sdelay $0x4  }
0x5a3: {  	v23 =	vshll.u32 v22, $0xC  }
0x5a4: {  	v22 =	vand.u32 $0x7, v22;
	v23 =	vand.u32 $0xFFFF8000, v23  }
0x5a5: {  	v22 =	vor.u32 v22, v23  }
0x5a6: {  	v23 =	vperm.xlane v22, v3;
	_ =	sdelay $0x1  }
0x5a7: {  	v62 =	vperm.xlane v22, v5;
	v23 =	vadd.s32 v4, v23;
	_ =	sdelay $0x1  }
0x5a8: {  	v63 =	vperm.xlane v22, v6;
	v24 =	vadd.s32 v4, v62;
	_ =	sdelay $0x1  }
0x5a9: {  	s25 =	simm.s32 $0x5800;
	v28 =	vperm.xlane v22, v7;
	v25 =	vadd.s32 v4, v63  }
0x5aa: {  	[tilespmem:s25], [sflag:$0x1] =	stream.indirect_vreg.gather [hbm4b:s23+s2], $0x80, v23, vm0, $0xb8;
	[tilespmem:$0x14100] =	vst v63  }
0x5ab: {  	v29 =	vperm.xlane v22, v8;
	v23 =	vadd.s32 v4, v28;
	s25 =	simm.s32 $0x5880  }
0x5ac: {  	[tilespmem:s25], [sflag:$0x1] =	stream.indirect_vreg.gather [hbm4b:s23+s2], $0x80, v24, vm0, $0xb8;
	[tilespmem:$0x14100] =	vst v63  }
0x5ad: {  	v31 =	vperm.xlane v22, v9;
	v30 =	vadd.s32 v4, v29;
	s25 =	simm.s32 $0x5900  }
0x5ae: {  	[tilespmem:s25], [sflag:$0x1] =	stream.indirect_vreg.gather [hbm4b:s23+s2], $0x80, v25, vm0, $0xb8;
	[tilespmem:$0x14100] =	vst v63  }
0x5af: {  	v33 =	vperm.xlane v22, v10;
	v32 =	vadd.s32 v4, v31;
	s25 =	simm.s32 $0x5980  }
0x5b0: {  	[tilespmem:s25], [sflag:$0x1] =	stream.indirect_vreg.gather [hbm4b:s23+s2], $0x80, v23, vm0, $0xb8;
	[tilespmem:$0x14100] =	vst v63  }
0x5b1: {  	v34 =	vperm.xlane v22, v0;
	v23 =	vadd.s32 v4, v33;
	s25 =	simm.s32 $0x5A00  }
0x5b2: {  	[tilespmem:s25], [sflag:$0x1] =	stream.indirect_vreg.gather [hbm4b:s23+s2], $0x80, v30, vm0, $0xb8;
	[tilespmem:$0x14100] =	vst v63  }
0x5b3: {  	v36 =	vperm.xlane v22, v11;
	v35 =	vadd.s32 v4, v34;
	s25 =	simm.s32 $0x5A80  }
0x5b4: {  	[tilespmem:s25], [sflag:$0x1] =	stream.indirect_vreg.gather [hbm4b:s23+s2], $0x80, v32, vm0, $0xb8;
	[tilespmem:$0x14100] =	vst v63  }
0x5b5: {  	v38 =	vperm.xlane v22, v12;
	v37 =	vadd.s32 v4, v36;
	s25 =	simm.s32 $0x5B00  }
0x5b6: {  	[tilespmem:s25], [sflag:$0x1] =	stream.indirect_vreg.gather [hbm4b:s23+s2], $0x80, v23, vm0, $0xb8;
	[tilespmem:$0x14100] =	vst v63  }
0x5b7: {  	v39 =	vperm.xlane v22, v13;
	v23 =	vadd.s32 v4, v38;
	s25 =	simm.s32 $0x5B80  }
0x5b8: {  	[tilespmem:s25], [sflag:$0x1] =	stream.indirect_vreg.gather [hbm4b:s23+s2], $0x80, v35, vm0, $0xb8;
	[tilespmem:$0x14100] =	vst v63  }
0x5b9: {  	v41 =	vperm.xlane v22, v14;
	v40 =	vadd.s32 v4, v39;
	s25 =	simm.s32 $0x5C00  }
0x5ba: {  	[tilespmem:s25], [sflag:$0x1] =	stream.indirect_vreg.gather [hbm4b:s23+s2], $0x80, v37, vm0, $0xb8;
	[tilespmem:$0x14100] =	vst v63  }
0x5bb: {  	v43 =	vperm.xlane v22, v2;
	v42 =	vadd.s32 v4, v41;
	s25 =	simm.s32 $0x5C80  }
0x5bc: {  	[tilespmem:s25], [sflag:$0x1] =	stream.indirect_vreg.gather [hbm4b:s23+s2], $0x80, v23, vm0, $0xb8;
	[tilespmem:$0x14100] =	vst v63  }
0x5bd: {  	v44 =	vperm.xlane v22, v15;
	v23 =	vadd.s32 v4, v43;
	s25 =	simm.s32 $0x5D00  }
0x5be: {  	[tilespmem:s25], [sflag:$0x1] =	stream.indirect_vreg.gather [hbm4b:s23+s2], $0x80, v40, vm0, $0xb8;
	[tilespmem:$0x14100] =	vst v63  }
0x5bf: {  	v46 =	vperm.xlane v22, v16;
	v45 =	vadd.s32 v4, v44;
	s25 =	simm.s32 $0x5D80  }
0x5c0: {  	[tilespmem:s25], [sflag:$0x1] =	stream.indirect_vreg.gather [hbm4b:s23+s2], $0x80, v42, vm0, $0xb8;
	[tilespmem:$0x14100] =	vst v63  }
0x5c1: {  	v22 =	vperm.xlane v22, v17;
	v47 =	vadd.s32 v4, v46;
	s25 =	simm.s32 $0x5E00  }
0x5c2: {  	[tilespmem:s25], [sflag:$0x1] =	stream.indirect_vreg.gather [hbm4b:s23+s2], $0x80, v23, vm0, $0xb8;
	[tilespmem:$0x14100] =	vst v63  }
0x5c3: {  	v22 =	vadd.s32 v4, v22;
	s25 =	simm.s32 $0x5E80  }
0x5c4: {  	[tilespmem:s25], [sflag:$0x1] =	stream.indirect_vreg.gather [hbm4b:s23+s2], $0x80, v45, vm0, $0xb8;
	[tilespmem:$0x14100] =	vst v63  }
0x5c5: {  	s25 =	simm.s32 $0x5F00  }
0x5c6: {  	[tilespmem:s25], [sflag:$0x1] =	stream.indirect_vreg.gather [hbm4b:s23+s2], $0x80, v47, vm0, $0xb8;
	[tilespmem:$0x14100] =	vst v63  }
0x5c7: {  	s25 =	simm.s32 $0x5F80  }
0x5c8: {  	[tilespmem:s25], [sflag:$0x1] =	stream.indirect_vreg.gather [hbm4b:s23+s2], $0x80, v22, vm0, $0xb8;
	[tilespmem:$0x14100] =	vst v63  }
0x5c9: {  	v22 =	vld [tilespmem:s24+$0x40];
	_ =	sdelay $0x4  }
0x5ca: {  	v23 =	vshll.u32 v22, $0xC  }
0x5cb: {  	v22 =	vand.u32 $0x7, v22;
	v23 =	vand.u32 $0xFFFF8000, v23  }
0x5cc: {  	v22 =	vor.u32 v22, v23  }
0x5cd: {  	v23 =	vperm.xlane v22, v3;
	_ =	sdelay $0x1  }
0x5ce: {  	v48 =	vperm.xlane v22, v5;
	v23 =	vadd.s32 v4, v23;
	_ =	sdelay $0x1  }
0x5cf: {  	v49 =	vperm.xlane v22, v6;
	v24 =	vadd.s32 v4, v48;
	_ =	sdelay $0x1  }
0x5d0: {  	s25 =	simm.s32 $0x6000;
	v50 =	vperm.xlane v22, v7;
	v25 =	vadd.s32 v4, v49  }
0x5d1: {  	[tilespmem:s25], [sflag:$0x1] =	stream.indirect_vreg.gather [hbm4b:s23+s2], $0x80, v23, vm0, $0xb8;
	[tilespmem:$0x14100] =	vst v63  }
0x5d2: {  	v51 =	vperm.xlane v22, v8;
	v23 =	vadd.s32 v4, v50;
	s25 =	simm.s32 $0x6080  }
0x5d3: {  	[tilespmem:s25], [sflag:$0x1] =	stream.indirect_vreg.gather [hbm4b:s23+s2], $0x80, v24, vm0, $0xb8;
	[tilespmem:$0x14100] =	vst v63  }
0x5d4: {  	v53 =	vperm.xlane v22, v9;
	v52 =	vadd.s32 v4, v51;
	s25 =	simm.s32 $0x6100  }
0x5d5: {  	[tilespmem:s25], [sflag:$0x1] =	stream.indirect_vreg.gather [hbm4b:s23+s2], $0x80, v25, vm0, $0xb8;
	[tilespmem:$0x14100] =	vst v63  }
0x5d6: {  	v55 =	vperm.xlane v22, v10;
	v54 =	vadd.s32 v4, v53;
	s25 =	simm.s32 $0x6180  }
0x5d7: {  	[tilespmem:s25], [sflag:$0x1] =	stream.indirect_vreg.gather [hbm4b:s23+s2], $0x80, v23, vm0, $0xb8;
	[tilespmem:$0x14100] =	vst v63  }
0x5d8: {  	v56 =	vperm.xlane v22, v0;
	v23 =	vadd.s32 v4, v55;
	s25 =	simm.s32 $0x6200  }
0x5d9: {  	[tilespmem:s25], [sflag:$0x1] =	stream.indirect_vreg.gather [hbm4b:s23+s2], $0x80, v52, vm0, $0xb8;
	[tilespmem:$0x14100] =	vst v63  }
0x5da: {  	v58 =	vperm.xlane v22, v11;
	v57 =	vadd.s32 v4, v56;
	s25 =	simm.s32 $0x6280  }
0x5db: {  	[tilespmem:s25], [sflag:$0x1] =	stream.indirect_vreg.gather [hbm4b:s23+s2], $0x80, v54, vm0, $0xb8;
	[tilespmem:$0x14100] =	vst v63  }
0x5dc: {  	v60 =	vperm.xlane v22, v12;
	v59 =	vadd.s32 v4, v58;
	s25 =	simm.s32 $0x6300  }
0x5dd: {  	[tilespmem:s25], [sflag:$0x1] =	stream.indirect_vreg.gather [hbm4b:s23+s2], $0x80, v23, vm0, $0xb8;
	[tilespmem:$0x14100] =	vst v63  }
0x5de: {  	v61 =	vperm.xlane v22, v13;
	v23 =	vadd.s32 v4, v60;
	s25 =	simm.s32 $0x6380  }
0x5df: {  	[tilespmem:s25], [sflag:$0x1] =	stream.indirect_vreg.gather [hbm4b:s23+s2], $0x80, v57, vm0, $0xb8;
	[tilespmem:$0x14100] =	vst v63  }
0x5e0: {  	v63 =	vperm.xlane v22, v14;
	v62 =	vadd.s32 v4, v61;
	s25 =	simm.s32 $0x6400  }
0x5e1: {  	[tilespmem:s25], [sflag:$0x1] =	stream.indirect_vreg.gather [hbm4b:s23+s2], $0x80, v59, vm0, $0xb8;
	[tilespmem:$0x14100] =	vst v63  }
0x5e2: {  	v29 =	vperm.xlane v22, v2;
	v28 =	vadd.s32 v4, v63;
	s25 =	simm.s32 $0x6480  }
0x5e3: {  	[tilespmem:s25], [sflag:$0x1] =	stream.indirect_vreg.gather [hbm4b:s23+s2], $0x80, v23, vm0, $0xb8;
	[tilespmem:$0x14100] =	vst v63  }
0x5e4: {  	v30 =	vperm.xlane v22, v15;
	v23 =	vadd.s32 v4, v29;
	s25 =	simm.s32 $0x6500  }
0x5e5: {  	[tilespmem:s25], [sflag:$0x1] =	stream.indirect_vreg.gather [hbm4b:s23+s2], $0x80, v62, vm0, $0xb8;
	[tilespmem:$0x14100] =	vst v63  }
0x5e6: {  	v32 =	vperm.xlane v22, v16;
	v31 =	vadd.s32 v4, v30;
	s25 =	simm.s32 $0x6580  }
0x5e7: {  	[tilespmem:s25], [sflag:$0x1] =	stream.indirect_vreg.gather [hbm4b:s23+s2], $0x80, v28, vm0, $0xb8;
	[tilespmem:$0x14100] =	vst v63  }
0x5e8: {  	v22 =	vperm.xlane v22, v17;
	v33 =	vadd.s32 v4, v32;
	s25 =	simm.s32 $0x6600  }
0x5e9: {  	[tilespmem:s25], [sflag:$0x1] =	stream.indirect_vreg.gather [hbm4b:s23+s2], $0x80, v23, vm0, $0xb8;
	[tilespmem:$0x14100] =	vst v63  }
0x5ea: {  	v22 =	vadd.s32 v4, v22;
	s25 =	simm.s32 $0x6680  }
0x5eb: {  	[tilespmem:s25], [sflag:$0x1] =	stream.indirect_vreg.gather [hbm4b:s23+s2], $0x80, v31, vm0, $0xb8;
	[tilespmem:$0x14100] =	vst v63  }
0x5ec: {  	s25 =	simm.s32 $0x6700  }
0x5ed: {  	[tilespmem:s25], [sflag:$0x1] =	stream.indirect_vreg.gather [hbm4b:s23+s2], $0x80, v33, vm0, $0xb8;
	[tilespmem:$0x14100] =	vst v63  }
0x5ee: {  	s25 =	simm.s32 $0x6780  }
0x5ef: {  	[tilespmem:s25], [sflag:$0x1] =	stream.indirect_vreg.gather [hbm4b:s23+s2], $0x80, v22, vm0, $0xb8;
	[tilespmem:$0x14100] =	vst v63  }
0x5f0: {  	v22 =	vld [tilespmem:s24+$0x50];
	_ =	sdelay $0x4  }
0x5f1: {  	v23 =	vshll.u32 v22, $0xC  }
0x5f2: {  	v22 =	vand.u32 $0x7, v22;
	v23 =	vand.u32 $0xFFFF8000, v23  }
0x5f3: {  	v22 =	vor.u32 v22, v23  }
0x5f4: {  	v23 =	vperm.xlane v22, v3;
	_ =	sdelay $0x1  }
0x5f5: {  	v34 =	vperm.xlane v22, v5;
	v23 =	vadd.s32 v4, v23;
	_ =	sdelay $0x1  }
0x5f6: {  	v35 =	vperm.xlane v22, v6;
	v24 =	vadd.s32 v4, v34;
	_ =	sdelay $0x1  }
0x5f7: {  	s25 =	simm.s32 $0x6800;
	v36 =	vperm.xlane v22, v7;
	v25 =	vadd.s32 v4, v35  }
0x5f8: {  	[tilespmem:s25], [sflag:$0x1] =	stream.indirect_vreg.gather [hbm4b:s23+s2], $0x80, v23, vm0, $0xb8;
	[tilespmem:$0x14100] =	vst v63  }
0x5f9: {  	v37 =	vperm.xlane v22, v8;
	v23 =	vadd.s32 v4, v36;
	s25 =	simm.s32 $0x6880  }
0x5fa: {  	[tilespmem:s25], [sflag:$0x1] =	stream.indirect_vreg.gather [hbm4b:s23+s2], $0x80, v24, vm0, $0xb8;
	[tilespmem:$0x14100] =	vst v63  }
0x5fb: {  	v39 =	vperm.xlane v22, v9;
	v38 =	vadd.s32 v4, v37;
	s25 =	simm.s32 $0x6900  }
0x5fc: {  	[tilespmem:s25], [sflag:$0x1] =	stream.indirect_vreg.gather [hbm4b:s23+s2], $0x80, v25, vm0, $0xb8;
	[tilespmem:$0x14100] =	vst v63  }
0x5fd: {  	v41 =	vperm.xlane v22, v10;
	v40 =	vadd.s32 v4, v39;
	s25 =	simm.s32 $0x6980  }
0x5fe: {  	[tilespmem:s25], [sflag:$0x1] =	stream.indirect_vreg.gather [hbm4b:s23+s2], $0x80, v23, vm0, $0xb8;
	[tilespmem:$0x14100] =	vst v63  }
0x5ff: {  	v42 =	vperm.xlane v22, v0;
	v23 =	vadd.s32 v4, v41;
	s25 =	simm.s32 $0x6A00  }
0x600: {  	[tilespmem:s25], [sflag:$0x1] =	stream.indirect_vreg.gather [hbm4b:s23+s2], $0x80, v38, vm0, $0xb8;
	[tilespmem:$0x14100] =	vst v63  }
0x601: {  	v44 =	vperm.xlane v22, v11;
	v43 =	vadd.s32 v4, v42;
	s25 =	simm.s32 $0x6A80  }
0x602: {  	[tilespmem:s25], [sflag:$0x1] =	stream.indirect_vreg.gather [hbm4b:s23+s2], $0x80, v40, vm0, $0xb8;
	[tilespmem:$0x14100] =	vst v63  }
0x603: {  	v46 =	vperm.xlane v22, v12;
	v45 =	vadd.s32 v4, v44;
	s25 =	simm.s32 $0x6B00  }
0x604: {  	[tilespmem:s25], [sflag:$0x1] =	stream.indirect_vreg.gather [hbm4b:s23+s2], $0x80, v23, vm0, $0xb8;
	[tilespmem:$0x14100] =	vst v63  }
0x605: {  	v47 =	vperm.xlane v22, v13;
	v23 =	vadd.s32 v4, v46;
	s25 =	simm.s32 $0x6B80  }
0x606: {  	[tilespmem:s25], [sflag:$0x1] =	stream.indirect_vreg.gather [hbm4b:s23+s2], $0x80, v43, vm0, $0xb8;
	[tilespmem:$0x14100] =	vst v63  }
0x607: {  	v49 =	vperm.xlane v22, v14;
	v48 =	vadd.s32 v4, v47;
	s25 =	simm.s32 $0x6C00  }
0x608: {  	[tilespmem:s25], [sflag:$0x1] =	stream.indirect_vreg.gather [hbm4b:s23+s2], $0x80, v45, vm0, $0xb8;
	[tilespmem:$0x14100] =	vst v63  }
0x609: {  	v51 =	vperm.xlane v22, v2;
	v50 =	vadd.s32 v4, v49;
	s25 =	simm.s32 $0x6C80  }
0x60a: {  	[tilespmem:s25], [sflag:$0x1] =	stream.indirect_vreg.gather [hbm4b:s23+s2], $0x80, v23, vm0, $0xb8;
	[tilespmem:$0x14100] =	vst v63  }
0x60b: {  	v52 =	vperm.xlane v22, v15;
	v23 =	vadd.s32 v4, v51;
	s25 =	simm.s32 $0x6D00  }
0x60c: {  	[tilespmem:s25], [sflag:$0x1] =	stream.indirect_vreg.gather [hbm4b:s23+s2], $0x80, v48, vm0, $0xb8;
	[tilespmem:$0x14100] =	vst v63  }
0x60d: {  	v54 =	vperm.xlane v22, v16;
	v53 =	vadd.s32 v4, v52;
	s25 =	simm.s32 $0x6D80  }
0x60e: {  	[tilespmem:s25], [sflag:$0x1] =	stream.indirect_vreg.gather [hbm4b:s23+s2], $0x80, v50, vm0, $0xb8;
	[tilespmem:$0x14100] =	vst v63  }
0x60f: {  	v22 =	vperm.xlane v22, v17;
	v55 =	vadd.s32 v4, v54;
	s25 =	simm.s32 $0x6E00  }
0x610: {  	[tilespmem:s25], [sflag:$0x1] =	stream.indirect_vreg.gather [hbm4b:s23+s2], $0x80, v23, vm0, $0xb8;
	[tilespmem:$0x14100] =	vst v63  }
0x611: {  	v22 =	vadd.s32 v4, v22;
	s25 =	simm.s32 $0x6E80  }
0x612: {  	[tilespmem:s25], [sflag:$0x1] =	stream.indirect_vreg.gather [hbm4b:s23+s2], $0x80, v53, vm0, $0xb8;
	[tilespmem:$0x14100] =	vst v63  }
0x613: {  	s25 =	simm.s32 $0x6F00  }
0x614: {  	[tilespmem:s25], [sflag:$0x1] =	stream.indirect_vreg.gather [hbm4b:s23+s2], $0x80, v55, vm0, $0xb8;
	[tilespmem:$0x14100] =	vst v63  }
0x615: {  	s25 =	simm.s32 $0x6F80  }
0x616: {  	[tilespmem:s25], [sflag:$0x1] =	stream.indirect_vreg.gather [hbm4b:s23+s2], $0x80, v22, vm0, $0xb8;
	[tilespmem:$0x14100] =	vst v63  }
0x617: {  	v22 =	vld [tilespmem:s24+$0x60];
	_ =	sdelay $0x4  }
0x618: {  	v23 =	vshll.u32 v22, $0xC  }
0x619: {  	v22 =	vand.u32 $0x7, v22;
	v23 =	vand.u32 $0xFFFF8000, v23  }
0x61a: {  	v22 =	vor.u32 v22, v23  }
0x61b: {  	v23 =	vperm.xlane v22, v3;
	_ =	sdelay $0x1  }
0x61c: {  	v56 =	vperm.xlane v22, v5;
	v23 =	vadd.s32 v4, v23;
	_ =	sdelay $0x1  }
0x61d: {  	v57 =	vperm.xlane v22, v6;
	v24 =	vadd.s32 v4, v56;
	_ =	sdelay $0x1  }
0x61e: {  	s25 =	simm.s32 $0x7000;
	v58 =	vperm.xlane v22, v7;
	v25 =	vadd.s32 v4, v57  }
0x61f: {  	[tilespmem:s25], [sflag:$0x1] =	stream.indirect_vreg.gather [hbm4b:s23+s2], $0x80, v23, vm0, $0xb8;
	[tilespmem:$0x14100] =	vst v63  }
0x620: {  	v59 =	vperm.xlane v22, v8;
	v23 =	vadd.s32 v4, v58;
	s25 =	simm.s32 $0x7080  }
0x621: {  	[tilespmem:s25], [sflag:$0x1] =	stream.indirect_vreg.gather [hbm4b:s23+s2], $0x80, v24, vm0, $0xb8;
	[tilespmem:$0x14100] =	vst v63  }
0x622: {  	v61 =	vperm.xlane v22, v9;
	v60 =	vadd.s32 v4, v59;
	s25 =	simm.s32 $0x7100  }
0x623: {  	[tilespmem:s25], [sflag:$0x1] =	stream.indirect_vreg.gather [hbm4b:s23+s2], $0x80, v25, vm0, $0xb8;
	[tilespmem:$0x14100] =	vst v63  }
0x624: {  	v63 =	vperm.xlane v22, v10;
	v62 =	vadd.s32 v4, v61;
	s25 =	simm.s32 $0x7180  }
0x625: {  	[tilespmem:s25], [sflag:$0x1] =	stream.indirect_vreg.gather [hbm4b:s23+s2], $0x80, v23, vm0, $0xb8;
	[tilespmem:$0x14100] =	vst v63  }
0x626: {  	v28 =	vperm.xlane v22, v0;
	v23 =	vadd.s32 v4, v63;
	s25 =	simm.s32 $0x7200  }
0x627: {  	[tilespmem:s25], [sflag:$0x1] =	stream.indirect_vreg.gather [hbm4b:s23+s2], $0x80, v60, vm0, $0xb8;
	[tilespmem:$0x14100] =	vst v63  }
0x628: {  	v30 =	vperm.xlane v22, v11;
	v29 =	vadd.s32 v4, v28;
	s25 =	simm.s32 $0x7280  }
0x629: {  	[tilespmem:s25], [sflag:$0x1] =	stream.indirect_vreg.gather [hbm4b:s23+s2], $0x80, v62, vm0, $0xb8;
	[tilespmem:$0x14100] =	vst v63  }
0x62a: {  	v32 =	vperm.xlane v22, v12;
	v31 =	vadd.s32 v4, v30;
	s25 =	simm.s32 $0x7300  }
0x62b: {  	[tilespmem:s25], [sflag:$0x1] =	stream.indirect_vreg.gather [hbm4b:s23+s2], $0x80, v23, vm0, $0xb8;
	[tilespmem:$0x14100] =	vst v63  }
0x62c: {  	v33 =	vperm.xlane v22, v13;
	v23 =	vadd.s32 v4, v32;
	s25 =	simm.s32 $0x7380  }
0x62d: {  	[tilespmem:s25], [sflag:$0x1] =	stream.indirect_vreg.gather [hbm4b:s23+s2], $0x80, v29, vm0, $0xb8;
	[tilespmem:$0x14100] =	vst v63  }
0x62e: {  	v35 =	vperm.xlane v22, v14;
	v34 =	vadd.s32 v4, v33;
	s25 =	simm.s32 $0x7400  }
0x62f: {  	[tilespmem:s25], [sflag:$0x1] =	stream.indirect_vreg.gather [hbm4b:s23+s2], $0x80, v31, vm0, $0xb8;
	[tilespmem:$0x14100] =	vst v63  }
0x630: {  	v37 =	vperm.xlane v22, v2;
	v36 =	vadd.s32 v4, v35;
	s25 =	simm.s32 $0x7480  }
0x631: {  	[tilespmem:s25], [sflag:$0x1] =	stream.indirect_vreg.gather [hbm4b:s23+s2], $0x80, v23, vm0, $0xb8;
	[tilespmem:$0x14100] =	vst v63  }
0x632: {  	v38 =	vperm.xlane v22, v15;
	v23 =	vadd.s32 v4, v37;
	s25 =	simm.s32 $0x7500  }
0x633: {  	[tilespmem:s25], [sflag:$0x1] =	stream.indirect_vreg.gather [hbm4b:s23+s2], $0x80, v34, vm0, $0xb8;
	[tilespmem:$0x14100] =	vst v63  }
0x634: {  	v40 =	vperm.xlane v22, v16;
	v39 =	vadd.s32 v4, v38;
	s25 =	simm.s32 $0x7580  }
0x635: {  	[tilespmem:s25], [sflag:$0x1] =	stream.indirect_vreg.gather [hbm4b:s23+s2], $0x80, v36, vm0, $0xb8;
	[tilespmem:$0x14100] =	vst v63  }
0x636: {  	v22 =	vperm.xlane v22, v17;
	v41 =	vadd.s32 v4, v40;
	s25 =	simm.s32 $0x7600  }
0x637: {  	[tilespmem:s25], [sflag:$0x1] =	stream.indirect_vreg.gather [hbm4b:s23+s2], $0x80, v23, vm0, $0xb8;
	[tilespmem:$0x14100] =	vst v63  }
0x638: {  	v22 =	vadd.s32 v4, v22;
	s25 =	simm.s32 $0x7680  }
0x639: {  	[tilespmem:s25], [sflag:$0x1] =	stream.indirect_vreg.gather [hbm4b:s23+s2], $0x80, v39, vm0, $0xb8;
	[tilespmem:$0x14100] =	vst v63  }
0x63a: {  	s25 =	simm.s32 $0x7700  }
0x63b: {  	[tilespmem:s25], [sflag:$0x1] =	stream.indirect_vreg.gather [hbm4b:s23+s2], $0x80, v41, vm0, $0xb8;
	[tilespmem:$0x14100] =	vst v63  }
0x63c: {  	s25 =	simm.s32 $0x7780  }
0x63d: {  	[tilespmem:s25], [sflag:$0x1] =	stream.indirect_vreg.gather [hbm4b:s23+s2], $0x80, v22, vm0, $0xb8;
	[tilespmem:$0x14100] =	vst v63  }
0x63e: {  	v22 =	vld [tilespmem:s24+$0x70];
	_ =	sdelay $0x4  }
0x63f: {  	v23 =	vshll.u32 v22, $0xC  }
0x640: {  	v22 =	vand.u32 $0x7, v22;
	v23 =	vand.u32 $0xFFFF8000, v23  }
0x641: {  	v22 =	vor.u32 v22, v23  }
0x642: {  	v23 =	vperm.xlane v22, v3;
	_ =	sdelay $0x1  }
0x643: {  	v42 =	vperm.xlane v22, v5;
	v23 =	vadd.s32 v4, v23;
	_ =	sdelay $0x1  }
0x644: {  	v43 =	vperm.xlane v22, v6;
	v24 =	vadd.s32 v4, v42;
	_ =	sdelay $0x1  }
0x645: {  	s25 =	simm.s32 $0x7800;
	v44 =	vperm.xlane v22, v7;
	v25 =	vadd.s32 v4, v43  }
0x646: {  	[tilespmem:s25], [sflag:$0x1] =	stream.indirect_vreg.gather [hbm4b:s23+s2], $0x80, v23, vm0, $0xb8;
	[tilespmem:$0x14100] =	vst v63  }
0x647: {  	v45 =	vperm.xlane v22, v8;
	v23 =	vadd.s32 v4, v44;
	s25 =	simm.s32 $0x7880  }
0x648: {  	[tilespmem:s25], [sflag:$0x1] =	stream.indirect_vreg.gather [hbm4b:s23+s2], $0x80, v24, vm0, $0xb8;
	[tilespmem:$0x14100] =	vst v63  }
0x649: {  	v47 =	vperm.xlane v22, v9;
	v46 =	vadd.s32 v4, v45;
	s25 =	simm.s32 $0x7900  }
0x64a: {  	[tilespmem:s25], [sflag:$0x1] =	stream.indirect_vreg.gather [hbm4b:s23+s2], $0x80, v25, vm0, $0xb8;
	[tilespmem:$0x14100] =	vst v63  }
0x64b: {  	v49 =	vperm.xlane v22, v10;
	v48 =	vadd.s32 v4, v47;
	s25 =	simm.s32 $0x7980  }
0x64c: {  	[tilespmem:s25], [sflag:$0x1] =	stream.indirect_vreg.gather [hbm4b:s23+s2], $0x80, v23, vm0, $0xb8;
	[tilespmem:$0x14100] =	vst v63  }
0x64d: {  	v50 =	vperm.xlane v22, v0;
	v23 =	vadd.s32 v4, v49;
	s25 =	simm.s32 $0x7A00  }
0x64e: {  	[tilespmem:s25], [sflag:$0x1] =	stream.indirect_vreg.gather [hbm4b:s23+s2], $0x80, v46, vm0, $0xb8;
	[tilespmem:$0x14100] =	vst v63  }
0x64f: {  	v52 =	vperm.xlane v22, v11;
	v51 =	vadd.s32 v4, v50;
	s25 =	simm.s32 $0x7A80  }
0x650: {  	[tilespmem:s25], [sflag:$0x1] =	stream.indirect_vreg.gather [hbm4b:s23+s2], $0x80, v48, vm0, $0xb8;
	[tilespmem:$0x14100] =	vst v63  }
0x651: {  	v54 =	vperm.xlane v22, v12;
	v53 =	vadd.s32 v4, v52;
	s25 =	simm.s32 $0x7B00  }
0x652: {  	[tilespmem:s25], [sflag:$0x1] =	stream.indirect_vreg.gather [hbm4b:s23+s2], $0x80, v23, vm0, $0xb8;
	[tilespmem:$0x14100] =	vst v63  }
0x653: {  	v55 =	vperm.xlane v22, v13;
	v23 =	vadd.s32 v4, v54;
	s25 =	simm.s32 $0x7B80  }
0x654: {  	[tilespmem:s25], [sflag:$0x1] =	stream.indirect_vreg.gather [hbm4b:s23+s2], $0x80, v51, vm0, $0xb8;
	[tilespmem:$0x14100] =	vst v63  }
0x655: {  	v57 =	vperm.xlane v22, v14;
	v56 =	vadd.s32 v4, v55;
	s25 =	simm.s32 $0x7C00  }
0x656: {  	[tilespmem:s25], [sflag:$0x1] =	stream.indirect_vreg.gather [hbm4b:s23+s2], $0x80, v53, vm0, $0xb8;
	[tilespmem:$0x14100] =	vst v63  }
0x657: {  	v59 =	vperm.xlane v22, v2;
	v58 =	vadd.s32 v4, v57;
	s25 =	simm.s32 $0x7C80  }
0x658: {  	[tilespmem:s25], [sflag:$0x1] =	stream.indirect_vreg.gather [hbm4b:s23+s2], $0x80, v23, vm0, $0xb8;
	[tilespmem:$0x14100] =	vst v63  }
0x659: {  	v60 =	vperm.xlane v22, v15;
	v23 =	vadd.s32 v4, v59;
	s25 =	simm.s32 $0x7D00  }
0x65a: {  	[tilespmem:s25], [sflag:$0x1] =	stream.indirect_vreg.gather [hbm4b:s23+s2], $0x80, v56, vm0, $0xb8;
	[tilespmem:$0x14100] =	vst v63  }
0x65b: {  	v62 =	vperm.xlane v22, v16;
	v61 =	vadd.s32 v4, v60;
	s25 =	simm.s32 $0x7D80  }
0x65c: {  	[tilespmem:s25], [sflag:$0x1] =	stream.indirect_vreg.gather [hbm4b:s23+s2], $0x80, v58, vm0, $0xb8;
	[tilespmem:$0x14100] =	vst v63  }
0x65d: {  	v22 =	vperm.xlane v22, v17;
	v63 =	vadd.s32 v4, v62;
	s25 =	simm.s32 $0x7E00  }
0x65e: {  	[tilespmem:s25], [sflag:$0x1] =	stream.indirect_vreg.gather [hbm4b:s23+s2], $0x80, v23, vm0, $0xb8;
	[tilespmem:$0x14100] =	vst v63  }
0x65f: {  	v22 =	vadd.s32 v4, v22;
	s25 =	simm.s32 $0x7E80  }
0x660: {  	[tilespmem:s25], [sflag:$0x1] =	stream.indirect_vreg.gather [hbm4b:s23+s2], $0x80, v61, vm0, $0xb8;
	[tilespmem:$0x14100] =	vst v63  }
0x661: {  	s25 =	simm.s32 $0x7F00  }
0x662: {  	[tilespmem:s25], [sflag:$0x1] =	stream.indirect_vreg.gather [hbm4b:s23+s2], $0x80, v63, vm0, $0xb8;
	[tilespmem:$0x14100] =	vst v63  }
0x663: {  	s25 =	simm.s32 $0x7F80  }
0x664: {  	[tilespmem:s25], [sflag:$0x1] =	stream.indirect_vreg.gather [hbm4b:s23+s2], $0x80, v22, vm0, $0xb8;
	[tilespmem:$0x14100] =	vst v63  }
.LBB2_6:
0x665: {  	s23 =	simm.s32 $0x0  }
0x666: {  	v22 =	vmov s23  }
0x667: {  	v22 =	vmul.u32 $0x81, v22;
	_ =	sdelay $0x1  }
0x668: {  	v22 =	vbroadcast v22, $0x0  }
0x669: {  	s24 =	simm.s32 $0x10  }
0x66a: {  	v23 =	vmov s24;
	v22 =	vadd.s32 v19, v22  }
0x66b: {  	v23 =	vmul.u32 $0x81, v23  }
0x66c: {  	_ =	swait.ge [sflag:s18], $0x4000  }
0x66d: {  	[sflag:s18] =	ssyncset.done $0x0;
	v23 =	vbroadcast v23, $0x0  }
0x66e: {  	s25 =	simm.s32 $0x20;
	[sflag:s18] =	ssyncadd.s32 $0xFFFFC000  }
0x66f: {  	v24 =	vld.idx.msk [tilespmem:v22+s15+$0x0], $0xffff;
	v22 =	vadd.s32 v19, v23;
	v23 =	vmov s25  }
0x670: {  	v23 =	vmul.u32 $0x81, v23;
	_ =	sdelay $0x1  }
0x671: {  	v26 =	vbroadcast v23, $0x0;
	v23 =	vld [tilespmem:s10+$0x0];
	_ =	sdelay $0x1  }
0x672: {  	v25 =	vsub.f32 $1.000000000e+00, v24  }
0x673: {  	s23 =	simm.s32 $0x30;
	s24 =	smov.u32 s10;
	v22 =	vld.idx.msk [tilespmem:v22+s15+$0x0], $0xffff;
	v24 =	vadd.s32 v19, v26  }
.LBB2_7:
0x674: {  	v26 =	vmov s23;
	p1 =	sne.s32 s23, $0x70;
	s23 =	sadd.s32 $0x10, s23;
	v25 =	vmul.f32 v25, v25  }
.Ltmp4:
0x675: {  	s24 =	sadd.s32 $0x10, s24;
	v26 =	vmul.u32 $0x81, v26;
	vm1 =	veq.s32 v23, $0xFF;
	(pc) =	sbr.rel @p1 .LBB2_7-.Ltmp4, $4  }
0x676: {  	v23 =	vld [tilespmem:s24+$0x0];
	v25 =	vsel vm1, $0x0, v25;
	v27 =	vsel vm1, $0x0, v18  }
0x677: {  	v26 =	vbroadcast v26, $0x0;
	v20 =	vadd.f32 v25, v20;
	v21 =	vadd.f32 v27, v21  }
0x678: {  	v25 =	vsub.f32 $1.000000000e+00, v22;
	v22 =	vld.idx.msk [tilespmem:v24+s15+$0x0], $0xffff  }
0x679: {  	v24 =	vadd.s32 v19, v26  }
0x67a: {  	_ =	sdelay $0x3  }
0x67b: {  	s23 =	sadd.s32 $0x10, s24;
	v24 =	vld.idx.msk [tilespmem:v24+s15+$0x0], $0xffff  }
0x67c: {  	v26 =	vld [tilespmem:s23+$0x0]  }
0x67d: {  	v25 =	vmul.f32 v25, v25;
	s23 =	sadd.s32 $0x10, s23  }
0x67e: {  	vm1 =	veq.s32 v23, $0xFF;
	v23 =	vld [tilespmem:s23+$0x0];
	v22 =	vsub.f32 $1.000000000e+00, v22  }
0x67f: {  	v25 =	vsel vm1, $0x0, v25  }
0x680: {  	v27 =	vsel vm1, $0x0, v18;
	v22 =	vmul.f32 v22, v22;
	v24 =	vsub.f32 $1.000000000e+00, v24  }
.Ltmp5:
0x681: {  	v20 =	vadd.f32 v25, v20;
	v21 =	vadd.f32 v27, v21;
	vm1 =	veq.s32 v26, $0xFF;
	(pc) =	sbr.rel @p0 .LBB2_10-.Ltmp5, $4  }
0x682: {  	v22 =	vsel vm1, $0x0, v22;
	v63 =	vsel vm1, $0x0, v18;
	v24 =	vmul.f32 v24, v24  }
0x683: {  	vm1 =	veq.s32 v23, $0xFF;
	v20 =	vadd.f32 v22, v20;
	v21 =	vadd.f32 v63, v21  }
0x684: {  	v23 =	vsel vm1, $0x0, v18;
	v22 =	vsel vm1, $0x0, v24  }
0x685: {  	v20 =	vadd.f32 v22, v20;
	v21 =	vadd.f32 v23, v21  }
0x686: {  	s23 =	sshll.u32 s22, $0x7  }
0x687: {  	s23 =	sadd.s32 $0x280, s23  }
0x688: {  	s24 =	sand.u32 $0x3FFFFF80, s23  }
0x689: {  	v22 =	vld [tilespmem:s24+$0x0];
	_ =	sdelay $0x4  }
0x68a: {  	v23 =	vshll.u32 v22, $0xC  }
0x68b: {  	v22 =	vand.u32 $0x7, v22;
	v23 =	vand.u32 $0xFFFF8000, v23  }
0x68c: {  	v22 =	vor.u32 v22, v23  }
0x68d: {  	v23 =	vperm.xlane v22, v3;
	_ =	sdelay $0x1  }
0x68e: {  	v24 =	vperm.xlane v22, v5;
	v23 =	vadd.s32 v4, v23;
	_ =	sdelay $0x1  }
0x68f: {  	v25 =	vperm.xlane v22, v6;
	v24 =	vadd.s32 v4, v24;
	_ =	sdelay $0x1  }
0x690: {  	s23 =	sadd.s32 s23, s3;
	v26 =	vperm.xlane v22, v7;
	v25 =	vadd.s32 v4, v25  }
0x691: {  	[tilespmem:s15], [sflag:$0x2] =	stream.indirect_vreg.gather [hbm4b:s23+s2], $0x80, v23, vm0, $0xb8;
	[tilespmem:$0x14100] =	vst v63  }
0x692: {  	s25 =	simm.s32 $0x8080;
	v35 =	vperm.xlane v22, v8;
	v23 =	vadd.s32 v4, v26  }
0x693: {  	[tilespmem:s25], [sflag:$0x2] =	stream.indirect_vreg.gather [hbm4b:s23+s2], $0x80, v24, vm0, $0xb8;
	[tilespmem:$0x14100] =	vst v63  }
0x694: {  	v37 =	vperm.xlane v22, v9;
	v36 =	vadd.s32 v4, v35;
	s25 =	simm.s32 $0x8100  }
0x695: {  	[tilespmem:s25], [sflag:$0x2] =	stream.indirect_vreg.gather [hbm4b:s23+s2], $0x80, v25, vm0, $0xb8;
	[tilespmem:$0x14100] =	vst v63  }
0x696: {  	v39 =	vperm.xlane v22, v10;
	v38 =	vadd.s32 v4, v37;
	s25 =	simm.s32 $0x8180  }
0x697: {  	[tilespmem:s25], [sflag:$0x2] =	stream.indirect_vreg.gather [hbm4b:s23+s2], $0x80, v23, vm0, $0xb8;
	[tilespmem:$0x14100] =	vst v63  }
0x698: {  	v40 =	vperm.xlane v22, v0;
	v23 =	vadd.s32 v4, v39;
	s25 =	simm.s32 $0x8200  }
0x699: {  	[tilespmem:s25], [sflag:$0x2] =	stream.indirect_vreg.gather [hbm4b:s23+s2], $0x80, v36, vm0, $0xb8;
	[tilespmem:$0x14100] =	vst v63  }
0x69a: {  	v42 =	vperm.xlane v22, v11;
	v41 =	vadd.s32 v4, v40;
	s25 =	simm.s32 $0x8280  }
0x69b: {  	[tilespmem:s25], [sflag:$0x2] =	stream.indirect_vreg.gather [hbm4b:s23+s2], $0x80, v38, vm0, $0xb8;
	[tilespmem:$0x14100] =	vst v63  }
0x69c: {  	v44 =	vperm.xlane v22, v12;
	v43 =	vadd.s32 v4, v42;
	s25 =	simm.s32 $0x8300  }
0x69d: {  	[tilespmem:s25], [sflag:$0x2] =	stream.indirect_vreg.gather [hbm4b:s23+s2], $0x80, v23, vm0, $0xb8;
	[tilespmem:$0x14100] =	vst v63  }
0x69e: {  	v45 =	vperm.xlane v22, v13;
	v23 =	vadd.s32 v4, v44;
	s25 =	simm.s32 $0x8380  }
0x69f: {  	[tilespmem:s25], [sflag:$0x2] =	stream.indirect_vreg.gather [hbm4b:s23+s2], $0x80, v41, vm0, $0xb8;
	[tilespmem:$0x14100] =	vst v63  }
0x6a0: {  	v47 =	vperm.xlane v22, v14;
	v46 =	vadd.s32 v4, v45;
	s25 =	simm.s32 $0x8400  }
0x6a1: {  	[tilespmem:s25], [sflag:$0x2] =	stream.indirect_vreg.gather [hbm4b:s23+s2], $0x80, v43, vm0, $0xb8;
	[tilespmem:$0x14100] =	vst v63  }
0x6a2: {  	v49 =	vperm.xlane v22, v2;
	v48 =	vadd.s32 v4, v47;
	s25 =	simm.s32 $0x8480  }
0x6a3: {  	[tilespmem:s25], [sflag:$0x2] =	stream.indirect_vreg.gather [hbm4b:s23+s2], $0x80, v23, vm0, $0xb8;
	[tilespmem:$0x14100] =	vst v63  }
0x6a4: {  	v50 =	vperm.xlane v22, v15;
	v23 =	vadd.s32 v4, v49;
	s25 =	simm.s32 $0x8500  }
0x6a5: {  	[tilespmem:s25], [sflag:$0x2] =	stream.indirect_vreg.gather [hbm4b:s23+s2], $0x80, v46, vm0, $0xb8;
	[tilespmem:$0x14100] =	vst v63  }
0x6a6: {  	v52 =	vperm.xlane v22, v16;
	v51 =	vadd.s32 v4, v50;
	s25 =	simm.s32 $0x8580  }
0x6a7: {  	[tilespmem:s25], [sflag:$0x2] =	stream.indirect_vreg.gather [hbm4b:s23+s2], $0x80, v48, vm0, $0xb8;
	[tilespmem:$0x14100] =	vst v63  }
0x6a8: {  	v22 =	vperm.xlane v22, v17;
	v53 =	vadd.s32 v4, v52;
	s25 =	simm.s32 $0x8600  }
0x6a9: {  	[tilespmem:s25], [sflag:$0x2] =	stream.indirect_vreg.gather [hbm4b:s23+s2], $0x80, v23, vm0, $0xb8;
	[tilespmem:$0x14100] =	vst v63  }
0x6aa: {  	v22 =	vadd.s32 v4, v22;
	s25 =	simm.s32 $0x8680  }
0x6ab: {  	[tilespmem:s25], [sflag:$0x2] =	stream.indirect_vreg.gather [hbm4b:s23+s2], $0x80, v51, vm0, $0xb8;
	[tilespmem:$0x14100] =	vst v63  }
0x6ac: {  	s25 =	simm.s32 $0x8700  }
0x6ad: {  	[tilespmem:s25], [sflag:$0x2] =	stream.indirect_vreg.gather [hbm4b:s23+s2], $0x80, v53, vm0, $0xb8;
	[tilespmem:$0x14100] =	vst v63  }
0x6ae: {  	s25 =	simm.s32 $0x8780  }
0x6af: {  	[tilespmem:s25], [sflag:$0x2] =	stream.indirect_vreg.gather [hbm4b:s23+s2], $0x80, v22, vm0, $0xb8;
	[tilespmem:$0x14100] =	vst v63  }
0x6b0: {  	v22 =	vld [tilespmem:s24+$0x10];
	_ =	sdelay $0x4  }
0x6b1: {  	v23 =	vshll.u32 v22, $0xC  }
0x6b2: {  	v22 =	vand.u32 $0x7, v22;
	v23 =	vand.u32 $0xFFFF8000, v23  }
0x6b3: {  	v22 =	vor.u32 v22, v23  }
0x6b4: {  	v23 =	vperm.xlane v22, v3;
	_ =	sdelay $0x1  }
0x6b5: {  	v54 =	vperm.xlane v22, v5;
	v23 =	vadd.s32 v4, v23;
	_ =	sdelay $0x1  }
0x6b6: {  	v55 =	vperm.xlane v22, v6;
	v24 =	vadd.s32 v4, v54;
	_ =	sdelay $0x1  }
0x6b7: {  	s25 =	simm.s32 $0x8800;
	v56 =	vperm.xlane v22, v7;
	v25 =	vadd.s32 v4, v55  }
0x6b8: {  	[tilespmem:s25], [sflag:$0x2] =	stream.indirect_vreg.gather [hbm4b:s23+s2], $0x80, v23, vm0, $0xb8;
	[tilespmem:$0x14100] =	vst v63  }
0x6b9: {  	v57 =	vperm.xlane v22, v8;
	v23 =	vadd.s32 v4, v56;
	s25 =	simm.s32 $0x8880  }
0x6ba: {  	[tilespmem:s25], [sflag:$0x2] =	stream.indirect_vreg.gather [hbm4b:s23+s2], $0x80, v24, vm0, $0xb8;
	[tilespmem:$0x14100] =	vst v63  }
0x6bb: {  	v59 =	vperm.xlane v22, v9;
	v58 =	vadd.s32 v4, v57;
	s25 =	simm.s32 $0x8900  }
0x6bc: {  	[tilespmem:s25], [sflag:$0x2] =	stream.indirect_vreg.gather [hbm4b:s23+s2], $0x80, v25, vm0, $0xb8;
	[tilespmem:$0x14100] =	vst v63  }
0x6bd: {  	v61 =	vperm.xlane v22, v10;
	v60 =	vadd.s32 v4, v59;
	s25 =	simm.s32 $0x8980  }
0x6be: {  	[tilespmem:s25], [sflag:$0x2] =	stream.indirect_vreg.gather [hbm4b:s23+s2], $0x80, v23, vm0, $0xb8;
	[tilespmem:$0x14100] =	vst v63  }
0x6bf: {  	v62 =	vperm.xlane v22, v0;
	v23 =	vadd.s32 v4, v61;
	s25 =	simm.s32 $0x8A00  }
0x6c0: {  	[tilespmem:s25], [sflag:$0x2] =	stream.indirect_vreg.gather [hbm4b:s23+s2], $0x80, v58, vm0, $0xb8;
	[tilespmem:$0x14100] =	vst v63  }
0x6c1: {  	v28 =	vperm.xlane v22, v11;
	v63 =	vadd.s32 v4, v62;
	s25 =	simm.s32 $0x8A80  }
0x6c2: {  	[tilespmem:s25], [sflag:$0x2] =	stream.indirect_vreg.gather [hbm4b:s23+s2], $0x80, v60, vm0, $0xb8;
	[tilespmem:$0x14100] =	vst v63  }
0x6c3: {  	v30 =	vperm.xlane v22, v12;
	v29 =	vadd.s32 v4, v28;
	s25 =	simm.s32 $0x8B00  }
0x6c4: {  	[tilespmem:s25], [sflag:$0x2] =	stream.indirect_vreg.gather [hbm4b:s23+s2], $0x80, v23, vm0, $0xb8;
	[tilespmem:$0x14100] =	vst v63  }
0x6c5: {  	v31 =	vperm.xlane v22, v13;
	v23 =	vadd.s32 v4, v30;
	s25 =	simm.s32 $0x8B80  }
0x6c6: {  	[tilespmem:s25], [sflag:$0x2] =	stream.indirect_vreg.gather [hbm4b:s23+s2], $0x80, v63, vm0, $0xb8;
	[tilespmem:$0x14100] =	vst v63  }
0x6c7: {  	v33 =	vperm.xlane v22, v14;
	v32 =	vadd.s32 v4, v31;
	s25 =	simm.s32 $0x8C00  }
0x6c8: {  	[tilespmem:s25], [sflag:$0x2] =	stream.indirect_vreg.gather [hbm4b:s23+s2], $0x80, v29, vm0, $0xb8;
	[tilespmem:$0x14100] =	vst v63  }
0x6c9: {  	v35 =	vperm.xlane v22, v2;
	v34 =	vadd.s32 v4, v33;
	s25 =	simm.s32 $0x8C80  }
0x6ca: {  	[tilespmem:s25], [sflag:$0x2] =	stream.indirect_vreg.gather [hbm4b:s23+s2], $0x80, v23, vm0, $0xb8;
	[tilespmem:$0x14100] =	vst v63  }
0x6cb: {  	v36 =	vperm.xlane v22, v15;
	v23 =	vadd.s32 v4, v35;
	s25 =	simm.s32 $0x8D00  }
0x6cc: {  	[tilespmem:s25], [sflag:$0x2] =	stream.indirect_vreg.gather [hbm4b:s23+s2], $0x80, v32, vm0, $0xb8;
	[tilespmem:$0x14100] =	vst v63  }
0x6cd: {  	v38 =	vperm.xlane v22, v16;
	v37 =	vadd.s32 v4, v36;
	s25 =	simm.s32 $0x8D80  }
0x6ce: {  	[tilespmem:s25], [sflag:$0x2] =	stream.indirect_vreg.gather [hbm4b:s23+s2], $0x80, v34, vm0, $0xb8;
	[tilespmem:$0x14100] =	vst v63  }
0x6cf: {  	v22 =	vperm.xlane v22, v17;
	v39 =	vadd.s32 v4, v38;
	s25 =	simm.s32 $0x8E00  }
0x6d0: {  	[tilespmem:s25], [sflag:$0x2] =	stream.indirect_vreg.gather [hbm4b:s23+s2], $0x80, v23, vm0, $0xb8;
	[tilespmem:$0x14100] =	vst v63  }
0x6d1: {  	v22 =	vadd.s32 v4, v22;
	s25 =	simm.s32 $0x8E80  }
0x6d2: {  	[tilespmem:s25], [sflag:$0x2] =	stream.indirect_vreg.gather [hbm4b:s23+s2], $0x80, v37, vm0, $0xb8;
	[tilespmem:$0x14100] =	vst v63  }
0x6d3: {  	s25 =	simm.s32 $0x8F00  }
0x6d4: {  	[tilespmem:s25], [sflag:$0x2] =	stream.indirect_vreg.gather [hbm4b:s23+s2], $0x80, v39, vm0, $0xb8;
	[tilespmem:$0x14100] =	vst v63  }
0x6d5: {  	s25 =	simm.s32 $0x8F80  }
0x6d6: {  	[tilespmem:s25], [sflag:$0x2] =	stream.indirect_vreg.gather [hbm4b:s23+s2], $0x80, v22, vm0, $0xb8;
	[tilespmem:$0x14100] =	vst v63  }
0x6d7: {  	v22 =	vld [tilespmem:s24+$0x20];
	_ =	sdelay $0x4  }
0x6d8: {  	v23 =	vshll.u32 v22, $0xC  }
0x6d9: {  	v22 =	vand.u32 $0x7, v22;
	v23 =	vand.u32 $0xFFFF8000, v23  }
0x6da: {  	v22 =	vor.u32 v22, v23  }
0x6db: {  	v23 =	vperm.xlane v22, v3;
	_ =	sdelay $0x1  }
0x6dc: {  	v40 =	vperm.xlane v22, v5;
	v23 =	vadd.s32 v4, v23;
	_ =	sdelay $0x1  }
0x6dd: {  	v41 =	vperm.xlane v22, v6;
	v24 =	vadd.s32 v4, v40;
	_ =	sdelay $0x1  }
0x6de: {  	s25 =	simm.s32 $0x9000;
	v42 =	vperm.xlane v22, v7;
	v25 =	vadd.s32 v4, v41  }
0x6df: {  	[tilespmem:s25], [sflag:$0x2] =	stream.indirect_vreg.gather [hbm4b:s23+s2], $0x80, v23, vm0, $0xb8;
	[tilespmem:$0x14100] =	vst v63  }
0x6e0: {  	v43 =	vperm.xlane v22, v8;
	v23 =	vadd.s32 v4, v42;
	s25 =	simm.s32 $0x9080  }
0x6e1: {  	[tilespmem:s25], [sflag:$0x2] =	stream.indirect_vreg.gather [hbm4b:s23+s2], $0x80, v24, vm0, $0xb8;
	[tilespmem:$0x14100] =	vst v63  }
0x6e2: {  	v45 =	vperm.xlane v22, v9;
	v44 =	vadd.s32 v4, v43;
	s25 =	simm.s32 $0x9100  }
0x6e3: {  	[tilespmem:s25], [sflag:$0x2] =	stream.indirect_vreg.gather [hbm4b:s23+s2], $0x80, v25, vm0, $0xb8;
	[tilespmem:$0x14100] =	vst v63  }
0x6e4: {  	v47 =	vperm.xlane v22, v10;
	v46 =	vadd.s32 v4, v45;
	s25 =	simm.s32 $0x9180  }
0x6e5: {  	[tilespmem:s25], [sflag:$0x2] =	stream.indirect_vreg.gather [hbm4b:s23+s2], $0x80, v23, vm0, $0xb8;
	[tilespmem:$0x14100] =	vst v63  }
0x6e6: {  	v48 =	vperm.xlane v22, v0;
	v23 =	vadd.s32 v4, v47;
	s25 =	simm.s32 $0x9200  }
0x6e7: {  	[tilespmem:s25], [sflag:$0x2] =	stream.indirect_vreg.gather [hbm4b:s23+s2], $0x80, v44, vm0, $0xb8;
	[tilespmem:$0x14100] =	vst v63  }
0x6e8: {  	v50 =	vperm.xlane v22, v11;
	v49 =	vadd.s32 v4, v48;
	s25 =	simm.s32 $0x9280  }
0x6e9: {  	[tilespmem:s25], [sflag:$0x2] =	stream.indirect_vreg.gather [hbm4b:s23+s2], $0x80, v46, vm0, $0xb8;
	[tilespmem:$0x14100] =	vst v63  }
0x6ea: {  	v52 =	vperm.xlane v22, v12;
	v51 =	vadd.s32 v4, v50;
	s25 =	simm.s32 $0x9300  }
0x6eb: {  	[tilespmem:s25], [sflag:$0x2] =	stream.indirect_vreg.gather [hbm4b:s23+s2], $0x80, v23, vm0, $0xb8;
	[tilespmem:$0x14100] =	vst v63  }
0x6ec: {  	v53 =	vperm.xlane v22, v13;
	v23 =	vadd.s32 v4, v52;
	s25 =	simm.s32 $0x9380  }
0x6ed: {  	[tilespmem:s25], [sflag:$0x2] =	stream.indirect_vreg.gather [hbm4b:s23+s2], $0x80, v49, vm0, $0xb8;
	[tilespmem:$0x14100] =	vst v63  }
0x6ee: {  	v55 =	vperm.xlane v22, v14;
	v54 =	vadd.s32 v4, v53;
	s25 =	simm.s32 $0x9400  }
0x6ef: {  	[tilespmem:s25], [sflag:$0x2] =	stream.indirect_vreg.gather [hbm4b:s23+s2], $0x80, v51, vm0, $0xb8;
	[tilespmem:$0x14100] =	vst v63  }
0x6f0: {  	v57 =	vperm.xlane v22, v2;
	v56 =	vadd.s32 v4, v55;
	s25 =	simm.s32 $0x9480  }
0x6f1: {  	[tilespmem:s25], [sflag:$0x2] =	stream.indirect_vreg.gather [hbm4b:s23+s2], $0x80, v23, vm0, $0xb8;
	[tilespmem:$0x14100] =	vst v63  }
0x6f2: {  	v58 =	vperm.xlane v22, v15;
	v23 =	vadd.s32 v4, v57;
	s25 =	simm.s32 $0x9500  }
0x6f3: {  	[tilespmem:s25], [sflag:$0x2] =	stream.indirect_vreg.gather [hbm4b:s23+s2], $0x80, v54, vm0, $0xb8;
	[tilespmem:$0x14100] =	vst v63  }
0x6f4: {  	v60 =	vperm.xlane v22, v16;
	v59 =	vadd.s32 v4, v58;
	s25 =	simm.s32 $0x9580  }
0x6f5: {  	[tilespmem:s25], [sflag:$0x2] =	stream.indirect_vreg.gather [hbm4b:s23+s2], $0x80, v56, vm0, $0xb8;
	[tilespmem:$0x14100] =	vst v63  }
0x6f6: {  	v22 =	vperm.xlane v22, v17;
	v61 =	vadd.s32 v4, v60;
	s25 =	simm.s32 $0x9600  }
0x6f7: {  	[tilespmem:s25], [sflag:$0x2] =	stream.indirect_vreg.gather [hbm4b:s23+s2], $0x80, v23, vm0, $0xb8;
	[tilespmem:$0x14100] =	vst v63  }
0x6f8: {  	v22 =	vadd.s32 v4, v22;
	s25 =	simm.s32 $0x9680  }
0x6f9: {  	[tilespmem:s25], [sflag:$0x2] =	stream.indirect_vreg.gather [hbm4b:s23+s2], $0x80, v59, vm0, $0xb8;
	[tilespmem:$0x14100] =	vst v63  }
0x6fa: {  	s25 =	simm.s32 $0x9700  }
0x6fb: {  	[tilespmem:s25], [sflag:$0x2] =	stream.indirect_vreg.gather [hbm4b:s23+s2], $0x80, v61, vm0, $0xb8;
	[tilespmem:$0x14100] =	vst v63  }
0x6fc: {  	s25 =	simm.s32 $0x9780  }
0x6fd: {  	[tilespmem:s25], [sflag:$0x2] =	stream.indirect_vreg.gather [hbm4b:s23+s2], $0x80, v22, vm0, $0xb8;
	[tilespmem:$0x14100] =	vst v63  }
0x6fe: {  	v22 =	vld [tilespmem:s24+$0x30];
	_ =	sdelay $0x4  }
0x6ff: {  	v23 =	vshll.u32 v22, $0xC  }
0x700: {  	v22 =	vand.u32 $0x7, v22;
	v23 =	vand.u32 $0xFFFF8000, v23  }
0x701: {  	v22 =	vor.u32 v22, v23  }
0x702: {  	v23 =	vperm.xlane v22, v3;
	_ =	sdelay $0x1  }
0x703: {  	v62 =	vperm.xlane v22, v5;
	v23 =	vadd.s32 v4, v23;
	_ =	sdelay $0x1  }
0x704: {  	v63 =	vperm.xlane v22, v6;
	v24 =	vadd.s32 v4, v62;
	_ =	sdelay $0x1  }
0x705: {  	s25 =	simm.s32 $0x9800;
	v28 =	vperm.xlane v22, v7;
	v25 =	vadd.s32 v4, v63  }
0x706: {  	[tilespmem:s25], [sflag:$0x2] =	stream.indirect_vreg.gather [hbm4b:s23+s2], $0x80, v23, vm0, $0xb8;
	[tilespmem:$0x14100] =	vst v63  }
0x707: {  	v29 =	vperm.xlane v22, v8;
	v23 =	vadd.s32 v4, v28;
	s25 =	simm.s32 $0x9880  }
0x708: {  	[tilespmem:s25], [sflag:$0x2] =	stream.indirect_vreg.gather [hbm4b:s23+s2], $0x80, v24, vm0, $0xb8;
	[tilespmem:$0x14100] =	vst v63  }
0x709: {  	v31 =	vperm.xlane v22, v9;
	v30 =	vadd.s32 v4, v29;
	s25 =	simm.s32 $0x9900  }
0x70a: {  	[tilespmem:s25], [sflag:$0x2] =	stream.indirect_vreg.gather [hbm4b:s23+s2], $0x80, v25, vm0, $0xb8;
	[tilespmem:$0x14100] =	vst v63  }
0x70b: {  	v33 =	vperm.xlane v22, v10;
	v32 =	vadd.s32 v4, v31;
	s25 =	simm.s32 $0x9980  }
0x70c: {  	[tilespmem:s25], [sflag:$0x2] =	stream.indirect_vreg.gather [hbm4b:s23+s2], $0x80, v23, vm0, $0xb8;
	[tilespmem:$0x14100] =	vst v63  }
0x70d: {  	v34 =	vperm.xlane v22, v0;
	v23 =	vadd.s32 v4, v33;
	s25 =	simm.s32 $0x9A00  }
0x70e: {  	[tilespmem:s25], [sflag:$0x2] =	stream.indirect_vreg.gather [hbm4b:s23+s2], $0x80, v30, vm0, $0xb8;
	[tilespmem:$0x14100] =	vst v63  }
0x70f: {  	v36 =	vperm.xlane v22, v11;
	v35 =	vadd.s32 v4, v34;
	s25 =	simm.s32 $0x9A80  }
0x710: {  	[tilespmem:s25], [sflag:$0x2] =	stream.indirect_vreg.gather [hbm4b:s23+s2], $0x80, v32, vm0, $0xb8;
	[tilespmem:$0x14100] =	vst v63  }
0x711: {  	v38 =	vperm.xlane v22, v12;
	v37 =	vadd.s32 v4, v36;
	s25 =	simm.s32 $0x9B00  }
0x712: {  	[tilespmem:s25], [sflag:$0x2] =	stream.indirect_vreg.gather [hbm4b:s23+s2], $0x80, v23, vm0, $0xb8;
	[tilespmem:$0x14100] =	vst v63  }
0x713: {  	v39 =	vperm.xlane v22, v13;
	v23 =	vadd.s32 v4, v38;
	s25 =	simm.s32 $0x9B80  }
0x714: {  	[tilespmem:s25], [sflag:$0x2] =	stream.indirect_vreg.gather [hbm4b:s23+s2], $0x80, v35, vm0, $0xb8;
	[tilespmem:$0x14100] =	vst v63  }
0x715: {  	v41 =	vperm.xlane v22, v14;
	v40 =	vadd.s32 v4, v39;
	s25 =	simm.s32 $0x9C00  }
0x716: {  	[tilespmem:s25], [sflag:$0x2] =	stream.indirect_vreg.gather [hbm4b:s23+s2], $0x80, v37, vm0, $0xb8;
	[tilespmem:$0x14100] =	vst v63  }
0x717: {  	v43 =	vperm.xlane v22, v2;
	v42 =	vadd.s32 v4, v41;
	s25 =	simm.s32 $0x9C80  }
0x718: {  	[tilespmem:s25], [sflag:$0x2] =	stream.indirect_vreg.gather [hbm4b:s23+s2], $0x80, v23, vm0, $0xb8;
	[tilespmem:$0x14100] =	vst v63  }
0x719: {  	v44 =	vperm.xlane v22, v15;
	v23 =	vadd.s32 v4, v43;
	s25 =	simm.s32 $0x9D00  }
0x71a: {  	[tilespmem:s25], [sflag:$0x2] =	stream.indirect_vreg.gather [hbm4b:s23+s2], $0x80, v40, vm0, $0xb8;
	[tilespmem:$0x14100] =	vst v63  }
0x71b: {  	v46 =	vperm.xlane v22, v16;
	v45 =	vadd.s32 v4, v44;
	s25 =	simm.s32 $0x9D80  }
0x71c: {  	[tilespmem:s25], [sflag:$0x2] =	stream.indirect_vreg.gather [hbm4b:s23+s2], $0x80, v42, vm0, $0xb8;
	[tilespmem:$0x14100] =	vst v63  }
0x71d: {  	v22 =	vperm.xlane v22, v17;
	v47 =	vadd.s32 v4, v46;
	s25 =	simm.s32 $0x9E00  }
0x71e: {  	[tilespmem:s25], [sflag:$0x2] =	stream.indirect_vreg.gather [hbm4b:s23+s2], $0x80, v23, vm0, $0xb8;
	[tilespmem:$0x14100] =	vst v63  }
0x71f: {  	v22 =	vadd.s32 v4, v22;
	s25 =	simm.s32 $0x9E80  }
0x720: {  	[tilespmem:s25], [sflag:$0x2] =	stream.indirect_vreg.gather [hbm4b:s23+s2], $0x80, v45, vm0, $0xb8;
	[tilespmem:$0x14100] =	vst v63  }
0x721: {  	s25 =	simm.s32 $0x9F00  }
0x722: {  	[tilespmem:s25], [sflag:$0x2] =	stream.indirect_vreg.gather [hbm4b:s23+s2], $0x80, v47, vm0, $0xb8;
	[tilespmem:$0x14100] =	vst v63  }
0x723: {  	s25 =	simm.s32 $0x9F80  }
0x724: {  	[tilespmem:s25], [sflag:$0x2] =	stream.indirect_vreg.gather [hbm4b:s23+s2], $0x80, v22, vm0, $0xb8;
	[tilespmem:$0x14100] =	vst v63  }
0x725: {  	v22 =	vld [tilespmem:s24+$0x40];
	_ =	sdelay $0x4  }
0x726: {  	v23 =	vshll.u32 v22, $0xC  }
0x727: {  	v22 =	vand.u32 $0x7, v22;
	v23 =	vand.u32 $0xFFFF8000, v23  }
0x728: {  	v22 =	vor.u32 v22, v23  }
0x729: {  	v23 =	vperm.xlane v22, v3;
	_ =	sdelay $0x1  }
0x72a: {  	v48 =	vperm.xlane v22, v5;
	v23 =	vadd.s32 v4, v23;
	_ =	sdelay $0x1  }
0x72b: {  	v49 =	vperm.xlane v22, v6;
	v24 =	vadd.s32 v4, v48;
	_ =	sdelay $0x1  }
0x72c: {  	s25 =	simm.s32 $0xA000;
	v50 =	vperm.xlane v22, v7;
	v25 =	vadd.s32 v4, v49  }
0x72d: {  	[tilespmem:s25], [sflag:$0x2] =	stream.indirect_vreg.gather [hbm4b:s23+s2], $0x80, v23, vm0, $0xb8;
	[tilespmem:$0x14100] =	vst v63  }
0x72e: {  	v51 =	vperm.xlane v22, v8;
	v23 =	vadd.s32 v4, v50;
	s25 =	simm.s32 $0xA080  }
0x72f: {  	[tilespmem:s25], [sflag:$0x2] =	stream.indirect_vreg.gather [hbm4b:s23+s2], $0x80, v24, vm0, $0xb8;
	[tilespmem:$0x14100] =	vst v63  }
0x730: {  	v53 =	vperm.xlane v22, v9;
	v52 =	vadd.s32 v4, v51;
	s25 =	simm.s32 $0xA100  }
0x731: {  	[tilespmem:s25], [sflag:$0x2] =	stream.indirect_vreg.gather [hbm4b:s23+s2], $0x80, v25, vm0, $0xb8;
	[tilespmem:$0x14100] =	vst v63  }
0x732: {  	v55 =	vperm.xlane v22, v10;
	v54 =	vadd.s32 v4, v53;
	s25 =	simm.s32 $0xA180  }
0x733: {  	[tilespmem:s25], [sflag:$0x2] =	stream.indirect_vreg.gather [hbm4b:s23+s2], $0x80, v23, vm0, $0xb8;
	[tilespmem:$0x14100] =	vst v63  }
0x734: {  	v56 =	vperm.xlane v22, v0;
	v23 =	vadd.s32 v4, v55;
	s25 =	simm.s32 $0xA200  }
0x735: {  	[tilespmem:s25], [sflag:$0x2] =	stream.indirect_vreg.gather [hbm4b:s23+s2], $0x80, v52, vm0, $0xb8;
	[tilespmem:$0x14100] =	vst v63  }
0x736: {  	v58 =	vperm.xlane v22, v11;
	v57 =	vadd.s32 v4, v56;
	s25 =	simm.s32 $0xA280  }
0x737: {  	[tilespmem:s25], [sflag:$0x2] =	stream.indirect_vreg.gather [hbm4b:s23+s2], $0x80, v54, vm0, $0xb8;
	[tilespmem:$0x14100] =	vst v63  }
0x738: {  	v60 =	vperm.xlane v22, v12;
	v59 =	vadd.s32 v4, v58;
	s25 =	simm.s32 $0xA300  }
0x739: {  	[tilespmem:s25], [sflag:$0x2] =	stream.indirect_vreg.gather [hbm4b:s23+s2], $0x80, v23, vm0, $0xb8;
	[tilespmem:$0x14100] =	vst v63  }
0x73a: {  	v61 =	vperm.xlane v22, v13;
	v23 =	vadd.s32 v4, v60;
	s25 =	simm.s32 $0xA380  }
0x73b: {  	[tilespmem:s25], [sflag:$0x2] =	stream.indirect_vreg.gather [hbm4b:s23+s2], $0x80, v57, vm0, $0xb8;
	[tilespmem:$0x14100] =	vst v63  }
0x73c: {  	v63 =	vperm.xlane v22, v14;
	v62 =	vadd.s32 v4, v61;
	s25 =	simm.s32 $0xA400  }
0x73d: {  	[tilespmem:s25], [sflag:$0x2] =	stream.indirect_vreg.gather [hbm4b:s23+s2], $0x80, v59, vm0, $0xb8;
	[tilespmem:$0x14100] =	vst v63  }
0x73e: {  	v29 =	vperm.xlane v22, v2;
	v28 =	vadd.s32 v4, v63;
	s25 =	simm.s32 $0xA480  }
0x73f: {  	[tilespmem:s25], [sflag:$0x2] =	stream.indirect_vreg.gather [hbm4b:s23+s2], $0x80, v23, vm0, $0xb8;
	[tilespmem:$0x14100] =	vst v63  }
0x740: {  	v30 =	vperm.xlane v22, v15;
	v23 =	vadd.s32 v4, v29;
	s25 =	simm.s32 $0xA500  }
0x741: {  	[tilespmem:s25], [sflag:$0x2] =	stream.indirect_vreg.gather [hbm4b:s23+s2], $0x80, v62, vm0, $0xb8;
	[tilespmem:$0x14100] =	vst v63  }
0x742: {  	v32 =	vperm.xlane v22, v16;
	v31 =	vadd.s32 v4, v30;
	s25 =	simm.s32 $0xA580  }
0x743: {  	[tilespmem:s25], [sflag:$0x2] =	stream.indirect_vreg.gather [hbm4b:s23+s2], $0x80, v28, vm0, $0xb8;
	[tilespmem:$0x14100] =	vst v63  }
0x744: {  	v22 =	vperm.xlane v22, v17;
	v33 =	vadd.s32 v4, v32;
	s25 =	simm.s32 $0xA600  }
0x745: {  	[tilespmem:s25], [sflag:$0x2] =	stream.indirect_vreg.gather [hbm4b:s23+s2], $0x80, v23, vm0, $0xb8;
	[tilespmem:$0x14100] =	vst v63  }
0x746: {  	v22 =	vadd.s32 v4, v22;
	s25 =	simm.s32 $0xA680  }
0x747: {  	[tilespmem:s25], [sflag:$0x2] =	stream.indirect_vreg.gather [hbm4b:s23+s2], $0x80, v31, vm0, $0xb8;
	[tilespmem:$0x14100] =	vst v63  }
0x748: {  	s25 =	simm.s32 $0xA700  }
0x749: {  	[tilespmem:s25], [sflag:$0x2] =	stream.indirect_vreg.gather [hbm4b:s23+s2], $0x80, v33, vm0, $0xb8;
	[tilespmem:$0x14100] =	vst v63  }
0x74a: {  	s25 =	simm.s32 $0xA780  }
0x74b: {  	[tilespmem:s25], [sflag:$0x2] =	stream.indirect_vreg.gather [hbm4b:s23+s2], $0x80, v22, vm0, $0xb8;
	[tilespmem:$0x14100] =	vst v63  }
0x74c: {  	v22 =	vld [tilespmem:s24+$0x50];
	_ =	sdelay $0x4  }
0x74d: {  	v23 =	vshll.u32 v22, $0xC  }
0x74e: {  	v22 =	vand.u32 $0x7, v22;
	v23 =	vand.u32 $0xFFFF8000, v23  }
0x74f: {  	v22 =	vor.u32 v22, v23  }
0x750: {  	v23 =	vperm.xlane v22, v3;
	_ =	sdelay $0x1  }
0x751: {  	v34 =	vperm.xlane v22, v5;
	v23 =	vadd.s32 v4, v23;
	_ =	sdelay $0x1  }
0x752: {  	v35 =	vperm.xlane v22, v6;
	v24 =	vadd.s32 v4, v34;
	_ =	sdelay $0x1  }
0x753: {  	s25 =	simm.s32 $0xA800;
	v36 =	vperm.xlane v22, v7;
	v25 =	vadd.s32 v4, v35  }
0x754: {  	[tilespmem:s25], [sflag:$0x2] =	stream.indirect_vreg.gather [hbm4b:s23+s2], $0x80, v23, vm0, $0xb8;
	[tilespmem:$0x14100] =	vst v63  }
0x755: {  	v37 =	vperm.xlane v22, v8;
	v23 =	vadd.s32 v4, v36;
	s25 =	simm.s32 $0xA880  }
0x756: {  	[tilespmem:s25], [sflag:$0x2] =	stream.indirect_vreg.gather [hbm4b:s23+s2], $0x80, v24, vm0, $0xb8;
	[tilespmem:$0x14100] =	vst v63  }
0x757: {  	v39 =	vperm.xlane v22, v9;
	v38 =	vadd.s32 v4, v37;
	s25 =	simm.s32 $0xA900  }
0x758: {  	[tilespmem:s25], [sflag:$0x2] =	stream.indirect_vreg.gather [hbm4b:s23+s2], $0x80, v25, vm0, $0xb8;
	[tilespmem:$0x14100] =	vst v63  }
0x759: {  	v41 =	vperm.xlane v22, v10;
	v40 =	vadd.s32 v4, v39;
	s25 =	simm.s32 $0xA980  }
0x75a: {  	[tilespmem:s25], [sflag:$0x2] =	stream.indirect_vreg.gather [hbm4b:s23+s2], $0x80, v23, vm0, $0xb8;
	[tilespmem:$0x14100] =	vst v63  }
0x75b: {  	v42 =	vperm.xlane v22, v0;
	v23 =	vadd.s32 v4, v41;
	s25 =	simm.s32 $0xAA00  }
0x75c: {  	[tilespmem:s25], [sflag:$0x2] =	stream.indirect_vreg.gather [hbm4b:s23+s2], $0x80, v38, vm0, $0xb8;
	[tilespmem:$0x14100] =	vst v63  }
0x75d: {  	v44 =	vperm.xlane v22, v11;
	v43 =	vadd.s32 v4, v42;
	s25 =	simm.s32 $0xAA80  }
0x75e: {  	[tilespmem:s25], [sflag:$0x2] =	stream.indirect_vreg.gather [hbm4b:s23+s2], $0x80, v40, vm0, $0xb8;
	[tilespmem:$0x14100] =	vst v63  }
0x75f: {  	v46 =	vperm.xlane v22, v12;
	v45 =	vadd.s32 v4, v44;
	s25 =	simm.s32 $0xAB00  }
0x760: {  	[tilespmem:s25], [sflag:$0x2] =	stream.indirect_vreg.gather [hbm4b:s23+s2], $0x80, v23, vm0, $0xb8;
	[tilespmem:$0x14100] =	vst v63  }
0x761: {  	v47 =	vperm.xlane v22, v13;
	v23 =	vadd.s32 v4, v46;
	s25 =	simm.s32 $0xAB80  }
0x762: {  	[tilespmem:s25], [sflag:$0x2] =	stream.indirect_vreg.gather [hbm4b:s23+s2], $0x80, v43, vm0, $0xb8;
	[tilespmem:$0x14100] =	vst v63  }
0x763: {  	v49 =	vperm.xlane v22, v14;
	v48 =	vadd.s32 v4, v47;
	s25 =	simm.s32 $0xAC00  }
0x764: {  	[tilespmem:s25], [sflag:$0x2] =	stream.indirect_vreg.gather [hbm4b:s23+s2], $0x80, v45, vm0, $0xb8;
	[tilespmem:$0x14100] =	vst v63  }
0x765: {  	v51 =	vperm.xlane v22, v2;
	v50 =	vadd.s32 v4, v49;
	s25 =	simm.s32 $0xAC80  }
0x766: {  	[tilespmem:s25], [sflag:$0x2] =	stream.indirect_vreg.gather [hbm4b:s23+s2], $0x80, v23, vm0, $0xb8;
	[tilespmem:$0x14100] =	vst v63  }
0x767: {  	v52 =	vperm.xlane v22, v15;
	v23 =	vadd.s32 v4, v51;
	s25 =	simm.s32 $0xAD00  }
0x768: {  	[tilespmem:s25], [sflag:$0x2] =	stream.indirect_vreg.gather [hbm4b:s23+s2], $0x80, v48, vm0, $0xb8;
	[tilespmem:$0x14100] =	vst v63  }
0x769: {  	v54 =	vperm.xlane v22, v16;
	v53 =	vadd.s32 v4, v52;
	s25 =	simm.s32 $0xAD80  }
0x76a: {  	[tilespmem:s25], [sflag:$0x2] =	stream.indirect_vreg.gather [hbm4b:s23+s2], $0x80, v50, vm0, $0xb8;
	[tilespmem:$0x14100] =	vst v63  }
0x76b: {  	v22 =	vperm.xlane v22, v17;
	v55 =	vadd.s32 v4, v54;
	s25 =	simm.s32 $0xAE00  }
0x76c: {  	[tilespmem:s25], [sflag:$0x2] =	stream.indirect_vreg.gather [hbm4b:s23+s2], $0x80, v23, vm0, $0xb8;
	[tilespmem:$0x14100] =	vst v63  }
0x76d: {  	v22 =	vadd.s32 v4, v22;
	s25 =	simm.s32 $0xAE80  }
0x76e: {  	[tilespmem:s25], [sflag:$0x2] =	stream.indirect_vreg.gather [hbm4b:s23+s2], $0x80, v53, vm0, $0xb8;
	[tilespmem:$0x14100] =	vst v63  }
0x76f: {  	s25 =	simm.s32 $0xAF00  }
0x770: {  	[tilespmem:s25], [sflag:$0x2] =	stream.indirect_vreg.gather [hbm4b:s23+s2], $0x80, v55, vm0, $0xb8;
	[tilespmem:$0x14100] =	vst v63  }
0x771: {  	s25 =	simm.s32 $0xAF80  }
0x772: {  	[tilespmem:s25], [sflag:$0x2] =	stream.indirect_vreg.gather [hbm4b:s23+s2], $0x80, v22, vm0, $0xb8;
	[tilespmem:$0x14100] =	vst v63  }
0x773: {  	v22 =	vld [tilespmem:s24+$0x60];
	_ =	sdelay $0x4  }
0x774: {  	v23 =	vshll.u32 v22, $0xC  }
0x775: {  	v22 =	vand.u32 $0x7, v22;
	v23 =	vand.u32 $0xFFFF8000, v23  }
0x776: {  	v22 =	vor.u32 v22, v23  }
0x777: {  	v23 =	vperm.xlane v22, v3;
	_ =	sdelay $0x1  }
0x778: {  	v56 =	vperm.xlane v22, v5;
	v23 =	vadd.s32 v4, v23;
	_ =	sdelay $0x1  }
0x779: {  	v57 =	vperm.xlane v22, v6;
	v24 =	vadd.s32 v4, v56;
	_ =	sdelay $0x1  }
0x77a: {  	s25 =	simm.s32 $0xB000;
	v58 =	vperm.xlane v22, v7;
	v25 =	vadd.s32 v4, v57  }
0x77b: {  	[tilespmem:s25], [sflag:$0x2] =	stream.indirect_vreg.gather [hbm4b:s23+s2], $0x80, v23, vm0, $0xb8;
	[tilespmem:$0x14100] =	vst v63  }
0x77c: {  	v59 =	vperm.xlane v22, v8;
	v23 =	vadd.s32 v4, v58;
	s25 =	simm.s32 $0xB080  }
0x77d: {  	[tilespmem:s25], [sflag:$0x2] =	stream.indirect_vreg.gather [hbm4b:s23+s2], $0x80, v24, vm0, $0xb8;
	[tilespmem:$0x14100] =	vst v63  }
0x77e: {  	v61 =	vperm.xlane v22, v9;
	v60 =	vadd.s32 v4, v59;
	s25 =	simm.s32 $0xB100  }
0x77f: {  	[tilespmem:s25], [sflag:$0x2] =	stream.indirect_vreg.gather [hbm4b:s23+s2], $0x80, v25, vm0, $0xb8;
	[tilespmem:$0x14100] =	vst v63  }
0x780: {  	v63 =	vperm.xlane v22, v10;
	v62 =	vadd.s32 v4, v61;
	s25 =	simm.s32 $0xB180  }
0x781: {  	[tilespmem:s25], [sflag:$0x2] =	stream.indirect_vreg.gather [hbm4b:s23+s2], $0x80, v23, vm0, $0xb8;
	[tilespmem:$0x14100] =	vst v63  }
0x782: {  	v28 =	vperm.xlane v22, v0;
	v23 =	vadd.s32 v4, v63;
	s25 =	simm.s32 $0xB200  }
0x783: {  	[tilespmem:s25], [sflag:$0x2] =	stream.indirect_vreg.gather [hbm4b:s23+s2], $0x80, v60, vm0, $0xb8;
	[tilespmem:$0x14100] =	vst v63  }
0x784: {  	v30 =	vperm.xlane v22, v11;
	v29 =	vadd.s32 v4, v28;
	s25 =	simm.s32 $0xB280  }
0x785: {  	[tilespmem:s25], [sflag:$0x2] =	stream.indirect_vreg.gather [hbm4b:s23+s2], $0x80, v62, vm0, $0xb8;
	[tilespmem:$0x14100] =	vst v63  }
0x786: {  	v32 =	vperm.xlane v22, v12;
	v31 =	vadd.s32 v4, v30;
	s25 =	simm.s32 $0xB300  }
0x787: {  	[tilespmem:s25], [sflag:$0x2] =	stream.indirect_vreg.gather [hbm4b:s23+s2], $0x80, v23, vm0, $0xb8;
	[tilespmem:$0x14100] =	vst v63  }
0x788: {  	v33 =	vperm.xlane v22, v13;
	v23 =	vadd.s32 v4, v32;
	s25 =	simm.s32 $0xB380  }
0x789: {  	[tilespmem:s25], [sflag:$0x2] =	stream.indirect_vreg.gather [hbm4b:s23+s2], $0x80, v29, vm0, $0xb8;
	[tilespmem:$0x14100] =	vst v63  }
0x78a: {  	v35 =	vperm.xlane v22, v14;
	v34 =	vadd.s32 v4, v33;
	s25 =	simm.s32 $0xB400  }
0x78b: {  	[tilespmem:s25], [sflag:$0x2] =	stream.indirect_vreg.gather [hbm4b:s23+s2], $0x80, v31, vm0, $0xb8;
	[tilespmem:$0x14100] =	vst v63  }
0x78c: {  	v37 =	vperm.xlane v22, v2;
	v36 =	vadd.s32 v4, v35;
	s25 =	simm.s32 $0xB480  }
0x78d: {  	[tilespmem:s25], [sflag:$0x2] =	stream.indirect_vreg.gather [hbm4b:s23+s2], $0x80, v23, vm0, $0xb8;
	[tilespmem:$0x14100] =	vst v63  }
0x78e: {  	v38 =	vperm.xlane v22, v15;
	v23 =	vadd.s32 v4, v37;
	s25 =	simm.s32 $0xB500  }
0x78f: {  	[tilespmem:s25], [sflag:$0x2] =	stream.indirect_vreg.gather [hbm4b:s23+s2], $0x80, v34, vm0, $0xb8;
	[tilespmem:$0x14100] =	vst v63  }
0x790: {  	v40 =	vperm.xlane v22, v16;
	v39 =	vadd.s32 v4, v38;
	s25 =	simm.s32 $0xB580  }
0x791: {  	[tilespmem:s25], [sflag:$0x2] =	stream.indirect_vreg.gather [hbm4b:s23+s2], $0x80, v36, vm0, $0xb8;
	[tilespmem:$0x14100] =	vst v63  }
0x792: {  	v22 =	vperm.xlane v22, v17;
	v41 =	vadd.s32 v4, v40;
	s25 =	simm.s32 $0xB600  }
0x793: {  	[tilespmem:s25], [sflag:$0x2] =	stream.indirect_vreg.gather [hbm4b:s23+s2], $0x80, v23, vm0, $0xb8;
	[tilespmem:$0x14100] =	vst v63  }
0x794: {  	v22 =	vadd.s32 v4, v22;
	s25 =	simm.s32 $0xB680  }
0x795: {  	[tilespmem:s25], [sflag:$0x2] =	stream.indirect_vreg.gather [hbm4b:s23+s2], $0x80, v39, vm0, $0xb8;
	[tilespmem:$0x14100] =	vst v63  }
0x796: {  	s25 =	simm.s32 $0xB700  }
0x797: {  	[tilespmem:s25], [sflag:$0x2] =	stream.indirect_vreg.gather [hbm4b:s23+s2], $0x80, v41, vm0, $0xb8;
	[tilespmem:$0x14100] =	vst v63  }
0x798: {  	s25 =	simm.s32 $0xB780  }
0x799: {  	[tilespmem:s25], [sflag:$0x2] =	stream.indirect_vreg.gather [hbm4b:s23+s2], $0x80, v22, vm0, $0xb8;
	[tilespmem:$0x14100] =	vst v63  }
0x79a: {  	v22 =	vld [tilespmem:s24+$0x70];
	_ =	sdelay $0x4  }
0x79b: {  	v23 =	vshll.u32 v22, $0xC  }
0x79c: {  	v22 =	vand.u32 $0x7, v22;
	v23 =	vand.u32 $0xFFFF8000, v23  }
0x79d: {  	v22 =	vor.u32 v22, v23  }
0x79e: {  	v23 =	vperm.xlane v22, v3;
	_ =	sdelay $0x1  }
0x79f: {  	v42 =	vperm.xlane v22, v5;
	v23 =	vadd.s32 v4, v23;
	_ =	sdelay $0x1  }
0x7a0: {  	v43 =	vperm.xlane v22, v6;
	v24 =	vadd.s32 v4, v42;
	_ =	sdelay $0x1  }
0x7a1: {  	s25 =	simm.s32 $0xB800;
	v44 =	vperm.xlane v22, v7;
	v25 =	vadd.s32 v4, v43  }
0x7a2: {  	[tilespmem:s25], [sflag:$0x2] =	stream.indirect_vreg.gather [hbm4b:s23+s2], $0x80, v23, vm0, $0xb8;
	[tilespmem:$0x14100] =	vst v63  }
0x7a3: {  	v45 =	vperm.xlane v22, v8;
	v23 =	vadd.s32 v4, v44;
	s25 =	simm.s32 $0xB880  }
0x7a4: {  	[tilespmem:s25], [sflag:$0x2] =	stream.indirect_vreg.gather [hbm4b:s23+s2], $0x80, v24, vm0, $0xb8;
	[tilespmem:$0x14100] =	vst v63  }
0x7a5: {  	v47 =	vperm.xlane v22, v9;
	v46 =	vadd.s32 v4, v45;
	s25 =	simm.s32 $0xB900  }
0x7a6: {  	[tilespmem:s25], [sflag:$0x2] =	stream.indirect_vreg.gather [hbm4b:s23+s2], $0x80, v25, vm0, $0xb8;
	[tilespmem:$0x14100] =	vst v63  }
0x7a7: {  	v49 =	vperm.xlane v22, v10;
	v48 =	vadd.s32 v4, v47;
	s25 =	simm.s32 $0xB980  }
0x7a8: {  	[tilespmem:s25], [sflag:$0x2] =	stream.indirect_vreg.gather [hbm4b:s23+s2], $0x80, v23, vm0, $0xb8;
	[tilespmem:$0x14100] =	vst v63  }
0x7a9: {  	v50 =	vperm.xlane v22, v0;
	v23 =	vadd.s32 v4, v49;
	s25 =	simm.s32 $0xBA00  }
0x7aa: {  	[tilespmem:s25], [sflag:$0x2] =	stream.indirect_vreg.gather [hbm4b:s23+s2], $0x80, v46, vm0, $0xb8;
	[tilespmem:$0x14100] =	vst v63  }
0x7ab: {  	v52 =	vperm.xlane v22, v11;
	v51 =	vadd.s32 v4, v50;
	s25 =	simm.s32 $0xBA80  }
0x7ac: {  	[tilespmem:s25], [sflag:$0x2] =	stream.indirect_vreg.gather [hbm4b:s23+s2], $0x80, v48, vm0, $0xb8;
	[tilespmem:$0x14100] =	vst v63  }
0x7ad: {  	v54 =	vperm.xlane v22, v12;
	v53 =	vadd.s32 v4, v52;
	s25 =	simm.s32 $0xBB00  }
0x7ae: {  	[tilespmem:s25], [sflag:$0x2] =	stream.indirect_vreg.gather [hbm4b:s23+s2], $0x80, v23, vm0, $0xb8;
	[tilespmem:$0x14100] =	vst v63  }
0x7af: {  	v55 =	vperm.xlane v22, v13;
	v23 =	vadd.s32 v4, v54;
	s25 =	simm.s32 $0xBB80  }
0x7b0: {  	[tilespmem:s25], [sflag:$0x2] =	stream.indirect_vreg.gather [hbm4b:s23+s2], $0x80, v51, vm0, $0xb8;
	[tilespmem:$0x14100] =	vst v63  }
0x7b1: {  	v57 =	vperm.xlane v22, v14;
	v56 =	vadd.s32 v4, v55;
	s25 =	simm.s32 $0xBC00  }
0x7b2: {  	[tilespmem:s25], [sflag:$0x2] =	stream.indirect_vreg.gather [hbm4b:s23+s2], $0x80, v53, vm0, $0xb8;
	[tilespmem:$0x14100] =	vst v63  }
0x7b3: {  	v59 =	vperm.xlane v22, v2;
	v58 =	vadd.s32 v4, v57;
	s25 =	simm.s32 $0xBC80  }
0x7b4: {  	[tilespmem:s25], [sflag:$0x2] =	stream.indirect_vreg.gather [hbm4b:s23+s2], $0x80, v23, vm0, $0xb8;
	[tilespmem:$0x14100] =	vst v63  }
0x7b5: {  	v60 =	vperm.xlane v22, v15;
	v23 =	vadd.s32 v4, v59;
	s25 =	simm.s32 $0xBD00  }
0x7b6: {  	[tilespmem:s25], [sflag:$0x2] =	stream.indirect_vreg.gather [hbm4b:s23+s2], $0x80, v56, vm0, $0xb8;
	[tilespmem:$0x14100] =	vst v63  }
0x7b7: {  	v62 =	vperm.xlane v22, v16;
	v61 =	vadd.s32 v4, v60;
	s25 =	simm.s32 $0xBD80  }
0x7b8: {  	[tilespmem:s25], [sflag:$0x2] =	stream.indirect_vreg.gather [hbm4b:s23+s2], $0x80, v58, vm0, $0xb8;
	[tilespmem:$0x14100] =	vst v63  }
0x7b9: {  	v22 =	vperm.xlane v22, v17;
	v63 =	vadd.s32 v4, v62;
	s25 =	simm.s32 $0xBE00  }
0x7ba: {  	[tilespmem:s25], [sflag:$0x2] =	stream.indirect_vreg.gather [hbm4b:s23+s2], $0x80, v23, vm0, $0xb8;
	[tilespmem:$0x14100] =	vst v63  }
0x7bb: {  	v22 =	vadd.s32 v4, v22;
	s25 =	simm.s32 $0xBE80  }
0x7bc: {  	[tilespmem:s25], [sflag:$0x2] =	stream.indirect_vreg.gather [hbm4b:s23+s2], $0x80, v61, vm0, $0xb8;
	[tilespmem:$0x14100] =	vst v63  }
0x7bd: {  	s25 =	simm.s32 $0xBF00  }
0x7be: {  	[tilespmem:s25], [sflag:$0x2] =	stream.indirect_vreg.gather [hbm4b:s23+s2], $0x80, v63, vm0, $0xb8;
	[tilespmem:$0x14100] =	vst v63  }
0x7bf: {  	s25 =	simm.s32 $0xBF80  }
0x7c0: {  	[tilespmem:s25], [sflag:$0x2] =	stream.indirect_vreg.gather [hbm4b:s23+s2], $0x80, v22, vm0, $0xb8;
	[tilespmem:$0x14100] =	vst v63  }
.LBB2_10:
0x7c1: {  	s23 =	simm.s32 $0x0  }
0x7c2: {  	v22 =	vmov s23  }
0x7c3: {  	v22 =	vmul.u32 $0x81, v22;
	_ =	sdelay $0x1  }
0x7c4: {  	v22 =	vbroadcast v22, $0x0  }
0x7c5: {  	s24 =	simm.s32 $0x10  }
0x7c6: {  	v23 =	vmov s24;
	v22 =	vadd.s32 v19, v22  }
0x7c7: {  	v23 =	vmul.u32 $0x81, v23  }
0x7c8: {  	_ =	swait.ge [sflag:s13], $0x4000  }
0x7c9: {  	[sflag:s13] =	ssyncset.done $0x0;
	v23 =	vbroadcast v23, $0x0  }
0x7ca: {  	s25 =	simm.s32 $0x20;
	[sflag:s13] =	ssyncadd.s32 $0xFFFFC000  }
0x7cb: {  	v24 =	vld.idx.msk [tilespmem:v22+s20+$0x0], $0xffff;
	v22 =	vadd.s32 v19, v23;
	v23 =	vmov s25  }
0x7cc: {  	v23 =	vmul.u32 $0x81, v23;
	_ =	sdelay $0x1  }
0x7cd: {  	v26 =	vbroadcast v23, $0x0;
	v23 =	vld [tilespmem:s11+$0x0];
	_ =	sdelay $0x1  }
0x7ce: {  	v25 =	vsub.f32 $1.000000000e+00, v24  }
0x7cf: {  	s23 =	simm.s32 $0x30;
	s24 =	smov.u32 s11;
	v22 =	vld.idx.msk [tilespmem:v22+s20+$0x0], $0xffff;
	v24 =	vadd.s32 v19, v26  }
.LBB2_11:
0x7d0: {  	v26 =	vmov s23;
	p1 =	sne.s32 s23, $0x70;
	s23 =	sadd.s32 $0x10, s23;
	v25 =	vmul.f32 v25, v25  }
.Ltmp6:
0x7d1: {  	s24 =	sadd.s32 $0x10, s24;
	v26 =	vmul.u32 $0x81, v26;
	vm1 =	veq.s32 v23, $0xFF;
	(pc) =	sbr.rel @p1 .LBB2_11-.Ltmp6, $4  }
0x7d2: {  	v23 =	vld [tilespmem:s24+$0x0];
	v25 =	vsel vm1, $0x0, v25;
	v27 =	vsel vm1, $0x0, v18  }
0x7d3: {  	v26 =	vbroadcast v26, $0x0;
	v20 =	vadd.f32 v25, v20;
	v21 =	vadd.f32 v27, v21  }
0x7d4: {  	v25 =	vsub.f32 $1.000000000e+00, v22;
	v22 =	vld.idx.msk [tilespmem:v24+s20+$0x0], $0xffff  }
0x7d5: {  	v24 =	vadd.s32 v19, v26  }
0x7d6: {  	_ =	sdelay $0x3  }
0x7d7: {  	s23 =	sadd.s32 $0x10, s24;
	v24 =	vld.idx.msk [tilespmem:v24+s20+$0x0], $0xffff  }
0x7d8: {  	v26 =	vld [tilespmem:s23+$0x0]  }
0x7d9: {  	v25 =	vmul.f32 v25, v25;
	s23 =	sadd.s32 $0x10, s23  }
0x7da: {  	vm1 =	veq.s32 v23, $0xFF;
	v23 =	vld [tilespmem:s23+$0x0];
	v22 =	vsub.f32 $1.000000000e+00, v22  }
0x7db: {  	v25 =	vsel vm1, $0x0, v25  }
0x7dc: {  	v27 =	vsel vm1, $0x0, v18;
	v22 =	vmul.f32 v22, v22;
	v24 =	vsub.f32 $1.000000000e+00, v24  }
.Ltmp7:
0x7dd: {  	v20 =	vadd.f32 v25, v20;
	v21 =	vadd.f32 v27, v21;
	vm1 =	veq.s32 v26, $0xFF;
	(pc) =	sbr.rel @p0 .LBB2_14-.Ltmp7, $4  }
0x7de: {  	v22 =	vsel vm1, $0x0, v22;
	v63 =	vsel vm1, $0x0, v18;
	v24 =	vmul.f32 v24, v24  }
0x7df: {  	vm1 =	veq.s32 v23, $0xFF;
	v20 =	vadd.f32 v22, v20;
	v21 =	vadd.f32 v63, v21  }
0x7e0: {  	v23 =	vsel vm1, $0x0, v18;
	v22 =	vsel vm1, $0x0, v24  }
0x7e1: {  	v20 =	vadd.f32 v22, v20;
	v21 =	vadd.f32 v23, v21  }
0x7e2: {  	s23 =	sshll.u32 s22, $0x7  }
0x7e3: {  	s23 =	sadd.s32 $0x300, s23  }
0x7e4: {  	s24 =	sand.u32 $0x3FFFFF80, s23  }
0x7e5: {  	v22 =	vld [tilespmem:s24+$0x0];
	_ =	sdelay $0x4  }
0x7e6: {  	v23 =	vshll.u32 v22, $0xC  }
0x7e7: {  	v22 =	vand.u32 $0x7, v22;
	v23 =	vand.u32 $0xFFFF8000, v23  }
0x7e8: {  	v22 =	vor.u32 v22, v23  }
0x7e9: {  	v23 =	vperm.xlane v22, v3;
	_ =	sdelay $0x1  }
0x7ea: {  	v24 =	vperm.xlane v22, v5;
	v23 =	vadd.s32 v4, v23;
	_ =	sdelay $0x1  }
0x7eb: {  	v25 =	vperm.xlane v22, v6;
	v24 =	vadd.s32 v4, v24;
	_ =	sdelay $0x1  }
0x7ec: {  	s23 =	sadd.s32 s23, s3;
	v26 =	vperm.xlane v22, v7;
	v25 =	vadd.s32 v4, v25  }
0x7ed: {  	[tilespmem:s20], [sflag:$0x3] =	stream.indirect_vreg.gather [hbm4b:s23+s2], $0x80, v23, vm0, $0xb8;
	[tilespmem:$0x14100] =	vst v63  }
0x7ee: {  	s25 =	simm.s32 $0xC080;
	v35 =	vperm.xlane v22, v8;
	v23 =	vadd.s32 v4, v26  }
0x7ef: {  	[tilespmem:s25], [sflag:$0x3] =	stream.indirect_vreg.gather [hbm4b:s23+s2], $0x80, v24, vm0, $0xb8;
	[tilespmem:$0x14100] =	vst v63  }
0x7f0: {  	v37 =	vperm.xlane v22, v9;
	v36 =	vadd.s32 v4, v35;
	s25 =	simm.s32 $0xC100  }
0x7f1: {  	[tilespmem:s25], [sflag:$0x3] =	stream.indirect_vreg.gather [hbm4b:s23+s2], $0x80, v25, vm0, $0xb8;
	[tilespmem:$0x14100] =	vst v63  }
0x7f2: {  	v39 =	vperm.xlane v22, v10;
	v38 =	vadd.s32 v4, v37;
	s25 =	simm.s32 $0xC180  }
0x7f3: {  	[tilespmem:s25], [sflag:$0x3] =	stream.indirect_vreg.gather [hbm4b:s23+s2], $0x80, v23, vm0, $0xb8;
	[tilespmem:$0x14100] =	vst v63  }
0x7f4: {  	v40 =	vperm.xlane v22, v0;
	v23 =	vadd.s32 v4, v39;
	s25 =	simm.s32 $0xC200  }
0x7f5: {  	[tilespmem:s25], [sflag:$0x3] =	stream.indirect_vreg.gather [hbm4b:s23+s2], $0x80, v36, vm0, $0xb8;
	[tilespmem:$0x14100] =	vst v63  }
0x7f6: {  	v42 =	vperm.xlane v22, v11;
	v41 =	vadd.s32 v4, v40;
	s25 =	simm.s32 $0xC280  }
0x7f7: {  	[tilespmem:s25], [sflag:$0x3] =	stream.indirect_vreg.gather [hbm4b:s23+s2], $0x80, v38, vm0, $0xb8;
	[tilespmem:$0x14100] =	vst v63  }
0x7f8: {  	v44 =	vperm.xlane v22, v12;
	v43 =	vadd.s32 v4, v42;
	s25 =	simm.s32 $0xC300  }
0x7f9: {  	[tilespmem:s25], [sflag:$0x3] =	stream.indirect_vreg.gather [hbm4b:s23+s2], $0x80, v23, vm0, $0xb8;
	[tilespmem:$0x14100] =	vst v63  }
0x7fa: {  	v45 =	vperm.xlane v22, v13;
	v23 =	vadd.s32 v4, v44;
	s25 =	simm.s32 $0xC380  }
0x7fb: {  	[tilespmem:s25], [sflag:$0x3] =	stream.indirect_vreg.gather [hbm4b:s23+s2], $0x80, v41, vm0, $0xb8;
	[tilespmem:$0x14100] =	vst v63  }
0x7fc: {  	v47 =	vperm.xlane v22, v14;
	v46 =	vadd.s32 v4, v45;
	s25 =	simm.s32 $0xC400  }
0x7fd: {  	[tilespmem:s25], [sflag:$0x3] =	stream.indirect_vreg.gather [hbm4b:s23+s2], $0x80, v43, vm0, $0xb8;
	[tilespmem:$0x14100] =	vst v63  }
0x7fe: {  	v49 =	vperm.xlane v22, v2;
	v48 =	vadd.s32 v4, v47;
	s25 =	simm.s32 $0xC480  }
0x7ff: {  	[tilespmem:s25], [sflag:$0x3] =	stream.indirect_vreg.gather [hbm4b:s23+s2], $0x80, v23, vm0, $0xb8;
	[tilespmem:$0x14100] =	vst v63  }
0x800: {  	v50 =	vperm.xlane v22, v15;
	v23 =	vadd.s32 v4, v49;
	s25 =	simm.s32 $0xC500  }
0x801: {  	[tilespmem:s25], [sflag:$0x3] =	stream.indirect_vreg.gather [hbm4b:s23+s2], $0x80, v46, vm0, $0xb8;
	[tilespmem:$0x14100] =	vst v63  }
0x802: {  	v52 =	vperm.xlane v22, v16;
	v51 =	vadd.s32 v4, v50;
	s25 =	simm.s32 $0xC580  }
0x803: {  	[tilespmem:s25], [sflag:$0x3] =	stream.indirect_vreg.gather [hbm4b:s23+s2], $0x80, v48, vm0, $0xb8;
	[tilespmem:$0x14100] =	vst v63  }
0x804: {  	v22 =	vperm.xlane v22, v17;
	v53 =	vadd.s32 v4, v52;
	s25 =	simm.s32 $0xC600  }
0x805: {  	[tilespmem:s25], [sflag:$0x3] =	stream.indirect_vreg.gather [hbm4b:s23+s2], $0x80, v23, vm0, $0xb8;
	[tilespmem:$0x14100] =	vst v63  }
0x806: {  	v22 =	vadd.s32 v4, v22;
	s25 =	simm.s32 $0xC680  }
0x807: {  	[tilespmem:s25], [sflag:$0x3] =	stream.indirect_vreg.gather [hbm4b:s23+s2], $0x80, v51, vm0, $0xb8;
	[tilespmem:$0x14100] =	vst v63  }
0x808: {  	s25 =	simm.s32 $0xC700  }
0x809: {  	[tilespmem:s25], [sflag:$0x3] =	stream.indirect_vreg.gather [hbm4b:s23+s2], $0x80, v53, vm0, $0xb8;
	[tilespmem:$0x14100] =	vst v63  }
0x80a: {  	s25 =	simm.s32 $0xC780  }
0x80b: {  	[tilespmem:s25], [sflag:$0x3] =	stream.indirect_vreg.gather [hbm4b:s23+s2], $0x80, v22, vm0, $0xb8;
	[tilespmem:$0x14100] =	vst v63  }
0x80c: {  	v22 =	vld [tilespmem:s24+$0x10];
	_ =	sdelay $0x4  }
0x80d: {  	v23 =	vshll.u32 v22, $0xC  }
0x80e: {  	v22 =	vand.u32 $0x7, v22;
	v23 =	vand.u32 $0xFFFF8000, v23  }
0x80f: {  	v22 =	vor.u32 v22, v23  }
0x810: {  	v23 =	vperm.xlane v22, v3;
	_ =	sdelay $0x1  }
0x811: {  	v54 =	vperm.xlane v22, v5;
	v23 =	vadd.s32 v4, v23;
	_ =	sdelay $0x1  }
0x812: {  	v55 =	vperm.xlane v22, v6;
	v24 =	vadd.s32 v4, v54;
	_ =	sdelay $0x1  }
0x813: {  	s25 =	simm.s32 $0xC800;
	v56 =	vperm.xlane v22, v7;
	v25 =	vadd.s32 v4, v55  }
0x814: {  	[tilespmem:s25], [sflag:$0x3] =	stream.indirect_vreg.gather [hbm4b:s23+s2], $0x80, v23, vm0, $0xb8;
	[tilespmem:$0x14100] =	vst v63  }
0x815: {  	v57 =	vperm.xlane v22, v8;
	v23 =	vadd.s32 v4, v56;
	s25 =	simm.s32 $0xC880  }
0x816: {  	[tilespmem:s25], [sflag:$0x3] =	stream.indirect_vreg.gather [hbm4b:s23+s2], $0x80, v24, vm0, $0xb8;
	[tilespmem:$0x14100] =	vst v63  }
0x817: {  	v59 =	vperm.xlane v22, v9;
	v58 =	vadd.s32 v4, v57;
	s25 =	simm.s32 $0xC900  }
0x818: {  	[tilespmem:s25], [sflag:$0x3] =	stream.indirect_vreg.gather [hbm4b:s23+s2], $0x80, v25, vm0, $0xb8;
	[tilespmem:$0x14100] =	vst v63  }
0x819: {  	v61 =	vperm.xlane v22, v10;
	v60 =	vadd.s32 v4, v59;
	s25 =	simm.s32 $0xC980  }
0x81a: {  	[tilespmem:s25], [sflag:$0x3] =	stream.indirect_vreg.gather [hbm4b:s23+s2], $0x80, v23, vm0, $0xb8;
	[tilespmem:$0x14100] =	vst v63  }
0x81b: {  	v62 =	vperm.xlane v22, v0;
	v23 =	vadd.s32 v4, v61;
	s25 =	simm.s32 $0xCA00  }
0x81c: {  	[tilespmem:s25], [sflag:$0x3] =	stream.indirect_vreg.gather [hbm4b:s23+s2], $0x80, v58, vm0, $0xb8;
	[tilespmem:$0x14100] =	vst v63  }
0x81d: {  	v28 =	vperm.xlane v22, v11;
	v63 =	vadd.s32 v4, v62;
	s25 =	simm.s32 $0xCA80  }
0x81e: {  	[tilespmem:s25], [sflag:$0x3] =	stream.indirect_vreg.gather [hbm4b:s23+s2], $0x80, v60, vm0, $0xb8;
	[tilespmem:$0x14100] =	vst v63  }
0x81f: {  	v30 =	vperm.xlane v22, v12;
	v29 =	vadd.s32 v4, v28;
	s25 =	simm.s32 $0xCB00  }
0x820: {  	[tilespmem:s25], [sflag:$0x3] =	stream.indirect_vreg.gather [hbm4b:s23+s2], $0x80, v23, vm0, $0xb8;
	[tilespmem:$0x14100] =	vst v63  }
0x821: {  	v31 =	vperm.xlane v22, v13;
	v23 =	vadd.s32 v4, v30;
	s25 =	simm.s32 $0xCB80  }
0x822: {  	[tilespmem:s25], [sflag:$0x3] =	stream.indirect_vreg.gather [hbm4b:s23+s2], $0x80, v63, vm0, $0xb8;
	[tilespmem:$0x14100] =	vst v63  }
0x823: {  	v33 =	vperm.xlane v22, v14;
	v32 =	vadd.s32 v4, v31;
	s25 =	simm.s32 $0xCC00  }
0x824: {  	[tilespmem:s25], [sflag:$0x3] =	stream.indirect_vreg.gather [hbm4b:s23+s2], $0x80, v29, vm0, $0xb8;
	[tilespmem:$0x14100] =	vst v63  }
0x825: {  	v35 =	vperm.xlane v22, v2;
	v34 =	vadd.s32 v4, v33;
	s25 =	simm.s32 $0xCC80  }
0x826: {  	[tilespmem:s25], [sflag:$0x3] =	stream.indirect_vreg.gather [hbm4b:s23+s2], $0x80, v23, vm0, $0xb8;
	[tilespmem:$0x14100] =	vst v63  }
0x827: {  	v36 =	vperm.xlane v22, v15;
	v23 =	vadd.s32 v4, v35;
	s25 =	simm.s32 $0xCD00  }
0x828: {  	[tilespmem:s25], [sflag:$0x3] =	stream.indirect_vreg.gather [hbm4b:s23+s2], $0x80, v32, vm0, $0xb8;
	[tilespmem:$0x14100] =	vst v63  }
0x829: {  	v38 =	vperm.xlane v22, v16;
	v37 =	vadd.s32 v4, v36;
	s25 =	simm.s32 $0xCD80  }
0x82a: {  	[tilespmem:s25], [sflag:$0x3] =	stream.indirect_vreg.gather [hbm4b:s23+s2], $0x80, v34, vm0, $0xb8;
	[tilespmem:$0x14100] =	vst v63  }
0x82b: {  	v22 =	vperm.xlane v22, v17;
	v39 =	vadd.s32 v4, v38;
	s25 =	simm.s32 $0xCE00  }
0x82c: {  	[tilespmem:s25], [sflag:$0x3] =	stream.indirect_vreg.gather [hbm4b:s23+s2], $0x80, v23, vm0, $0xb8;
	[tilespmem:$0x14100] =	vst v63  }
0x82d: {  	v22 =	vadd.s32 v4, v22;
	s25 =	simm.s32 $0xCE80  }
0x82e: {  	[tilespmem:s25], [sflag:$0x3] =	stream.indirect_vreg.gather [hbm4b:s23+s2], $0x80, v37, vm0, $0xb8;
	[tilespmem:$0x14100] =	vst v63  }
0x82f: {  	s25 =	simm.s32 $0xCF00  }
0x830: {  	[tilespmem:s25], [sflag:$0x3] =	stream.indirect_vreg.gather [hbm4b:s23+s2], $0x80, v39, vm0, $0xb8;
	[tilespmem:$0x14100] =	vst v63  }
0x831: {  	s25 =	simm.s32 $0xCF80  }
0x832: {  	[tilespmem:s25], [sflag:$0x3] =	stream.indirect_vreg.gather [hbm4b:s23+s2], $0x80, v22, vm0, $0xb8;
	[tilespmem:$0x14100] =	vst v63  }
0x833: {  	v22 =	vld [tilespmem:s24+$0x20];
	_ =	sdelay $0x4  }
0x834: {  	v23 =	vshll.u32 v22, $0xC  }
0x835: {  	v22 =	vand.u32 $0x7, v22;
	v23 =	vand.u32 $0xFFFF8000, v23  }
0x836: {  	v22 =	vor.u32 v22, v23  }
0x837: {  	v23 =	vperm.xlane v22, v3;
	_ =	sdelay $0x1  }
0x838: {  	v40 =	vperm.xlane v22, v5;
	v23 =	vadd.s32 v4, v23;
	_ =	sdelay $0x1  }
0x839: {  	v41 =	vperm.xlane v22, v6;
	v24 =	vadd.s32 v4, v40;
	_ =	sdelay $0x1  }
0x83a: {  	s25 =	simm.s32 $0xD000;
	v42 =	vperm.xlane v22, v7;
	v25 =	vadd.s32 v4, v41  }
0x83b: {  	[tilespmem:s25], [sflag:$0x3] =	stream.indirect_vreg.gather [hbm4b:s23+s2], $0x80, v23, vm0, $0xb8;
	[tilespmem:$0x14100] =	vst v63  }
0x83c: {  	v43 =	vperm.xlane v22, v8;
	v23 =	vadd.s32 v4, v42;
	s25 =	simm.s32 $0xD080  }
0x83d: {  	[tilespmem:s25], [sflag:$0x3] =	stream.indirect_vreg.gather [hbm4b:s23+s2], $0x80, v24, vm0, $0xb8;
	[tilespmem:$0x14100] =	vst v63  }
0x83e: {  	v45 =	vperm.xlane v22, v9;
	v44 =	vadd.s32 v4, v43;
	s25 =	simm.s32 $0xD100  }
0x83f: {  	[tilespmem:s25], [sflag:$0x3] =	stream.indirect_vreg.gather [hbm4b:s23+s2], $0x80, v25, vm0, $0xb8;
	[tilespmem:$0x14100] =	vst v63  }
0x840: {  	v47 =	vperm.xlane v22, v10;
	v46 =	vadd.s32 v4, v45;
	s25 =	simm.s32 $0xD180  }
0x841: {  	[tilespmem:s25], [sflag:$0x3] =	stream.indirect_vreg.gather [hbm4b:s23+s2], $0x80, v23, vm0, $0xb8;
	[tilespmem:$0x14100] =	vst v63  }
0x842: {  	v48 =	vperm.xlane v22, v0;
	v23 =	vadd.s32 v4, v47;
	s25 =	simm.s32 $0xD200  }
0x843: {  	[tilespmem:s25], [sflag:$0x3] =	stream.indirect_vreg.gather [hbm4b:s23+s2], $0x80, v44, vm0, $0xb8;
	[tilespmem:$0x14100] =	vst v63  }
0x844: {  	v50 =	vperm.xlane v22, v11;
	v49 =	vadd.s32 v4, v48;
	s25 =	simm.s32 $0xD280  }
0x845: {  	[tilespmem:s25], [sflag:$0x3] =	stream.indirect_vreg.gather [hbm4b:s23+s2], $0x80, v46, vm0, $0xb8;
	[tilespmem:$0x14100] =	vst v63  }
0x846: {  	v52 =	vperm.xlane v22, v12;
	v51 =	vadd.s32 v4, v50;
	s25 =	simm.s32 $0xD300  }
0x847: {  	[tilespmem:s25], [sflag:$0x3] =	stream.indirect_vreg.gather [hbm4b:s23+s2], $0x80, v23, vm0, $0xb8;
	[tilespmem:$0x14100] =	vst v63  }
0x848: {  	v53 =	vperm.xlane v22, v13;
	v23 =	vadd.s32 v4, v52;
	s25 =	simm.s32 $0xD380  }
0x849: {  	[tilespmem:s25], [sflag:$0x3] =	stream.indirect_vreg.gather [hbm4b:s23+s2], $0x80, v49, vm0, $0xb8;
	[tilespmem:$0x14100] =	vst v63  }
0x84a: {  	v55 =	vperm.xlane v22, v14;
	v54 =	vadd.s32 v4, v53;
	s25 =	simm.s32 $0xD400  }
0x84b: {  	[tilespmem:s25], [sflag:$0x3] =	stream.indirect_vreg.gather [hbm4b:s23+s2], $0x80, v51, vm0, $0xb8;
	[tilespmem:$0x14100] =	vst v63  }
0x84c: {  	v57 =	vperm.xlane v22, v2;
	v56 =	vadd.s32 v4, v55;
	s25 =	simm.s32 $0xD480  }
0x84d: {  	[tilespmem:s25], [sflag:$0x3] =	stream.indirect_vreg.gather [hbm4b:s23+s2], $0x80, v23, vm0, $0xb8;
	[tilespmem:$0x14100] =	vst v63  }
0x84e: {  	v58 =	vperm.xlane v22, v15;
	v23 =	vadd.s32 v4, v57;
	s25 =	simm.s32 $0xD500  }
0x84f: {  	[tilespmem:s25], [sflag:$0x3] =	stream.indirect_vreg.gather [hbm4b:s23+s2], $0x80, v54, vm0, $0xb8;
	[tilespmem:$0x14100] =	vst v63  }
0x850: {  	v60 =	vperm.xlane v22, v16;
	v59 =	vadd.s32 v4, v58;
	s25 =	simm.s32 $0xD580  }
0x851: {  	[tilespmem:s25], [sflag:$0x3] =	stream.indirect_vreg.gather [hbm4b:s23+s2], $0x80, v56, vm0, $0xb8;
	[tilespmem:$0x14100] =	vst v63  }
0x852: {  	v22 =	vperm.xlane v22, v17;
	v61 =	vadd.s32 v4, v60;
	s25 =	simm.s32 $0xD600  }
0x853: {  	[tilespmem:s25], [sflag:$0x3] =	stream.indirect_vreg.gather [hbm4b:s23+s2], $0x80, v23, vm0, $0xb8;
	[tilespmem:$0x14100] =	vst v63  }
0x854: {  	v22 =	vadd.s32 v4, v22;
	s25 =	simm.s32 $0xD680  }
0x855: {  	[tilespmem:s25], [sflag:$0x3] =	stream.indirect_vreg.gather [hbm4b:s23+s2], $0x80, v59, vm0, $0xb8;
	[tilespmem:$0x14100] =	vst v63  }
0x856: {  	s25 =	simm.s32 $0xD700  }
0x857: {  	[tilespmem:s25], [sflag:$0x3] =	stream.indirect_vreg.gather [hbm4b:s23+s2], $0x80, v61, vm0, $0xb8;
	[tilespmem:$0x14100] =	vst v63  }
0x858: {  	s25 =	simm.s32 $0xD780  }
0x859: {  	[tilespmem:s25], [sflag:$0x3] =	stream.indirect_vreg.gather [hbm4b:s23+s2], $0x80, v22, vm0, $0xb8;
	[tilespmem:$0x14100] =	vst v63  }
0x85a: {  	v22 =	vld [tilespmem:s24+$0x30];
	_ =	sdelay $0x4  }
0x85b: {  	v23 =	vshll.u32 v22, $0xC  }
0x85c: {  	v22 =	vand.u32 $0x7, v22;
	v23 =	vand.u32 $0xFFFF8000, v23  }
0x85d: {  	v22 =	vor.u32 v22, v23  }
0x85e: {  	v23 =	vperm.xlane v22, v3;
	_ =	sdelay $0x1  }
0x85f: {  	v62 =	vperm.xlane v22, v5;
	v23 =	vadd.s32 v4, v23;
	_ =	sdelay $0x1  }
0x860: {  	v63 =	vperm.xlane v22, v6;
	v24 =	vadd.s32 v4, v62;
	_ =	sdelay $0x1  }
0x861: {  	s25 =	simm.s32 $0xD800;
	v28 =	vperm.xlane v22, v7;
	v25 =	vadd.s32 v4, v63  }
0x862: {  	[tilespmem:s25], [sflag:$0x3] =	stream.indirect_vreg.gather [hbm4b:s23+s2], $0x80, v23, vm0, $0xb8;
	[tilespmem:$0x14100] =	vst v63  }
0x863: {  	v29 =	vperm.xlane v22, v8;
	v23 =	vadd.s32 v4, v28;
	s25 =	simm.s32 $0xD880  }
0x864: {  	[tilespmem:s25], [sflag:$0x3] =	stream.indirect_vreg.gather [hbm4b:s23+s2], $0x80, v24, vm0, $0xb8;
	[tilespmem:$0x14100] =	vst v63  }
0x865: {  	v31 =	vperm.xlane v22, v9;
	v30 =	vadd.s32 v4, v29;
	s25 =	simm.s32 $0xD900  }
0x866: {  	[tilespmem:s25], [sflag:$0x3] =	stream.indirect_vreg.gather [hbm4b:s23+s2], $0x80, v25, vm0, $0xb8;
	[tilespmem:$0x14100] =	vst v63  }
0x867: {  	v33 =	vperm.xlane v22, v10;
	v32 =	vadd.s32 v4, v31;
	s25 =	simm.s32 $0xD980  }
0x868: {  	[tilespmem:s25], [sflag:$0x3] =	stream.indirect_vreg.gather [hbm4b:s23+s2], $0x80, v23, vm0, $0xb8;
	[tilespmem:$0x14100] =	vst v63  }
0x869: {  	v34 =	vperm.xlane v22, v0;
	v23 =	vadd.s32 v4, v33;
	s25 =	simm.s32 $0xDA00  }
0x86a: {  	[tilespmem:s25], [sflag:$0x3] =	stream.indirect_vreg.gather [hbm4b:s23+s2], $0x80, v30, vm0, $0xb8;
	[tilespmem:$0x14100] =	vst v63  }
0x86b: {  	v36 =	vperm.xlane v22, v11;
	v35 =	vadd.s32 v4, v34;
	s25 =	simm.s32 $0xDA80  }
0x86c: {  	[tilespmem:s25], [sflag:$0x3] =	stream.indirect_vreg.gather [hbm4b:s23+s2], $0x80, v32, vm0, $0xb8;
	[tilespmem:$0x14100] =	vst v63  }
0x86d: {  	v38 =	vperm.xlane v22, v12;
	v37 =	vadd.s32 v4, v36;
	s25 =	simm.s32 $0xDB00  }
0x86e: {  	[tilespmem:s25], [sflag:$0x3] =	stream.indirect_vreg.gather [hbm4b:s23+s2], $0x80, v23, vm0, $0xb8;
	[tilespmem:$0x14100] =	vst v63  }
0x86f: {  	v39 =	vperm.xlane v22, v13;
	v23 =	vadd.s32 v4, v38;
	s25 =	simm.s32 $0xDB80  }
0x870: {  	[tilespmem:s25], [sflag:$0x3] =	stream.indirect_vreg.gather [hbm4b:s23+s2], $0x80, v35, vm0, $0xb8;
	[tilespmem:$0x14100] =	vst v63  }
0x871: {  	v41 =	vperm.xlane v22, v14;
	v40 =	vadd.s32 v4, v39;
	s25 =	simm.s32 $0xDC00  }
0x872: {  	[tilespmem:s25], [sflag:$0x3] =	stream.indirect_vreg.gather [hbm4b:s23+s2], $0x80, v37, vm0, $0xb8;
	[tilespmem:$0x14100] =	vst v63  }
0x873: {  	v43 =	vperm.xlane v22, v2;
	v42 =	vadd.s32 v4, v41;
	s25 =	simm.s32 $0xDC80  }
0x874: {  	[tilespmem:s25], [sflag:$0x3] =	stream.indirect_vreg.gather [hbm4b:s23+s2], $0x80, v23, vm0, $0xb8;
	[tilespmem:$0x14100] =	vst v63  }
0x875: {  	v44 =	vperm.xlane v22, v15;
	v23 =	vadd.s32 v4, v43;
	s25 =	simm.s32 $0xDD00  }
0x876: {  	[tilespmem:s25], [sflag:$0x3] =	stream.indirect_vreg.gather [hbm4b:s23+s2], $0x80, v40, vm0, $0xb8;
	[tilespmem:$0x14100] =	vst v63  }
0x877: {  	v46 =	vperm.xlane v22, v16;
	v45 =	vadd.s32 v4, v44;
	s25 =	simm.s32 $0xDD80  }
0x878: {  	[tilespmem:s25], [sflag:$0x3] =	stream.indirect_vreg.gather [hbm4b:s23+s2], $0x80, v42, vm0, $0xb8;
	[tilespmem:$0x14100] =	vst v63  }
0x879: {  	v22 =	vperm.xlane v22, v17;
	v47 =	vadd.s32 v4, v46;
	s25 =	simm.s32 $0xDE00  }
0x87a: {  	[tilespmem:s25], [sflag:$0x3] =	stream.indirect_vreg.gather [hbm4b:s23+s2], $0x80, v23, vm0, $0xb8;
	[tilespmem:$0x14100] =	vst v63  }
0x87b: {  	v22 =	vadd.s32 v4, v22;
	s25 =	simm.s32 $0xDE80  }
0x87c: {  	[tilespmem:s25], [sflag:$0x3] =	stream.indirect_vreg.gather [hbm4b:s23+s2], $0x80, v45, vm0, $0xb8;
	[tilespmem:$0x14100] =	vst v63  }
0x87d: {  	s25 =	simm.s32 $0xDF00  }
0x87e: {  	[tilespmem:s25], [sflag:$0x3] =	stream.indirect_vreg.gather [hbm4b:s23+s2], $0x80, v47, vm0, $0xb8;
	[tilespmem:$0x14100] =	vst v63  }
0x87f: {  	s25 =	simm.s32 $0xDF80  }
0x880: {  	[tilespmem:s25], [sflag:$0x3] =	stream.indirect_vreg.gather [hbm4b:s23+s2], $0x80, v22, vm0, $0xb8;
	[tilespmem:$0x14100] =	vst v63  }
0x881: {  	v22 =	vld [tilespmem:s24+$0x40];
	_ =	sdelay $0x4  }
0x882: {  	v23 =	vshll.u32 v22, $0xC  }
0x883: {  	v22 =	vand.u32 $0x7, v22;
	v23 =	vand.u32 $0xFFFF8000, v23  }
0x884: {  	v22 =	vor.u32 v22, v23  }
0x885: {  	v23 =	vperm.xlane v22, v3;
	_ =	sdelay $0x1  }
0x886: {  	v48 =	vperm.xlane v22, v5;
	v23 =	vadd.s32 v4, v23;
	_ =	sdelay $0x1  }
0x887: {  	v49 =	vperm.xlane v22, v6;
	v24 =	vadd.s32 v4, v48;
	_ =	sdelay $0x1  }
0x888: {  	s25 =	simm.s32 $0xE000;
	v50 =	vperm.xlane v22, v7;
	v25 =	vadd.s32 v4, v49  }
0x889: {  	[tilespmem:s25], [sflag:$0x3] =	stream.indirect_vreg.gather [hbm4b:s23+s2], $0x80, v23, vm0, $0xb8;
	[tilespmem:$0x14100] =	vst v63  }
0x88a: {  	v51 =	vperm.xlane v22, v8;
	v23 =	vadd.s32 v4, v50;
	s25 =	simm.s32 $0xE080  }
0x88b: {  	[tilespmem:s25], [sflag:$0x3] =	stream.indirect_vreg.gather [hbm4b:s23+s2], $0x80, v24, vm0, $0xb8;
	[tilespmem:$0x14100] =	vst v63  }
0x88c: {  	v53 =	vperm.xlane v22, v9;
	v52 =	vadd.s32 v4, v51;
	s25 =	simm.s32 $0xE100  }
0x88d: {  	[tilespmem:s25], [sflag:$0x3] =	stream.indirect_vreg.gather [hbm4b:s23+s2], $0x80, v25, vm0, $0xb8;
	[tilespmem:$0x14100] =	vst v63  }
0x88e: {  	v55 =	vperm.xlane v22, v10;
	v54 =	vadd.s32 v4, v53;
	s25 =	simm.s32 $0xE180  }
0x88f: {  	[tilespmem:s25], [sflag:$0x3] =	stream.indirect_vreg.gather [hbm4b:s23+s2], $0x80, v23, vm0, $0xb8;
	[tilespmem:$0x14100] =	vst v63  }
0x890: {  	v56 =	vperm.xlane v22, v0;
	v23 =	vadd.s32 v4, v55;
	s25 =	simm.s32 $0xE200  }
0x891: {  	[tilespmem:s25], [sflag:$0x3] =	stream.indirect_vreg.gather [hbm4b:s23+s2], $0x80, v52, vm0, $0xb8;
	[tilespmem:$0x14100] =	vst v63  }
0x892: {  	v58 =	vperm.xlane v22, v11;
	v57 =	vadd.s32 v4, v56;
	s25 =	simm.s32 $0xE280  }
0x893: {  	[tilespmem:s25], [sflag:$0x3] =	stream.indirect_vreg.gather [hbm4b:s23+s2], $0x80, v54, vm0, $0xb8;
	[tilespmem:$0x14100] =	vst v63  }
0x894: {  	v60 =	vperm.xlane v22, v12;
	v59 =	vadd.s32 v4, v58;
	s25 =	simm.s32 $0xE300  }
0x895: {  	[tilespmem:s25], [sflag:$0x3] =	stream.indirect_vreg.gather [hbm4b:s23+s2], $0x80, v23, vm0, $0xb8;
	[tilespmem:$0x14100] =	vst v63  }
0x896: {  	v61 =	vperm.xlane v22, v13;
	v23 =	vadd.s32 v4, v60;
	s25 =	simm.s32 $0xE380  }
0x897: {  	[tilespmem:s25], [sflag:$0x3] =	stream.indirect_vreg.gather [hbm4b:s23+s2], $0x80, v57, vm0, $0xb8;
	[tilespmem:$0x14100] =	vst v63  }
0x898: {  	v63 =	vperm.xlane v22, v14;
	v62 =	vadd.s32 v4, v61;
	s25 =	simm.s32 $0xE400  }
0x899: {  	[tilespmem:s25], [sflag:$0x3] =	stream.indirect_vreg.gather [hbm4b:s23+s2], $0x80, v59, vm0, $0xb8;
	[tilespmem:$0x14100] =	vst v63  }
0x89a: {  	v29 =	vperm.xlane v22, v2;
	v28 =	vadd.s32 v4, v63;
	s25 =	simm.s32 $0xE480  }
0x89b: {  	[tilespmem:s25], [sflag:$0x3] =	stream.indirect_vreg.gather [hbm4b:s23+s2], $0x80, v23, vm0, $0xb8;
	[tilespmem:$0x14100] =	vst v63  }
0x89c: {  	v30 =	vperm.xlane v22, v15;
	v23 =	vadd.s32 v4, v29;
	s25 =	simm.s32 $0xE500  }
0x89d: {  	[tilespmem:s25], [sflag:$0x3] =	stream.indirect_vreg.gather [hbm4b:s23+s2], $0x80, v62, vm0, $0xb8;
	[tilespmem:$0x14100] =	vst v63  }
0x89e: {  	v32 =	vperm.xlane v22, v16;
	v31 =	vadd.s32 v4, v30;
	s25 =	simm.s32 $0xE580  }
0x89f: {  	[tilespmem:s25], [sflag:$0x3] =	stream.indirect_vreg.gather [hbm4b:s23+s2], $0x80, v28, vm0, $0xb8;
	[tilespmem:$0x14100] =	vst v63  }
0x8a0: {  	v22 =	vperm.xlane v22, v17;
	v33 =	vadd.s32 v4, v32;
	s25 =	simm.s32 $0xE600  }
0x8a1: {  	[tilespmem:s25], [sflag:$0x3] =	stream.indirect_vreg.gather [hbm4b:s23+s2], $0x80, v23, vm0, $0xb8;
	[tilespmem:$0x14100] =	vst v63  }
0x8a2: {  	v22 =	vadd.s32 v4, v22;
	s25 =	simm.s32 $0xE680  }
0x8a3: {  	[tilespmem:s25], [sflag:$0x3] =	stream.indirect_vreg.gather [hbm4b:s23+s2], $0x80, v31, vm0, $0xb8;
	[tilespmem:$0x14100] =	vst v63  }
0x8a4: {  	s25 =	simm.s32 $0xE700  }
0x8a5: {  	[tilespmem:s25], [sflag:$0x3] =	stream.indirect_vreg.gather [hbm4b:s23+s2], $0x80, v33, vm0, $0xb8;
	[tilespmem:$0x14100] =	vst v63  }
0x8a6: {  	s25 =	simm.s32 $0xE780  }
0x8a7: {  	[tilespmem:s25], [sflag:$0x3] =	stream.indirect_vreg.gather [hbm4b:s23+s2], $0x80, v22, vm0, $0xb8;
	[tilespmem:$0x14100] =	vst v63  }
0x8a8: {  	v22 =	vld [tilespmem:s24+$0x50];
	_ =	sdelay $0x4  }
0x8a9: {  	v23 =	vshll.u32 v22, $0xC  }
0x8aa: {  	v22 =	vand.u32 $0x7, v22;
	v23 =	vand.u32 $0xFFFF8000, v23  }
0x8ab: {  	v22 =	vor.u32 v22, v23  }
0x8ac: {  	v23 =	vperm.xlane v22, v3;
	_ =	sdelay $0x1  }
0x8ad: {  	v34 =	vperm.xlane v22, v5;
	v23 =	vadd.s32 v4, v23;
	_ =	sdelay $0x1  }
0x8ae: {  	v35 =	vperm.xlane v22, v6;
	v24 =	vadd.s32 v4, v34;
	_ =	sdelay $0x1  }
0x8af: {  	s25 =	simm.s32 $0xE800;
	v36 =	vperm.xlane v22, v7;
	v25 =	vadd.s32 v4, v35  }
0x8b0: {  	[tilespmem:s25], [sflag:$0x3] =	stream.indirect_vreg.gather [hbm4b:s23+s2], $0x80, v23, vm0, $0xb8;
	[tilespmem:$0x14100] =	vst v63  }
0x8b1: {  	v37 =	vperm.xlane v22, v8;
	v23 =	vadd.s32 v4, v36;
	s25 =	simm.s32 $0xE880  }
0x8b2: {  	[tilespmem:s25], [sflag:$0x3] =	stream.indirect_vreg.gather [hbm4b:s23+s2], $0x80, v24, vm0, $0xb8;
	[tilespmem:$0x14100] =	vst v63  }
0x8b3: {  	v39 =	vperm.xlane v22, v9;
	v38 =	vadd.s32 v4, v37;
	s25 =	simm.s32 $0xE900  }
0x8b4: {  	[tilespmem:s25], [sflag:$0x3] =	stream.indirect_vreg.gather [hbm4b:s23+s2], $0x80, v25, vm0, $0xb8;
	[tilespmem:$0x14100] =	vst v63  }
0x8b5: {  	v41 =	vperm.xlane v22, v10;
	v40 =	vadd.s32 v4, v39;
	s25 =	simm.s32 $0xE980  }
0x8b6: {  	[tilespmem:s25], [sflag:$0x3] =	stream.indirect_vreg.gather [hbm4b:s23+s2], $0x80, v23, vm0, $0xb8;
	[tilespmem:$0x14100] =	vst v63  }
0x8b7: {  	v42 =	vperm.xlane v22, v0;
	v23 =	vadd.s32 v4, v41;
	s25 =	simm.s32 $0xEA00  }
0x8b8: {  	[tilespmem:s25], [sflag:$0x3] =	stream.indirect_vreg.gather [hbm4b:s23+s2], $0x80, v38, vm0, $0xb8;
	[tilespmem:$0x14100] =	vst v63  }
0x8b9: {  	v44 =	vperm.xlane v22, v11;
	v43 =	vadd.s32 v4, v42;
	s25 =	simm.s32 $0xEA80  }
0x8ba: {  	[tilespmem:s25], [sflag:$0x3] =	stream.indirect_vreg.gather [hbm4b:s23+s2], $0x80, v40, vm0, $0xb8;
	[tilespmem:$0x14100] =	vst v63  }
0x8bb: {  	v46 =	vperm.xlane v22, v12;
	v45 =	vadd.s32 v4, v44;
	s25 =	simm.s32 $0xEB00  }
0x8bc: {  	[tilespmem:s25], [sflag:$0x3] =	stream.indirect_vreg.gather [hbm4b:s23+s2], $0x80, v23, vm0, $0xb8;
	[tilespmem:$0x14100] =	vst v63  }
0x8bd: {  	v47 =	vperm.xlane v22, v13;
	v23 =	vadd.s32 v4, v46;
	s25 =	simm.s32 $0xEB80  }
0x8be: {  	[tilespmem:s25], [sflag:$0x3] =	stream.indirect_vreg.gather [hbm4b:s23+s2], $0x80, v43, vm0, $0xb8;
	[tilespmem:$0x14100] =	vst v63  }
0x8bf: {  	v49 =	vperm.xlane v22, v14;
	v48 =	vadd.s32 v4, v47;
	s25 =	simm.s32 $0xEC00  }
0x8c0: {  	[tilespmem:s25], [sflag:$0x3] =	stream.indirect_vreg.gather [hbm4b:s23+s2], $0x80, v45, vm0, $0xb8;
	[tilespmem:$0x14100] =	vst v63  }
0x8c1: {  	v51 =	vperm.xlane v22, v2;
	v50 =	vadd.s32 v4, v49;
	s25 =	simm.s32 $0xEC80  }
0x8c2: {  	[tilespmem:s25], [sflag:$0x3] =	stream.indirect_vreg.gather [hbm4b:s23+s2], $0x80, v23, vm0, $0xb8;
	[tilespmem:$0x14100] =	vst v63  }
0x8c3: {  	v52 =	vperm.xlane v22, v15;
	v23 =	vadd.s32 v4, v51;
	s25 =	simm.s32 $0xED00  }
0x8c4: {  	[tilespmem:s25], [sflag:$0x3] =	stream.indirect_vreg.gather [hbm4b:s23+s2], $0x80, v48, vm0, $0xb8;
	[tilespmem:$0x14100] =	vst v63  }
0x8c5: {  	v54 =	vperm.xlane v22, v16;
	v53 =	vadd.s32 v4, v52;
	s25 =	simm.s32 $0xED80  }
0x8c6: {  	[tilespmem:s25], [sflag:$0x3] =	stream.indirect_vreg.gather [hbm4b:s23+s2], $0x80, v50, vm0, $0xb8;
	[tilespmem:$0x14100] =	vst v63  }
0x8c7: {  	v22 =	vperm.xlane v22, v17;
	v55 =	vadd.s32 v4, v54;
	s25 =	simm.s32 $0xEE00  }
0x8c8: {  	[tilespmem:s25], [sflag:$0x3] =	stream.indirect_vreg.gather [hbm4b:s23+s2], $0x80, v23, vm0, $0xb8;
	[tilespmem:$0x14100] =	vst v63  }
0x8c9: {  	v22 =	vadd.s32 v4, v22;
	s25 =	simm.s32 $0xEE80  }
0x8ca: {  	[tilespmem:s25], [sflag:$0x3] =	stream.indirect_vreg.gather [hbm4b:s23+s2], $0x80, v53, vm0, $0xb8;
	[tilespmem:$0x14100] =	vst v63  }
0x8cb: {  	s25 =	simm.s32 $0xEF00  }
0x8cc: {  	[tilespmem:s25], [sflag:$0x3] =	stream.indirect_vreg.gather [hbm4b:s23+s2], $0x80, v55, vm0, $0xb8;
	[tilespmem:$0x14100] =	vst v63  }
0x8cd: {  	s25 =	simm.s32 $0xEF80  }
0x8ce: {  	[tilespmem:s25], [sflag:$0x3] =	stream.indirect_vreg.gather [hbm4b:s23+s2], $0x80, v22, vm0, $0xb8;
	[tilespmem:$0x14100] =	vst v63  }
0x8cf: {  	v22 =	vld [tilespmem:s24+$0x60];
	_ =	sdelay $0x4  }
0x8d0: {  	v23 =	vshll.u32 v22, $0xC  }
0x8d1: {  	v22 =	vand.u32 $0x7, v22;
	v23 =	vand.u32 $0xFFFF8000, v23  }
0x8d2: {  	v22 =	vor.u32 v22, v23  }
0x8d3: {  	v23 =	vperm.xlane v22, v3;
	_ =	sdelay $0x1  }
0x8d4: {  	v56 =	vperm.xlane v22, v5;
	v23 =	vadd.s32 v4, v23;
	_ =	sdelay $0x1  }
0x8d5: {  	v57 =	vperm.xlane v22, v6;
	v24 =	vadd.s32 v4, v56;
	_ =	sdelay $0x1  }
0x8d6: {  	s25 =	simm.s32 $0xF000;
	v58 =	vperm.xlane v22, v7;
	v25 =	vadd.s32 v4, v57  }
0x8d7: {  	[tilespmem:s25], [sflag:$0x3] =	stream.indirect_vreg.gather [hbm4b:s23+s2], $0x80, v23, vm0, $0xb8;
	[tilespmem:$0x14100] =	vst v63  }
0x8d8: {  	v59 =	vperm.xlane v22, v8;
	v23 =	vadd.s32 v4, v58;
	s25 =	simm.s32 $0xF080  }
0x8d9: {  	[tilespmem:s25], [sflag:$0x3] =	stream.indirect_vreg.gather [hbm4b:s23+s2], $0x80, v24, vm0, $0xb8;
	[tilespmem:$0x14100] =	vst v63  }
0x8da: {  	v61 =	vperm.xlane v22, v9;
	v60 =	vadd.s32 v4, v59;
	s25 =	simm.s32 $0xF100  }
0x8db: {  	[tilespmem:s25], [sflag:$0x3] =	stream.indirect_vreg.gather [hbm4b:s23+s2], $0x80, v25, vm0, $0xb8;
	[tilespmem:$0x14100] =	vst v63  }
0x8dc: {  	v63 =	vperm.xlane v22, v10;
	v62 =	vadd.s32 v4, v61;
	s25 =	simm.s32 $0xF180  }
0x8dd: {  	[tilespmem:s25], [sflag:$0x3] =	stream.indirect_vreg.gather [hbm4b:s23+s2], $0x80, v23, vm0, $0xb8;
	[tilespmem:$0x14100] =	vst v63  }
0x8de: {  	v28 =	vperm.xlane v22, v0;
	v23 =	vadd.s32 v4, v63;
	s25 =	simm.s32 $0xF200  }
0x8df: {  	[tilespmem:s25], [sflag:$0x3] =	stream.indirect_vreg.gather [hbm4b:s23+s2], $0x80, v60, vm0, $0xb8;
	[tilespmem:$0x14100] =	vst v63  }
0x8e0: {  	v30 =	vperm.xlane v22, v11;
	v29 =	vadd.s32 v4, v28;
	s25 =	simm.s32 $0xF280  }
0x8e1: {  	[tilespmem:s25], [sflag:$0x3] =	stream.indirect_vreg.gather [hbm4b:s23+s2], $0x80, v62, vm0, $0xb8;
	[tilespmem:$0x14100] =	vst v63  }
0x8e2: {  	v32 =	vperm.xlane v22, v12;
	v31 =	vadd.s32 v4, v30;
	s25 =	simm.s32 $0xF300  }
0x8e3: {  	[tilespmem:s25], [sflag:$0x3] =	stream.indirect_vreg.gather [hbm4b:s23+s2], $0x80, v23, vm0, $0xb8;
	[tilespmem:$0x14100] =	vst v63  }
0x8e4: {  	v33 =	vperm.xlane v22, v13;
	v23 =	vadd.s32 v4, v32;
	s25 =	simm.s32 $0xF380  }
0x8e5: {  	[tilespmem:s25], [sflag:$0x3] =	stream.indirect_vreg.gather [hbm4b:s23+s2], $0x80, v29, vm0, $0xb8;
	[tilespmem:$0x14100] =	vst v63  }
0x8e6: {  	v35 =	vperm.xlane v22, v14;
	v34 =	vadd.s32 v4, v33;
	s25 =	simm.s32 $0xF400  }
0x8e7: {  	[tilespmem:s25], [sflag:$0x3] =	stream.indirect_vreg.gather [hbm4b:s23+s2], $0x80, v31, vm0, $0xb8;
	[tilespmem:$0x14100] =	vst v63  }
0x8e8: {  	v37 =	vperm.xlane v22, v2;
	v36 =	vadd.s32 v4, v35;
	s25 =	simm.s32 $0xF480  }
0x8e9: {  	[tilespmem:s25], [sflag:$0x3] =	stream.indirect_vreg.gather [hbm4b:s23+s2], $0x80, v23, vm0, $0xb8;
	[tilespmem:$0x14100] =	vst v63  }
0x8ea: {  	v38 =	vperm.xlane v22, v15;
	v23 =	vadd.s32 v4, v37;
	s25 =	simm.s32 $0xF500  }
0x8eb: {  	[tilespmem:s25], [sflag:$0x3] =	stream.indirect_vreg.gather [hbm4b:s23+s2], $0x80, v34, vm0, $0xb8;
	[tilespmem:$0x14100] =	vst v63  }
0x8ec: {  	v40 =	vperm.xlane v22, v16;
	v39 =	vadd.s32 v4, v38;
	s25 =	simm.s32 $0xF580  }
0x8ed: {  	[tilespmem:s25], [sflag:$0x3] =	stream.indirect_vreg.gather [hbm4b:s23+s2], $0x80, v36, vm0, $0xb8;
	[tilespmem:$0x14100] =	vst v63  }
0x8ee: {  	v22 =	vperm.xlane v22, v17;
	v41 =	vadd.s32 v4, v40;
	s25 =	simm.s32 $0xF600  }
0x8ef: {  	[tilespmem:s25], [sflag:$0x3] =	stream.indirect_vreg.gather [hbm4b:s23+s2], $0x80, v23, vm0, $0xb8;
	[tilespmem:$0x14100] =	vst v63  }
0x8f0: {  	v22 =	vadd.s32 v4, v22;
	s25 =	simm.s32 $0xF680  }
0x8f1: {  	[tilespmem:s25], [sflag:$0x3] =	stream.indirect_vreg.gather [hbm4b:s23+s2], $0x80, v39, vm0, $0xb8;
	[tilespmem:$0x14100] =	vst v63  }
0x8f2: {  	s25 =	simm.s32 $0xF700  }
0x8f3: {  	[tilespmem:s25], [sflag:$0x3] =	stream.indirect_vreg.gather [hbm4b:s23+s2], $0x80, v41, vm0, $0xb8;
	[tilespmem:$0x14100] =	vst v63  }
0x8f4: {  	s25 =	simm.s32 $0xF780  }
0x8f5: {  	[tilespmem:s25], [sflag:$0x3] =	stream.indirect_vreg.gather [hbm4b:s23+s2], $0x80, v22, vm0, $0xb8;
	[tilespmem:$0x14100] =	vst v63  }
0x8f6: {  	v22 =	vld [tilespmem:s24+$0x70];
	_ =	sdelay $0x4  }
0x8f7: {  	v23 =	vshll.u32 v22, $0xC  }
0x8f8: {  	v22 =	vand.u32 $0x7, v22;
	v23 =	vand.u32 $0xFFFF8000, v23  }
0x8f9: {  	v22 =	vor.u32 v22, v23  }
0x8fa: {  	v23 =	vperm.xlane v22, v3;
	_ =	sdelay $0x1  }
0x8fb: {  	v42 =	vperm.xlane v22, v5;
	v23 =	vadd.s32 v4, v23;
	_ =	sdelay $0x1  }
0x8fc: {  	v43 =	vperm.xlane v22, v6;
	v24 =	vadd.s32 v4, v42;
	_ =	sdelay $0x1  }
0x8fd: {  	s25 =	simm.s32 $0xF800;
	v44 =	vperm.xlane v22, v7;
	v25 =	vadd.s32 v4, v43  }
0x8fe: {  	[tilespmem:s25], [sflag:$0x3] =	stream.indirect_vreg.gather [hbm4b:s23+s2], $0x80, v23, vm0, $0xb8;
	[tilespmem:$0x14100] =	vst v63  }
0x8ff: {  	v45 =	vperm.xlane v22, v8;
	v23 =	vadd.s32 v4, v44;
	s25 =	simm.s32 $0xF880  }
0x900: {  	[tilespmem:s25], [sflag:$0x3] =	stream.indirect_vreg.gather [hbm4b:s23+s2], $0x80, v24, vm0, $0xb8;
	[tilespmem:$0x14100] =	vst v63  }
0x901: {  	v47 =	vperm.xlane v22, v9;
	v46 =	vadd.s32 v4, v45;
	s25 =	simm.s32 $0xF900  }
0x902: {  	[tilespmem:s25], [sflag:$0x3] =	stream.indirect_vreg.gather [hbm4b:s23+s2], $0x80, v25, vm0, $0xb8;
	[tilespmem:$0x14100] =	vst v63  }
0x903: {  	v49 =	vperm.xlane v22, v10;
	v48 =	vadd.s32 v4, v47;
	s25 =	simm.s32 $0xF980  }
0x904: {  	[tilespmem:s25], [sflag:$0x3] =	stream.indirect_vreg.gather [hbm4b:s23+s2], $0x80, v23, vm0, $0xb8;
	[tilespmem:$0x14100] =	vst v63  }
0x905: {  	v50 =	vperm.xlane v22, v0;
	v23 =	vadd.s32 v4, v49;
	s25 =	simm.s32 $0xFA00  }
0x906: {  	[tilespmem:s25], [sflag:$0x3] =	stream.indirect_vreg.gather [hbm4b:s23+s2], $0x80, v46, vm0, $0xb8;
	[tilespmem:$0x14100] =	vst v63  }
0x907: {  	v52 =	vperm.xlane v22, v11;
	v51 =	vadd.s32 v4, v50;
	s25 =	simm.s32 $0xFA80  }
0x908: {  	[tilespmem:s25], [sflag:$0x3] =	stream.indirect_vreg.gather [hbm4b:s23+s2], $0x80, v48, vm0, $0xb8;
	[tilespmem:$0x14100] =	vst v63  }
0x909: {  	v54 =	vperm.xlane v22, v12;
	v53 =	vadd.s32 v4, v52;
	s25 =	simm.s32 $0xFB00  }
0x90a: {  	[tilespmem:s25], [sflag:$0x3] =	stream.indirect_vreg.gather [hbm4b:s23+s2], $0x80, v23, vm0, $0xb8;
	[tilespmem:$0x14100] =	vst v63  }
0x90b: {  	v55 =	vperm.xlane v22, v13;
	v23 =	vadd.s32 v4, v54;
	s25 =	simm.s32 $0xFB80  }
0x90c: {  	[tilespmem:s25], [sflag:$0x3] =	stream.indirect_vreg.gather [hbm4b:s23+s2], $0x80, v51, vm0, $0xb8;
	[tilespmem:$0x14100] =	vst v63  }
0x90d: {  	v57 =	vperm.xlane v22, v14;
	v56 =	vadd.s32 v4, v55;
	s25 =	simm.s32 $0xFC00  }
0x90e: {  	[tilespmem:s25], [sflag:$0x3] =	stream.indirect_vreg.gather [hbm4b:s23+s2], $0x80, v53, vm0, $0xb8;
	[tilespmem:$0x14100] =	vst v63  }
0x90f: {  	v59 =	vperm.xlane v22, v2;
	v58 =	vadd.s32 v4, v57;
	s25 =	simm.s32 $0xFC80  }
0x910: {  	[tilespmem:s25], [sflag:$0x3] =	stream.indirect_vreg.gather [hbm4b:s23+s2], $0x80, v23, vm0, $0xb8;
	[tilespmem:$0x14100] =	vst v63  }
0x911: {  	v60 =	vperm.xlane v22, v15;
	v23 =	vadd.s32 v4, v59;
	s25 =	simm.s32 $0xFD00  }
0x912: {  	[tilespmem:s25], [sflag:$0x3] =	stream.indirect_vreg.gather [hbm4b:s23+s2], $0x80, v56, vm0, $0xb8;
	[tilespmem:$0x14100] =	vst v63  }
0x913: {  	v62 =	vperm.xlane v22, v16;
	v61 =	vadd.s32 v4, v60;
	s25 =	simm.s32 $0xFD80  }
0x914: {  	[tilespmem:s25], [sflag:$0x3] =	stream.indirect_vreg.gather [hbm4b:s23+s2], $0x80, v58, vm0, $0xb8;
	[tilespmem:$0x14100] =	vst v63  }
0x915: {  	v22 =	vperm.xlane v22, v17;
	v63 =	vadd.s32 v4, v62;
	s25 =	simm.s32 $0xFE00  }
0x916: {  	[tilespmem:s25], [sflag:$0x3] =	stream.indirect_vreg.gather [hbm4b:s23+s2], $0x80, v23, vm0, $0xb8;
	[tilespmem:$0x14100] =	vst v63  }
0x917: {  	v22 =	vadd.s32 v4, v22;
	s25 =	simm.s32 $0xFE80  }
0x918: {  	[tilespmem:s25], [sflag:$0x3] =	stream.indirect_vreg.gather [hbm4b:s23+s2], $0x80, v61, vm0, $0xb8;
	[tilespmem:$0x14100] =	vst v63  }
0x919: {  	s25 =	simm.s32 $0xFF00  }
0x91a: {  	[tilespmem:s25], [sflag:$0x3] =	stream.indirect_vreg.gather [hbm4b:s23+s2], $0x80, v63, vm0, $0xb8;
	[tilespmem:$0x14100] =	vst v63  }
0x91b: {  	s25 =	simm.s32 $0xFF80  }
0x91c: {  	[tilespmem:s25], [sflag:$0x3] =	stream.indirect_vreg.gather [hbm4b:s23+s2], $0x80, v22, vm0, $0xb8;
	[tilespmem:$0x14100] =	vst v63  }
.LBB2_14:
0x91d: {  	s23 =	simm.s32 $0x0  }
0x91e: {  	v22 =	vmov s23  }
0x91f: {  	v22 =	vmul.u32 $0x81, v22;
	_ =	sdelay $0x1  }
0x920: {  	v22 =	vbroadcast v22, $0x0  }
0x921: {  	s24 =	simm.s32 $0x10  }
0x922: {  	v23 =	vmov s24;
	v22 =	vadd.s32 v19, v22  }
0x923: {  	v23 =	vmul.u32 $0x81, v23  }
0x924: {  	_ =	swait.ge [sflag:s14], $0x4000  }
0x925: {  	[sflag:s14] =	ssyncset.done $0x0;
	v23 =	vbroadcast v23, $0x0  }
0x926: {  	s25 =	simm.s32 $0x20;
	[sflag:s14] =	ssyncadd.s32 $0xFFFFC000  }
0x927: {  	v24 =	vld.idx.msk [tilespmem:v22+s8+$0x0], $0xffff;
	v22 =	vadd.s32 v19, v23;
	v23 =	vmov s25  }
0x928: {  	v23 =	vmul.u32 $0x81, v23;
	_ =	sdelay $0x1  }
0x929: {  	v26 =	vbroadcast v23, $0x0;
	v23 =	vld [tilespmem:s16+$0x0];
	_ =	sdelay $0x1  }
0x92a: {  	v25 =	vsub.f32 $1.000000000e+00, v24  }
0x92b: {  	s23 =	simm.s32 $0x30;
	s24 =	smov.u32 s16;
	v22 =	vld.idx.msk [tilespmem:v22+s8+$0x0], $0xffff;
	v24 =	vadd.s32 v19, v26  }
.LBB2_15:
0x92c: {  	v26 =	vmov s23;
	p1 =	sne.s32 s23, $0x70;
	s23 =	sadd.s32 $0x10, s23;
	v25 =	vmul.f32 v25, v25  }
.Ltmp8:
0x92d: {  	s24 =	sadd.s32 $0x10, s24;
	v26 =	vmul.u32 $0x81, v26;
	vm1 =	veq.s32 v23, $0xFF;
	(pc) =	sbr.rel @p1 .LBB2_15-.Ltmp8, $4  }
0x92e: {  	v23 =	vld [tilespmem:s24+$0x0];
	v25 =	vsel vm1, $0x0, v25;
	v27 =	vsel vm1, $0x0, v18  }
0x92f: {  	v26 =	vbroadcast v26, $0x0;
	v20 =	vadd.f32 v25, v20;
	v21 =	vadd.f32 v27, v21  }
0x930: {  	v25 =	vsub.f32 $1.000000000e+00, v22;
	v22 =	vld.idx.msk [tilespmem:v24+s8+$0x0], $0xffff  }
0x931: {  	v24 =	vadd.s32 v19, v26  }
0x932: {  	_ =	sdelay $0x3  }
0x933: {  	s23 =	sadd.s32 $0x10, s24;
	v19 =	vld.idx.msk [tilespmem:v24+s8+$0x0], $0xffff  }
0x934: {  	v63 =	vld [tilespmem:s23+$0x0]  }
0x935: {  	s23 =	sadd.s32 $0x10, s23  }
0x936: {  	v25 =	vmul.f32 v25, v25;
	vm1 =	veq.s32 v23, $0xFF;
	v23 =	vld [tilespmem:s23+$0x0];
	v22 =	vsub.f32 $1.000000000e+00, v22;
	_ =	sdelay $0x1  }
0x937: {  	v25 =	vsel vm1, $0x0, v25;
	v22 =	vmul.f32 v22, v22;
	v19 =	vsub.f32 $1.000000000e+00, v19  }
0x938: {  	v26 =	vsel vm1, $0x0, v18;
	v20 =	vadd.f32 v25, v20;
	vm1 =	veq.s32 v63, $0xFF  }
.Ltmp9:
0x939: {  	v21 =	vadd.f32 v26, v21;
	v22 =	vsel vm1, $0x0, v22;
	v19 =	vmul.f32 v19, v19;
	(pc) =	sbr.rel @p0 .LBB2_18-.Ltmp9, $4  }
0x93a: {  	v24 =	vsel vm1, $0x0, v18;
	vm1 =	veq.s32 v23, $0xFF;
	v20 =	vadd.f32 v22, v20  }
0x93b: {  	v22 =	vadd.f32 v24, v21;
	v19 =	vsel vm1, $0x0, v19  }
0x93c: {  	v23 =	vsel vm1, $0x0, v18;
	v21 =	vadd.f32 v19, v20  }
0x93d: {  	v20 =	vadd.f32 v23, v22  }
0x93e: {  	s22 =	sshll.u32 s22, $0x7  }
0x93f: {  	s22 =	sadd.s32 $0x380, s22  }
0x940: {  	s23 =	sand.u32 $0x3FFFFF80, s22  }
0x941: {  	v19 =	vld [tilespmem:s23+$0x0];
	_ =	sdelay $0x4  }
0x942: {  	v22 =	vshll.u32 v19, $0xC  }
0x943: {  	v19 =	vand.u32 $0x7, v19;
	v22 =	vand.u32 $0xFFFF8000, v22  }
0x944: {  	v19 =	vor.u32 v19, v22  }
0x945: {  	v22 =	vperm.xlane v19, v3;
	_ =	sdelay $0x1  }
0x946: {  	v23 =	vperm.xlane v19, v5;
	v22 =	vadd.s32 v4, v22;
	_ =	sdelay $0x1  }
0x947: {  	v24 =	vperm.xlane v19, v6;
	v23 =	vadd.s32 v4, v23;
	_ =	sdelay $0x1  }
0x948: {  	s22 =	sadd.s32 s22, s3;
	v25 =	vperm.xlane v19, v7;
	v24 =	vadd.s32 v4, v24  }
0x949: {  	[tilespmem:s8], [sflag:$0x4] =	stream.indirect_vreg.gather [hbm4b:s22+s2], $0x80, v22, vm0, $0xb8;
	[tilespmem:$0x14100] =	vst v63  }
0x94a: {  	s24 =	simm.s32 $0x10080;
	v38 =	vperm.xlane v19, v8;
	v22 =	vadd.s32 v4, v25  }
0x94b: {  	[tilespmem:s24], [sflag:$0x4] =	stream.indirect_vreg.gather [hbm4b:s22+s2], $0x80, v23, vm0, $0xb8;
	[tilespmem:$0x14100] =	vst v63  }
0x94c: {  	s25 =	simm.s32 $0x10100;
	v39 =	vperm.xlane v19, v9;
	v23 =	vadd.s32 v4, v38  }
0x94d: {  	[tilespmem:s25], [sflag:$0x4] =	stream.indirect_vreg.gather [hbm4b:s22+s2], $0x80, v24, vm0, $0xb8;
	[tilespmem:$0x14100] =	vst v63  }
0x94e: {  	v41 =	vperm.xlane v19, v10;
	v40 =	vadd.s32 v4, v39;
	s25 =	simm.s32 $0x10180  }
0x94f: {  	[tilespmem:s25], [sflag:$0x4] =	stream.indirect_vreg.gather [hbm4b:s22+s2], $0x80, v22, vm0, $0xb8;
	[tilespmem:$0x14100] =	vst v63  }
0x950: {  	v42 =	vperm.xlane v19, v0;
	v22 =	vadd.s32 v4, v41;
	s25 =	simm.s32 $0x10200  }
0x951: {  	[tilespmem:s25], [sflag:$0x4] =	stream.indirect_vreg.gather [hbm4b:s22+s2], $0x80, v23, vm0, $0xb8;
	[tilespmem:$0x14100] =	vst v63  }
0x952: {  	v43 =	vperm.xlane v19, v11;
	v23 =	vadd.s32 v4, v42;
	s25 =	simm.s32 $0x10280  }
0x953: {  	[tilespmem:s25], [sflag:$0x4] =	stream.indirect_vreg.gather [hbm4b:s22+s2], $0x80, v40, vm0, $0xb8;
	[tilespmem:$0x14100] =	vst v63  }
0x954: {  	v45 =	vperm.xlane v19, v12;
	v44 =	vadd.s32 v4, v43;
	s25 =	simm.s32 $0x10300  }
0x955: {  	[tilespmem:s25], [sflag:$0x4] =	stream.indirect_vreg.gather [hbm4b:s22+s2], $0x80, v22, vm0, $0xb8;
	[tilespmem:$0x14100] =	vst v63  }
0x956: {  	v46 =	vperm.xlane v19, v13;
	v22 =	vadd.s32 v4, v45;
	s25 =	simm.s32 $0x10380  }
0x957: {  	[tilespmem:s25], [sflag:$0x4] =	stream.indirect_vreg.gather [hbm4b:s22+s2], $0x80, v23, vm0, $0xb8;
	[tilespmem:$0x14100] =	vst v63  }
0x958: {  	v47 =	vperm.xlane v19, v14;
	v23 =	vadd.s32 v4, v46;
	s25 =	simm.s32 $0x10400  }
0x959: {  	[tilespmem:s25], [sflag:$0x4] =	stream.indirect_vreg.gather [hbm4b:s22+s2], $0x80, v44, vm0, $0xb8;
	[tilespmem:$0x14100] =	vst v63  }
0x95a: {  	v49 =	vperm.xlane v19, v2;
	v48 =	vadd.s32 v4, v47;
	s25 =	simm.s32 $0x10480  }
0x95b: {  	[tilespmem:s25], [sflag:$0x4] =	stream.indirect_vreg.gather [hbm4b:s22+s2], $0x80, v22, vm0, $0xb8;
	[tilespmem:$0x14100] =	vst v63  }
0x95c: {  	v50 =	vperm.xlane v19, v15;
	v22 =	vadd.s32 v4, v49;
	s25 =	simm.s32 $0x10500  }
0x95d: {  	[tilespmem:s25], [sflag:$0x4] =	stream.indirect_vreg.gather [hbm4b:s22+s2], $0x80, v23, vm0, $0xb8;
	[tilespmem:$0x14100] =	vst v63  }
0x95e: {  	v51 =	vperm.xlane v19, v16;
	v23 =	vadd.s32 v4, v50;
	s25 =	simm.s32 $0x10580  }
0x95f: {  	[tilespmem:s25], [sflag:$0x4] =	stream.indirect_vreg.gather [hbm4b:s22+s2], $0x80, v48, vm0, $0xb8;
	[tilespmem:$0x14100] =	vst v63  }
0x960: {  	v19 =	vperm.xlane v19, v17;
	v52 =	vadd.s32 v4, v51;
	s25 =	simm.s32 $0x10600  }
0x961: {  	[tilespmem:s25], [sflag:$0x4] =	stream.indirect_vreg.gather [hbm4b:s22+s2], $0x80, v22, vm0, $0xb8;
	[tilespmem:$0x14100] =	vst v63  }
0x962: {  	v19 =	vadd.s32 v4, v19;
	s25 =	simm.s32 $0x10680  }
0x963: {  	[tilespmem:s25], [sflag:$0x4] =	stream.indirect_vreg.gather [hbm4b:s22+s2], $0x80, v23, vm0, $0xb8;
	[tilespmem:$0x14100] =	vst v63  }
0x964: {  	s25 =	simm.s32 $0x10700  }
0x965: {  	[tilespmem:s25], [sflag:$0x4] =	stream.indirect_vreg.gather [hbm4b:s22+s2], $0x80, v52, vm0, $0xb8;
	[tilespmem:$0x14100] =	vst v63  }
0x966: {  	s25 =	simm.s32 $0x10780  }
0x967: {  	[tilespmem:s25], [sflag:$0x4] =	stream.indirect_vreg.gather [hbm4b:s22+s2], $0x80, v19, vm0, $0xb8;
	[tilespmem:$0x14100] =	vst v63  }
0x968: {  	v19 =	vld [tilespmem:s23+$0x10];
	_ =	sdelay $0x4  }
0x969: {  	v22 =	vshll.u32 v19, $0xC  }
0x96a: {  	v19 =	vand.u32 $0x7, v19;
	v22 =	vand.u32 $0xFFFF8000, v22  }
0x96b: {  	v19 =	vor.u32 v19, v22  }
0x96c: {  	v22 =	vperm.xlane v19, v3;
	_ =	sdelay $0x1  }
0x96d: {  	v23 =	vperm.xlane v19, v5;
	v22 =	vadd.s32 v4, v22;
	_ =	sdelay $0x1  }
0x96e: {  	v53 =	vperm.xlane v19, v6;
	v23 =	vadd.s32 v4, v23;
	_ =	sdelay $0x1  }
0x96f: {  	s25 =	simm.s32 $0x10800;
	v54 =	vperm.xlane v19, v7;
	v24 =	vadd.s32 v4, v53  }
0x970: {  	[tilespmem:s25], [sflag:$0x4] =	stream.indirect_vreg.gather [hbm4b:s22+s2], $0x80, v22, vm0, $0xb8;
	[tilespmem:$0x14100] =	vst v63  }
0x971: {  	v55 =	vperm.xlane v19, v8;
	v22 =	vadd.s32 v4, v54;
	s25 =	simm.s32 $0x10880  }
0x972: {  	[tilespmem:s25], [sflag:$0x4] =	stream.indirect_vreg.gather [hbm4b:s22+s2], $0x80, v23, vm0, $0xb8;
	[tilespmem:$0x14100] =	vst v63  }
0x973: {  	v56 =	vperm.xlane v19, v9;
	v23 =	vadd.s32 v4, v55;
	s25 =	simm.s32 $0x10900  }
0x974: {  	[tilespmem:s25], [sflag:$0x4] =	stream.indirect_vreg.gather [hbm4b:s22+s2], $0x80, v24, vm0, $0xb8;
	[tilespmem:$0x14100] =	vst v63  }
0x975: {  	v58 =	vperm.xlane v19, v10;
	v57 =	vadd.s32 v4, v56;
	s25 =	simm.s32 $0x10980  }
0x976: {  	[tilespmem:s25], [sflag:$0x4] =	stream.indirect_vreg.gather [hbm4b:s22+s2], $0x80, v22, vm0, $0xb8;
	[tilespmem:$0x14100] =	vst v63  }
0x977: {  	v59 =	vperm.xlane v19, v0;
	v22 =	vadd.s32 v4, v58;
	s25 =	simm.s32 $0x10A00  }
0x978: {  	[tilespmem:s25], [sflag:$0x4] =	stream.indirect_vreg.gather [hbm4b:s22+s2], $0x80, v23, vm0, $0xb8;
	[tilespmem:$0x14100] =	vst v63  }
0x979: {  	v60 =	vperm.xlane v19, v11;
	v23 =	vadd.s32 v4, v59;
	s25 =	simm.s32 $0x10A80  }
0x97a: {  	[tilespmem:s25], [sflag:$0x4] =	stream.indirect_vreg.gather [hbm4b:s22+s2], $0x80, v57, vm0, $0xb8;
	[tilespmem:$0x14100] =	vst v63  }
0x97b: {  	v62 =	vperm.xlane v19, v12;
	v61 =	vadd.s32 v4, v60;
	s25 =	simm.s32 $0x10B00  }
0x97c: {  	[tilespmem:s25], [sflag:$0x4] =	stream.indirect_vreg.gather [hbm4b:s22+s2], $0x80, v22, vm0, $0xb8;
	[tilespmem:$0x14100] =	vst v63  }
0x97d: {  	v63 =	vperm.xlane v19, v13;
	v22 =	vadd.s32 v4, v62;
	s25 =	simm.s32 $0x10B80  }
0x97e: {  	[tilespmem:s25], [sflag:$0x4] =	stream.indirect_vreg.gather [hbm4b:s22+s2], $0x80, v23, vm0, $0xb8;
	[tilespmem:$0x14100] =	vst v63  }
0x97f: {  	v28 =	vperm.xlane v19, v14;
	v23 =	vadd.s32 v4, v63;
	s25 =	simm.s32 $0x10C00  }
0x980: {  	[tilespmem:s25], [sflag:$0x4] =	stream.indirect_vreg.gather [hbm4b:s22+s2], $0x80, v61, vm0, $0xb8;
	[tilespmem:$0x14100] =	vst v63  }
0x981: {  	v30 =	vperm.xlane v19, v2;
	v29 =	vadd.s32 v4, v28;
	s25 =	simm.s32 $0x10C80  }
0x982: {  	[tilespmem:s25], [sflag:$0x4] =	stream.indirect_vreg.gather [hbm4b:s22+s2], $0x80, v22, vm0, $0xb8;
	[tilespmem:$0x14100] =	vst v63  }
0x983: {  	v31 =	vperm.xlane v19, v15;
	v22 =	vadd.s32 v4, v30;
	s25 =	simm.s32 $0x10D00  }
0x984: {  	[tilespmem:s25], [sflag:$0x4] =	stream.indirect_vreg.gather [hbm4b:s22+s2], $0x80, v23, vm0, $0xb8;
	[tilespmem:$0x14100] =	vst v63  }
0x985: {  	v32 =	vperm.xlane v19, v16;
	v23 =	vadd.s32 v4, v31;
	s25 =	simm.s32 $0x10D80  }
0x986: {  	[tilespmem:s25], [sflag:$0x4] =	stream.indirect_vreg.gather [hbm4b:s22+s2], $0x80, v29, vm0, $0xb8;
	[tilespmem:$0x14100] =	vst v63  }
0x987: {  	v19 =	vperm.xlane v19, v17;
	v33 =	vadd.s32 v4, v32;
	s25 =	simm.s32 $0x10E00  }
0x988: {  	[tilespmem:s25], [sflag:$0x4] =	stream.indirect_vreg.gather [hbm4b:s22+s2], $0x80, v22, vm0, $0xb8;
	[tilespmem:$0x14100] =	vst v63  }
0x989: {  	v19 =	vadd.s32 v4, v19;
	s25 =	simm.s32 $0x10E80  }
0x98a: {  	[tilespmem:s25], [sflag:$0x4] =	stream.indirect_vreg.gather [hbm4b:s22+s2], $0x80, v23, vm0, $0xb8;
	[tilespmem:$0x14100] =	vst v63  }
0x98b: {  	s25 =	simm.s32 $0x10F00  }
0x98c: {  	[tilespmem:s25], [sflag:$0x4] =	stream.indirect_vreg.gather [hbm4b:s22+s2], $0x80, v33, vm0, $0xb8;
	[tilespmem:$0x14100] =	vst v63  }
0x98d: {  	s25 =	simm.s32 $0x10F80  }
0x98e: {  	[tilespmem:s25], [sflag:$0x4] =	stream.indirect_vreg.gather [hbm4b:s22+s2], $0x80, v19, vm0, $0xb8;
	[tilespmem:$0x14100] =	vst v63  }
0x98f: {  	v19 =	vld [tilespmem:s23+$0x20];
	_ =	sdelay $0x4  }
0x990: {  	v22 =	vshll.u32 v19, $0xC  }
0x991: {  	v19 =	vand.u32 $0x7, v19;
	v22 =	vand.u32 $0xFFFF8000, v22  }
0x992: {  	v19 =	vor.u32 v19, v22  }
0x993: {  	v22 =	vperm.xlane v19, v3;
	_ =	sdelay $0x1  }
0x994: {  	v23 =	vperm.xlane v19, v5;
	v22 =	vadd.s32 v4, v22;
	_ =	sdelay $0x1  }
0x995: {  	v34 =	vperm.xlane v19, v6;
	v23 =	vadd.s32 v4, v23;
	_ =	sdelay $0x1  }
0x996: {  	s25 =	simm.s32 $0x11000;
	v35 =	vperm.xlane v19, v7;
	v24 =	vadd.s32 v4, v34  }
0x997: {  	[tilespmem:s25], [sflag:$0x4] =	stream.indirect_vreg.gather [hbm4b:s22+s2], $0x80, v22, vm0, $0xb8;
	[tilespmem:$0x14100] =	vst v63  }
0x998: {  	v36 =	vperm.xlane v19, v8;
	v22 =	vadd.s32 v4, v35;
	s25 =	simm.s32 $0x11080  }
0x999: {  	[tilespmem:s25], [sflag:$0x4] =	stream.indirect_vreg.gather [hbm4b:s22+s2], $0x80, v23, vm0, $0xb8;
	[tilespmem:$0x14100] =	vst v63  }
0x99a: {  	v37 =	vperm.xlane v19, v9;
	v23 =	vadd.s32 v4, v36;
	s25 =	simm.s32 $0x11100  }
0x99b: {  	[tilespmem:s25], [sflag:$0x4] =	stream.indirect_vreg.gather [hbm4b:s22+s2], $0x80, v24, vm0, $0xb8;
	[tilespmem:$0x14100] =	vst v63  }
0x99c: {  	v39 =	vperm.xlane v19, v10;
	v38 =	vadd.s32 v4, v37;
	s25 =	simm.s32 $0x11180  }
0x99d: {  	[tilespmem:s25], [sflag:$0x4] =	stream.indirect_vreg.gather [hbm4b:s22+s2], $0x80, v22, vm0, $0xb8;
	[tilespmem:$0x14100] =	vst v63  }
0x99e: {  	v40 =	vperm.xlane v19, v0;
	v22 =	vadd.s32 v4, v39;
	s25 =	simm.s32 $0x11200  }
0x99f: {  	[tilespmem:s25], [sflag:$0x4] =	stream.indirect_vreg.gather [hbm4b:s22+s2], $0x80, v23, vm0, $0xb8;
	[tilespmem:$0x14100] =	vst v63  }
0x9a0: {  	v41 =	vperm.xlane v19, v11;
	v23 =	vadd.s32 v4, v40;
	s25 =	simm.s32 $0x11280  }
0x9a1: {  	[tilespmem:s25], [sflag:$0x4] =	stream.indirect_vreg.gather [hbm4b:s22+s2], $0x80, v38, vm0, $0xb8;
	[tilespmem:$0x14100] =	vst v63  }
0x9a2: {  	v43 =	vperm.xlane v19, v12;
	v42 =	vadd.s32 v4, v41;
	s25 =	simm.s32 $0x11300  }
0x9a3: {  	[tilespmem:s25], [sflag:$0x4] =	stream.indirect_vreg.gather [hbm4b:s22+s2], $0x80, v22, vm0, $0xb8;
	[tilespmem:$0x14100] =	vst v63  }
0x9a4: {  	v44 =	vperm.xlane v19, v13;
	v22 =	vadd.s32 v4, v43;
	s25 =	simm.s32 $0x11380  }
0x9a5: {  	[tilespmem:s25], [sflag:$0x4] =	stream.indirect_vreg.gather [hbm4b:s22+s2], $0x80, v23, vm0, $0xb8;
	[tilespmem:$0x14100] =	vst v63  }
0x9a6: {  	v45 =	vperm.xlane v19, v14;
	v23 =	vadd.s32 v4, v44;
	s25 =	simm.s32 $0x11400  }
0x9a7: {  	[tilespmem:s25], [sflag:$0x4] =	stream.indirect_vreg.gather [hbm4b:s22+s2], $0x80, v42, vm0, $0xb8;
	[tilespmem:$0x14100] =	vst v63  }
0x9a8: {  	v47 =	vperm.xlane v19, v2;
	v46 =	vadd.s32 v4, v45;
	s25 =	simm.s32 $0x11480  }
0x9a9: {  	[tilespmem:s25], [sflag:$0x4] =	stream.indirect_vreg.gather [hbm4b:s22+s2], $0x80, v22, vm0, $0xb8;
	[tilespmem:$0x14100] =	vst v63  }
0x9aa: {  	v48 =	vperm.xlane v19, v15;
	v22 =	vadd.s32 v4, v47;
	s25 =	simm.s32 $0x11500  }
0x9ab: {  	[tilespmem:s25], [sflag:$0x4] =	stream.indirect_vreg.gather [hbm4b:s22+s2], $0x80, v23, vm0, $0xb8;
	[tilespmem:$0x14100] =	vst v63  }
0x9ac: {  	v49 =	vperm.xlane v19, v16;
	v23 =	vadd.s32 v4, v48;
	s25 =	simm.s32 $0x11580  }
0x9ad: {  	[tilespmem:s25], [sflag:$0x4] =	stream.indirect_vreg.gather [hbm4b:s22+s2], $0x80, v46, vm0, $0xb8;
	[tilespmem:$0x14100] =	vst v63  }
0x9ae: {  	v19 =	vperm.xlane v19, v17;
	v50 =	vadd.s32 v4, v49;
	s25 =	simm.s32 $0x11600  }
0x9af: {  	[tilespmem:s25], [sflag:$0x4] =	stream.indirect_vreg.gather [hbm4b:s22+s2], $0x80, v22, vm0, $0xb8;
	[tilespmem:$0x14100] =	vst v63  }
0x9b0: {  	v19 =	vadd.s32 v4, v19;
	s25 =	simm.s32 $0x11680  }
0x9b1: {  	[tilespmem:s25], [sflag:$0x4] =	stream.indirect_vreg.gather [hbm4b:s22+s2], $0x80, v23, vm0, $0xb8;
	[tilespmem:$0x14100] =	vst v63  }
0x9b2: {  	s25 =	simm.s32 $0x11700  }
0x9b3: {  	[tilespmem:s25], [sflag:$0x4] =	stream.indirect_vreg.gather [hbm4b:s22+s2], $0x80, v50, vm0, $0xb8;
	[tilespmem:$0x14100] =	vst v63  }
0x9b4: {  	s25 =	simm.s32 $0x11780  }
0x9b5: {  	[tilespmem:s25], [sflag:$0x4] =	stream.indirect_vreg.gather [hbm4b:s22+s2], $0x80, v19, vm0, $0xb8;
	[tilespmem:$0x14100] =	vst v63  }
0x9b6: {  	v19 =	vld [tilespmem:s23+$0x30];
	_ =	sdelay $0x4  }
0x9b7: {  	v22 =	vshll.u32 v19, $0xC  }
0x9b8: {  	v19 =	vand.u32 $0x7, v19;
	v22 =	vand.u32 $0xFFFF8000, v22  }
0x9b9: {  	v19 =	vor.u32 v19, v22  }
0x9ba: {  	v22 =	vperm.xlane v19, v3;
	_ =	sdelay $0x1  }
0x9bb: {  	v23 =	vperm.xlane v19, v5;
	v22 =	vadd.s32 v4, v22;
	_ =	sdelay $0x1  }
0x9bc: {  	v51 =	vperm.xlane v19, v6;
	v23 =	vadd.s32 v4, v23;
	_ =	sdelay $0x1  }
0x9bd: {  	s25 =	simm.s32 $0x11800;
	v52 =	vperm.xlane v19, v7;
	v24 =	vadd.s32 v4, v51  }
0x9be: {  	[tilespmem:s25], [sflag:$0x4] =	stream.indirect_vreg.gather [hbm4b:s22+s2], $0x80, v22, vm0, $0xb8;
	[tilespmem:$0x14100] =	vst v63  }
0x9bf: {  	v53 =	vperm.xlane v19, v8;
	v22 =	vadd.s32 v4, v52;
	s25 =	simm.s32 $0x11880  }
0x9c0: {  	[tilespmem:s25], [sflag:$0x4] =	stream.indirect_vreg.gather [hbm4b:s22+s2], $0x80, v23, vm0, $0xb8;
	[tilespmem:$0x14100] =	vst v63  }
0x9c1: {  	v54 =	vperm.xlane v19, v9;
	v23 =	vadd.s32 v4, v53;
	s25 =	simm.s32 $0x11900  }
0x9c2: {  	[tilespmem:s25], [sflag:$0x4] =	stream.indirect_vreg.gather [hbm4b:s22+s2], $0x80, v24, vm0, $0xb8;
	[tilespmem:$0x14100] =	vst v63  }
0x9c3: {  	v56 =	vperm.xlane v19, v10;
	v55 =	vadd.s32 v4, v54;
	s25 =	simm.s32 $0x11980  }
0x9c4: {  	[tilespmem:s25], [sflag:$0x4] =	stream.indirect_vreg.gather [hbm4b:s22+s2], $0x80, v22, vm0, $0xb8;
	[tilespmem:$0x14100] =	vst v63  }
0x9c5: {  	v57 =	vperm.xlane v19, v0;
	v22 =	vadd.s32 v4, v56;
	s25 =	simm.s32 $0x11A00  }
0x9c6: {  	[tilespmem:s25], [sflag:$0x4] =	stream.indirect_vreg.gather [hbm4b:s22+s2], $0x80, v23, vm0, $0xb8;
	[tilespmem:$0x14100] =	vst v63  }
0x9c7: {  	v58 =	vperm.xlane v19, v11;
	v23 =	vadd.s32 v4, v57;
	s25 =	simm.s32 $0x11A80  }
0x9c8: {  	[tilespmem:s25], [sflag:$0x4] =	stream.indirect_vreg.gather [hbm4b:s22+s2], $0x80, v55, vm0, $0xb8;
	[tilespmem:$0x14100] =	vst v63  }
0x9c9: {  	v60 =	vperm.xlane v19, v12;
	v59 =	vadd.s32 v4, v58;
	s25 =	simm.s32 $0x11B00  }
0x9ca: {  	[tilespmem:s25], [sflag:$0x4] =	stream.indirect_vreg.gather [hbm4b:s22+s2], $0x80, v22, vm0, $0xb8;
	[tilespmem:$0x14100] =	vst v63  }
0x9cb: {  	v61 =	vperm.xlane v19, v13;
	v22 =	vadd.s32 v4, v60;
	s25 =	simm.s32 $0x11B80  }
0x9cc: {  	[tilespmem:s25], [sflag:$0x4] =	stream.indirect_vreg.gather [hbm4b:s22+s2], $0x80, v23, vm0, $0xb8;
	[tilespmem:$0x14100] =	vst v63  }
0x9cd: {  	v62 =	vperm.xlane v19, v14;
	v23 =	vadd.s32 v4, v61;
	s25 =	simm.s32 $0x11C00  }
0x9ce: {  	[tilespmem:s25], [sflag:$0x4] =	stream.indirect_vreg.gather [hbm4b:s22+s2], $0x80, v59, vm0, $0xb8;
	[tilespmem:$0x14100] =	vst v63  }
0x9cf: {  	v28 =	vperm.xlane v19, v2;
	v63 =	vadd.s32 v4, v62;
	s25 =	simm.s32 $0x11C80  }
0x9d0: {  	[tilespmem:s25], [sflag:$0x4] =	stream.indirect_vreg.gather [hbm4b:s22+s2], $0x80, v22, vm0, $0xb8;
	[tilespmem:$0x14100] =	vst v63  }
0x9d1: {  	v29 =	vperm.xlane v19, v15;
	v22 =	vadd.s32 v4, v28;
	s25 =	simm.s32 $0x11D00  }
0x9d2: {  	[tilespmem:s25], [sflag:$0x4] =	stream.indirect_vreg.gather [hbm4b:s22+s2], $0x80, v23, vm0, $0xb8;
	[tilespmem:$0x14100] =	vst v63  }
0x9d3: {  	v30 =	vperm.xlane v19, v16;
	v23 =	vadd.s32 v4, v29;
	s25 =	simm.s32 $0x11D80  }
0x9d4: {  	[tilespmem:s25], [sflag:$0x4] =	stream.indirect_vreg.gather [hbm4b:s22+s2], $0x80, v63, vm0, $0xb8;
	[tilespmem:$0x14100] =	vst v63  }
0x9d5: {  	v19 =	vperm.xlane v19, v17;
	v31 =	vadd.s32 v4, v30;
	s25 =	simm.s32 $0x11E00  }
0x9d6: {  	[tilespmem:s25], [sflag:$0x4] =	stream.indirect_vreg.gather [hbm4b:s22+s2], $0x80, v22, vm0, $0xb8;
	[tilespmem:$0x14100] =	vst v63  }
0x9d7: {  	v19 =	vadd.s32 v4, v19;
	s25 =	simm.s32 $0x11E80  }
0x9d8: {  	[tilespmem:s25], [sflag:$0x4] =	stream.indirect_vreg.gather [hbm4b:s22+s2], $0x80, v23, vm0, $0xb8;
	[tilespmem:$0x14100] =	vst v63  }
0x9d9: {  	s25 =	simm.s32 $0x11F00  }
0x9da: {  	[tilespmem:s25], [sflag:$0x4] =	stream.indirect_vreg.gather [hbm4b:s22+s2], $0x80, v31, vm0, $0xb8;
	[tilespmem:$0x14100] =	vst v63  }
0x9db: {  	s25 =	simm.s32 $0x11F80  }
0x9dc: {  	[tilespmem:s25], [sflag:$0x4] =	stream.indirect_vreg.gather [hbm4b:s22+s2], $0x80, v19, vm0, $0xb8;
	[tilespmem:$0x14100] =	vst v63  }
0x9dd: {  	v19 =	vld [tilespmem:s23+$0x40];
	_ =	sdelay $0x4  }
0x9de: {  	v22 =	vshll.u32 v19, $0xC  }
0x9df: {  	v19 =	vand.u32 $0x7, v19;
	v22 =	vand.u32 $0xFFFF8000, v22  }
0x9e0: {  	v19 =	vor.u32 v19, v22  }
0x9e1: {  	v22 =	vperm.xlane v19, v3;
	_ =	sdelay $0x1  }
0x9e2: {  	v23 =	vperm.xlane v19, v5;
	v22 =	vadd.s32 v4, v22;
	_ =	sdelay $0x1  }
0x9e3: {  	v32 =	vperm.xlane v19, v6;
	v23 =	vadd.s32 v4, v23;
	_ =	sdelay $0x1  }
0x9e4: {  	s25 =	simm.s32 $0x12000;
	v33 =	vperm.xlane v19, v7;
	v24 =	vadd.s32 v4, v32  }
0x9e5: {  	[tilespmem:s25], [sflag:$0x4] =	stream.indirect_vreg.gather [hbm4b:s22+s2], $0x80, v22, vm0, $0xb8;
	[tilespmem:$0x14100] =	vst v63  }
0x9e6: {  	v34 =	vperm.xlane v19, v8;
	v22 =	vadd.s32 v4, v33;
	s25 =	simm.s32 $0x12080  }
0x9e7: {  	[tilespmem:s25], [sflag:$0x4] =	stream.indirect_vreg.gather [hbm4b:s22+s2], $0x80, v23, vm0, $0xb8;
	[tilespmem:$0x14100] =	vst v63  }
0x9e8: {  	v35 =	vperm.xlane v19, v9;
	v23 =	vadd.s32 v4, v34;
	s25 =	simm.s32 $0x12100  }
0x9e9: {  	[tilespmem:s25], [sflag:$0x4] =	stream.indirect_vreg.gather [hbm4b:s22+s2], $0x80, v24, vm0, $0xb8;
	[tilespmem:$0x14100] =	vst v63  }
0x9ea: {  	v37 =	vperm.xlane v19, v10;
	v36 =	vadd.s32 v4, v35;
	s25 =	simm.s32 $0x12180  }
0x9eb: {  	[tilespmem:s25], [sflag:$0x4] =	stream.indirect_vreg.gather [hbm4b:s22+s2], $0x80, v22, vm0, $0xb8;
	[tilespmem:$0x14100] =	vst v63  }
0x9ec: {  	v38 =	vperm.xlane v19, v0;
	v22 =	vadd.s32 v4, v37;
	s25 =	simm.s32 $0x12200  }
0x9ed: {  	[tilespmem:s25], [sflag:$0x4] =	stream.indirect_vreg.gather [hbm4b:s22+s2], $0x80, v23, vm0, $0xb8;
	[tilespmem:$0x14100] =	vst v63  }
0x9ee: {  	v39 =	vperm.xlane v19, v11;
	v23 =	vadd.s32 v4, v38;
	s25 =	simm.s32 $0x12280  }
0x9ef: {  	[tilespmem:s25], [sflag:$0x4] =	stream.indirect_vreg.gather [hbm4b:s22+s2], $0x80, v36, vm0, $0xb8;
	[tilespmem:$0x14100] =	vst v63  }
0x9f0: {  	v41 =	vperm.xlane v19, v12;
	v40 =	vadd.s32 v4, v39;
	s25 =	simm.s32 $0x12300  }
0x9f1: {  	[tilespmem:s25], [sflag:$0x4] =	stream.indirect_vreg.gather [hbm4b:s22+s2], $0x80, v22, vm0, $0xb8;
	[tilespmem:$0x14100] =	vst v63  }
0x9f2: {  	v42 =	vperm.xlane v19, v13;
	v22 =	vadd.s32 v4, v41;
	s25 =	simm.s32 $0x12380  }
0x9f3: {  	[tilespmem:s25], [sflag:$0x4] =	stream.indirect_vreg.gather [hbm4b:s22+s2], $0x80, v23, vm0, $0xb8;
	[tilespmem:$0x14100] =	vst v63  }
0x9f4: {  	v43 =	vperm.xlane v19, v14;
	v23 =	vadd.s32 v4, v42;
	s25 =	simm.s32 $0x12400  }
0x9f5: {  	[tilespmem:s25], [sflag:$0x4] =	stream.indirect_vreg.gather [hbm4b:s22+s2], $0x80, v40, vm0, $0xb8;
	[tilespmem:$0x14100] =	vst v63  }
0x9f6: {  	v45 =	vperm.xlane v19, v2;
	v44 =	vadd.s32 v4, v43;
	s25 =	simm.s32 $0x12480  }
0x9f7: {  	[tilespmem:s25], [sflag:$0x4] =	stream.indirect_vreg.gather [hbm4b:s22+s2], $0x80, v22, vm0, $0xb8;
	[tilespmem:$0x14100] =	vst v63  }
0x9f8: {  	v46 =	vperm.xlane v19, v15;
	v22 =	vadd.s32 v4, v45;
	s25 =	simm.s32 $0x12500  }
0x9f9: {  	[tilespmem:s25], [sflag:$0x4] =	stream.indirect_vreg.gather [hbm4b:s22+s2], $0x80, v23, vm0, $0xb8;
	[tilespmem:$0x14100] =	vst v63  }
0x9fa: {  	v47 =	vperm.xlane v19, v16;
	v23 =	vadd.s32 v4, v46;
	s25 =	simm.s32 $0x12580  }
0x9fb: {  	[tilespmem:s25], [sflag:$0x4] =	stream.indirect_vreg.gather [hbm4b:s22+s2], $0x80, v44, vm0, $0xb8;
	[tilespmem:$0x14100] =	vst v63  }
0x9fc: {  	v19 =	vperm.xlane v19, v17;
	v48 =	vadd.s32 v4, v47;
	s25 =	simm.s32 $0x12600  }
0x9fd: {  	[tilespmem:s25], [sflag:$0x4] =	stream.indirect_vreg.gather [hbm4b:s22+s2], $0x80, v22, vm0, $0xb8;
	[tilespmem:$0x14100] =	vst v63  }
0x9fe: {  	v19 =	vadd.s32 v4, v19;
	s25 =	simm.s32 $0x12680  }
0x9ff: {  	[tilespmem:s25], [sflag:$0x4] =	stream.indirect_vreg.gather [hbm4b:s22+s2], $0x80, v23, vm0, $0xb8;
	[tilespmem:$0x14100] =	vst v63  }
0xa00: {  	s25 =	simm.s32 $0x12700  }
0xa01: {  	[tilespmem:s25], [sflag:$0x4] =	stream.indirect_vreg.gather [hbm4b:s22+s2], $0x80, v48, vm0, $0xb8;
	[tilespmem:$0x14100] =	vst v63  }
0xa02: {  	s25 =	simm.s32 $0x12780  }
0xa03: {  	[tilespmem:s25], [sflag:$0x4] =	stream.indirect_vreg.gather [hbm4b:s22+s2], $0x80, v19, vm0, $0xb8;
	[tilespmem:$0x14100] =	vst v63  }
0xa04: {  	v19 =	vld [tilespmem:s23+$0x50];
	_ =	sdelay $0x4  }
0xa05: {  	v22 =	vshll.u32 v19, $0xC  }
0xa06: {  	v19 =	vand.u32 $0x7, v19;
	v22 =	vand.u32 $0xFFFF8000, v22  }
0xa07: {  	v19 =	vor.u32 v19, v22  }
0xa08: {  	v22 =	vperm.xlane v19, v3;
	_ =	sdelay $0x1  }
0xa09: {  	v23 =	vperm.xlane v19, v5;
	v22 =	vadd.s32 v4, v22;
	_ =	sdelay $0x1  }
0xa0a: {  	v49 =	vperm.xlane v19, v6;
	v23 =	vadd.s32 v4, v23;
	_ =	sdelay $0x1  }
0xa0b: {  	s25 =	simm.s32 $0x12800;
	v50 =	vperm.xlane v19, v7;
	v24 =	vadd.s32 v4, v49  }
0xa0c: {  	[tilespmem:s25], [sflag:$0x4] =	stream.indirect_vreg.gather [hbm4b:s22+s2], $0x80, v22, vm0, $0xb8;
	[tilespmem:$0x14100] =	vst v63  }
0xa0d: {  	v51 =	vperm.xlane v19, v8;
	v22 =	vadd.s32 v4, v50;
	s25 =	simm.s32 $0x12880  }
0xa0e: {  	[tilespmem:s25], [sflag:$0x4] =	stream.indirect_vreg.gather [hbm4b:s22+s2], $0x80, v23, vm0, $0xb8;
	[tilespmem:$0x14100] =	vst v63  }
0xa0f: {  	v52 =	vperm.xlane v19, v9;
	v23 =	vadd.s32 v4, v51;
	s25 =	simm.s32 $0x12900  }
0xa10: {  	[tilespmem:s25], [sflag:$0x4] =	stream.indirect_vreg.gather [hbm4b:s22+s2], $0x80, v24, vm0, $0xb8;
	[tilespmem:$0x14100] =	vst v63  }
0xa11: {  	v54 =	vperm.xlane v19, v10;
	v53 =	vadd.s32 v4, v52;
	s25 =	simm.s32 $0x12980  }
0xa12: {  	[tilespmem:s25], [sflag:$0x4] =	stream.indirect_vreg.gather [hbm4b:s22+s2], $0x80, v22, vm0, $0xb8;
	[tilespmem:$0x14100] =	vst v63  }
0xa13: {  	v55 =	vperm.xlane v19, v0;
	v22 =	vadd.s32 v4, v54;
	s25 =	simm.s32 $0x12A00  }
0xa14: {  	[tilespmem:s25], [sflag:$0x4] =	stream.indirect_vreg.gather [hbm4b:s22+s2], $0x80, v23, vm0, $0xb8;
	[tilespmem:$0x14100] =	vst v63  }
0xa15: {  	v56 =	vperm.xlane v19, v11;
	v23 =	vadd.s32 v4, v55;
	s25 =	simm.s32 $0x12A80  }
0xa16: {  	[tilespmem:s25], [sflag:$0x4] =	stream.indirect_vreg.gather [hbm4b:s22+s2], $0x80, v53, vm0, $0xb8;
	[tilespmem:$0x14100] =	vst v63  }
0xa17: {  	v58 =	vperm.xlane v19, v12;
	v57 =	vadd.s32 v4, v56;
	s25 =	simm.s32 $0x12B00  }
0xa18: {  	[tilespmem:s25], [sflag:$0x4] =	stream.indirect_vreg.gather [hbm4b:s22+s2], $0x80, v22, vm0, $0xb8;
	[tilespmem:$0x14100] =	vst v63  }
0xa19: {  	v59 =	vperm.xlane v19, v13;
	v22 =	vadd.s32 v4, v58;
	s25 =	simm.s32 $0x12B80  }
0xa1a: {  	[tilespmem:s25], [sflag:$0x4] =	stream.indirect_vreg.gather [hbm4b:s22+s2], $0x80, v23, vm0, $0xb8;
	[tilespmem:$0x14100] =	vst v63  }
0xa1b: {  	v60 =	vperm.xlane v19, v14;
	v23 =	vadd.s32 v4, v59;
	s25 =	simm.s32 $0x12C00  }
0xa1c: {  	[tilespmem:s25], [sflag:$0x4] =	stream.indirect_vreg.gather [hbm4b:s22+s2], $0x80, v57, vm0, $0xb8;
	[tilespmem:$0x14100] =	vst v63  }
0xa1d: {  	v62 =	vperm.xlane v19, v2;
	v61 =	vadd.s32 v4, v60;
	s25 =	simm.s32 $0x12C80  }
0xa1e: {  	[tilespmem:s25], [sflag:$0x4] =	stream.indirect_vreg.gather [hbm4b:s22+s2], $0x80, v22, vm0, $0xb8;
	[tilespmem:$0x14100] =	vst v63  }
0xa1f: {  	v63 =	vperm.xlane v19, v15;
	v22 =	vadd.s32 v4, v62;
	s25 =	simm.s32 $0x12D00  }
0xa20: {  	[tilespmem:s25], [sflag:$0x4] =	stream.indirect_vreg.gather [hbm4b:s22+s2], $0x80, v23, vm0, $0xb8;
	[tilespmem:$0x14100] =	vst v63  }
0xa21: {  	v28 =	vperm.xlane v19, v16;
	v23 =	vadd.s32 v4, v63;
	s25 =	simm.s32 $0x12D80  }
0xa22: {  	[tilespmem:s25], [sflag:$0x4] =	stream.indirect_vreg.gather [hbm4b:s22+s2], $0x80, v61, vm0, $0xb8;
	[tilespmem:$0x14100] =	vst v63  }
0xa23: {  	v19 =	vperm.xlane v19, v17;
	v29 =	vadd.s32 v4, v28;
	s25 =	simm.s32 $0x12E00  }
0xa24: {  	[tilespmem:s25], [sflag:$0x4] =	stream.indirect_vreg.gather [hbm4b:s22+s2], $0x80, v22, vm0, $0xb8;
	[tilespmem:$0x14100] =	vst v63  }
0xa25: {  	v19 =	vadd.s32 v4, v19;
	s25 =	simm.s32 $0x12E80  }
0xa26: {  	[tilespmem:s25], [sflag:$0x4] =	stream.indirect_vreg.gather [hbm4b:s22+s2], $0x80, v23, vm0, $0xb8;
	[tilespmem:$0x14100] =	vst v63  }
0xa27: {  	s25 =	simm.s32 $0x12F00  }
0xa28: {  	[tilespmem:s25], [sflag:$0x4] =	stream.indirect_vreg.gather [hbm4b:s22+s2], $0x80, v29, vm0, $0xb8;
	[tilespmem:$0x14100] =	vst v63  }
0xa29: {  	s25 =	simm.s32 $0x12F80  }
0xa2a: {  	[tilespmem:s25], [sflag:$0x4] =	stream.indirect_vreg.gather [hbm4b:s22+s2], $0x80, v19, vm0, $0xb8;
	[tilespmem:$0x14100] =	vst v63  }
0xa2b: {  	v19 =	vld [tilespmem:s23+$0x60];
	_ =	sdelay $0x4  }
0xa2c: {  	v22 =	vshll.u32 v19, $0xC  }
0xa2d: {  	v19 =	vand.u32 $0x7, v19;
	v22 =	vand.u32 $0xFFFF8000, v22  }
0xa2e: {  	v19 =	vor.u32 v19, v22  }
0xa2f: {  	v22 =	vperm.xlane v19, v3;
	_ =	sdelay $0x1  }
0xa30: {  	v23 =	vperm.xlane v19, v5;
	v22 =	vadd.s32 v4, v22;
	_ =	sdelay $0x1  }
0xa31: {  	v30 =	vperm.xlane v19, v6;
	v23 =	vadd.s32 v4, v23;
	_ =	sdelay $0x1  }
0xa32: {  	s25 =	simm.s32 $0x13000;
	v31 =	vperm.xlane v19, v7;
	v24 =	vadd.s32 v4, v30  }
0xa33: {  	[tilespmem:s25], [sflag:$0x4] =	stream.indirect_vreg.gather [hbm4b:s22+s2], $0x80, v22, vm0, $0xb8;
	[tilespmem:$0x14100] =	vst v63  }
0xa34: {  	v32 =	vperm.xlane v19, v8;
	v22 =	vadd.s32 v4, v31;
	s25 =	simm.s32 $0x13080  }
0xa35: {  	[tilespmem:s25], [sflag:$0x4] =	stream.indirect_vreg.gather [hbm4b:s22+s2], $0x80, v23, vm0, $0xb8;
	[tilespmem:$0x14100] =	vst v63  }
0xa36: {  	v33 =	vperm.xlane v19, v9;
	v23 =	vadd.s32 v4, v32;
	s25 =	simm.s32 $0x13100  }
0xa37: {  	[tilespmem:s25], [sflag:$0x4] =	stream.indirect_vreg.gather [hbm4b:s22+s2], $0x80, v24, vm0, $0xb8;
	[tilespmem:$0x14100] =	vst v63  }
0xa38: {  	v35 =	vperm.xlane v19, v10;
	v34 =	vadd.s32 v4, v33;
	s25 =	simm.s32 $0x13180  }
0xa39: {  	[tilespmem:s25], [sflag:$0x4] =	stream.indirect_vreg.gather [hbm4b:s22+s2], $0x80, v22, vm0, $0xb8;
	[tilespmem:$0x14100] =	vst v63  }
0xa3a: {  	v36 =	vperm.xlane v19, v0;
	v22 =	vadd.s32 v4, v35;
	s25 =	simm.s32 $0x13200  }
0xa3b: {  	[tilespmem:s25], [sflag:$0x4] =	stream.indirect_vreg.gather [hbm4b:s22+s2], $0x80, v23, vm0, $0xb8;
	[tilespmem:$0x14100] =	vst v63  }
0xa3c: {  	v37 =	vperm.xlane v19, v11;
	v23 =	vadd.s32 v4, v36;
	s25 =	simm.s32 $0x13280  }
0xa3d: {  	[tilespmem:s25], [sflag:$0x4] =	stream.indirect_vreg.gather [hbm4b:s22+s2], $0x80, v34, vm0, $0xb8;
	[tilespmem:$0x14100] =	vst v63  }
0xa3e: {  	v39 =	vperm.xlane v19, v12;
	v38 =	vadd.s32 v4, v37;
	s25 =	simm.s32 $0x13300  }
0xa3f: {  	[tilespmem:s25], [sflag:$0x4] =	stream.indirect_vreg.gather [hbm4b:s22+s2], $0x80, v22, vm0, $0xb8;
	[tilespmem:$0x14100] =	vst v63  }
0xa40: {  	v40 =	vperm.xlane v19, v13;
	v22 =	vadd.s32 v4, v39;
	s25 =	simm.s32 $0x13380  }
0xa41: {  	[tilespmem:s25], [sflag:$0x4] =	stream.indirect_vreg.gather [hbm4b:s22+s2], $0x80, v23, vm0, $0xb8;
	[tilespmem:$0x14100] =	vst v63  }
0xa42: {  	v41 =	vperm.xlane v19, v14;
	v23 =	vadd.s32 v4, v40;
	s25 =	simm.s32 $0x13400  }
0xa43: {  	[tilespmem:s25], [sflag:$0x4] =	stream.indirect_vreg.gather [hbm4b:s22+s2], $0x80, v38, vm0, $0xb8;
	[tilespmem:$0x14100] =	vst v63  }
0xa44: {  	v43 =	vperm.xlane v19, v2;
	v42 =	vadd.s32 v4, v41;
	s25 =	simm.s32 $0x13480  }
0xa45: {  	[tilespmem:s25], [sflag:$0x4] =	stream.indirect_vreg.gather [hbm4b:s22+s2], $0x80, v22, vm0, $0xb8;
	[tilespmem:$0x14100] =	vst v63  }
0xa46: {  	v44 =	vperm.xlane v19, v15;
	v22 =	vadd.s32 v4, v43;
	s25 =	simm.s32 $0x13500  }
0xa47: {  	[tilespmem:s25], [sflag:$0x4] =	stream.indirect_vreg.gather [hbm4b:s22+s2], $0x80, v23, vm0, $0xb8;
	[tilespmem:$0x14100] =	vst v63  }
0xa48: {  	v45 =	vperm.xlane v19, v16;
	v23 =	vadd.s32 v4, v44;
	s25 =	simm.s32 $0x13580  }
0xa49: {  	[tilespmem:s25], [sflag:$0x4] =	stream.indirect_vreg.gather [hbm4b:s22+s2], $0x80, v42, vm0, $0xb8;
	[tilespmem:$0x14100] =	vst v63  }
0xa4a: {  	v19 =	vperm.xlane v19, v17;
	v46 =	vadd.s32 v4, v45;
	s25 =	simm.s32 $0x13600  }
0xa4b: {  	[tilespmem:s25], [sflag:$0x4] =	stream.indirect_vreg.gather [hbm4b:s22+s2], $0x80, v22, vm0, $0xb8;
	[tilespmem:$0x14100] =	vst v63  }
0xa4c: {  	v19 =	vadd.s32 v4, v19;
	s25 =	simm.s32 $0x13680  }
0xa4d: {  	[tilespmem:s25], [sflag:$0x4] =	stream.indirect_vreg.gather [hbm4b:s22+s2], $0x80, v23, vm0, $0xb8;
	[tilespmem:$0x14100] =	vst v63  }
0xa4e: {  	s25 =	simm.s32 $0x13700  }
0xa4f: {  	[tilespmem:s25], [sflag:$0x4] =	stream.indirect_vreg.gather [hbm4b:s22+s2], $0x80, v46, vm0, $0xb8;
	[tilespmem:$0x14100] =	vst v63  }
0xa50: {  	s25 =	simm.s32 $0x13780  }
0xa51: {  	[tilespmem:s25], [sflag:$0x4] =	stream.indirect_vreg.gather [hbm4b:s22+s2], $0x80, v19, vm0, $0xb8;
	[tilespmem:$0x14100] =	vst v63  }
0xa52: {  	v19 =	vld [tilespmem:s23+$0x70];
	_ =	sdelay $0x4  }
0xa53: {  	v22 =	vshll.u32 v19, $0xC  }
0xa54: {  	v19 =	vand.u32 $0x7, v19;
	v22 =	vand.u32 $0xFFFF8000, v22  }
0xa55: {  	v19 =	vor.u32 v19, v22  }
0xa56: {  	v22 =	vperm.xlane v19, v3;
	_ =	sdelay $0x1  }
0xa57: {  	v23 =	vperm.xlane v19, v5;
	v22 =	vadd.s32 v4, v22;
	_ =	sdelay $0x1  }
0xa58: {  	v47 =	vperm.xlane v19, v6;
	v23 =	vadd.s32 v4, v23;
	_ =	sdelay $0x1  }
0xa59: {  	s25 =	simm.s32 $0x13800;
	v48 =	vperm.xlane v19, v7;
	v24 =	vadd.s32 v4, v47  }
0xa5a: {  	[tilespmem:s25], [sflag:$0x4] =	stream.indirect_vreg.gather [hbm4b:s22+s2], $0x80, v22, vm0, $0xb8;
	[tilespmem:$0x14100] =	vst v63  }
0xa5b: {  	v49 =	vperm.xlane v19, v8;
	v22 =	vadd.s32 v4, v48  }
0xa5c: {  	[tilespmem:s1], [sflag:$0x4] =	stream.indirect_vreg.gather [hbm4b:s22+s2], $0x80, v23, vm0, $0xb8;
	[tilespmem:$0x14100] =	vst v63  }
0xa5d: {  	v50 =	vperm.xlane v19, v9;
	v23 =	vadd.s32 v4, v49  }
0xa5e: {  	[tilespmem:s4], [sflag:$0x4] =	stream.indirect_vreg.gather [hbm4b:s22+s2], $0x80, v24, vm0, $0xb8;
	[tilespmem:$0x14100] =	vst v63  }
0xa5f: {  	v52 =	vperm.xlane v19, v10;
	v51 =	vadd.s32 v4, v50  }
0xa60: {  	[tilespmem:s9], [sflag:$0x4] =	stream.indirect_vreg.gather [hbm4b:s22+s2], $0x80, v22, vm0, $0xb8;
	[tilespmem:$0x14100] =	vst v63  }
0xa61: {  	s24 =	simm.s32 $0x13A00;
	v53 =	vperm.xlane v19, v0;
	v22 =	vadd.s32 v4, v52  }
0xa62: {  	[tilespmem:s24], [sflag:$0x4] =	stream.indirect_vreg.gather [hbm4b:s22+s2], $0x80, v23, vm0, $0xb8;
	[tilespmem:$0x14100] =	vst v63  }
0xa63: {  	v54 =	vperm.xlane v19, v11;
	s25 =	simm.s32 $0x13A80;
	v23 =	vadd.s32 v4, v53  }
0xa64: {  	[tilespmem:s25], [sflag:$0x4] =	stream.indirect_vreg.gather [hbm4b:s22+s2], $0x80, v51, vm0, $0xb8;
	[tilespmem:$0x14100] =	vst v63  }
0xa65: {  	v56 =	vperm.xlane v19, v12;
	v55 =	vadd.s32 v4, v54  }
0xa66: {  	[tilespmem:s0], [sflag:$0x4] =	stream.indirect_vreg.gather [hbm4b:s22+s2], $0x80, v22, vm0, $0xb8;
	[tilespmem:$0x14100] =	vst v63  }
0xa67: {  	v57 =	vperm.xlane v19, v13;
	v22 =	vadd.s32 v4, v56  }
0xa68: {  	[tilespmem:s31], [sflag:$0x4] =	stream.indirect_vreg.gather [hbm4b:s22+s2], $0x80, v23, vm0, $0xb8;
	[tilespmem:$0x14100] =	vst v63  }
0xa69: {  	v58 =	vperm.xlane v19, v14;
	v23 =	vadd.s32 v4, v57  }
0xa6a: {  	[tilespmem:s30], [sflag:$0x4] =	stream.indirect_vreg.gather [hbm4b:s22+s2], $0x80, v55, vm0, $0xb8;
	[tilespmem:$0x14100] =	vst v63  }
0xa6b: {  	v60 =	vperm.xlane v19, v2;
	v59 =	vadd.s32 v4, v58  }
0xa6c: {  	[tilespmem:s28], [sflag:$0x4] =	stream.indirect_vreg.gather [hbm4b:s22+s2], $0x80, v22, vm0, $0xb8;
	[tilespmem:$0x14100] =	vst v63  }
0xa6d: {  	v61 =	vperm.xlane v19, v15;
	v22 =	vadd.s32 v4, v60  }
0xa6e: {  	[tilespmem:s29], [sflag:$0x4] =	stream.indirect_vreg.gather [hbm4b:s22+s2], $0x80, v23, vm0, $0xb8;
	[tilespmem:$0x14100] =	vst v63  }
0xa6f: {  	v23 =	vadd.s32 v4, v61  }
0xa70: {  	v62 =	vperm.xlane v19, v16;
	[tilespmem:s26], [sflag:$0x4] =	stream.indirect_vreg.gather [hbm4b:s22+s2], $0x80, v59, vm0, $0xb8;
	[tilespmem:$0x14100] =	vst v63  }
0xa71: {  	s24 =	simm.s32 $0x13E00  }
0xa72: {  	v19 =	vperm.xlane v19, v17;
	v63 =	vadd.s32 v4, v62;
	[tilespmem:s24], [sflag:$0x4] =	stream.indirect_vreg.gather [hbm4b:s22+s2], $0x80, v22, vm0, $0xb8;
	[tilespmem:$0x14100] =	vst v63  }
0xa73: {  	s25 =	simm.s32 $0x13E80  }
0xa74: {  	v19 =	vadd.s32 v4, v19;
	[tilespmem:s25], [sflag:$0x4] =	stream.indirect_vreg.gather [hbm4b:s22+s2], $0x80, v23, vm0, $0xb8;
	[tilespmem:$0x14100] =	vst v63  }
.Ltmp10:
0xa75: {  	s19 =	sadd.s32 $0x1, s19;
	(pc) =	sbr.rel .LBB2_2-.Ltmp10, $4  }
0xa76: {  	s17 =	sadd.s32 $0x200, s17;
	s10 =	sadd.s32 $0x200, s10;
	s24 =	simm.s32 $0x13F00  }
0xa77: {  	[tilespmem:s24], [sflag:$0x4] =	stream.indirect_vreg.gather [hbm4b:s22+s2], $0x80, v63, vm0, $0xb8;
	[tilespmem:$0x14100] =	vst v63  }
0xa78: {  	s11 =	sadd.s32 $0x200, s11;
	s16 =	sadd.s32 $0x200, s16;
	s25 =	simm.s32 $0x13F80  }
0xa79: {  	[tilespmem:s25], [sflag:$0x4] =	stream.indirect_vreg.gather [hbm4b:s22+s2], $0x80, v19, vm0, $0xb8;
	[tilespmem:$0x14100] =	vst v63  }
.LBB2_19:
0xa7a: {  	_ =	sfence.sel $0x180000  }
0xa7b: {  	[bflag:$0x0] =	sbarrier.arrive $0xFFFF  }
0xa7c: {  	_ =	strace $0x90000047  }
0xa7d: {  	s0 =	stileid.u32;
	[bflag:$0x2] =	sbarrier.arrive $0xFFFF  }
0xa7e: {  	p0 =	sne.s32 s0, $0x0;
	s0 =	rddreg [dreg:$0x3]  }
0xa7f: {  	s0 =	sadd.s32 @!p0 $0x100000, s0  }
0xa80: {  	[sflag:s0] =	ssyncadd.tile.s32 @!p0 $0x1;
	_ =	shalt  }
.Lfunc_end2:
_tile_overlayer_lowered:
.L_overlay_start_2:
0xa81: {  	(tag) =	ssettag $0x2  }
0xa82: {  	s0 =	rddreg [dreg:$0x0];
	s2 =	stileid.u32  }
0xa83: {  	s1 =	rddreg [dreg:$0x1];
	p0 =	sne.s32 s2, $0x0  }
0xa84: {  	s3 =	rddreg [dreg:$0x2];
	[bflag:$0x3] =	sbarrier.arrive $0xFFFF;
	s2 =	simm.s32 @!p0 $0x1C05  }
0xa85: {  	[timem:s3], [sflag:s2] =	dma.local @!p0 [hbm:s0], s1  }
0xa86: {  	s0 =	simm.s32 @!p0 $0x5  }
0xa87: {  	_ =	swait.ge @!p0 [sflag:s0], s1  }
0xa88: {  	s1 =	ssub.s32 @!p0 $0x0, s1;
	[sflag:s0] =	ssyncset.done @!p0 $0x0  }
0xa89: {  	[sflag:s0] =	ssyncadd.s32 @!p0 s1  }
0xa8a: {  	[bflag:$0x3] =	sbarrier.arrive $0xFFFF  }
0xa8b: {  	_ =	shalt  }

</sc_bundles>
